<compile_context>
chip_gen: v7x
topology: tpu7x:2x2x1
jax: 0.10.2.dev20260603
libtpu: 0.0.44.dev20260713+nightly
codegen_flags: <defaults>
</compile_context>

<pallas_src>
import base64
import functools
import zlib

import numpy as np
import jax
import jax.numpy as jnp
from jax import lax
from jax.experimental import pallas as pl
from jax.experimental.pallas import tpu as pltpu
from jax.experimental.pallas import tpu_sc as plsc

N = 10000
E = 320000
D = 128
NUM_MASK = 5000

NC, NS = 2, 16
NW = NC * NS
EPT = E // NW
CH = 80
NCHUNK = EPT // CH
CPR = 200
NCPY = N // CPR
MAXJ = -(-NCPY // NS)
ZB = 40
ZCOPIES = CPR // ZB
NH = 10240
NPT = NH // NS

_MASK_B64 = (
    "eNoB4gQd+1vpfh2d3mM5R2Kx+WJzm4Ta0xHhlUwVK3uA+Pl0OIGcCxKwax9Y9JhV+IBZm9iwrNT7"
    "l2kLSRoAN9qRZYsz7YbkLXuFxxRtd57XBKpVdJP7aY9rOz07k5XN58YxBCSk0AD9AS2GHL0vHabt"
    "6+R+3f9pNKBJBc5I8FTZq+Aj9G7dK81GqBbzNlZQx88QAXeDbiXf5eWbQGH/nAoGpS7xKi/D4BQh"
    "W9a6BER0S38RFKItQ2HERwgRAra7RaegSNy5FkuI8RJsh0pTgTEspYSnJFtllZl2YU4ZLRizw43Y"
    "kVHsCm5Kue4HLEYZv8tERudRdPvVZCH/gmJlI4C47DZg3iyIEop3ribqOXB1brMEUf4b4AbNrE/1"
    "giKCuD29ee/ArwmTSmisOkGlq5C96WJXgIl+UgFXlyUu2sYUPGDcRbiyIgbsg8lIorn8vdl9WyMq"
    "mUhpkMVcTJ8ZDT5DfH2LbGob75WhmJzXsyS7ynjZq9No71JZaV3Tm+oaMg5okwpdjfXr6QQalU7E"
    "G1VLQh8Can6vPJ4FqvVNkdtfXF5OpsbY949YKiEyhfoHfsTR81yQgU9VtQRNci/9mNK0TpZD9IN2"
    "Yk90vcW4U3Cdj0Qz6T16tLSpgP5H/Tr5gAHdEqFk/7hzRpNMhtu6gBHsFvEpNm3DK5hL/xqJgKTV"
    "dmRcN8NRkOg4Biv3pyQPejaWGUyWiyg4vO8hrSJ8euy60qPkhZ1CXhSfaEsLYf3eVNmZRv8sLkdZ"
    "dRSrG+i3gjnEaouKx8+z7p7x/v9S86c4MCWmNtpGfXf+RUDz0jYF4Bw1BasKe8L7VAw5xBF20XmV"
    "vT8J96kAiKzjfjw87B4ZDWBdu5dbEB7xGa+/Ft7fxBpnFQsf3NiB3Mhaj/a915N4rcxWNJEeU0LQ"
    "FZTTvZPbAZY/c4Lf4DoduyU14g0oxC17KBjmBXYXMkOuPWSjQYaDXZnWCiOyhbs5DJ47m3XvU8Y4"
    "kwg/ljvU/KzTpqr22wkKHUOtrAzwmwXEGf0UwIvQ2nbdw9yJRUSeH9KgfAo7b0DR/oCQZqCpA9y0"
    "rOuvBvxLmBcWiH0ujI7ldST4t6+PP6JW5Oas1adSuBYeOFAp1AePqirKYrU+IEUkjRv/r6ZptS2o"
    "vi64LQaIKv1MurOiX8y5kVZqQk++Y8NM2AUPbQbY/QT9rLE1DNcdxlNqKE06QQ2N8jPDgW5cX00w"
    "4ne0Kxf5gPexCEhyun8XRmH2dYppy2d+p8KLQcYevAyNt3o/Cgg92sjwNG+NPG3rbUtG0xII7Ola"
    "5ij1lPbwUZyHAFgorXrSLnOSIPOeS964aDg362TK0wuk1j51rdcnnXT3rVG3bkPTYhk/OnWDerFP"
    "EJW3w9fF3f6hOV0ORIUNvScH5zg7oWm3LokHXWf2f9UMbUPXHAfCwnpk12E0OGPwMgxaOFzGsWtb"
    "UIQJfYhFFtYcEPKStOPpeiAVCcxDJ17uXKISaOtzy9ea8AgofpGYERsqp9Z+0LrpREu8ajeCboR8"
    "6xGJxkA2Zosoe1chFlWP9kkDYV9pqcvyg8YpIrn//tZ1O1UfCaOYL4C1WblLuFsKK0t+MmlGNN0U"
    "6H6s1z6rJV9lBW1+/G0OHqb5CQ0nnSXrPPqHVzQrTndSRJ9EBJ4BgH7nhRn1beQ1dhVG1Sng8Rj5"
    "35bJDrla0g=="
)
_MASK = (
    np.unpackbits(np.frombuffer(zlib.decompress(base64.b64decode(_MASK_B64)), np.uint8))[:N]
    .astype(np.float32)
    .reshape(N, 1)
)

@functools.cache
def _build_deg_kernel():
    mesh = plsc.VectorSubcoreMesh(core_axis_name="c", subcore_axis_name="s")
    return functools.partial(
        pl.kernel,
        out_type=jax.ShapeDtypeStruct((NC, 2, N, D), jnp.float32),
        mesh=mesh,
        scratch_types=[
            pltpu.VMEM((2, CH), jnp.int32),
            pltpu.VMEM((CH, D), jnp.float32),
            pltpu.VMEM((ZB, D), jnp.float32),
            pltpu.VMEM_SHARED((N, D), jnp.float32),
            pltpu.SemaphoreType.DMA((2,)),
        ],
    )(_deg_body)


def _deg_body(src_hbm, dst_hbm, out_hbm, idx2, ones_v, zero_v, acc, isem):
    c = lax.axis_index("c")
    s = lax.axis_index("s")
    wid = c * NS + s

    def _fill_ones(k, carry):
        r = k // (D // 16)
        col = (k % (D // 16)) * 16
        ones_v[r, pl.ds(col, 16)] = jnp.ones((16,), jnp.float32)
        return carry

    lax.fori_loop(0, CH * (D // 16), _fill_ones, 0)

    def _fill_zero(k, carry):
        r = k // (D // 16)
        col = (k % (D // 16)) * 16
        zero_v[r, pl.ds(col, 16)] = jnp.zeros((16,), jnp.float32)
        return carry

    lax.fori_loop(0, ZB * (D // 16), _fill_zero, 0)

    for dirix, e_hbm in ((0, src_hbm), (1, dst_hbm)):
        def _zero_chunk(j, carry):
            k = s + NS * j

            @pl.when(k < NCPY)
            def _():
                def _cp(i, carry2):
                    pltpu.sync_copy(zero_v, acc.at[pl.ds(k * CPR + i * ZB, ZB), :])
                    return carry2

                lax.fori_loop(0, ZCOPIES, _cp, 0)

            return carry

        lax.fori_loop(0, MAXJ, _zero_chunk, 0)
        e0 = wid * EPT
        pltpu.async_copy(e_hbm.at[pl.ds(e0, CH)], idx2.at[0], isem.at[0])
        plsc.subcore_barrier()

        def _chunk(j, carry):
            b = lax.rem(j, 2)
            j1 = j + 1
            nb = lax.rem(j1, 2)

            @pl.when(j1 < NCHUNK)
            def _():
                pltpu.async_copy(e_hbm.at[pl.ds(e0 + j1 * CH, CH)], idx2.at[nb], isem.at[nb])

            pltpu.make_async_copy(e_hbm.at[pl.ds(e0 + j * CH, CH)], idx2.at[b], isem.at[b]).wait()
            pltpu.sync_copy(ones_v, acc.at[idx2.at[b]], add=True)
            return carry

        lax.fori_loop(0, NCHUNK, _chunk, 0)
        plsc.subcore_barrier()

        def _out_chunk(j, carry):
            k = s + NS * j

            @pl.when(k < NCPY)
            def _():
                pltpu.sync_copy(
                    acc.at[pl.ds(k * CPR, CPR), :],
                    out_hbm.at[c, dirix, pl.ds(k * CPR, CPR), :],
                )

            return carry

        lax.fori_loop(0, MAXJ, _out_chunk, 0)
        plsc.subcore_barrier()


@functools.cache
def _build_agg_kernel():
    mesh = plsc.VectorSubcoreMesh(core_axis_name="c", subcore_axis_name="s")
    return functools.partial(
        pl.kernel,
        out_type=jax.ShapeDtypeStruct((NC, N, D), jnp.float32),
        mesh=mesh,
        scratch_types=[
            pltpu.VMEM((3, CH), jnp.int32),
            pltpu.VMEM((3, CH), jnp.int32),
            pltpu.VMEM((2, CH, D), jnp.float32),
            pltpu.VMEM((ZB, D), jnp.float32),
            pltpu.VMEM_SHARED((N, D), jnp.float32),
            pltpu.SemaphoreType.DMA((3,)),
            pltpu.SemaphoreType.DMA((3,)),
            pltpu.SemaphoreType.DMA((2,)),
            pltpu.SemaphoreType.DMA((2,)),
        ],
    )(_agg_body)


def _agg_body(hs_hbm, src_hbm, dst_hbm, out_hbm, sidx3, didx3, rows2, zero_v, acc, ssem, dsem, gsem, wsem):
    c = lax.axis_index("c")
    s = lax.axis_index("s")
    wid = c * NS + s

    def _fill_zero(k, carry):
        r = k // (D // 16)
        col = (k % (D // 16)) * 16
        zero_v[r, pl.ds(col, 16)] = jnp.zeros((16,), jnp.float32)
        return carry

    lax.fori_loop(0, ZB * (D // 16), _fill_zero, 0)

    def _zero_chunk(j, carry):
        k = s + NS * j

        @pl.when(k < NCPY)
        def _():
            def _cp(i, carry2):
                pltpu.sync_copy(zero_v, acc.at[pl.ds(k * CPR + i * ZB, ZB), :])
                return carry2

            lax.fori_loop(0, ZCOPIES, _cp, 0)

        return carry

    lax.fori_loop(0, MAXJ, _zero_chunk, 0)

    e0 = wid * EPT
    pltpu.async_copy(src_hbm.at[pl.ds(e0, CH)], sidx3.at[0], ssem.at[0])
    pltpu.async_copy(dst_hbm.at[pl.ds(e0, CH)], didx3.at[0], dsem.at[0])
    pltpu.make_async_copy(src_hbm.at[pl.ds(e0, CH)], sidx3.at[0], ssem.at[0]).wait()
    pltpu.async_copy(hs_hbm.at[sidx3.at[0]], rows2.at[0], gsem.at[0])
    pltpu.async_copy(src_hbm.at[pl.ds(e0 + CH, CH)], sidx3.at[1], ssem.at[1])
    pltpu.async_copy(dst_hbm.at[pl.ds(e0 + CH, CH)], didx3.at[1], dsem.at[1])
    plsc.subcore_barrier()

    def _chunk(j, carry):
        b3 = lax.rem(j, 3)
        b2 = lax.rem(j, 2)
        j1 = j + 1
        nb3 = lax.rem(j1, 3)
        nb2 = lax.rem(j1, 2)

        @pl.when(j1 < NCHUNK)
        def _():
            pltpu.make_async_copy(
                src_hbm.at[pl.ds(e0 + j1 * CH, CH)], sidx3.at[nb3], ssem.at[nb3]
            ).wait()

            @pl.when(j >= 1)
            def _():
                pb3 = lax.rem(j + 2, 3)
                pltpu.make_async_copy(
                    rows2.at[nb2], acc.at[didx3.at[pb3]], wsem.at[nb2]
                ).wait()

            pltpu.async_copy(hs_hbm.at[sidx3.at[nb3]], rows2.at[nb2], gsem.at[nb2])

        j2 = j + 2

        @pl.when(j2 < NCHUNK)
        def _():
            bb3 = lax.rem(j2, 3)
            pltpu.async_copy(src_hbm.at[pl.ds(e0 + j2 * CH, CH)], sidx3.at[bb3], ssem.at[bb3])
            pltpu.async_copy(dst_hbm.at[pl.ds(e0 + j2 * CH, CH)], didx3.at[bb3], dsem.at[bb3])

        pltpu.make_async_copy(hs_hbm.at[sidx3.at[b3]], rows2.at[b2], gsem.at[b2]).wait()
        pltpu.make_async_copy(
            dst_hbm.at[pl.ds(e0 + j * CH, CH)], didx3.at[b3], dsem.at[b3]
        ).wait()
        pltpu.async_copy(rows2.at[b2], acc.at[didx3.at[b3]], wsem.at[b2], add=True)
        return carry

    lax.fori_loop(0, NCHUNK, _chunk, 0)
    pltpu.make_async_copy(
        rows2.at[(NCHUNK - 2) % 2], acc.at[didx3.at[(NCHUNK - 2) % 3]], wsem.at[(NCHUNK - 2) % 2]
    ).wait()
    pltpu.make_async_copy(
        rows2.at[(NCHUNK - 1) % 2], acc.at[didx3.at[(NCHUNK - 1) % 3]], wsem.at[(NCHUNK - 1) % 2]
    ).wait()
    plsc.subcore_barrier()

    def _out_chunk(j, carry):
        k = s + NS * j

        @pl.when(k < NCPY)
        def _():
            pltpu.sync_copy(acc.at[pl.ds(k * CPR, CPR), :], out_hbm.at[c, pl.ds(k * CPR, CPR), :])

        return carry

    lax.fori_loop(0, MAXJ, _out_chunk, 0)


BLK = 2000
GRID = N // BLK


def _prep_body(deg_ref, x_ref, tok_ref, mask_ref, hs_ref, ns_ref, nd_ref):
    deg = deg_ref[...]
    degs = deg[0, 0, :, 0:1] + deg[1, 0, :, 0:1]
    degd = deg[0, 1, :, 0:1] + deg[1, 1, :, 0:1]
    ns = lax.rsqrt(jnp.maximum(degs, 1.0))
    nd = lax.rsqrt(jnp.maximum(degd, 1.0))
    m = mask_ref[...]
    ox = x_ref[...] * (1.0 - m) + tok_ref[...] * m
    hs_ref[...] = ox * ns
    ns_ref[...] = ns
    nd_ref[...] = nd


_prep_call = pl.pallas_call(
    _prep_body,
    grid=(GRID,),
    in_specs=[
        pl.BlockSpec((2, 2, BLK, D), lambda i: (0, 0, i, 0)),
        pl.BlockSpec((BLK, D), lambda i: (i, 0)),
        pl.BlockSpec((1, D), lambda i: (0, 0)),
        pl.BlockSpec((BLK, 1), lambda i: (i, 0)),
    ],
    out_specs=[
        pl.BlockSpec((BLK, D), lambda i: (i, 0)),
        pl.BlockSpec((BLK, 1), lambda i: (i, 0)),
        pl.BlockSpec((BLK, 1), lambda i: (i, 0)),
    ],
    out_shape=[
        jax.ShapeDtypeStruct((N, D), jnp.float32),
        jax.ShapeDtypeStruct((N, 1), jnp.float32),
        jax.ShapeDtypeStruct((N, 1), jnp.float32),
    ],
)


def _conv1_body(agg_ref, nd_ref, ns_ref, w_ref, b_ref, out_ref):
    a = agg_ref[...]
    t = (a[0] + a[1]) * nd_ref[...]
    h = jnp.dot(t, w_ref[...], preferred_element_type=jnp.float32) + b_ref[...]
    h = jnp.maximum(h, 0.0)
    out_ref[...] = h * ns_ref[...]


_conv1_call = pl.pallas_call(
    _conv1_body,
    grid=(GRID,),
    in_specs=[
        pl.BlockSpec((2, BLK, D), lambda i: (0, i, 0)),
        pl.BlockSpec((BLK, 1), lambda i: (i, 0)),
        pl.BlockSpec((BLK, 1), lambda i: (i, 0)),
        pl.BlockSpec((D, D), lambda i: (0, 0)),
        pl.BlockSpec((1, D), lambda i: (0, 0)),
    ],
    out_specs=pl.BlockSpec((BLK, D), lambda i: (i, 0)),
    out_shape=jax.ShapeDtypeStruct((N, D), jnp.float32),
)


def _conv2_body(agg_ref, nd_ref, ns_ref, mask_ref, w1_ref, b1_ref, w2_ref, out_ref):
    a = agg_ref[...]
    t = (a[0] + a[1]) * nd_ref[...]
    enc = jnp.dot(t, w1_ref[...], preferred_element_type=jnp.float32) + b1_ref[...]
    enc = jnp.maximum(enc, 0.0)
    rep = jnp.dot(enc, w2_ref[...], preferred_element_type=jnp.float32)
    rep = rep * (1.0 - mask_ref[...])
    out_ref[...] = rep * ns_ref[...]


_conv2_call = pl.pallas_call(
    _conv2_body,
    grid=(GRID,),
    in_specs=[
        pl.BlockSpec((2, BLK, D), lambda i: (0, i, 0)),
        pl.BlockSpec((BLK, 1), lambda i: (i, 0)),
        pl.BlockSpec((BLK, 1), lambda i: (i, 0)),
        pl.BlockSpec((BLK, 1), lambda i: (i, 0)),
        pl.BlockSpec((D, D), lambda i: (0, 0)),
        pl.BlockSpec((1, D), lambda i: (0, 0)),
        pl.BlockSpec((D, D), lambda i: (0, 0)),
    ],
    out_specs=pl.BlockSpec((BLK, D), lambda i: (i, 0)),
    out_shape=jax.ShapeDtypeStruct((N, D), jnp.float32),
)


def _loss_body(agg_ref, nd_ref, w_ref, b_ref, x_ref, mask_ref, out_ref):
    i = pl.program_id(0)
    a = agg_ref[...]
    t = (a[0] + a[1]) * nd_ref[...]
    recon = jnp.dot(t, w_ref[...], preferred_element_type=jnp.float32) + b_ref[...]
    rnorm = jnp.sqrt(jnp.sum(recon * recon, axis=-1, keepdims=True))
    rn = recon / jnp.maximum(rnorm, 1e-12)
    xv = x_ref[...]
    xnorm = jnp.sqrt(jnp.sum(xv * xv, axis=-1, keepdims=True))
    xn = xv / jnp.maximum(xnorm, 1e-12)
    cos = jnp.sum(rn * xn, axis=-1, keepdims=True)
    dlt = 1.0 - cos
    contrib = mask_ref[...] * dlt * dlt
    part = jnp.sum(contrib) * (1.0 / NUM_MASK)

    @pl.when(i == 0)
    def _():
        out_ref[...] = jnp.zeros((1, 1), jnp.float32)

    out_ref[...] += jnp.reshape(part, (1, 1))


_loss_call = pl.pallas_call(
    _loss_body,
    grid=(GRID,),
    in_specs=[
        pl.BlockSpec((2, BLK, D), lambda i: (0, i, 0)),
        pl.BlockSpec((BLK, 1), lambda i: (i, 0)),
        pl.BlockSpec((D, D), lambda i: (0, 0)),
        pl.BlockSpec((1, D), lambda i: (0, 0)),
        pl.BlockSpec((BLK, D), lambda i: (i, 0)),
        pl.BlockSpec((BLK, 1), lambda i: (i, 0)),
    ],
    out_specs=pl.BlockSpec((1, 1), lambda i: (0, 0)),
    out_shape=jax.ShapeDtypeStruct((1, 1), jnp.float32),
)


def kernel(x, edge_index, enc_mask_token, W_enc0, b_enc0, W_enc1, b_enc1, W_e2d, W_dec, b_dec):
    src, dst = edge_index[0], edge_index[1]
    maskv = jnp.asarray(_MASK)
    deg_kernel = _build_deg_kernel()
    agg_kernel = _build_agg_kernel()
    deg = deg_kernel(src, dst)
    hs1, ns, nd = _prep_call(deg, x, enc_mask_token, maskv)
    agg1 = agg_kernel(hs1, src, dst)
    hs2 = _conv1_call(agg1, nd, ns, W_enc0, b_enc0.reshape(1, D))
    agg2 = agg_kernel(hs2, src, dst)
    hs3 = _conv2_call(agg2, nd, ns, maskv, W_enc1, b_enc1.reshape(1, D), W_e2d)
    agg3 = agg_kernel(hs3, src, dst)
    loss = _loss_call(agg3, nd, W_dec, b_dec.reshape(1, D), x, maskv)
    return loss[0, 0]

# --- scband reference (transcript-rebuilt; emitter-appended) ---
"""Pipeline reference for scband-pre-model-40303973106392 (READ-ONLY COPY).

The authoritative reference and input builder live on the scoring server;
editing this copy changes nothing except your own understanding.
"""

import jax, jax.numpy as jnp
import numpy as np

N_NODES = 10000
N_EDGES = 320000
IN_DIM = 128
NUM_HIDDEN = 128
OUT_DIM = 128
MASK_RATE = 0.5
ALPHA_L = 2.0


def _gcn_conv(h, src, dst, W, b, n):
    # DGL GraphConv with norm='both': D_out^{-1/2} A D_in^{-1/2}
    deg_out = jnp.zeros((n,), h.dtype).at[src].add(1.0)
    deg_in = jnp.zeros((n,), h.dtype).at[dst].add(1.0)
    norm_src = jax.lax.rsqrt(jnp.maximum(deg_out, 1.0))
    norm_dst = jax.lax.rsqrt(jnp.maximum(deg_in, 1.0))
    hs = h * norm_src[:, None]
    msgs = jnp.take(hs, src, axis=0)
    agg = jnp.zeros((n, h.shape[1]), h.dtype).at[dst].add(msgs)
    agg = agg * norm_dst[:, None]
    return agg @ W + b


def _sce_loss(x, y, alpha):
    xn = x / jnp.maximum(jnp.linalg.norm(x, axis=-1, keepdims=True), 1e-12)
    yn = y / jnp.maximum(jnp.linalg.norm(y, axis=-1, keepdims=True), 1e-12)
    loss = jnp.power(1.0 - jnp.sum(xn * yn, axis=-1), alpha)
    return jnp.mean(loss)


def setup_inputs(seed: int = 0) -> dict:
    key = jax.random.key(seed)
    ks = jax.random.split(key, 10)
    x = jax.random.normal(ks[0], (N_NODES, IN_DIM), dtype=jnp.float32)
    edge_index = jax.random.randint(ks[1], (2, N_EDGES), 0, N_NODES, dtype=jnp.int32)
    s0 = 1.0 / np.sqrt(IN_DIM)
    s1 = 1.0 / np.sqrt(NUM_HIDDEN)
    s2 = 1.0 / np.sqrt(OUT_DIM)
    return {
        "x": x,
        "edge_index": edge_index,
        "enc_mask_token": jnp.zeros((1, IN_DIM), dtype=jnp.float32),
        "W_enc0": jax.random.normal(ks[2], (IN_DIM, NUM_HIDDEN), dtype=jnp.float32) * s0,
        "b_enc0": jnp.zeros((NUM_HIDDEN,), dtype=jnp.float32),
        "W_enc1": jax.random.normal(ks[3], (NUM_HIDDEN, OUT_DIM), dtype=jnp.float32) * s1,
        "b_enc1": jnp.zeros((OUT_DIM,), dtype=jnp.float32),
        "W_e2d": jax.random.normal(ks[4], (OUT_DIM, OUT_DIM), dtype=jnp.float32) * s2,
        "W_dec": jax.random.normal(ks[5], (OUT_DIM, IN_DIM), dtype=jnp.float32) * s2,
        "b_dec": jnp.zeros((IN_DIM,), dtype=jnp.float32),
    }


def reference(x, edge_index, enc_mask_token, W_enc0, b_enc0, W_enc1, b_enc1, W_e2d, W_dec, b_dec):
    n = x.shape[0]
    src = edge_index[0]
    dst = edge_index[1]
    # encoding_mask_noise (replace_rate == 0 branch)
    perm = jax.random.permutation(jax.random.key(42), n)
    num_mask = int(MASK_RATE * n)
    mask_nodes = perm[:num_mask]
    out_x = x.at[mask_nodes].set(0.0)
    out_x = out_x.at[mask_nodes].add(enc_mask_token[0])
    # encoder GCN (2 layers, encoding=True -> activation on every layer)
    h = jax.nn.relu(_gcn_conv(out_x, src, dst, W_enc0, b_enc0, n))
    enc_rep = jax.nn.relu(_gcn_conv(h, src, dst, W_enc1, b_enc1, n))
    # encoder_to_decoder linear (no bias)
    rep = enc_rep @ W_e2d
    # re-mask for non-mlp decoder
    rep = rep.at[mask_nodes].set(0.0)
    # decoder GCN (1 layer, no activation)
    recon = _gcn_conv(rep, src, dst, W_dec, b_dec, n)
    x_init = jnp.take(x, mask_nodes, axis=0)
    x_rec = jnp.take(recon, mask_nodes, axis=0)
    loss = _sce_loss(x_rec, x_init, ALPHA_L)
    return loss

if __name__ == "__main__":
    import jax
    _d = setup_inputs()
    print(jax.jit(kernel)(*tuple(_d.values())))

</pallas_src>

<mosaic_0001>
#map = affine_map<(d0, d1) -> (0)>
#map1 = affine_map<(d0, d1) -> (0, 0, 0, 0)>
module attributes {stable_mosaic.version = 14 : i64} {
  func.func @_deg_body(%arg0: i32, %arg1: i32, %arg2: memref<320000xi32, #tpu.memory_space<hbm>>, %arg3: memref<320000xi32, #tpu.memory_space<hbm>>, %arg4: memref<2x2x10000x128xf32, #tpu.memory_space<hbm>>, %arg5: memref<2x80xi32, #tpu.memory_space<vmem>>, %arg6: memref<80x128xf32, #tpu.memory_space<vmem>>, %arg7: memref<40x128xf32, #tpu.memory_space<vmem>>, %arg8: memref<10000x128xf32, #tpu.memory_space<vmem_shared>>, %arg9: memref<2x!tpu.dma_semaphore, #tpu.memory_space<semaphore_mem>>) attributes {dimension_semantics = [#tpu.dimension_semantics<core_parallel>, #tpu.dimension_semantics<subcore_parallel>], iteration_bounds = array<i64: 2, 16>, scalar_prefetch = 0 : i64, scratch_operands = 5 : i64, tpu.core_type = #tpu.core_type<sc_vector_subcore>, window_params = [{transform_indices = #map}, {transform_indices = #map}, {transform_indices = #map1}]} {
    %mul3A = arith.constant 16 : i32
    %mul3A_0 = arith.muli %arg0, %mul3A : i32
    %add3A = arith.addi %mul3A_0, %arg1 : i32
    %scan3A = arith.constant 0 : i32
    %scan3A_1 = arith.constant 0 : i32
    %scan3A_2 = arith.constant 640 : i32
    %scan3A_3 = arith.addi %scan3A_1, %scan3A_2 : i32
    %scan3A_4 = arith.constant 1 : i32
    scf.for %scan3A_80 = %scan3A_1 to %scan3A_3 step %scan3A_4  : i32 {
      %jit3A = arith.constant 8 : i32
      %div3A = arith.divsi %scan3A_80, %jit3A : i32
      %sign3A = arith.constant 0 : i32
      %sign3A_81 = arith.cmpi sgt, %scan3A_80, %sign3A : i32
      %sign3A_82 = arith.extui %sign3A_81 : i1 to i32
      %sign3A_83 = arith.constant 0 : i32
      %sign3A_84 = arith.cmpi slt, %scan3A_80, %sign3A_83 : i32
      %sign3A_85 = arith.extui %sign3A_84 : i1 to i32
      %sign3A_86 = arith.subi %sign3A_82, %sign3A_85 : i32
      %sign3A_87 = arith.constant 0 : i32
      %sign3A_88 = arith.cmpi sgt, %jit3A, %sign3A_87 : i32
      %sign3A_89 = arith.extui %sign3A_88 : i1 to i32
      %sign3A_90 = arith.constant 0 : i32
      %sign3A_91 = arith.cmpi slt, %jit3A, %sign3A_90 : i32
      %sign3A_92 = arith.extui %sign3A_91 : i1 to i32
      %sign3A_93 = arith.subi %sign3A_89, %sign3A_92 : i32
      %ne3A = arith.cmpi ne, %sign3A_86, %sign3A_93 : i32
      %rem3A = arith.remsi %scan3A_80, %jit3A : i32
      %ne3A_94 = arith.constant 0 : i32
      %ne3A_95 = arith.cmpi ne, %rem3A, %ne3A_94 : i32
      %and3A = arith.andi %ne3A, %ne3A_95 : i1
      %sub3A = arith.constant 1 : i32
      %sub3A_96 = arith.subi %div3A, %sub3A : i32
      %select_n3A = arith.select %and3A, %sub3A_96, %div3A : i32
      %jit3A_97 = arith.constant 8 : i32
      %eq3A = arith.constant 0 : i32
      %eq3A_98 = arith.cmpi eq, %jit3A_97, %eq3A : i32
      %jit3A_99 = arith.constant 1 : i32
      %select_n3A_100 = arith.select %eq3A_98, %jit3A_99, %jit3A_97 : i32
      %rem3A_101 = arith.remsi %scan3A_80, %select_n3A_100 : i32
      %ne3A_102 = arith.constant 0 : i32
      %ne3A_103 = arith.cmpi ne, %rem3A_101, %ne3A_102 : i32
      %lt3A = arith.constant 0 : i32
      %lt3A_104 = arith.cmpi slt, %rem3A_101, %lt3A : i32
      %lt3A_105 = arith.constant 0 : i32
      %lt3A_106 = arith.cmpi slt, %select_n3A_100, %lt3A_105 : i32
      %ne3A_107 = arith.xori %lt3A_104, %lt3A_106 : i1
      %and3A_108 = arith.andi %ne3A_107, %ne3A_103 : i1
      %add3A_109 = arith.addi %rem3A_101, %select_n3A_100 : i32
      %select_n3A_110 = arith.select %and3A_108, %add3A_109, %rem3A_101 : i32
      %mul3A_111 = arith.constant 16 : i32
      %mul3A_112 = arith.muli %select_n3A_110, %mul3A_111 : i32
      %broadcast_in_dim3A = arith.constant 1.000000e+00 : f32
      %broadcast_in_dim3A_113 = vector.broadcast %broadcast_in_dim3A : f32 to vector<16xf32>
      %swap3A = arith.index_cast %select_n3A : i32 to index
      %swap3A_114 = arith.index_cast %mul3A_112 : i32 to index
      %swap3A_115 = tpu.vector_load %arg6[%swap3A, %swap3A_114] {strides = array<i32>} : memref<80x128xf32, #tpu.memory_space<vmem>>, vector<1x16xf32>,
      %swap3A_116 = vector.shape_cast %swap3A_115 : vector<1x16xf32> to vector<16xf32>
      %swap3A_117 = vector.shape_cast %broadcast_in_dim3A_113 : vector<16xf32> to vector<1x16xf32>
      tpu.vector_store %arg6[%swap3A, %swap3A_114], %swap3A_117 {strides = array<i32>} : memref<80x128xf32, #tpu.memory_space<vmem>>, vector<1x16xf32>,
    }
    %scan3A_5 = arith.constant 640 : i32
    %scan3A_6 = arith.constant 0 : i32
    %scan3A_7 = arith.constant 0 : i32
    %scan3A_8 = arith.constant 320 : i32
    %scan3A_9 = arith.addi %scan3A_7, %scan3A_8 : i32
    %scan3A_10 = arith.constant 1 : i32
    scf.for %scan3A_80 = %scan3A_7 to %scan3A_9 step %scan3A_10  : i32 {
      %jit3A = arith.constant 8 : i32
      %div3A = arith.divsi %scan3A_80, %jit3A : i32
      %sign3A = arith.constant 0 : i32
      %sign3A_81 = arith.cmpi sgt, %scan3A_80, %sign3A : i32
      %sign3A_82 = arith.extui %sign3A_81 : i1 to i32
      %sign3A_83 = arith.constant 0 : i32
      %sign3A_84 = arith.cmpi slt, %scan3A_80, %sign3A_83 : i32
      %sign3A_85 = arith.extui %sign3A_84 : i1 to i32
      %sign3A_86 = arith.subi %sign3A_82, %sign3A_85 : i32
      %sign3A_87 = arith.constant 0 : i32
      %sign3A_88 = arith.cmpi sgt, %jit3A, %sign3A_87 : i32
      %sign3A_89 = arith.extui %sign3A_88 : i1 to i32
      %sign3A_90 = arith.constant 0 : i32
      %sign3A_91 = arith.cmpi slt, %jit3A, %sign3A_90 : i32
      %sign3A_92 = arith.extui %sign3A_91 : i1 to i32
      %sign3A_93 = arith.subi %sign3A_89, %sign3A_92 : i32
      %ne3A = arith.cmpi ne, %sign3A_86, %sign3A_93 : i32
      %rem3A = arith.remsi %scan3A_80, %jit3A : i32
      %ne3A_94 = arith.constant 0 : i32
      %ne3A_95 = arith.cmpi ne, %rem3A, %ne3A_94 : i32
      %and3A = arith.andi %ne3A, %ne3A_95 : i1
      %sub3A = arith.constant 1 : i32
      %sub3A_96 = arith.subi %div3A, %sub3A : i32
      %select_n3A = arith.select %and3A, %sub3A_96, %div3A : i32
      %jit3A_97 = arith.constant 8 : i32
      %eq3A = arith.constant 0 : i32
      %eq3A_98 = arith.cmpi eq, %jit3A_97, %eq3A : i32
      %jit3A_99 = arith.constant 1 : i32
      %select_n3A_100 = arith.select %eq3A_98, %jit3A_99, %jit3A_97 : i32
      %rem3A_101 = arith.remsi %scan3A_80, %select_n3A_100 : i32
      %ne3A_102 = arith.constant 0 : i32
      %ne3A_103 = arith.cmpi ne, %rem3A_101, %ne3A_102 : i32
      %lt3A = arith.constant 0 : i32
      %lt3A_104 = arith.cmpi slt, %rem3A_101, %lt3A : i32
      %lt3A_105 = arith.constant 0 : i32
      %lt3A_106 = arith.cmpi slt, %select_n3A_100, %lt3A_105 : i32
      %ne3A_107 = arith.xori %lt3A_104, %lt3A_106 : i1
      %and3A_108 = arith.andi %ne3A_107, %ne3A_103 : i1
      %add3A_109 = arith.addi %rem3A_101, %select_n3A_100 : i32
      %select_n3A_110 = arith.select %and3A_108, %add3A_109, %rem3A_101 : i32
      %mul3A_111 = arith.constant 16 : i32
      %mul3A_112 = arith.muli %select_n3A_110, %mul3A_111 : i32
      %broadcast_in_dim3A = arith.constant 0.000000e+00 : f32
      %broadcast_in_dim3A_113 = vector.broadcast %broadcast_in_dim3A : f32 to vector<16xf32>
      %swap3A = arith.index_cast %select_n3A : i32 to index
      %swap3A_114 = arith.index_cast %mul3A_112 : i32 to index
      %swap3A_115 = tpu.vector_load %arg7[%swap3A, %swap3A_114] {strides = array<i32>} : memref<40x128xf32, #tpu.memory_space<vmem>>, vector<1x16xf32>,
      %swap3A_116 = vector.shape_cast %swap3A_115 : vector<1x16xf32> to vector<16xf32>
      %swap3A_117 = vector.shape_cast %broadcast_in_dim3A_113 : vector<16xf32> to vector<1x16xf32>
      tpu.vector_store %arg7[%swap3A, %swap3A_114], %swap3A_117 {strides = array<i32>} : memref<40x128xf32, #tpu.memory_space<vmem>>, vector<1x16xf32>,
    }
    %scan3A_11 = arith.constant 320 : i32
    %scan3A_12 = arith.constant 0 : i32
    %scan3A_13 = arith.constant 0 : i32
    %scan3A_14 = arith.constant 4 : i32
    %scan3A_15 = arith.addi %scan3A_13, %scan3A_14 : i32
    %scan3A_16 = arith.constant 1 : i32
    scf.for %scan3A_80 = %scan3A_13 to %scan3A_15 step %scan3A_16  : i32 {
      %mul3A_81 = arith.constant 16 : i32
      %mul3A_82 = arith.muli %mul3A_81, %scan3A_80 : i32
      %add3A_83 = arith.addi %arg1, %mul3A_82 : i32
      %lt3A = arith.constant 50 : i32
      %lt3A_84 = arith.cmpi slt, %add3A_83, %lt3A : i32
      %convert_element_type3A = arith.extui %lt3A_84 : i1 to i32
      %cond3A = arith.constant 0 : i32
      %cond3A_85 = arith.cmpi ne, %convert_element_type3A, %cond3A : i32
      scf.if %cond3A_85 {
        %scan3A_86 = arith.constant 0 : i32
        %scan3A_87 = arith.constant 0 : i32
        %scan3A_88 = arith.constant 5 : i32
        %scan3A_89 = arith.addi %scan3A_87, %scan3A_88 : i32
        %scan3A_90 = arith.constant 1 : i32
        scf.for %scan3A_92 = %scan3A_87 to %scan3A_89 step %scan3A_90  : i32 {
          %mul3A_93 = arith.constant 200 : i32
          %mul3A_94 = arith.muli %add3A_83, %mul3A_93 : i32
          %mul3A_95 = arith.constant 40 : i32
          %mul3A_96 = arith.muli %scan3A_92, %mul3A_95 : i32
          %add3A_97 = arith.addi %mul3A_94, %mul3A_96 : i32
          "tpu.region"() ({
            %run_scoped3A = tpu.sem_alloc : memref<!tpu.dma_semaphore, #tpu.memory_space<semaphore_mem>>
            %dma_start3A_98 = arith.constant 0 : i32
            %dma_start3A_99 = tpu.memref_slice %arg8[%add3A_97, %dma_start3A_98] : memref<10000x128xf32, #tpu.memory_space<vmem_shared>> -> memref<40x128xf32, #tpu.memory_space<vmem_shared>>
            %dma_start3A_100 = arith.constant 0 : i32
            %dma_start3A_101 = tpu.memref_slice %arg8[%add3A_97, %dma_start3A_100] : memref<10000x128xf32, #tpu.memory_space<vmem_shared>> -> memref<40x128xf32, #tpu.memory_space<vmem_shared>>
            tpu.enqueue_dma source(%arg7 : memref<40x128xf32, #tpu.memory_space<vmem>>) target(%dma_start3A_101 : memref<40x128xf32, #tpu.memory_space<vmem_shared>>) target_semaphore(%run_scoped3A : memref<!tpu.dma_semaphore, #tpu.memory_space<semaphore_mem>>)
            %dma_wait3A = arith.constant 0 : i32
            %dma_wait3A_102 = tpu.memref_slice %arg8[%add3A_97, %dma_wait3A] : memref<10000x128xf32, #tpu.memory_space<vmem_shared>> -> memref<40x128xf32, #tpu.memory_space<vmem_shared>>
            %dma_wait3A_103 = arith.constant 0 : i32
            %dma_wait3A_104 = tpu.memref_slice %arg8[%add3A_97, %dma_wait3A_103] : memref<10000x128xf32, #tpu.memory_space<vmem_shared>> -> memref<40x128xf32, #tpu.memory_space<vmem_shared>>
            tpu.wait_dma2 semaphore(%run_scoped3A : memref<!tpu.dma_semaphore, #tpu.memory_space<semaphore_mem>>) src(%arg7 : memref<40x128xf32, #tpu.memory_space<vmem>>) dst(%dma_wait3A_104 : memref<40x128xf32, #tpu.memory_space<vmem_shared>>)
            tpu.yield
          }) : () -> ()
        }
        %scan3A_91 = arith.constant 5 : i32
      } else {
      }
    }
    %scan3A_17 = arith.constant 4 : i32
    %mul3A_18 = arith.constant 10000 : i32
    %mul3A_19 = arith.muli %add3A, %mul3A_18 : i32
    %dma_start3A = arith.constant 0 : i32
    %dma_start3A_20 = arith.constant 0 : i32
    %dma_start3A_21 = arith.constant 0 : i32
    %dma_start3A_22 = tpu.memref_slice %arg5[%dma_start3A, %dma_start3A_21] : memref<2x80xi32, #tpu.memory_space<vmem>> -> memref<1x80xi32, #tpu.memory_space<vmem>>
    %dma_start3A_23 = tpu.memref_squeeze %dma_start3A_22 : memref<1x80xi32, #tpu.memory_space<vmem>> -> memref<80xi32, #tpu.memory_space<vmem>>
    %dma_start3A_24 = tpu.memref_slice %arg2[%mul3A_19] : memref<320000xi32, #tpu.memory_space<hbm>> -> memref<80xi32, #tpu.memory_space<hbm>>
    %dma_start3A_25 = tpu.memref_slice %arg9[%dma_start3A_20] : memref<2x!tpu.dma_semaphore, #tpu.memory_space<semaphore_mem>> -> memref<1x!tpu.dma_semaphore, #tpu.memory_space<semaphore_mem>>
    %dma_start3A_26 = tpu.memref_squeeze %dma_start3A_25 : memref<1x!tpu.dma_semaphore, #tpu.memory_space<semaphore_mem>> -> memref<!tpu.dma_semaphore, #tpu.memory_space<semaphore_mem>>
    %dma_start3A_27 = arith.constant 0 : i32
    %dma_start3A_28 = tpu.memref_slice %arg5[%dma_start3A, %dma_start3A_27] : memref<2x80xi32, #tpu.memory_space<vmem>> -> memref<1x80xi32, #tpu.memory_space<vmem>>
    %dma_start3A_29 = tpu.memref_squeeze %dma_start3A_28 : memref<1x80xi32, #tpu.memory_space<vmem>> -> memref<80xi32, #tpu.memory_space<vmem>>
    %dma_start3A_30 = tpu.memref_slice %arg2[%mul3A_19] : memref<320000xi32, #tpu.memory_space<hbm>> -> memref<80xi32, #tpu.memory_space<hbm>>
    tpu.enqueue_dma source(%dma_start3A_30 : memref<80xi32, #tpu.memory_space<hbm>>) target(%dma_start3A_29 : memref<80xi32, #tpu.memory_space<vmem>>) target_semaphore(%dma_start3A_26 : memref<!tpu.dma_semaphore, #tpu.memory_space<semaphore_mem>>)
    %barrier3A = arith.constant 0 : index
    tpu.barrier barrier_id(%barrier3A)
    %scan3A_31 = arith.constant 0 : i32
    %scan3A_32 = arith.constant 0 : i32
    %scan3A_33 = arith.constant 125 : i32
    %scan3A_34 = arith.addi %scan3A_32, %scan3A_33 : i32
    %scan3A_35 = arith.constant 1 : i32
    scf.for %scan3A_80 = %scan3A_32 to %scan3A_34 step %scan3A_35  : i32 {
      %rem3A = arith.constant 2 : i32
      %rem3A_81 = arith.remsi %scan3A_80, %rem3A : i32
      %add3A_82 = arith.constant 1 : i32
      %add3A_83 = arith.addi %scan3A_80, %add3A_82 : i32
      %rem3A_84 = arith.constant 2 : i32
      %rem3A_85 = arith.remsi %add3A_83, %rem3A_84 : i32
      %lt3A = arith.constant 125 : i32
      %lt3A_86 = arith.cmpi slt, %add3A_83, %lt3A : i32
      %convert_element_type3A = arith.extui %lt3A_86 : i1 to i32
      %cond3A = arith.constant 0 : i32
      %cond3A_87 = arith.cmpi ne, %convert_element_type3A, %cond3A : i32
      scf.if %cond3A_87 {
        %mul3A_100 = arith.constant 80 : i32
        %mul3A_101 = arith.muli %add3A_83, %mul3A_100 : i32
        %add3A_102 = arith.addi %mul3A_19, %mul3A_101 : i32
        %dma_start3A_103 = arith.constant 0 : i32
        %dma_start3A_104 = tpu.memref_slice %arg5[%rem3A_85, %dma_start3A_103] : memref<2x80xi32, #tpu.memory_space<vmem>> -> memref<1x80xi32, #tpu.memory_space<vmem>>
        %dma_start3A_105 = tpu.memref_squeeze %dma_start3A_104 : memref<1x80xi32, #tpu.memory_space<vmem>> -> memref<80xi32, #tpu.memory_space<vmem>>
        %dma_start3A_106 = tpu.memref_slice %arg2[%add3A_102] : memref<320000xi32, #tpu.memory_space<hbm>> -> memref<80xi32, #tpu.memory_space<hbm>>
        %dma_start3A_107 = tpu.memref_slice %arg9[%rem3A_85] : memref<2x!tpu.dma_semaphore, #tpu.memory_space<semaphore_mem>> -> memref<1x!tpu.dma_semaphore, #tpu.memory_space<semaphore_mem>>
        %dma_start3A_108 = tpu.memref_squeeze %dma_start3A_107 : memref<1x!tpu.dma_semaphore, #tpu.memory_space<semaphore_mem>> -> memref<!tpu.dma_semaphore, #tpu.memory_space<semaphore_mem>>
        %dma_start3A_109 = arith.constant 0 : i32
        %dma_start3A_110 = tpu.memref_slice %arg5[%rem3A_85, %dma_start3A_109] : memref<2x80xi32, #tpu.memory_space<vmem>> -> memref<1x80xi32, #tpu.memory_space<vmem>>
        %dma_start3A_111 = tpu.memref_squeeze %dma_start3A_110 : memref<1x80xi32, #tpu.memory_space<vmem>> -> memref<80xi32, #tpu.memory_space<vmem>>
        %dma_start3A_112 = tpu.memref_slice %arg2[%add3A_102] : memref<320000xi32, #tpu.memory_space<hbm>> -> memref<80xi32, #tpu.memory_space<hbm>>
        tpu.enqueue_dma source(%dma_start3A_112 : memref<80xi32, #tpu.memory_space<hbm>>) target(%dma_start3A_111 : memref<80xi32, #tpu.memory_space<vmem>>) target_semaphore(%dma_start3A_108 : memref<!tpu.dma_semaphore, #tpu.memory_space<semaphore_mem>>)
      } else {
      }
      %mul3A_88 = arith.constant 80 : i32
      %mul3A_89 = arith.muli %scan3A_80, %mul3A_88 : i32
      %add3A_90 = arith.addi %mul3A_19, %mul3A_89 : i32
      %dma_wait3A = arith.constant 0 : i32
      %dma_wait3A_91 = tpu.memref_slice %arg5[%rem3A_81, %dma_wait3A] : memref<2x80xi32, #tpu.memory_space<vmem>> -> memref<1x80xi32, #tpu.memory_space<vmem>>
      %dma_wait3A_92 = tpu.memref_squeeze %dma_wait3A_91 : memref<1x80xi32, #tpu.memory_space<vmem>> -> memref<80xi32, #tpu.memory_space<vmem>>
      %dma_wait3A_93 = tpu.memref_slice %arg2[%add3A_90] : memref<320000xi32, #tpu.memory_space<hbm>> -> memref<80xi32, #tpu.memory_space<hbm>>
      %dma_wait3A_94 = tpu.memref_slice %arg9[%rem3A_81] : memref<2x!tpu.dma_semaphore, #tpu.memory_space<semaphore_mem>> -> memref<1x!tpu.dma_semaphore, #tpu.memory_space<semaphore_mem>>
      %dma_wait3A_95 = tpu.memref_squeeze %dma_wait3A_94 : memref<1x!tpu.dma_semaphore, #tpu.memory_space<semaphore_mem>> -> memref<!tpu.dma_semaphore, #tpu.memory_space<semaphore_mem>>
      %dma_wait3A_96 = arith.constant 0 : i32
      %dma_wait3A_97 = tpu.memref_slice %arg5[%rem3A_81, %dma_wait3A_96] : memref<2x80xi32, #tpu.memory_space<vmem>> -> memref<1x80xi32, #tpu.memory_space<vmem>>
      %dma_wait3A_98 = tpu.memref_squeeze %dma_wait3A_97 : memref<1x80xi32, #tpu.memory_space<vmem>> -> memref<80xi32, #tpu.memory_space<vmem>>
      %dma_wait3A_99 = tpu.memref_slice %arg2[%add3A_90] : memref<320000xi32, #tpu.memory_space<hbm>> -> memref<80xi32, #tpu.memory_space<hbm>>
      tpu.wait_dma2 semaphore(%dma_wait3A_95 : memref<!tpu.dma_semaphore, #tpu.memory_space<semaphore_mem>>) src(%dma_wait3A_99 : memref<80xi32, #tpu.memory_space<hbm>>) dst(%dma_wait3A_98 : memref<80xi32, #tpu.memory_space<vmem>>)
      "tpu.region"() ({
        %run_scoped3A = tpu.sem_alloc : memref<!tpu.dma_semaphore, #tpu.memory_space<semaphore_mem>>
        %dma_start3A_100 = arith.constant 0 : i32
        %dma_start3A_101 = tpu.memref_slice %arg5[%rem3A_81, %dma_start3A_100] : memref<2x80xi32, #tpu.memory_space<vmem>> -> memref<1x80xi32, #tpu.memory_space<vmem>>
        %dma_start3A_102 = tpu.memref_squeeze %dma_start3A_101 : memref<1x80xi32, #tpu.memory_space<vmem>> -> memref<80xi32, #tpu.memory_space<vmem>>
        %dma_start3A_103 = arith.constant 0 : i32
        %dma_start3A_104 = arith.constant 0 : i32
        %dma_start3A_105 = tpu.memref_slice %arg8[%dma_start3A_103, %dma_start3A_104] : memref<10000x128xf32, #tpu.memory_space<vmem_shared>> -> memref<10000x128xf32, #tpu.memory_space<vmem_shared>>
        tpu.enqueue_indirect_dma source(%arg6 : memref<80x128xf32, #tpu.memory_space<vmem>>) target(%dma_start3A_105 : memref<10000x128xf32, #tpu.memory_space<vmem_shared>>) offsets(%dma_start3A_102 : memref<80xi32, #tpu.memory_space<vmem>>) semaphore(%run_scoped3A : memref<!tpu.dma_semaphore, #tpu.memory_space<semaphore_mem>>) {add = true}
        %dma_wait3A_106 = arith.constant 0 : i32
        %dma_wait3A_107 = tpu.memref_slice %arg5[%rem3A_81, %dma_wait3A_106] : memref<2x80xi32, #tpu.memory_space<vmem>> -> memref<1x80xi32, #tpu.memory_space<vmem>>
        %dma_wait3A_108 = tpu.memref_squeeze %dma_wait3A_107 : memref<1x80xi32, #tpu.memory_space<vmem>> -> memref<80xi32, #tpu.memory_space<vmem>>
        %dma_wait3A_109 = arith.constant 0 : i32
        %dma_wait3A_110 = arith.constant 0 : i32
        %dma_wait3A_111 = tpu.memref_slice %arg8[%dma_wait3A_109, %dma_wait3A_110] : memref<10000x128xf32, #tpu.memory_space<vmem_shared>> -> memref<10000x128xf32, #tpu.memory_space<vmem_shared>>
        tpu.wait_indirect_dma semaphore(%run_scoped3A : memref<!tpu.dma_semaphore, #tpu.memory_space<semaphore_mem>>) src(%arg6 : memref<80x128xf32, #tpu.memory_space<vmem>>) dst(%dma_wait3A_111 : memref<10000x128xf32, #tpu.memory_space<vmem_shared>>)
        tpu.yield
      }) : () -> ()
    }
    %scan3A_36 = arith.constant 125 : i32
    %barrier3A_37 = arith.constant 0 : index
    tpu.barrier barrier_id(%barrier3A_37)
    %scan3A_38 = arith.constant 0 : i32
    %scan3A_39 = arith.constant 0 : i32
    %scan3A_40 = arith.constant 4 : i32
    %scan3A_41 = arith.addi %scan3A_39, %scan3A_40 : i32
    %scan3A_42 = arith.constant 1 : i32
    scf.for %scan3A_80 = %scan3A_39 to %scan3A_41 step %scan3A_42  : i32 {
      %mul3A_81 = arith.constant 16 : i32
      %mul3A_82 = arith.muli %mul3A_81, %scan3A_80 : i32
      %add3A_83 = arith.addi %arg1, %mul3A_82 : i32
      %lt3A = arith.constant 50 : i32
      %lt3A_84 = arith.cmpi slt, %add3A_83, %lt3A : i32
      %convert_element_type3A = arith.extui %lt3A_84 : i1 to i32
      %cond3A = arith.constant 0 : i32
      %cond3A_85 = arith.cmpi ne, %convert_element_type3A, %cond3A : i32
      scf.if %cond3A_85 {
        %mul3A_86 = arith.constant 200 : i32
        %mul3A_87 = arith.muli %add3A_83, %mul3A_86 : i32
        %mul3A_88 = arith.constant 200 : i32
        %mul3A_89 = arith.muli %add3A_83, %mul3A_88 : i32
        %run_scoped3A = arith.constant 0 : i32
        "tpu.region"() ({
          %run_scoped3A_90 = tpu.sem_alloc : memref<!tpu.dma_semaphore, #tpu.memory_space<semaphore_mem>>
          %dma_start3A_91 = arith.constant 0 : i32
          %dma_start3A_92 = tpu.memref_slice %arg4[%arg0, %run_scoped3A, %mul3A_89, %dma_start3A_91] : memref<2x2x10000x128xf32, #tpu.memory_space<hbm>> -> memref<1x1x200x128xf32, #tpu.memory_space<hbm>>
          %dma_start3A_93 = tpu.memref_squeeze %dma_start3A_92 : memref<1x1x200x128xf32, #tpu.memory_space<hbm>> -> memref<200x128xf32, #tpu.memory_space<hbm>>
          %dma_start3A_94 = arith.constant 0 : i32
          %dma_start3A_95 = tpu.memref_slice %arg8[%mul3A_87, %dma_start3A_94] : memref<10000x128xf32, #tpu.memory_space<vmem_shared>> -> memref<200x128xf32, #tpu.memory_space<vmem_shared>>
          tpu.enqueue_dma source(%dma_start3A_95 : memref<200x128xf32, #tpu.memory_space<vmem_shared>>) target(%dma_start3A_93 : memref<200x128xf32, #tpu.memory_space<hbm>>) target_semaphore(%run_scoped3A_90 : memref<!tpu.dma_semaphore, #tpu.memory_space<semaphore_mem>>)
          %dma_wait3A = arith.constant 0 : i32
          %dma_wait3A_96 = tpu.memref_slice %arg4[%arg0, %run_scoped3A, %mul3A_89, %dma_wait3A] : memref<2x2x10000x128xf32, #tpu.memory_space<hbm>> -> memref<1x1x200x128xf32, #tpu.memory_space<hbm>>
          %dma_wait3A_97 = tpu.memref_squeeze %dma_wait3A_96 : memref<1x1x200x128xf32, #tpu.memory_space<hbm>> -> memref<200x128xf32, #tpu.memory_space<hbm>>
          %dma_wait3A_98 = arith.constant 0 : i32
          %dma_wait3A_99 = tpu.memref_slice %arg8[%mul3A_87, %dma_wait3A_98] : memref<10000x128xf32, #tpu.memory_space<vmem_shared>> -> memref<200x128xf32, #tpu.memory_space<vmem_shared>>
          tpu.wait_dma2 semaphore(%run_scoped3A_90 : memref<!tpu.dma_semaphore, #tpu.memory_space<semaphore_mem>>) src(%dma_wait3A_99 : memref<200x128xf32, #tpu.memory_space<vmem_shared>>) dst(%dma_wait3A_97 : memref<200x128xf32, #tpu.memory_space<hbm>>)
          tpu.yield
        }) : () -> ()
      } else {
      }
    }
    %scan3A_43 = arith.constant 4 : i32
    %barrier3A_44 = arith.constant 0 : index
    tpu.barrier barrier_id(%barrier3A_44)
    %scan3A_45 = arith.constant 0 : i32
    %scan3A_46 = arith.constant 0 : i32
    %scan3A_47 = arith.constant 4 : i32
    %scan3A_48 = arith.addi %scan3A_46, %scan3A_47 : i32
    %scan3A_49 = arith.constant 1 : i32
    scf.for %scan3A_80 = %scan3A_46 to %scan3A_48 step %scan3A_49  : i32 {
      %mul3A_81 = arith.constant 16 : i32
      %mul3A_82 = arith.muli %mul3A_81, %scan3A_80 : i32
      %add3A_83 = arith.addi %arg1, %mul3A_82 : i32
      %lt3A = arith.constant 50 : i32
      %lt3A_84 = arith.cmpi slt, %add3A_83, %lt3A : i32
      %convert_element_type3A = arith.extui %lt3A_84 : i1 to i32
      %cond3A = arith.constant 0 : i32
      %cond3A_85 = arith.cmpi ne, %convert_element_type3A, %cond3A : i32
      scf.if %cond3A_85 {
        %scan3A_86 = arith.constant 0 : i32
        %scan3A_87 = arith.constant 0 : i32
        %scan3A_88 = arith.constant 5 : i32
        %scan3A_89 = arith.addi %scan3A_87, %scan3A_88 : i32
        %scan3A_90 = arith.constant 1 : i32
        scf.for %scan3A_92 = %scan3A_87 to %scan3A_89 step %scan3A_90  : i32 {
          %mul3A_93 = arith.constant 200 : i32
          %mul3A_94 = arith.muli %add3A_83, %mul3A_93 : i32
          %mul3A_95 = arith.constant 40 : i32
          %mul3A_96 = arith.muli %scan3A_92, %mul3A_95 : i32
          %add3A_97 = arith.addi %mul3A_94, %mul3A_96 : i32
          "tpu.region"() ({
            %run_scoped3A = tpu.sem_alloc : memref<!tpu.dma_semaphore, #tpu.memory_space<semaphore_mem>>
            %dma_start3A_98 = arith.constant 0 : i32
            %dma_start3A_99 = tpu.memref_slice %arg8[%add3A_97, %dma_start3A_98] : memref<10000x128xf32, #tpu.memory_space<vmem_shared>> -> memref<40x128xf32, #tpu.memory_space<vmem_shared>>
            %dma_start3A_100 = arith.constant 0 : i32
            %dma_start3A_101 = tpu.memref_slice %arg8[%add3A_97, %dma_start3A_100] : memref<10000x128xf32, #tpu.memory_space<vmem_shared>> -> memref<40x128xf32, #tpu.memory_space<vmem_shared>>
            tpu.enqueue_dma source(%arg7 : memref<40x128xf32, #tpu.memory_space<vmem>>) target(%dma_start3A_101 : memref<40x128xf32, #tpu.memory_space<vmem_shared>>) target_semaphore(%run_scoped3A : memref<!tpu.dma_semaphore, #tpu.memory_space<semaphore_mem>>)
            %dma_wait3A = arith.constant 0 : i32
            %dma_wait3A_102 = tpu.memref_slice %arg8[%add3A_97, %dma_wait3A] : memref<10000x128xf32, #tpu.memory_space<vmem_shared>> -> memref<40x128xf32, #tpu.memory_space<vmem_shared>>
            %dma_wait3A_103 = arith.constant 0 : i32
            %dma_wait3A_104 = tpu.memref_slice %arg8[%add3A_97, %dma_wait3A_103] : memref<10000x128xf32, #tpu.memory_space<vmem_shared>> -> memref<40x128xf32, #tpu.memory_space<vmem_shared>>
            tpu.wait_dma2 semaphore(%run_scoped3A : memref<!tpu.dma_semaphore, #tpu.memory_space<semaphore_mem>>) src(%arg7 : memref<40x128xf32, #tpu.memory_space<vmem>>) dst(%dma_wait3A_104 : memref<40x128xf32, #tpu.memory_space<vmem_shared>>)
            tpu.yield
          }) : () -> ()
        }
        %scan3A_91 = arith.constant 5 : i32
      } else {
      }
    }
    %scan3A_50 = arith.constant 4 : i32
    %mul3A_51 = arith.constant 10000 : i32
    %mul3A_52 = arith.muli %add3A, %mul3A_51 : i32
    %dma_start3A_53 = arith.constant 0 : i32
    %dma_start3A_54 = arith.constant 0 : i32
    %dma_start3A_55 = arith.constant 0 : i32
    %dma_start3A_56 = tpu.memref_slice %arg5[%dma_start3A_53, %dma_start3A_55] : memref<2x80xi32, #tpu.memory_space<vmem>> -> memref<1x80xi32, #tpu.memory_space<vmem>>
    %dma_start3A_57 = tpu.memref_squeeze %dma_start3A_56 : memref<1x80xi32, #tpu.memory_space<vmem>> -> memref<80xi32, #tpu.memory_space<vmem>>
    %dma_start3A_58 = tpu.memref_slice %arg3[%mul3A_52] : memref<320000xi32, #tpu.memory_space<hbm>> -> memref<80xi32, #tpu.memory_space<hbm>>
    %dma_start3A_59 = tpu.memref_slice %arg9[%dma_start3A_54] : memref<2x!tpu.dma_semaphore, #tpu.memory_space<semaphore_mem>> -> memref<1x!tpu.dma_semaphore, #tpu.memory_space<semaphore_mem>>
    %dma_start3A_60 = tpu.memref_squeeze %dma_start3A_59 : memref<1x!tpu.dma_semaphore, #tpu.memory_space<semaphore_mem>> -> memref<!tpu.dma_semaphore, #tpu.memory_space<semaphore_mem>>
    %dma_start3A_61 = arith.constant 0 : i32
    %dma_start3A_62 = tpu.memref_slice %arg5[%dma_start3A_53, %dma_start3A_61] : memref<2x80xi32, #tpu.memory_space<vmem>> -> memref<1x80xi32, #tpu.memory_space<vmem>>
    %dma_start3A_63 = tpu.memref_squeeze %dma_start3A_62 : memref<1x80xi32, #tpu.memory_space<vmem>> -> memref<80xi32, #tpu.memory_space<vmem>>
    %dma_start3A_64 = tpu.memref_slice %arg3[%mul3A_52] : memref<320000xi32, #tpu.memory_space<hbm>> -> memref<80xi32, #tpu.memory_space<hbm>>
    tpu.enqueue_dma source(%dma_start3A_64 : memref<80xi32, #tpu.memory_space<hbm>>) target(%dma_start3A_63 : memref<80xi32, #tpu.memory_space<vmem>>) target_semaphore(%dma_start3A_60 : memref<!tpu.dma_semaphore, #tpu.memory_space<semaphore_mem>>)
    %barrier3A_65 = arith.constant 0 : index
    tpu.barrier barrier_id(%barrier3A_65)
    %scan3A_66 = arith.constant 0 : i32
    %scan3A_67 = arith.constant 0 : i32
    %scan3A_68 = arith.constant 125 : i32
    %scan3A_69 = arith.addi %scan3A_67, %scan3A_68 : i32
    %scan3A_70 = arith.constant 1 : i32
    scf.for %scan3A_80 = %scan3A_67 to %scan3A_69 step %scan3A_70  : i32 {
      %rem3A = arith.constant 2 : i32
      %rem3A_81 = arith.remsi %scan3A_80, %rem3A : i32
      %add3A_82 = arith.constant 1 : i32
      %add3A_83 = arith.addi %scan3A_80, %add3A_82 : i32
      %rem3A_84 = arith.constant 2 : i32
      %rem3A_85 = arith.remsi %add3A_83, %rem3A_84 : i32
      %lt3A = arith.constant 125 : i32
      %lt3A_86 = arith.cmpi slt, %add3A_83, %lt3A : i32
      %convert_element_type3A = arith.extui %lt3A_86 : i1 to i32
      %cond3A = arith.constant 0 : i32
      %cond3A_87 = arith.cmpi ne, %convert_element_type3A, %cond3A : i32
      scf.if %cond3A_87 {
        %mul3A_100 = arith.constant 80 : i32
        %mul3A_101 = arith.muli %add3A_83, %mul3A_100 : i32
        %add3A_102 = arith.addi %mul3A_52, %mul3A_101 : i32
        %dma_start3A_103 = arith.constant 0 : i32
        %dma_start3A_104 = tpu.memref_slice %arg5[%rem3A_85, %dma_start3A_103] : memref<2x80xi32, #tpu.memory_space<vmem>> -> memref<1x80xi32, #tpu.memory_space<vmem>>
        %dma_start3A_105 = tpu.memref_squeeze %dma_start3A_104 : memref<1x80xi32, #tpu.memory_space<vmem>> -> memref<80xi32, #tpu.memory_space<vmem>>
        %dma_start3A_106 = tpu.memref_slice %arg3[%add3A_102] : memref<320000xi32, #tpu.memory_space<hbm>> -> memref<80xi32, #tpu.memory_space<hbm>>
        %dma_start3A_107 = tpu.memref_slice %arg9[%rem3A_85] : memref<2x!tpu.dma_semaphore, #tpu.memory_space<semaphore_mem>> -> memref<1x!tpu.dma_semaphore, #tpu.memory_space<semaphore_mem>>
        %dma_start3A_108 = tpu.memref_squeeze %dma_start3A_107 : memref<1x!tpu.dma_semaphore, #tpu.memory_space<semaphore_mem>> -> memref<!tpu.dma_semaphore, #tpu.memory_space<semaphore_mem>>
        %dma_start3A_109 = arith.constant 0 : i32
        %dma_start3A_110 = tpu.memref_slice %arg5[%rem3A_85, %dma_start3A_109] : memref<2x80xi32, #tpu.memory_space<vmem>> -> memref<1x80xi32, #tpu.memory_space<vmem>>
        %dma_start3A_111 = tpu.memref_squeeze %dma_start3A_110 : memref<1x80xi32, #tpu.memory_space<vmem>> -> memref<80xi32, #tpu.memory_space<vmem>>
        %dma_start3A_112 = tpu.memref_slice %arg3[%add3A_102] : memref<320000xi32, #tpu.memory_space<hbm>> -> memref<80xi32, #tpu.memory_space<hbm>>
        tpu.enqueue_dma source(%dma_start3A_112 : memref<80xi32, #tpu.memory_space<hbm>>) target(%dma_start3A_111 : memref<80xi32, #tpu.memory_space<vmem>>) target_semaphore(%dma_start3A_108 : memref<!tpu.dma_semaphore, #tpu.memory_space<semaphore_mem>>)
      } else {
      }
      %mul3A_88 = arith.constant 80 : i32
      %mul3A_89 = arith.muli %scan3A_80, %mul3A_88 : i32
      %add3A_90 = arith.addi %mul3A_52, %mul3A_89 : i32
      %dma_wait3A = arith.constant 0 : i32
      %dma_wait3A_91 = tpu.memref_slice %arg5[%rem3A_81, %dma_wait3A] : memref<2x80xi32, #tpu.memory_space<vmem>> -> memref<1x80xi32, #tpu.memory_space<vmem>>
      %dma_wait3A_92 = tpu.memref_squeeze %dma_wait3A_91 : memref<1x80xi32, #tpu.memory_space<vmem>> -> memref<80xi32, #tpu.memory_space<vmem>>
      %dma_wait3A_93 = tpu.memref_slice %arg3[%add3A_90] : memref<320000xi32, #tpu.memory_space<hbm>> -> memref<80xi32, #tpu.memory_space<hbm>>
      %dma_wait3A_94 = tpu.memref_slice %arg9[%rem3A_81] : memref<2x!tpu.dma_semaphore, #tpu.memory_space<semaphore_mem>> -> memref<1x!tpu.dma_semaphore, #tpu.memory_space<semaphore_mem>>
      %dma_wait3A_95 = tpu.memref_squeeze %dma_wait3A_94 : memref<1x!tpu.dma_semaphore, #tpu.memory_space<semaphore_mem>> -> memref<!tpu.dma_semaphore, #tpu.memory_space<semaphore_mem>>
      %dma_wait3A_96 = arith.constant 0 : i32
      %dma_wait3A_97 = tpu.memref_slice %arg5[%rem3A_81, %dma_wait3A_96] : memref<2x80xi32, #tpu.memory_space<vmem>> -> memref<1x80xi32, #tpu.memory_space<vmem>>
      %dma_wait3A_98 = tpu.memref_squeeze %dma_wait3A_97 : memref<1x80xi32, #tpu.memory_space<vmem>> -> memref<80xi32, #tpu.memory_space<vmem>>
      %dma_wait3A_99 = tpu.memref_slice %arg3[%add3A_90] : memref<320000xi32, #tpu.memory_space<hbm>> -> memref<80xi32, #tpu.memory_space<hbm>>
      tpu.wait_dma2 semaphore(%dma_wait3A_95 : memref<!tpu.dma_semaphore, #tpu.memory_space<semaphore_mem>>) src(%dma_wait3A_99 : memref<80xi32, #tpu.memory_space<hbm>>) dst(%dma_wait3A_98 : memref<80xi32, #tpu.memory_space<vmem>>)
      "tpu.region"() ({
        %run_scoped3A = tpu.sem_alloc : memref<!tpu.dma_semaphore, #tpu.memory_space<semaphore_mem>>
        %dma_start3A_100 = arith.constant 0 : i32
        %dma_start3A_101 = tpu.memref_slice %arg5[%rem3A_81, %dma_start3A_100] : memref<2x80xi32, #tpu.memory_space<vmem>> -> memref<1x80xi32, #tpu.memory_space<vmem>>
        %dma_start3A_102 = tpu.memref_squeeze %dma_start3A_101 : memref<1x80xi32, #tpu.memory_space<vmem>> -> memref<80xi32, #tpu.memory_space<vmem>>
        %dma_start3A_103 = arith.constant 0 : i32
        %dma_start3A_104 = arith.constant 0 : i32
        %dma_start3A_105 = tpu.memref_slice %arg8[%dma_start3A_103, %dma_start3A_104] : memref<10000x128xf32, #tpu.memory_space<vmem_shared>> -> memref<10000x128xf32, #tpu.memory_space<vmem_shared>>
        tpu.enqueue_indirect_dma source(%arg6 : memref<80x128xf32, #tpu.memory_space<vmem>>) target(%dma_start3A_105 : memref<10000x128xf32, #tpu.memory_space<vmem_shared>>) offsets(%dma_start3A_102 : memref<80xi32, #tpu.memory_space<vmem>>) semaphore(%run_scoped3A : memref<!tpu.dma_semaphore, #tpu.memory_space<semaphore_mem>>) {add = true}
        %dma_wait3A_106 = arith.constant 0 : i32
        %dma_wait3A_107 = tpu.memref_slice %arg5[%rem3A_81, %dma_wait3A_106] : memref<2x80xi32, #tpu.memory_space<vmem>> -> memref<1x80xi32, #tpu.memory_space<vmem>>
        %dma_wait3A_108 = tpu.memref_squeeze %dma_wait3A_107 : memref<1x80xi32, #tpu.memory_space<vmem>> -> memref<80xi32, #tpu.memory_space<vmem>>
        %dma_wait3A_109 = arith.constant 0 : i32
        %dma_wait3A_110 = arith.constant 0 : i32
        %dma_wait3A_111 = tpu.memref_slice %arg8[%dma_wait3A_109, %dma_wait3A_110] : memref<10000x128xf32, #tpu.memory_space<vmem_shared>> -> memref<10000x128xf32, #tpu.memory_space<vmem_shared>>
        tpu.wait_indirect_dma semaphore(%run_scoped3A : memref<!tpu.dma_semaphore, #tpu.memory_space<semaphore_mem>>) src(%arg6 : memref<80x128xf32, #tpu.memory_space<vmem>>) dst(%dma_wait3A_111 : memref<10000x128xf32, #tpu.memory_space<vmem_shared>>)
        tpu.yield
      }) : () -> ()
    }
    %scan3A_71 = arith.constant 125 : i32
    %barrier3A_72 = arith.constant 0 : index
    tpu.barrier barrier_id(%barrier3A_72)
    %scan3A_73 = arith.constant 0 : i32
    %scan3A_74 = arith.constant 0 : i32
    %scan3A_75 = arith.constant 4 : i32
    %scan3A_76 = arith.addi %scan3A_74, %scan3A_75 : i32
    %scan3A_77 = arith.constant 1 : i32
    scf.for %scan3A_80 = %scan3A_74 to %scan3A_76 step %scan3A_77  : i32 {
      %mul3A_81 = arith.constant 16 : i32
      %mul3A_82 = arith.muli %mul3A_81, %scan3A_80 : i32
      %add3A_83 = arith.addi %arg1, %mul3A_82 : i32
      %lt3A = arith.constant 50 : i32
      %lt3A_84 = arith.cmpi slt, %add3A_83, %lt3A : i32
      %convert_element_type3A = arith.extui %lt3A_84 : i1 to i32
      %cond3A = arith.constant 0 : i32
      %cond3A_85 = arith.cmpi ne, %convert_element_type3A, %cond3A : i32
      scf.if %cond3A_85 {
        %mul3A_86 = arith.constant 200 : i32
        %mul3A_87 = arith.muli %add3A_83, %mul3A_86 : i32
        %mul3A_88 = arith.constant 200 : i32
        %mul3A_89 = arith.muli %add3A_83, %mul3A_88 : i32
        %run_scoped3A = arith.constant 1 : i32
        "tpu.region"() ({
          %run_scoped3A_90 = tpu.sem_alloc : memref<!tpu.dma_semaphore, #tpu.memory_space<semaphore_mem>>
          %dma_start3A_91 = arith.constant 0 : i32
          %dma_start3A_92 = tpu.memref_slice %arg4[%arg0, %run_scoped3A, %mul3A_89, %dma_start3A_91] : memref<2x2x10000x128xf32, #tpu.memory_space<hbm>> -> memref<1x1x200x128xf32, #tpu.memory_space<hbm>>
          %dma_start3A_93 = tpu.memref_squeeze %dma_start3A_92 : memref<1x1x200x128xf32, #tpu.memory_space<hbm>> -> memref<200x128xf32, #tpu.memory_space<hbm>>
          %dma_start3A_94 = arith.constant 0 : i32
          %dma_start3A_95 = tpu.memref_slice %arg8[%mul3A_87, %dma_start3A_94] : memref<10000x128xf32, #tpu.memory_space<vmem_shared>> -> memref<200x128xf32, #tpu.memory_space<vmem_shared>>
          tpu.enqueue_dma source(%dma_start3A_95 : memref<200x128xf32, #tpu.memory_space<vmem_shared>>) target(%dma_start3A_93 : memref<200x128xf32, #tpu.memory_space<hbm>>) target_semaphore(%run_scoped3A_90 : memref<!tpu.dma_semaphore, #tpu.memory_space<semaphore_mem>>)
          %dma_wait3A = arith.constant 0 : i32
          %dma_wait3A_96 = tpu.memref_slice %arg4[%arg0, %run_scoped3A, %mul3A_89, %dma_wait3A] : memref<2x2x10000x128xf32, #tpu.memory_space<hbm>> -> memref<1x1x200x128xf32, #tpu.memory_space<hbm>>
          %dma_wait3A_97 = tpu.memref_squeeze %dma_wait3A_96 : memref<1x1x200x128xf32, #tpu.memory_space<hbm>> -> memref<200x128xf32, #tpu.memory_space<hbm>>
          %dma_wait3A_98 = arith.constant 0 : i32
          %dma_wait3A_99 = tpu.memref_slice %arg8[%mul3A_87, %dma_wait3A_98] : memref<10000x128xf32, #tpu.memory_space<vmem_shared>> -> memref<200x128xf32, #tpu.memory_space<vmem_shared>>
          tpu.wait_dma2 semaphore(%run_scoped3A_90 : memref<!tpu.dma_semaphore, #tpu.memory_space<semaphore_mem>>) src(%dma_wait3A_99 : memref<200x128xf32, #tpu.memory_space<vmem_shared>>) dst(%dma_wait3A_97 : memref<200x128xf32, #tpu.memory_space<hbm>>)
          tpu.yield
        }) : () -> ()
      } else {
      }
    }
    %scan3A_78 = arith.constant 4 : i32
    %barrier3A_79 = arith.constant 0 : index
    tpu.barrier barrier_id(%barrier3A_79)
    return
  }
}

#map = affine_map<(d0, d1) -> (0, 0)>
#map1 = affine_map<(d0, d1) -> (0)>
#map2 = affine_map<(d0, d1) -> (0, 0, 0)>
module attributes {stable_mosaic.version = 14 : i64} {
  func.func @_agg_body(%arg0: i32, %arg1: i32, %arg2: memref<10000x128xf32, #tpu.memory_space<hbm>>, %arg3: memref<320000xi32, #tpu.memory_space<hbm>>, %arg4: memref<320000xi32, #tpu.memory_space<hbm>>, %arg5: memref<2x10000x128xf32, #tpu.memory_space<hbm>>, %arg6: memref<3x80xi32, #tpu.memory_space<vmem>>, %arg7: memref<3x80xi32, #tpu.memory_space<vmem>>, %arg8: memref<2x80x128xf32, #tpu.memory_space<vmem>>, %arg9: memref<40x128xf32, #tpu.memory_space<vmem>>, %arg10: memref<10000x128xf32, #tpu.memory_space<vmem_shared>>, %arg11: memref<3x!tpu.dma_semaphore, #tpu.memory_space<semaphore_mem>>, %arg12: memref<3x!tpu.dma_semaphore, #tpu.memory_space<semaphore_mem>>, %arg13: memref<2x!tpu.dma_semaphore, #tpu.memory_space<semaphore_mem>>, %arg14: memref<2x!tpu.dma_semaphore, #tpu.memory_space<semaphore_mem>>) attributes {dimension_semantics = [#tpu.dimension_semantics<core_parallel>, #tpu.dimension_semantics<subcore_parallel>], iteration_bounds = array<i64: 2, 16>, scalar_prefetch = 0 : i64, scratch_operands = 9 : i64, tpu.core_type = #tpu.core_type<sc_vector_subcore>, window_params = [{transform_indices = #map}, {transform_indices = #map1}, {transform_indices = #map1}, {transform_indices = #map2}]} {
    %mul3A = arith.constant 16 : i32
    %mul3A_0 = arith.muli %arg0, %mul3A : i32
    %add3A = arith.addi %mul3A_0, %arg1 : i32
    %scan3A = arith.constant 0 : i32
    %scan3A_1 = arith.constant 0 : i32
    %scan3A_2 = arith.constant 320 : i32
    %scan3A_3 = arith.addi %scan3A_1, %scan3A_2 : i32
    %scan3A_4 = arith.constant 1 : i32
    scf.for %scan3A_134 = %scan3A_1 to %scan3A_3 step %scan3A_4  : i32 {
      %jit3A = arith.constant 8 : i32
      %div3A = arith.divsi %scan3A_134, %jit3A : i32
      %sign3A = arith.constant 0 : i32
      %sign3A_135 = arith.cmpi sgt, %scan3A_134, %sign3A : i32
      %sign3A_136 = arith.extui %sign3A_135 : i1 to i32
      %sign3A_137 = arith.constant 0 : i32
      %sign3A_138 = arith.cmpi slt, %scan3A_134, %sign3A_137 : i32
      %sign3A_139 = arith.extui %sign3A_138 : i1 to i32
      %sign3A_140 = arith.subi %sign3A_136, %sign3A_139 : i32
      %sign3A_141 = arith.constant 0 : i32
      %sign3A_142 = arith.cmpi sgt, %jit3A, %sign3A_141 : i32
      %sign3A_143 = arith.extui %sign3A_142 : i1 to i32
      %sign3A_144 = arith.constant 0 : i32
      %sign3A_145 = arith.cmpi slt, %jit3A, %sign3A_144 : i32
      %sign3A_146 = arith.extui %sign3A_145 : i1 to i32
      %sign3A_147 = arith.subi %sign3A_143, %sign3A_146 : i32
      %ne3A = arith.cmpi ne, %sign3A_140, %sign3A_147 : i32
      %rem3A = arith.remsi %scan3A_134, %jit3A : i32
      %ne3A_148 = arith.constant 0 : i32
      %ne3A_149 = arith.cmpi ne, %rem3A, %ne3A_148 : i32
      %and3A = arith.andi %ne3A, %ne3A_149 : i1
      %sub3A = arith.constant 1 : i32
      %sub3A_150 = arith.subi %div3A, %sub3A : i32
      %select_n3A = arith.select %and3A, %sub3A_150, %div3A : i32
      %jit3A_151 = arith.constant 8 : i32
      %eq3A = arith.constant 0 : i32
      %eq3A_152 = arith.cmpi eq, %jit3A_151, %eq3A : i32
      %jit3A_153 = arith.constant 1 : i32
      %select_n3A_154 = arith.select %eq3A_152, %jit3A_153, %jit3A_151 : i32
      %rem3A_155 = arith.remsi %scan3A_134, %select_n3A_154 : i32
      %ne3A_156 = arith.constant 0 : i32
      %ne3A_157 = arith.cmpi ne, %rem3A_155, %ne3A_156 : i32
      %lt3A = arith.constant 0 : i32
      %lt3A_158 = arith.cmpi slt, %rem3A_155, %lt3A : i32
      %lt3A_159 = arith.constant 0 : i32
      %lt3A_160 = arith.cmpi slt, %select_n3A_154, %lt3A_159 : i32
      %ne3A_161 = arith.xori %lt3A_158, %lt3A_160 : i1
      %and3A_162 = arith.andi %ne3A_161, %ne3A_157 : i1
      %add3A_163 = arith.addi %rem3A_155, %select_n3A_154 : i32
      %select_n3A_164 = arith.select %and3A_162, %add3A_163, %rem3A_155 : i32
      %mul3A_165 = arith.constant 16 : i32
      %mul3A_166 = arith.muli %select_n3A_164, %mul3A_165 : i32
      %broadcast_in_dim3A = arith.constant 0.000000e+00 : f32
      %broadcast_in_dim3A_167 = vector.broadcast %broadcast_in_dim3A : f32 to vector<16xf32>
      %swap3A = arith.index_cast %select_n3A : i32 to index
      %swap3A_168 = arith.index_cast %mul3A_166 : i32 to index
      %swap3A_169 = tpu.vector_load %arg9[%swap3A, %swap3A_168] {strides = array<i32>} : memref<40x128xf32, #tpu.memory_space<vmem>>, vector<1x16xf32>,
      %swap3A_170 = vector.shape_cast %swap3A_169 : vector<1x16xf32> to vector<16xf32>
      %swap3A_171 = vector.shape_cast %broadcast_in_dim3A_167 : vector<16xf32> to vector<1x16xf32>
      tpu.vector_store %arg9[%swap3A, %swap3A_168], %swap3A_171 {strides = array<i32>} : memref<40x128xf32, #tpu.memory_space<vmem>>, vector<1x16xf32>,
    }
    %scan3A_5 = arith.constant 320 : i32
    %scan3A_6 = arith.constant 0 : i32
    %scan3A_7 = arith.constant 0 : i32
    %scan3A_8 = arith.constant 4 : i32
    %scan3A_9 = arith.addi %scan3A_7, %scan3A_8 : i32
    %scan3A_10 = arith.constant 1 : i32
    scf.for %scan3A_134 = %scan3A_7 to %scan3A_9 step %scan3A_10  : i32 {
      %mul3A_135 = arith.constant 16 : i32
      %mul3A_136 = arith.muli %mul3A_135, %scan3A_134 : i32
      %add3A_137 = arith.addi %arg1, %mul3A_136 : i32
      %lt3A = arith.constant 50 : i32
      %lt3A_138 = arith.cmpi slt, %add3A_137, %lt3A : i32
      %convert_element_type3A = arith.extui %lt3A_138 : i1 to i32
      %cond3A = arith.constant 0 : i32
      %cond3A_139 = arith.cmpi ne, %convert_element_type3A, %cond3A : i32
      scf.if %cond3A_139 {
        %scan3A_140 = arith.constant 0 : i32
        %scan3A_141 = arith.constant 0 : i32
        %scan3A_142 = arith.constant 5 : i32
        %scan3A_143 = arith.addi %scan3A_141, %scan3A_142 : i32
        %scan3A_144 = arith.constant 1 : i32
        scf.for %scan3A_146 = %scan3A_141 to %scan3A_143 step %scan3A_144  : i32 {
          %mul3A_147 = arith.constant 200 : i32
          %mul3A_148 = arith.muli %add3A_137, %mul3A_147 : i32
          %mul3A_149 = arith.constant 40 : i32
          %mul3A_150 = arith.muli %scan3A_146, %mul3A_149 : i32
          %add3A_151 = arith.addi %mul3A_148, %mul3A_150 : i32
          "tpu.region"() ({
            %run_scoped3A = tpu.sem_alloc : memref<!tpu.dma_semaphore, #tpu.memory_space<semaphore_mem>>
            %dma_start3A_152 = arith.constant 0 : i32
            %dma_start3A_153 = tpu.memref_slice %arg10[%add3A_151, %dma_start3A_152] : memref<10000x128xf32, #tpu.memory_space<vmem_shared>> -> memref<40x128xf32, #tpu.memory_space<vmem_shared>>
            %dma_start3A_154 = arith.constant 0 : i32
            %dma_start3A_155 = tpu.memref_slice %arg10[%add3A_151, %dma_start3A_154] : memref<10000x128xf32, #tpu.memory_space<vmem_shared>> -> memref<40x128xf32, #tpu.memory_space<vmem_shared>>
            tpu.enqueue_dma source(%arg9 : memref<40x128xf32, #tpu.memory_space<vmem>>) target(%dma_start3A_155 : memref<40x128xf32, #tpu.memory_space<vmem_shared>>) target_semaphore(%run_scoped3A : memref<!tpu.dma_semaphore, #tpu.memory_space<semaphore_mem>>)
            %dma_wait3A_156 = arith.constant 0 : i32
            %dma_wait3A_157 = tpu.memref_slice %arg10[%add3A_151, %dma_wait3A_156] : memref<10000x128xf32, #tpu.memory_space<vmem_shared>> -> memref<40x128xf32, #tpu.memory_space<vmem_shared>>
            %dma_wait3A_158 = arith.constant 0 : i32
            %dma_wait3A_159 = tpu.memref_slice %arg10[%add3A_151, %dma_wait3A_158] : memref<10000x128xf32, #tpu.memory_space<vmem_shared>> -> memref<40x128xf32, #tpu.memory_space<vmem_shared>>
            tpu.wait_dma2 semaphore(%run_scoped3A : memref<!tpu.dma_semaphore, #tpu.memory_space<semaphore_mem>>) src(%arg9 : memref<40x128xf32, #tpu.memory_space<vmem>>) dst(%dma_wait3A_159 : memref<40x128xf32, #tpu.memory_space<vmem_shared>>)
            tpu.yield
          }) : () -> ()
        }
        %scan3A_145 = arith.constant 5 : i32
      } else {
      }
    }
    %scan3A_11 = arith.constant 4 : i32
    %mul3A_12 = arith.constant 10000 : i32
    %mul3A_13 = arith.muli %add3A, %mul3A_12 : i32
    %dma_start3A = arith.constant 0 : i32
    %dma_start3A_14 = arith.constant 0 : i32
    %dma_start3A_15 = arith.constant 0 : i32
    %dma_start3A_16 = tpu.memref_slice %arg6[%dma_start3A, %dma_start3A_15] : memref<3x80xi32, #tpu.memory_space<vmem>> -> memref<1x80xi32, #tpu.memory_space<vmem>>
    %dma_start3A_17 = tpu.memref_squeeze %dma_start3A_16 : memref<1x80xi32, #tpu.memory_space<vmem>> -> memref<80xi32, #tpu.memory_space<vmem>>
    %dma_start3A_18 = tpu.memref_slice %arg3[%mul3A_13] : memref<320000xi32, #tpu.memory_space<hbm>> -> memref<80xi32, #tpu.memory_space<hbm>>
    %dma_start3A_19 = tpu.memref_slice %arg11[%dma_start3A_14] : memref<3x!tpu.dma_semaphore, #tpu.memory_space<semaphore_mem>> -> memref<1x!tpu.dma_semaphore, #tpu.memory_space<semaphore_mem>>
    %dma_start3A_20 = tpu.memref_squeeze %dma_start3A_19 : memref<1x!tpu.dma_semaphore, #tpu.memory_space<semaphore_mem>> -> memref<!tpu.dma_semaphore, #tpu.memory_space<semaphore_mem>>
    %dma_start3A_21 = arith.constant 0 : i32
    %dma_start3A_22 = tpu.memref_slice %arg6[%dma_start3A, %dma_start3A_21] : memref<3x80xi32, #tpu.memory_space<vmem>> -> memref<1x80xi32, #tpu.memory_space<vmem>>
    %dma_start3A_23 = tpu.memref_squeeze %dma_start3A_22 : memref<1x80xi32, #tpu.memory_space<vmem>> -> memref<80xi32, #tpu.memory_space<vmem>>
    %dma_start3A_24 = tpu.memref_slice %arg3[%mul3A_13] : memref<320000xi32, #tpu.memory_space<hbm>> -> memref<80xi32, #tpu.memory_space<hbm>>
    tpu.enqueue_dma source(%dma_start3A_24 : memref<80xi32, #tpu.memory_space<hbm>>) target(%dma_start3A_23 : memref<80xi32, #tpu.memory_space<vmem>>) target_semaphore(%dma_start3A_20 : memref<!tpu.dma_semaphore, #tpu.memory_space<semaphore_mem>>)
    %dma_start3A_25 = arith.constant 0 : i32
    %dma_start3A_26 = arith.constant 0 : i32
    %dma_start3A_27 = arith.constant 0 : i32
    %dma_start3A_28 = tpu.memref_slice %arg7[%dma_start3A_25, %dma_start3A_27] : memref<3x80xi32, #tpu.memory_space<vmem>> -> memref<1x80xi32, #tpu.memory_space<vmem>>
    %dma_start3A_29 = tpu.memref_squeeze %dma_start3A_28 : memref<1x80xi32, #tpu.memory_space<vmem>> -> memref<80xi32, #tpu.memory_space<vmem>>
    %dma_start3A_30 = tpu.memref_slice %arg4[%mul3A_13] : memref<320000xi32, #tpu.memory_space<hbm>> -> memref<80xi32, #tpu.memory_space<hbm>>
    %dma_start3A_31 = tpu.memref_slice %arg12[%dma_start3A_26] : memref<3x!tpu.dma_semaphore, #tpu.memory_space<semaphore_mem>> -> memref<1x!tpu.dma_semaphore, #tpu.memory_space<semaphore_mem>>
    %dma_start3A_32 = tpu.memref_squeeze %dma_start3A_31 : memref<1x!tpu.dma_semaphore, #tpu.memory_space<semaphore_mem>> -> memref<!tpu.dma_semaphore, #tpu.memory_space<semaphore_mem>>
    %dma_start3A_33 = arith.constant 0 : i32
    %dma_start3A_34 = tpu.memref_slice %arg7[%dma_start3A_25, %dma_start3A_33] : memref<3x80xi32, #tpu.memory_space<vmem>> -> memref<1x80xi32, #tpu.memory_space<vmem>>
    %dma_start3A_35 = tpu.memref_squeeze %dma_start3A_34 : memref<1x80xi32, #tpu.memory_space<vmem>> -> memref<80xi32, #tpu.memory_space<vmem>>
    %dma_start3A_36 = tpu.memref_slice %arg4[%mul3A_13] : memref<320000xi32, #tpu.memory_space<hbm>> -> memref<80xi32, #tpu.memory_space<hbm>>
    tpu.enqueue_dma source(%dma_start3A_36 : memref<80xi32, #tpu.memory_space<hbm>>) target(%dma_start3A_35 : memref<80xi32, #tpu.memory_space<vmem>>) target_semaphore(%dma_start3A_32 : memref<!tpu.dma_semaphore, #tpu.memory_space<semaphore_mem>>)
    %dma_wait3A = arith.constant 0 : i32
    %dma_wait3A_37 = arith.constant 0 : i32
    %dma_wait3A_38 = arith.constant 0 : i32
    %dma_wait3A_39 = tpu.memref_slice %arg6[%dma_wait3A, %dma_wait3A_38] : memref<3x80xi32, #tpu.memory_space<vmem>> -> memref<1x80xi32, #tpu.memory_space<vmem>>
    %dma_wait3A_40 = tpu.memref_squeeze %dma_wait3A_39 : memref<1x80xi32, #tpu.memory_space<vmem>> -> memref<80xi32, #tpu.memory_space<vmem>>
    %dma_wait3A_41 = tpu.memref_slice %arg3[%mul3A_13] : memref<320000xi32, #tpu.memory_space<hbm>> -> memref<80xi32, #tpu.memory_space<hbm>>
    %dma_wait3A_42 = tpu.memref_slice %arg11[%dma_wait3A_37] : memref<3x!tpu.dma_semaphore, #tpu.memory_space<semaphore_mem>> -> memref<1x!tpu.dma_semaphore, #tpu.memory_space<semaphore_mem>>
    %dma_wait3A_43 = tpu.memref_squeeze %dma_wait3A_42 : memref<1x!tpu.dma_semaphore, #tpu.memory_space<semaphore_mem>> -> memref<!tpu.dma_semaphore, #tpu.memory_space<semaphore_mem>>
    %dma_wait3A_44 = arith.constant 0 : i32
    %dma_wait3A_45 = tpu.memref_slice %arg6[%dma_wait3A, %dma_wait3A_44] : memref<3x80xi32, #tpu.memory_space<vmem>> -> memref<1x80xi32, #tpu.memory_space<vmem>>
    %dma_wait3A_46 = tpu.memref_squeeze %dma_wait3A_45 : memref<1x80xi32, #tpu.memory_space<vmem>> -> memref<80xi32, #tpu.memory_space<vmem>>
    %dma_wait3A_47 = tpu.memref_slice %arg3[%mul3A_13] : memref<320000xi32, #tpu.memory_space<hbm>> -> memref<80xi32, #tpu.memory_space<hbm>>
    tpu.wait_dma2 semaphore(%dma_wait3A_43 : memref<!tpu.dma_semaphore, #tpu.memory_space<semaphore_mem>>) src(%dma_wait3A_47 : memref<80xi32, #tpu.memory_space<hbm>>) dst(%dma_wait3A_46 : memref<80xi32, #tpu.memory_space<vmem>>)
    %dma_start3A_48 = arith.constant 0 : i32
    %dma_start3A_49 = arith.constant 0 : i32
    %dma_start3A_50 = arith.constant 0 : i32
    %dma_start3A_51 = arith.constant 0 : i32
    %dma_start3A_52 = arith.constant 0 : i32
    %dma_start3A_53 = tpu.memref_slice %arg8[%dma_start3A_49, %dma_start3A_51, %dma_start3A_52] : memref<2x80x128xf32, #tpu.memory_space<vmem>> -> memref<1x80x128xf32, #tpu.memory_space<vmem>>
    %dma_start3A_54 = tpu.memref_squeeze %dma_start3A_53 : memref<1x80x128xf32, #tpu.memory_space<vmem>> -> memref<80x128xf32, #tpu.memory_space<vmem>>
    %dma_start3A_55 = arith.constant 0 : i32
    %dma_start3A_56 = tpu.memref_slice %arg6[%dma_start3A_48, %dma_start3A_55] : memref<3x80xi32, #tpu.memory_space<vmem>> -> memref<1x80xi32, #tpu.memory_space<vmem>>
    %dma_start3A_57 = tpu.memref_squeeze %dma_start3A_56 : memref<1x80xi32, #tpu.memory_space<vmem>> -> memref<80xi32, #tpu.memory_space<vmem>>
    %dma_start3A_58 = arith.constant 0 : i32
    %dma_start3A_59 = arith.constant 0 : i32
    %dma_start3A_60 = tpu.memref_slice %arg2[%dma_start3A_58, %dma_start3A_59] : memref<10000x128xf32, #tpu.memory_space<hbm>> -> memref<10000x128xf32, #tpu.memory_space<hbm>>
    %dma_start3A_61 = tpu.memref_slice %arg13[%dma_start3A_50] : memref<2x!tpu.dma_semaphore, #tpu.memory_space<semaphore_mem>> -> memref<1x!tpu.dma_semaphore, #tpu.memory_space<semaphore_mem>>
    %dma_start3A_62 = tpu.memref_squeeze %dma_start3A_61 : memref<1x!tpu.dma_semaphore, #tpu.memory_space<semaphore_mem>> -> memref<!tpu.dma_semaphore, #tpu.memory_space<semaphore_mem>>
    tpu.enqueue_indirect_dma source(%dma_start3A_60 : memref<10000x128xf32, #tpu.memory_space<hbm>>) target(%dma_start3A_54 : memref<80x128xf32, #tpu.memory_space<vmem>>) offsets(%dma_start3A_57 : memref<80xi32, #tpu.memory_space<vmem>>) semaphore(%dma_start3A_62 : memref<!tpu.dma_semaphore, #tpu.memory_space<semaphore_mem>>)
    %add3A_63 = arith.constant 80 : i32
    %add3A_64 = arith.addi %mul3A_13, %add3A_63 : i32
    %dma_start3A_65 = arith.constant 1 : i32
    %dma_start3A_66 = arith.constant 1 : i32
    %dma_start3A_67 = arith.constant 0 : i32
    %dma_start3A_68 = tpu.memref_slice %arg6[%dma_start3A_65, %dma_start3A_67] : memref<3x80xi32, #tpu.memory_space<vmem>> -> memref<1x80xi32, #tpu.memory_space<vmem>>
    %dma_start3A_69 = tpu.memref_squeeze %dma_start3A_68 : memref<1x80xi32, #tpu.memory_space<vmem>> -> memref<80xi32, #tpu.memory_space<vmem>>
    %dma_start3A_70 = tpu.memref_slice %arg3[%add3A_64] : memref<320000xi32, #tpu.memory_space<hbm>> -> memref<80xi32, #tpu.memory_space<hbm>>
    %dma_start3A_71 = tpu.memref_slice %arg11[%dma_start3A_66] : memref<3x!tpu.dma_semaphore, #tpu.memory_space<semaphore_mem>> -> memref<1x!tpu.dma_semaphore, #tpu.memory_space<semaphore_mem>>
    %dma_start3A_72 = tpu.memref_squeeze %dma_start3A_71 : memref<1x!tpu.dma_semaphore, #tpu.memory_space<semaphore_mem>> -> memref<!tpu.dma_semaphore, #tpu.memory_space<semaphore_mem>>
    %dma_start3A_73 = arith.constant 0 : i32
    %dma_start3A_74 = tpu.memref_slice %arg6[%dma_start3A_65, %dma_start3A_73] : memref<3x80xi32, #tpu.memory_space<vmem>> -> memref<1x80xi32, #tpu.memory_space<vmem>>
    %dma_start3A_75 = tpu.memref_squeeze %dma_start3A_74 : memref<1x80xi32, #tpu.memory_space<vmem>> -> memref<80xi32, #tpu.memory_space<vmem>>
    %dma_start3A_76 = tpu.memref_slice %arg3[%add3A_64] : memref<320000xi32, #tpu.memory_space<hbm>> -> memref<80xi32, #tpu.memory_space<hbm>>
    tpu.enqueue_dma source(%dma_start3A_76 : memref<80xi32, #tpu.memory_space<hbm>>) target(%dma_start3A_75 : memref<80xi32, #tpu.memory_space<vmem>>) target_semaphore(%dma_start3A_72 : memref<!tpu.dma_semaphore, #tpu.memory_space<semaphore_mem>>)
    %add3A_77 = arith.constant 80 : i32
    %add3A_78 = arith.addi %mul3A_13, %add3A_77 : i32
    %dma_start3A_79 = arith.constant 1 : i32
    %dma_start3A_80 = arith.constant 1 : i32
    %dma_start3A_81 = arith.constant 0 : i32
    %dma_start3A_82 = tpu.memref_slice %arg7[%dma_start3A_79, %dma_start3A_81] : memref<3x80xi32, #tpu.memory_space<vmem>> -> memref<1x80xi32, #tpu.memory_space<vmem>>
    %dma_start3A_83 = tpu.memref_squeeze %dma_start3A_82 : memref<1x80xi32, #tpu.memory_space<vmem>> -> memref<80xi32, #tpu.memory_space<vmem>>
    %dma_start3A_84 = tpu.memref_slice %arg4[%add3A_78] : memref<320000xi32, #tpu.memory_space<hbm>> -> memref<80xi32, #tpu.memory_space<hbm>>
    %dma_start3A_85 = tpu.memref_slice %arg12[%dma_start3A_80] : memref<3x!tpu.dma_semaphore, #tpu.memory_space<semaphore_mem>> -> memref<1x!tpu.dma_semaphore, #tpu.memory_space<semaphore_mem>>
    %dma_start3A_86 = tpu.memref_squeeze %dma_start3A_85 : memref<1x!tpu.dma_semaphore, #tpu.memory_space<semaphore_mem>> -> memref<!tpu.dma_semaphore, #tpu.memory_space<semaphore_mem>>
    %dma_start3A_87 = arith.constant 0 : i32
    %dma_start3A_88 = tpu.memref_slice %arg7[%dma_start3A_79, %dma_start3A_87] : memref<3x80xi32, #tpu.memory_space<vmem>> -> memref<1x80xi32, #tpu.memory_space<vmem>>
    %dma_start3A_89 = tpu.memref_squeeze %dma_start3A_88 : memref<1x80xi32, #tpu.memory_space<vmem>> -> memref<80xi32, #tpu.memory_space<vmem>>
    %dma_start3A_90 = tpu.memref_slice %arg4[%add3A_78] : memref<320000xi32, #tpu.memory_space<hbm>> -> memref<80xi32, #tpu.memory_space<hbm>>
    tpu.enqueue_dma source(%dma_start3A_90 : memref<80xi32, #tpu.memory_space<hbm>>) target(%dma_start3A_89 : memref<80xi32, #tpu.memory_space<vmem>>) target_semaphore(%dma_start3A_86 : memref<!tpu.dma_semaphore, #tpu.memory_space<semaphore_mem>>)
    %barrier3A = arith.constant 0 : index
    tpu.barrier barrier_id(%barrier3A)
    %scan3A_91 = arith.constant 0 : i32
    %scan3A_92 = arith.constant 0 : i32
    %scan3A_93 = arith.constant 125 : i32
    %scan3A_94 = arith.addi %scan3A_92, %scan3A_93 : i32
    %scan3A_95 = arith.constant 1 : i32
    scf.for %scan3A_134 = %scan3A_92 to %scan3A_94 step %scan3A_95  : i32 {
      %rem3A = arith.constant 3 : i32
      %rem3A_135 = arith.remsi %scan3A_134, %rem3A : i32
      %rem3A_136 = arith.constant 2 : i32
      %rem3A_137 = arith.remsi %scan3A_134, %rem3A_136 : i32
      %add3A_138 = arith.constant 1 : i32
      %add3A_139 = arith.addi %scan3A_134, %add3A_138 : i32
      %rem3A_140 = arith.constant 3 : i32
      %rem3A_141 = arith.remsi %add3A_139, %rem3A_140 : i32
      %rem3A_142 = arith.constant 2 : i32
      %rem3A_143 = arith.remsi %add3A_139, %rem3A_142 : i32
      %lt3A = arith.constant 125 : i32
      %lt3A_144 = arith.cmpi slt, %add3A_139, %lt3A : i32
      %convert_element_type3A = arith.extui %lt3A_144 : i1 to i32
      %cond3A = arith.constant 0 : i32
      %cond3A_145 = arith.cmpi ne, %convert_element_type3A, %cond3A : i32
      scf.if %cond3A_145 {
        %mul3A_190 = arith.constant 80 : i32
        %mul3A_191 = arith.muli %add3A_139, %mul3A_190 : i32
        %add3A_192 = arith.addi %mul3A_13, %mul3A_191 : i32
        %dma_wait3A_193 = arith.constant 0 : i32
        %dma_wait3A_194 = tpu.memref_slice %arg6[%rem3A_141, %dma_wait3A_193] : memref<3x80xi32, #tpu.memory_space<vmem>> -> memref<1x80xi32, #tpu.memory_space<vmem>>
        %dma_wait3A_195 = tpu.memref_squeeze %dma_wait3A_194 : memref<1x80xi32, #tpu.memory_space<vmem>> -> memref<80xi32, #tpu.memory_space<vmem>>
        %dma_wait3A_196 = tpu.memref_slice %arg3[%add3A_192] : memref<320000xi32, #tpu.memory_space<hbm>> -> memref<80xi32, #tpu.memory_space<hbm>>
        %dma_wait3A_197 = tpu.memref_slice %arg11[%rem3A_141] : memref<3x!tpu.dma_semaphore, #tpu.memory_space<semaphore_mem>> -> memref<1x!tpu.dma_semaphore, #tpu.memory_space<semaphore_mem>>
        %dma_wait3A_198 = tpu.memref_squeeze %dma_wait3A_197 : memref<1x!tpu.dma_semaphore, #tpu.memory_space<semaphore_mem>> -> memref<!tpu.dma_semaphore, #tpu.memory_space<semaphore_mem>>
        %dma_wait3A_199 = arith.constant 0 : i32
        %dma_wait3A_200 = tpu.memref_slice %arg6[%rem3A_141, %dma_wait3A_199] : memref<3x80xi32, #tpu.memory_space<vmem>> -> memref<1x80xi32, #tpu.memory_space<vmem>>
        %dma_wait3A_201 = tpu.memref_squeeze %dma_wait3A_200 : memref<1x80xi32, #tpu.memory_space<vmem>> -> memref<80xi32, #tpu.memory_space<vmem>>
        %dma_wait3A_202 = tpu.memref_slice %arg3[%add3A_192] : memref<320000xi32, #tpu.memory_space<hbm>> -> memref<80xi32, #tpu.memory_space<hbm>>
        tpu.wait_dma2 semaphore(%dma_wait3A_198 : memref<!tpu.dma_semaphore, #tpu.memory_space<semaphore_mem>>) src(%dma_wait3A_202 : memref<80xi32, #tpu.memory_space<hbm>>) dst(%dma_wait3A_201 : memref<80xi32, #tpu.memory_space<vmem>>)
        %ge3A = arith.constant 1 : i32
        %ge3A_203 = arith.cmpi sge, %scan3A_134, %ge3A : i32
        %convert_element_type3A_204 = arith.extui %ge3A_203 : i1 to i32
        %cond3A_205 = arith.constant 0 : i32
        %cond3A_206 = arith.cmpi ne, %convert_element_type3A_204, %cond3A_205 : i32
        scf.if %cond3A_206 {
          %add3A_219 = arith.constant 2 : i32
          %add3A_220 = arith.addi %scan3A_134, %add3A_219 : i32
          %rem3A_221 = arith.constant 3 : i32
          %rem3A_222 = arith.remsi %add3A_220, %rem3A_221 : i32
          %dma_wait3A_223 = arith.constant 0 : i32
          %dma_wait3A_224 = arith.constant 0 : i32
          %dma_wait3A_225 = tpu.memref_slice %arg8[%rem3A_143, %dma_wait3A_223, %dma_wait3A_224] : memref<2x80x128xf32, #tpu.memory_space<vmem>> -> memref<1x80x128xf32, #tpu.memory_space<vmem>>
          %dma_wait3A_226 = tpu.memref_squeeze %dma_wait3A_225 : memref<1x80x128xf32, #tpu.memory_space<vmem>> -> memref<80x128xf32, #tpu.memory_space<vmem>>
          %dma_wait3A_227 = arith.constant 0 : i32
          %dma_wait3A_228 = tpu.memref_slice %arg7[%rem3A_222, %dma_wait3A_227] : memref<3x80xi32, #tpu.memory_space<vmem>> -> memref<1x80xi32, #tpu.memory_space<vmem>>
          %dma_wait3A_229 = tpu.memref_squeeze %dma_wait3A_228 : memref<1x80xi32, #tpu.memory_space<vmem>> -> memref<80xi32, #tpu.memory_space<vmem>>
          %dma_wait3A_230 = arith.constant 0 : i32
          %dma_wait3A_231 = arith.constant 0 : i32
          %dma_wait3A_232 = tpu.memref_slice %arg10[%dma_wait3A_230, %dma_wait3A_231] : memref<10000x128xf32, #tpu.memory_space<vmem_shared>> -> memref<10000x128xf32, #tpu.memory_space<vmem_shared>>
          %dma_wait3A_233 = tpu.memref_slice %arg14[%rem3A_143] : memref<2x!tpu.dma_semaphore, #tpu.memory_space<semaphore_mem>> -> memref<1x!tpu.dma_semaphore, #tpu.memory_space<semaphore_mem>>
          %dma_wait3A_234 = tpu.memref_squeeze %dma_wait3A_233 : memref<1x!tpu.dma_semaphore, #tpu.memory_space<semaphore_mem>> -> memref<!tpu.dma_semaphore, #tpu.memory_space<semaphore_mem>>
          tpu.wait_indirect_dma semaphore(%dma_wait3A_234 : memref<!tpu.dma_semaphore, #tpu.memory_space<semaphore_mem>>) src(%dma_wait3A_226 : memref<80x128xf32, #tpu.memory_space<vmem>>) dst(%dma_wait3A_232 : memref<10000x128xf32, #tpu.memory_space<vmem_shared>>)
        } else {
        }
        %dma_start3A_207 = arith.constant 0 : i32
        %dma_start3A_208 = arith.constant 0 : i32
        %dma_start3A_209 = tpu.memref_slice %arg8[%rem3A_143, %dma_start3A_207, %dma_start3A_208] : memref<2x80x128xf32, #tpu.memory_space<vmem>> -> memref<1x80x128xf32, #tpu.memory_space<vmem>>
        %dma_start3A_210 = tpu.memref_squeeze %dma_start3A_209 : memref<1x80x128xf32, #tpu.memory_space<vmem>> -> memref<80x128xf32, #tpu.memory_space<vmem>>
        %dma_start3A_211 = arith.constant 0 : i32
        %dma_start3A_212 = tpu.memref_slice %arg6[%rem3A_141, %dma_start3A_211] : memref<3x80xi32, #tpu.memory_space<vmem>> -> memref<1x80xi32, #tpu.memory_space<vmem>>
        %dma_start3A_213 = tpu.memref_squeeze %dma_start3A_212 : memref<1x80xi32, #tpu.memory_space<vmem>> -> memref<80xi32, #tpu.memory_space<vmem>>
        %dma_start3A_214 = arith.constant 0 : i32
        %dma_start3A_215 = arith.constant 0 : i32
        %dma_start3A_216 = tpu.memref_slice %arg2[%dma_start3A_214, %dma_start3A_215] : memref<10000x128xf32, #tpu.memory_space<hbm>> -> memref<10000x128xf32, #tpu.memory_space<hbm>>
        %dma_start3A_217 = tpu.memref_slice %arg13[%rem3A_143] : memref<2x!tpu.dma_semaphore, #tpu.memory_space<semaphore_mem>> -> memref<1x!tpu.dma_semaphore, #tpu.memory_space<semaphore_mem>>
        %dma_start3A_218 = tpu.memref_squeeze %dma_start3A_217 : memref<1x!tpu.dma_semaphore, #tpu.memory_space<semaphore_mem>> -> memref<!tpu.dma_semaphore, #tpu.memory_space<semaphore_mem>>
        tpu.enqueue_indirect_dma source(%dma_start3A_216 : memref<10000x128xf32, #tpu.memory_space<hbm>>) target(%dma_start3A_210 : memref<80x128xf32, #tpu.memory_space<vmem>>) offsets(%dma_start3A_213 : memref<80xi32, #tpu.memory_space<vmem>>) semaphore(%dma_start3A_218 : memref<!tpu.dma_semaphore, #tpu.memory_space<semaphore_mem>>)
      } else {
      }
      %add3A_146 = arith.constant 2 : i32
      %add3A_147 = arith.addi %scan3A_134, %add3A_146 : i32
      %lt3A_148 = arith.constant 125 : i32
      %lt3A_149 = arith.cmpi slt, %add3A_147, %lt3A_148 : i32
      %convert_element_type3A_150 = arith.extui %lt3A_149 : i1 to i32
      %cond3A_151 = arith.constant 0 : i32
      %cond3A_152 = arith.cmpi ne, %convert_element_type3A_150, %cond3A_151 : i32
      scf.if %cond3A_152 {
        %rem3A_190 = arith.constant 3 : i32
        %rem3A_191 = arith.remsi %add3A_147, %rem3A_190 : i32
        %mul3A_192 = arith.constant 80 : i32
        %mul3A_193 = arith.muli %add3A_147, %mul3A_192 : i32
        %add3A_194 = arith.addi %mul3A_13, %mul3A_193 : i32
        %dma_start3A_195 = arith.constant 0 : i32
        %dma_start3A_196 = tpu.memref_slice %arg6[%rem3A_191, %dma_start3A_195] : memref<3x80xi32, #tpu.memory_space<vmem>> -> memref<1x80xi32, #tpu.memory_space<vmem>>
        %dma_start3A_197 = tpu.memref_squeeze %dma_start3A_196 : memref<1x80xi32, #tpu.memory_space<vmem>> -> memref<80xi32, #tpu.memory_space<vmem>>
        %dma_start3A_198 = tpu.memref_slice %arg3[%add3A_194] : memref<320000xi32, #tpu.memory_space<hbm>> -> memref<80xi32, #tpu.memory_space<hbm>>
        %dma_start3A_199 = tpu.memref_slice %arg11[%rem3A_191] : memref<3x!tpu.dma_semaphore, #tpu.memory_space<semaphore_mem>> -> memref<1x!tpu.dma_semaphore, #tpu.memory_space<semaphore_mem>>
        %dma_start3A_200 = tpu.memref_squeeze %dma_start3A_199 : memref<1x!tpu.dma_semaphore, #tpu.memory_space<semaphore_mem>> -> memref<!tpu.dma_semaphore, #tpu.memory_space<semaphore_mem>>
        %dma_start3A_201 = arith.constant 0 : i32
        %dma_start3A_202 = tpu.memref_slice %arg6[%rem3A_191, %dma_start3A_201] : memref<3x80xi32, #tpu.memory_space<vmem>> -> memref<1x80xi32, #tpu.memory_space<vmem>>
        %dma_start3A_203 = tpu.memref_squeeze %dma_start3A_202 : memref<1x80xi32, #tpu.memory_space<vmem>> -> memref<80xi32, #tpu.memory_space<vmem>>
        %dma_start3A_204 = tpu.memref_slice %arg3[%add3A_194] : memref<320000xi32, #tpu.memory_space<hbm>> -> memref<80xi32, #tpu.memory_space<hbm>>
        tpu.enqueue_dma source(%dma_start3A_204 : memref<80xi32, #tpu.memory_space<hbm>>) target(%dma_start3A_203 : memref<80xi32, #tpu.memory_space<vmem>>) target_semaphore(%dma_start3A_200 : memref<!tpu.dma_semaphore, #tpu.memory_space<semaphore_mem>>)
        %mul3A_205 = arith.constant 80 : i32
        %mul3A_206 = arith.muli %add3A_147, %mul3A_205 : i32
        %add3A_207 = arith.addi %mul3A_13, %mul3A_206 : i32
        %dma_start3A_208 = arith.constant 0 : i32
        %dma_start3A_209 = tpu.memref_slice %arg7[%rem3A_191, %dma_start3A_208] : memref<3x80xi32, #tpu.memory_space<vmem>> -> memref<1x80xi32, #tpu.memory_space<vmem>>
        %dma_start3A_210 = tpu.memref_squeeze %dma_start3A_209 : memref<1x80xi32, #tpu.memory_space<vmem>> -> memref<80xi32, #tpu.memory_space<vmem>>
        %dma_start3A_211 = tpu.memref_slice %arg4[%add3A_207] : memref<320000xi32, #tpu.memory_space<hbm>> -> memref<80xi32, #tpu.memory_space<hbm>>
        %dma_start3A_212 = tpu.memref_slice %arg12[%rem3A_191] : memref<3x!tpu.dma_semaphore, #tpu.memory_space<semaphore_mem>> -> memref<1x!tpu.dma_semaphore, #tpu.memory_space<semaphore_mem>>
        %dma_start3A_213 = tpu.memref_squeeze %dma_start3A_212 : memref<1x!tpu.dma_semaphore, #tpu.memory_space<semaphore_mem>> -> memref<!tpu.dma_semaphore, #tpu.memory_space<semaphore_mem>>
        %dma_start3A_214 = arith.constant 0 : i32
        %dma_start3A_215 = tpu.memref_slice %arg7[%rem3A_191, %dma_start3A_214] : memref<3x80xi32, #tpu.memory_space<vmem>> -> memref<1x80xi32, #tpu.memory_space<vmem>>
        %dma_start3A_216 = tpu.memref_squeeze %dma_start3A_215 : memref<1x80xi32, #tpu.memory_space<vmem>> -> memref<80xi32, #tpu.memory_space<vmem>>
        %dma_start3A_217 = tpu.memref_slice %arg4[%add3A_207] : memref<320000xi32, #tpu.memory_space<hbm>> -> memref<80xi32, #tpu.memory_space<hbm>>
        tpu.enqueue_dma source(%dma_start3A_217 : memref<80xi32, #tpu.memory_space<hbm>>) target(%dma_start3A_216 : memref<80xi32, #tpu.memory_space<vmem>>) target_semaphore(%dma_start3A_213 : memref<!tpu.dma_semaphore, #tpu.memory_space<semaphore_mem>>)
      } else {
      }
      %dma_wait3A_153 = arith.constant 0 : i32
      %dma_wait3A_154 = arith.constant 0 : i32
      %dma_wait3A_155 = tpu.memref_slice %arg8[%rem3A_137, %dma_wait3A_153, %dma_wait3A_154] : memref<2x80x128xf32, #tpu.memory_space<vmem>> -> memref<1x80x128xf32, #tpu.memory_space<vmem>>
      %dma_wait3A_156 = tpu.memref_squeeze %dma_wait3A_155 : memref<1x80x128xf32, #tpu.memory_space<vmem>> -> memref<80x128xf32, #tpu.memory_space<vmem>>
      %dma_wait3A_157 = arith.constant 0 : i32
      %dma_wait3A_158 = tpu.memref_slice %arg6[%rem3A_135, %dma_wait3A_157] : memref<3x80xi32, #tpu.memory_space<vmem>> -> memref<1x80xi32, #tpu.memory_space<vmem>>
      %dma_wait3A_159 = tpu.memref_squeeze %dma_wait3A_158 : memref<1x80xi32, #tpu.memory_space<vmem>> -> memref<80xi32, #tpu.memory_space<vmem>>
      %dma_wait3A_160 = arith.constant 0 : i32
      %dma_wait3A_161 = arith.constant 0 : i32
      %dma_wait3A_162 = tpu.memref_slice %arg2[%dma_wait3A_160, %dma_wait3A_161] : memref<10000x128xf32, #tpu.memory_space<hbm>> -> memref<10000x128xf32, #tpu.memory_space<hbm>>
      %dma_wait3A_163 = tpu.memref_slice %arg13[%rem3A_137] : memref<2x!tpu.dma_semaphore, #tpu.memory_space<semaphore_mem>> -> memref<1x!tpu.dma_semaphore, #tpu.memory_space<semaphore_mem>>
      %dma_wait3A_164 = tpu.memref_squeeze %dma_wait3A_163 : memref<1x!tpu.dma_semaphore, #tpu.memory_space<semaphore_mem>> -> memref<!tpu.dma_semaphore, #tpu.memory_space<semaphore_mem>>
      tpu.wait_indirect_dma semaphore(%dma_wait3A_164 : memref<!tpu.dma_semaphore, #tpu.memory_space<semaphore_mem>>) src(%dma_wait3A_162 : memref<10000x128xf32, #tpu.memory_space<hbm>>) dst(%dma_wait3A_156 : memref<80x128xf32, #tpu.memory_space<vmem>>)
      %mul3A_165 = arith.constant 80 : i32
      %mul3A_166 = arith.muli %scan3A_134, %mul3A_165 : i32
      %add3A_167 = arith.addi %mul3A_13, %mul3A_166 : i32
      %dma_wait3A_168 = arith.constant 0 : i32
      %dma_wait3A_169 = tpu.memref_slice %arg7[%rem3A_135, %dma_wait3A_168] : memref<3x80xi32, #tpu.memory_space<vmem>> -> memref<1x80xi32, #tpu.memory_space<vmem>>
      %dma_wait3A_170 = tpu.memref_squeeze %dma_wait3A_169 : memref<1x80xi32, #tpu.memory_space<vmem>> -> memref<80xi32, #tpu.memory_space<vmem>>
      %dma_wait3A_171 = tpu.memref_slice %arg4[%add3A_167] : memref<320000xi32, #tpu.memory_space<hbm>> -> memref<80xi32, #tpu.memory_space<hbm>>
      %dma_wait3A_172 = tpu.memref_slice %arg12[%rem3A_135] : memref<3x!tpu.dma_semaphore, #tpu.memory_space<semaphore_mem>> -> memref<1x!tpu.dma_semaphore, #tpu.memory_space<semaphore_mem>>
      %dma_wait3A_173 = tpu.memref_squeeze %dma_wait3A_172 : memref<1x!tpu.dma_semaphore, #tpu.memory_space<semaphore_mem>> -> memref<!tpu.dma_semaphore, #tpu.memory_space<semaphore_mem>>
      %dma_wait3A_174 = arith.constant 0 : i32
      %dma_wait3A_175 = tpu.memref_slice %arg7[%rem3A_135, %dma_wait3A_174] : memref<3x80xi32, #tpu.memory_space<vmem>> -> memref<1x80xi32, #tpu.memory_space<vmem>>
      %dma_wait3A_176 = tpu.memref_squeeze %dma_wait3A_175 : memref<1x80xi32, #tpu.memory_space<vmem>> -> memref<80xi32, #tpu.memory_space<vmem>>
      %dma_wait3A_177 = tpu.memref_slice %arg4[%add3A_167] : memref<320000xi32, #tpu.memory_space<hbm>> -> memref<80xi32, #tpu.memory_space<hbm>>
      tpu.wait_dma2 semaphore(%dma_wait3A_173 : memref<!tpu.dma_semaphore, #tpu.memory_space<semaphore_mem>>) src(%dma_wait3A_177 : memref<80xi32, #tpu.memory_space<hbm>>) dst(%dma_wait3A_176 : memref<80xi32, #tpu.memory_space<vmem>>)
      %dma_start3A_178 = arith.constant 0 : i32
      %dma_start3A_179 = arith.constant 0 : i32
      %dma_start3A_180 = tpu.memref_slice %arg8[%rem3A_137, %dma_start3A_178, %dma_start3A_179] : memref<2x80x128xf32, #tpu.memory_space<vmem>> -> memref<1x80x128xf32, #tpu.memory_space<vmem>>
      %dma_start3A_181 = tpu.memref_squeeze %dma_start3A_180 : memref<1x80x128xf32, #tpu.memory_space<vmem>> -> memref<80x128xf32, #tpu.memory_space<vmem>>
      %dma_start3A_182 = arith.constant 0 : i32
      %dma_start3A_183 = tpu.memref_slice %arg7[%rem3A_135, %dma_start3A_182] : memref<3x80xi32, #tpu.memory_space<vmem>> -> memref<1x80xi32, #tpu.memory_space<vmem>>
      %dma_start3A_184 = tpu.memref_squeeze %dma_start3A_183 : memref<1x80xi32, #tpu.memory_space<vmem>> -> memref<80xi32, #tpu.memory_space<vmem>>
      %dma_start3A_185 = arith.constant 0 : i32
      %dma_start3A_186 = arith.constant 0 : i32
      %dma_start3A_187 = tpu.memref_slice %arg10[%dma_start3A_185, %dma_start3A_186] : memref<10000x128xf32, #tpu.memory_space<vmem_shared>> -> memref<10000x128xf32, #tpu.memory_space<vmem_shared>>
      %dma_start3A_188 = tpu.memref_slice %arg14[%rem3A_137] : memref<2x!tpu.dma_semaphore, #tpu.memory_space<semaphore_mem>> -> memref<1x!tpu.dma_semaphore, #tpu.memory_space<semaphore_mem>>
      %dma_start3A_189 = tpu.memref_squeeze %dma_start3A_188 : memref<1x!tpu.dma_semaphore, #tpu.memory_space<semaphore_mem>> -> memref<!tpu.dma_semaphore, #tpu.memory_space<semaphore_mem>>
      tpu.enqueue_indirect_dma source(%dma_start3A_181 : memref<80x128xf32, #tpu.memory_space<vmem>>) target(%dma_start3A_187 : memref<10000x128xf32, #tpu.memory_space<vmem_shared>>) offsets(%dma_start3A_184 : memref<80xi32, #tpu.memory_space<vmem>>) semaphore(%dma_start3A_189 : memref<!tpu.dma_semaphore, #tpu.memory_space<semaphore_mem>>) {add = true}
    }
    %scan3A_96 = arith.constant 125 : i32
    %dma_wait3A_97 = arith.constant 1 : i32
    %dma_wait3A_98 = arith.constant 0 : i32
    %dma_wait3A_99 = arith.constant 1 : i32
    %dma_wait3A_100 = arith.constant 0 : i32
    %dma_wait3A_101 = arith.constant 0 : i32
    %dma_wait3A_102 = tpu.memref_slice %arg8[%dma_wait3A_97, %dma_wait3A_100, %dma_wait3A_101] : memref<2x80x128xf32, #tpu.memory_space<vmem>> -> memref<1x80x128xf32, #tpu.memory_space<vmem>>
    %dma_wait3A_103 = tpu.memref_squeeze %dma_wait3A_102 : memref<1x80x128xf32, #tpu.memory_space<vmem>> -> memref<80x128xf32, #tpu.memory_space<vmem>>
    %dma_wait3A_104 = arith.constant 0 : i32
    %dma_wait3A_105 = tpu.memref_slice %arg7[%dma_wait3A_98, %dma_wait3A_104] : memref<3x80xi32, #tpu.memory_space<vmem>> -> memref<1x80xi32, #tpu.memory_space<vmem>>
    %dma_wait3A_106 = tpu.memref_squeeze %dma_wait3A_105 : memref<1x80xi32, #tpu.memory_space<vmem>> -> memref<80xi32, #tpu.memory_space<vmem>>
    %dma_wait3A_107 = arith.constant 0 : i32
    %dma_wait3A_108 = arith.constant 0 : i32
    %dma_wait3A_109 = tpu.memref_slice %arg10[%dma_wait3A_107, %dma_wait3A_108] : memref<10000x128xf32, #tpu.memory_space<vmem_shared>> -> memref<10000x128xf32, #tpu.memory_space<vmem_shared>>
    %dma_wait3A_110 = tpu.memref_slice %arg14[%dma_wait3A_99] : memref<2x!tpu.dma_semaphore, #tpu.memory_space<semaphore_mem>> -> memref<1x!tpu.dma_semaphore, #tpu.memory_space<semaphore_mem>>
    %dma_wait3A_111 = tpu.memref_squeeze %dma_wait3A_110 : memref<1x!tpu.dma_semaphore, #tpu.memory_space<semaphore_mem>> -> memref<!tpu.dma_semaphore, #tpu.memory_space<semaphore_mem>>
    tpu.wait_indirect_dma semaphore(%dma_wait3A_111 : memref<!tpu.dma_semaphore, #tpu.memory_space<semaphore_mem>>) src(%dma_wait3A_103 : memref<80x128xf32, #tpu.memory_space<vmem>>) dst(%dma_wait3A_109 : memref<10000x128xf32, #tpu.memory_space<vmem_shared>>)
    %dma_wait3A_112 = arith.constant 0 : i32
    %dma_wait3A_113 = arith.constant 1 : i32
    %dma_wait3A_114 = arith.constant 0 : i32
    %dma_wait3A_115 = arith.constant 0 : i32
    %dma_wait3A_116 = arith.constant 0 : i32
    %dma_wait3A_117 = tpu.memref_slice %arg8[%dma_wait3A_112, %dma_wait3A_115, %dma_wait3A_116] : memref<2x80x128xf32, #tpu.memory_space<vmem>> -> memref<1x80x128xf32, #tpu.memory_space<vmem>>
    %dma_wait3A_118 = tpu.memref_squeeze %dma_wait3A_117 : memref<1x80x128xf32, #tpu.memory_space<vmem>> -> memref<80x128xf32, #tpu.memory_space<vmem>>
    %dma_wait3A_119 = arith.constant 0 : i32
    %dma_wait3A_120 = tpu.memref_slice %arg7[%dma_wait3A_113, %dma_wait3A_119] : memref<3x80xi32, #tpu.memory_space<vmem>> -> memref<1x80xi32, #tpu.memory_space<vmem>>
    %dma_wait3A_121 = tpu.memref_squeeze %dma_wait3A_120 : memref<1x80xi32, #tpu.memory_space<vmem>> -> memref<80xi32, #tpu.memory_space<vmem>>
    %dma_wait3A_122 = arith.constant 0 : i32
    %dma_wait3A_123 = arith.constant 0 : i32
    %dma_wait3A_124 = tpu.memref_slice %arg10[%dma_wait3A_122, %dma_wait3A_123] : memref<10000x128xf32, #tpu.memory_space<vmem_shared>> -> memref<10000x128xf32, #tpu.memory_space<vmem_shared>>
    %dma_wait3A_125 = tpu.memref_slice %arg14[%dma_wait3A_114] : memref<2x!tpu.dma_semaphore, #tpu.memory_space<semaphore_mem>> -> memref<1x!tpu.dma_semaphore, #tpu.memory_space<semaphore_mem>>
    %dma_wait3A_126 = tpu.memref_squeeze %dma_wait3A_125 : memref<1x!tpu.dma_semaphore, #tpu.memory_space<semaphore_mem>> -> memref<!tpu.dma_semaphore, #tpu.memory_space<semaphore_mem>>
    tpu.wait_indirect_dma semaphore(%dma_wait3A_126 : memref<!tpu.dma_semaphore, #tpu.memory_space<semaphore_mem>>) src(%dma_wait3A_118 : memref<80x128xf32, #tpu.memory_space<vmem>>) dst(%dma_wait3A_124 : memref<10000x128xf32, #tpu.memory_space<vmem_shared>>)
    %barrier3A_127 = arith.constant 0 : index
    tpu.barrier barrier_id(%barrier3A_127)
    %scan3A_128 = arith.constant 0 : i32
    %scan3A_129 = arith.constant 0 : i32
    %scan3A_130 = arith.constant 4 : i32
    %scan3A_131 = arith.addi %scan3A_129, %scan3A_130 : i32
    %scan3A_132 = arith.constant 1 : i32
    scf.for %scan3A_134 = %scan3A_129 to %scan3A_131 step %scan3A_132  : i32 {
      %mul3A_135 = arith.constant 16 : i32
      %mul3A_136 = arith.muli %mul3A_135, %scan3A_134 : i32
      %add3A_137 = arith.addi %arg1, %mul3A_136 : i32
      %lt3A = arith.constant 50 : i32
      %lt3A_138 = arith.cmpi slt, %add3A_137, %lt3A : i32
      %convert_element_type3A = arith.extui %lt3A_138 : i1 to i32
      %cond3A = arith.constant 0 : i32
      %cond3A_139 = arith.cmpi ne, %convert_element_type3A, %cond3A : i32
      scf.if %cond3A_139 {
        %mul3A_140 = arith.constant 200 : i32
        %mul3A_141 = arith.muli %add3A_137, %mul3A_140 : i32
        %mul3A_142 = arith.constant 200 : i32
        %mul3A_143 = arith.muli %add3A_137, %mul3A_142 : i32
        "tpu.region"() ({
          %run_scoped3A = tpu.sem_alloc : memref<!tpu.dma_semaphore, #tpu.memory_space<semaphore_mem>>
          %dma_start3A_144 = arith.constant 0 : i32
          %dma_start3A_145 = tpu.memref_slice %arg5[%arg0, %mul3A_143, %dma_start3A_144] : memref<2x10000x128xf32, #tpu.memory_space<hbm>> -> memref<1x200x128xf32, #tpu.memory_space<hbm>>
          %dma_start3A_146 = tpu.memref_squeeze %dma_start3A_145 : memref<1x200x128xf32, #tpu.memory_space<hbm>> -> memref<200x128xf32, #tpu.memory_space<hbm>>
          %dma_start3A_147 = arith.constant 0 : i32
          %dma_start3A_148 = tpu.memref_slice %arg10[%mul3A_141, %dma_start3A_147] : memref<10000x128xf32, #tpu.memory_space<vmem_shared>> -> memref<200x128xf32, #tpu.memory_space<vmem_shared>>
          tpu.enqueue_dma source(%dma_start3A_148 : memref<200x128xf32, #tpu.memory_space<vmem_shared>>) target(%dma_start3A_146 : memref<200x128xf32, #tpu.memory_space<hbm>>) target_semaphore(%run_scoped3A : memref<!tpu.dma_semaphore, #tpu.memory_space<semaphore_mem>>)
          %dma_wait3A_149 = arith.constant 0 : i32
          %dma_wait3A_150 = tpu.memref_slice %arg5[%arg0, %mul3A_143, %dma_wait3A_149] : memref<2x10000x128xf32, #tpu.memory_space<hbm>> -> memref<1x200x128xf32, #tpu.memory_space<hbm>>
          %dma_wait3A_151 = tpu.memref_squeeze %dma_wait3A_150 : memref<1x200x128xf32, #tpu.memory_space<hbm>> -> memref<200x128xf32, #tpu.memory_space<hbm>>
          %dma_wait3A_152 = arith.constant 0 : i32
          %dma_wait3A_153 = tpu.memref_slice %arg10[%mul3A_141, %dma_wait3A_152] : memref<10000x128xf32, #tpu.memory_space<vmem_shared>> -> memref<200x128xf32, #tpu.memory_space<vmem_shared>>
          tpu.wait_dma2 semaphore(%run_scoped3A : memref<!tpu.dma_semaphore, #tpu.memory_space<semaphore_mem>>) src(%dma_wait3A_153 : memref<200x128xf32, #tpu.memory_space<vmem_shared>>) dst(%dma_wait3A_151 : memref<200x128xf32, #tpu.memory_space<hbm>>)
          tpu.yield
        }) : () -> ()
      } else {
      }
    }
    %scan3A_133 = arith.constant 4 : i32
    return
  }
}

#map = affine_map<(d0, d1) -> (0, 0)>
#map1 = affine_map<(d0, d1) -> (0)>
#map2 = affine_map<(d0, d1) -> (0, 0, 0)>
module attributes {stable_mosaic.version = 14 : i64} {
  func.func @_agg_body(%arg0: i32, %arg1: i32, %arg2: memref<10000x128xf32, #tpu.memory_space<hbm>>, %arg3: memref<320000xi32, #tpu.memory_space<hbm>>, %arg4: memref<320000xi32, #tpu.memory_space<hbm>>, %arg5: memref<2x10000x128xf32, #tpu.memory_space<hbm>>, %arg6: memref<3x80xi32, #tpu.memory_space<vmem>>, %arg7: memref<3x80xi32, #tpu.memory_space<vmem>>, %arg8: memref<2x80x128xf32, #tpu.memory_space<vmem>>, %arg9: memref<40x128xf32, #tpu.memory_space<vmem>>, %arg10: memref<10000x128xf32, #tpu.memory_space<vmem_shared>>, %arg11: memref<3x!tpu.dma_semaphore, #tpu.memory_space<semaphore_mem>>, %arg12: memref<3x!tpu.dma_semaphore, #tpu.memory_space<semaphore_mem>>, %arg13: memref<2x!tpu.dma_semaphore, #tpu.memory_space<semaphore_mem>>, %arg14: memref<2x!tpu.dma_semaphore, #tpu.memory_space<semaphore_mem>>) attributes {dimension_semantics = [#tpu.dimension_semantics<core_parallel>, #tpu.dimension_semantics<subcore_parallel>], iteration_bounds = array<i64: 2, 16>, scalar_prefetch = 0 : i64, scratch_operands = 9 : i64, tpu.core_type = #tpu.core_type<sc_vector_subcore>, window_params = [{transform_indices = #map}, {transform_indices = #map1}, {transform_indices = #map1}, {transform_indices = #map2}]} {
    %mul3A = arith.constant 16 : i32
    %mul3A_0 = arith.muli %arg0, %mul3A : i32
    %add3A = arith.addi %mul3A_0, %arg1 : i32
    %scan3A = arith.constant 0 : i32
    %scan3A_1 = arith.constant 0 : i32
    %scan3A_2 = arith.constant 320 : i32
    %scan3A_3 = arith.addi %scan3A_1, %scan3A_2 : i32
    %scan3A_4 = arith.constant 1 : i32
    scf.for %scan3A_134 = %scan3A_1 to %scan3A_3 step %scan3A_4  : i32 {
      %jit3A = arith.constant 8 : i32
      %div3A = arith.divsi %scan3A_134, %jit3A : i32
      %sign3A = arith.constant 0 : i32
      %sign3A_135 = arith.cmpi sgt, %scan3A_134, %sign3A : i32
      %sign3A_136 = arith.extui %sign3A_135 : i1 to i32
      %sign3A_137 = arith.constant 0 : i32
      %sign3A_138 = arith.cmpi slt, %scan3A_134, %sign3A_137 : i32
      %sign3A_139 = arith.extui %sign3A_138 : i1 to i32
      %sign3A_140 = arith.subi %sign3A_136, %sign3A_139 : i32
      %sign3A_141 = arith.constant 0 : i32
      %sign3A_142 = arith.cmpi sgt, %jit3A, %sign3A_141 : i32
      %sign3A_143 = arith.extui %sign3A_142 : i1 to i32
      %sign3A_144 = arith.constant 0 : i32
      %sign3A_145 = arith.cmpi slt, %jit3A, %sign3A_144 : i32
      %sign3A_146 = arith.extui %sign3A_145 : i1 to i32
      %sign3A_147 = arith.subi %sign3A_143, %sign3A_146 : i32
      %ne3A = arith.cmpi ne, %sign3A_140, %sign3A_147 : i32
      %rem3A = arith.remsi %scan3A_134, %jit3A : i32
      %ne3A_148 = arith.constant 0 : i32
      %ne3A_149 = arith.cmpi ne, %rem3A, %ne3A_148 : i32
      %and3A = arith.andi %ne3A, %ne3A_149 : i1
      %sub3A = arith.constant 1 : i32
      %sub3A_150 = arith.subi %div3A, %sub3A : i32
      %select_n3A = arith.select %and3A, %sub3A_150, %div3A : i32
      %jit3A_151 = arith.constant 8 : i32
      %eq3A = arith.constant 0 : i32
      %eq3A_152 = arith.cmpi eq, %jit3A_151, %eq3A : i32
      %jit3A_153 = arith.constant 1 : i32
      %select_n3A_154 = arith.select %eq3A_152, %jit3A_153, %jit3A_151 : i32
      %rem3A_155 = arith.remsi %scan3A_134, %select_n3A_154 : i32
      %ne3A_156 = arith.constant 0 : i32
      %ne3A_157 = arith.cmpi ne, %rem3A_155, %ne3A_156 : i32
      %lt3A = arith.constant 0 : i32
      %lt3A_158 = arith.cmpi slt, %rem3A_155, %lt3A : i32
      %lt3A_159 = arith.constant 0 : i32
      %lt3A_160 = arith.cmpi slt, %select_n3A_154, %lt3A_159 : i32
      %ne3A_161 = arith.xori %lt3A_158, %lt3A_160 : i1
      %and3A_162 = arith.andi %ne3A_161, %ne3A_157 : i1
      %add3A_163 = arith.addi %rem3A_155, %select_n3A_154 : i32
      %select_n3A_164 = arith.select %and3A_162, %add3A_163, %rem3A_155 : i32
      %mul3A_165 = arith.constant 16 : i32
      %mul3A_166 = arith.muli %select_n3A_164, %mul3A_165 : i32
      %broadcast_in_dim3A = arith.constant 0.000000e+00 : f32
      %broadcast_in_dim3A_167 = vector.broadcast %broadcast_in_dim3A : f32 to vector<16xf32>
      %swap3A = arith.index_cast %select_n3A : i32 to index
      %swap3A_168 = arith.index_cast %mul3A_166 : i32 to index
      %swap3A_169 = tpu.vector_load %arg9[%swap3A, %swap3A_168] {strides = array<i32>} : memref<40x128xf32, #tpu.memory_space<vmem>>, vector<1x16xf32>,
      %swap3A_170 = vector.shape_cast %swap3A_169 : vector<1x16xf32> to vector<16xf32>
      %swap3A_171 = vector.shape_cast %broadcast_in_dim3A_167 : vector<16xf32> to vector<1x16xf32>
      tpu.vector_store %arg9[%swap3A, %swap3A_168], %swap3A_171 {strides = array<i32>} : memref<40x128xf32, #tpu.memory_space<vmem>>, vector<1x16xf32>,
    }
    %scan3A_5 = arith.constant 320 : i32
    %scan3A_6 = arith.constant 0 : i32
    %scan3A_7 = arith.constant 0 : i32
    %scan3A_8 = arith.constant 4 : i32
    %scan3A_9 = arith.addi %scan3A_7, %scan3A_8 : i32
    %scan3A_10 = arith.constant 1 : i32
    scf.for %scan3A_134 = %scan3A_7 to %scan3A_9 step %scan3A_10  : i32 {
      %mul3A_135 = arith.constant 16 : i32
      %mul3A_136 = arith.muli %mul3A_135, %scan3A_134 : i32
      %add3A_137 = arith.addi %arg1, %mul3A_136 : i32
      %lt3A = arith.constant 50 : i32
      %lt3A_138 = arith.cmpi slt, %add3A_137, %lt3A : i32
      %convert_element_type3A = arith.extui %lt3A_138 : i1 to i32
      %cond3A = arith.constant 0 : i32
      %cond3A_139 = arith.cmpi ne, %convert_element_type3A, %cond3A : i32
      scf.if %cond3A_139 {
        %scan3A_140 = arith.constant 0 : i32
        %scan3A_141 = arith.constant 0 : i32
        %scan3A_142 = arith.constant 5 : i32
        %scan3A_143 = arith.addi %scan3A_141, %scan3A_142 : i32
        %scan3A_144 = arith.constant 1 : i32
        scf.for %scan3A_146 = %scan3A_141 to %scan3A_143 step %scan3A_144  : i32 {
          %mul3A_147 = arith.constant 200 : i32
          %mul3A_148 = arith.muli %add3A_137, %mul3A_147 : i32
          %mul3A_149 = arith.constant 40 : i32
          %mul3A_150 = arith.muli %scan3A_146, %mul3A_149 : i32
          %add3A_151 = arith.addi %mul3A_148, %mul3A_150 : i32
          "tpu.region"() ({
            %run_scoped3A = tpu.sem_alloc : memref<!tpu.dma_semaphore, #tpu.memory_space<semaphore_mem>>
            %dma_start3A_152 = arith.constant 0 : i32
            %dma_start3A_153 = tpu.memref_slice %arg10[%add3A_151, %dma_start3A_152] : memref<10000x128xf32, #tpu.memory_space<vmem_shared>> -> memref<40x128xf32, #tpu.memory_space<vmem_shared>>
            %dma_start3A_154 = arith.constant 0 : i32
            %dma_start3A_155 = tpu.memref_slice %arg10[%add3A_151, %dma_start3A_154] : memref<10000x128xf32, #tpu.memory_space<vmem_shared>> -> memref<40x128xf32, #tpu.memory_space<vmem_shared>>
            tpu.enqueue_dma source(%arg9 : memref<40x128xf32, #tpu.memory_space<vmem>>) target(%dma_start3A_155 : memref<40x128xf32, #tpu.memory_space<vmem_shared>>) target_semaphore(%run_scoped3A : memref<!tpu.dma_semaphore, #tpu.memory_space<semaphore_mem>>)
            %dma_wait3A_156 = arith.constant 0 : i32
            %dma_wait3A_157 = tpu.memref_slice %arg10[%add3A_151, %dma_wait3A_156] : memref<10000x128xf32, #tpu.memory_space<vmem_shared>> -> memref<40x128xf32, #tpu.memory_space<vmem_shared>>
            %dma_wait3A_158 = arith.constant 0 : i32
            %dma_wait3A_159 = tpu.memref_slice %arg10[%add3A_151, %dma_wait3A_158] : memref<10000x128xf32, #tpu.memory_space<vmem_shared>> -> memref<40x128xf32, #tpu.memory_space<vmem_shared>>
            tpu.wait_dma2 semaphore(%run_scoped3A : memref<!tpu.dma_semaphore, #tpu.memory_space<semaphore_mem>>) src(%arg9 : memref<40x128xf32, #tpu.memory_space<vmem>>) dst(%dma_wait3A_159 : memref<40x128xf32, #tpu.memory_space<vmem_shared>>)
            tpu.yield
          }) : () -> ()
        }
        %scan3A_145 = arith.constant 5 : i32
      } else {
      }
    }
    %scan3A_11 = arith.constant 4 : i32
    %mul3A_12 = arith.constant 10000 : i32
    %mul3A_13 = arith.muli %add3A, %mul3A_12 : i32
    %dma_start3A = arith.constant 0 : i32
    %dma_start3A_14 = arith.constant 0 : i32
    %dma_start3A_15 = arith.constant 0 : i32
    %dma_start3A_16 = tpu.memref_slice %arg6[%dma_start3A, %dma_start3A_15] : memref<3x80xi32, #tpu.memory_space<vmem>> -> memref<1x80xi32, #tpu.memory_space<vmem>>
    %dma_start3A_17 = tpu.memref_squeeze %dma_start3A_16 : memref<1x80xi32, #tpu.memory_space<vmem>> -> memref<80xi32, #tpu.memory_space<vmem>>
    %dma_start3A_18 = tpu.memref_slice %arg3[%mul3A_13] : memref<320000xi32, #tpu.memory_space<hbm>> -> memref<80xi32, #tpu.memory_space<hbm>>
    %dma_start3A_19 = tpu.memref_slice %arg11[%dma_start3A_14] : memref<3x!tpu.dma_semaphore, #tpu.memory_space<semaphore_mem>> -> memref<1x!tpu.dma_semaphore, #tpu.memory_space<semaphore_mem>>
    %dma_start3A_20 = tpu.memref_squeeze %dma_start3A_19 : memref<1x!tpu.dma_semaphore, #tpu.memory_space<semaphore_mem>> -> memref<!tpu.dma_semaphore, #tpu.memory_space<semaphore_mem>>
    %dma_start3A_21 = arith.constant 0 : i32
    %dma_start3A_22 = tpu.memref_slice %arg6[%dma_start3A, %dma_start3A_21] : memref<3x80xi32, #tpu.memory_space<vmem>> -> memref<1x80xi32, #tpu.memory_space<vmem>>
    %dma_start3A_23 = tpu.memref_squeeze %dma_start3A_22 : memref<1x80xi32, #tpu.memory_space<vmem>> -> memref<80xi32, #tpu.memory_space<vmem>>
    %dma_start3A_24 = tpu.memref_slice %arg3[%mul3A_13] : memref<320000xi32, #tpu.memory_space<hbm>> -> memref<80xi32, #tpu.memory_space<hbm>>
    tpu.enqueue_dma source(%dma_start3A_24 : memref<80xi32, #tpu.memory_space<hbm>>) target(%dma_start3A_23 : memref<80xi32, #tpu.memory_space<vmem>>) target_semaphore(%dma_start3A_20 : memref<!tpu.dma_semaphore, #tpu.memory_space<semaphore_mem>>)
    %dma_start3A_25 = arith.constant 0 : i32
    %dma_start3A_26 = arith.constant 0 : i32
    %dma_start3A_27 = arith.constant 0 : i32
    %dma_start3A_28 = tpu.memref_slice %arg7[%dma_start3A_25, %dma_start3A_27] : memref<3x80xi32, #tpu.memory_space<vmem>> -> memref<1x80xi32, #tpu.memory_space<vmem>>
    %dma_start3A_29 = tpu.memref_squeeze %dma_start3A_28 : memref<1x80xi32, #tpu.memory_space<vmem>> -> memref<80xi32, #tpu.memory_space<vmem>>
    %dma_start3A_30 = tpu.memref_slice %arg4[%mul3A_13] : memref<320000xi32, #tpu.memory_space<hbm>> -> memref<80xi32, #tpu.memory_space<hbm>>
    %dma_start3A_31 = tpu.memref_slice %arg12[%dma_start3A_26] : memref<3x!tpu.dma_semaphore, #tpu.memory_space<semaphore_mem>> -> memref<1x!tpu.dma_semaphore, #tpu.memory_space<semaphore_mem>>
    %dma_start3A_32 = tpu.memref_squeeze %dma_start3A_31 : memref<1x!tpu.dma_semaphore, #tpu.memory_space<semaphore_mem>> -> memref<!tpu.dma_semaphore, #tpu.memory_space<semaphore_mem>>
    %dma_start3A_33 = arith.constant 0 : i32
    %dma_start3A_34 = tpu.memref_slice %arg7[%dma_start3A_25, %dma_start3A_33] : memref<3x80xi32, #tpu.memory_space<vmem>> -> memref<1x80xi32, #tpu.memory_space<vmem>>
    %dma_start3A_35 = tpu.memref_squeeze %dma_start3A_34 : memref<1x80xi32, #tpu.memory_space<vmem>> -> memref<80xi32, #tpu.memory_space<vmem>>
    %dma_start3A_36 = tpu.memref_slice %arg4[%mul3A_13] : memref<320000xi32, #tpu.memory_space<hbm>> -> memref<80xi32, #tpu.memory_space<hbm>>
    tpu.enqueue_dma source(%dma_start3A_36 : memref<80xi32, #tpu.memory_space<hbm>>) target(%dma_start3A_35 : memref<80xi32, #tpu.memory_space<vmem>>) target_semaphore(%dma_start3A_32 : memref<!tpu.dma_semaphore, #tpu.memory_space<semaphore_mem>>)
    %dma_wait3A = arith.constant 0 : i32
    %dma_wait3A_37 = arith.constant 0 : i32
    %dma_wait3A_38 = arith.constant 0 : i32
    %dma_wait3A_39 = tpu.memref_slice %arg6[%dma_wait3A, %dma_wait3A_38] : memref<3x80xi32, #tpu.memory_space<vmem>> -> memref<1x80xi32, #tpu.memory_space<vmem>>
    %dma_wait3A_40 = tpu.memref_squeeze %dma_wait3A_39 : memref<1x80xi32, #tpu.memory_space<vmem>> -> memref<80xi32, #tpu.memory_space<vmem>>
    %dma_wait3A_41 = tpu.memref_slice %arg3[%mul3A_13] : memref<320000xi32, #tpu.memory_space<hbm>> -> memref<80xi32, #tpu.memory_space<hbm>>
    %dma_wait3A_42 = tpu.memref_slice %arg11[%dma_wait3A_37] : memref<3x!tpu.dma_semaphore, #tpu.memory_space<semaphore_mem>> -> memref<1x!tpu.dma_semaphore, #tpu.memory_space<semaphore_mem>>
    %dma_wait3A_43 = tpu.memref_squeeze %dma_wait3A_42 : memref<1x!tpu.dma_semaphore, #tpu.memory_space<semaphore_mem>> -> memref<!tpu.dma_semaphore, #tpu.memory_space<semaphore_mem>>
    %dma_wait3A_44 = arith.constant 0 : i32
    %dma_wait3A_45 = tpu.memref_slice %arg6[%dma_wait3A, %dma_wait3A_44] : memref<3x80xi32, #tpu.memory_space<vmem>> -> memref<1x80xi32, #tpu.memory_space<vmem>>
    %dma_wait3A_46 = tpu.memref_squeeze %dma_wait3A_45 : memref<1x80xi32, #tpu.memory_space<vmem>> -> memref<80xi32, #tpu.memory_space<vmem>>
    %dma_wait3A_47 = tpu.memref_slice %arg3[%mul3A_13] : memref<320000xi32, #tpu.memory_space<hbm>> -> memref<80xi32, #tpu.memory_space<hbm>>
    tpu.wait_dma2 semaphore(%dma_wait3A_43 : memref<!tpu.dma_semaphore, #tpu.memory_space<semaphore_mem>>) src(%dma_wait3A_47 : memref<80xi32, #tpu.memory_space<hbm>>) dst(%dma_wait3A_46 : memref<80xi32, #tpu.memory_space<vmem>>)
    %dma_start3A_48 = arith.constant 0 : i32
    %dma_start3A_49 = arith.constant 0 : i32
    %dma_start3A_50 = arith.constant 0 : i32
    %dma_start3A_51 = arith.constant 0 : i32
    %dma_start3A_52 = arith.constant 0 : i32
    %dma_start3A_53 = tpu.memref_slice %arg8[%dma_start3A_49, %dma_start3A_51, %dma_start3A_52] : memref<2x80x128xf32, #tpu.memory_space<vmem>> -> memref<1x80x128xf32, #tpu.memory_space<vmem>>
    %dma_start3A_54 = tpu.memref_squeeze %dma_start3A_53 : memref<1x80x128xf32, #tpu.memory_space<vmem>> -> memref<80x128xf32, #tpu.memory_space<vmem>>
    %dma_start3A_55 = arith.constant 0 : i32
    %dma_start3A_56 = tpu.memref_slice %arg6[%dma_start3A_48, %dma_start3A_55] : memref<3x80xi32, #tpu.memory_space<vmem>> -> memref<1x80xi32, #tpu.memory_space<vmem>>
    %dma_start3A_57 = tpu.memref_squeeze %dma_start3A_56 : memref<1x80xi32, #tpu.memory_space<vmem>> -> memref<80xi32, #tpu.memory_space<vmem>>
    %dma_start3A_58 = arith.constant 0 : i32
    %dma_start3A_59 = arith.constant 0 : i32
    %dma_start3A_60 = tpu.memref_slice %arg2[%dma_start3A_58, %dma_start3A_59] : memref<10000x128xf32, #tpu.memory_space<hbm>> -> memref<10000x128xf32, #tpu.memory_space<hbm>>
    %dma_start3A_61 = tpu.memref_slice %arg13[%dma_start3A_50] : memref<2x!tpu.dma_semaphore, #tpu.memory_space<semaphore_mem>> -> memref<1x!tpu.dma_semaphore, #tpu.memory_space<semaphore_mem>>
    %dma_start3A_62 = tpu.memref_squeeze %dma_start3A_61 : memref<1x!tpu.dma_semaphore, #tpu.memory_space<semaphore_mem>> -> memref<!tpu.dma_semaphore, #tpu.memory_space<semaphore_mem>>
    tpu.enqueue_indirect_dma source(%dma_start3A_60 : memref<10000x128xf32, #tpu.memory_space<hbm>>) target(%dma_start3A_54 : memref<80x128xf32, #tpu.memory_space<vmem>>) offsets(%dma_start3A_57 : memref<80xi32, #tpu.memory_space<vmem>>) semaphore(%dma_start3A_62 : memref<!tpu.dma_semaphore, #tpu.memory_space<semaphore_mem>>)
    %add3A_63 = arith.constant 80 : i32
    %add3A_64 = arith.addi %mul3A_13, %add3A_63 : i32
    %dma_start3A_65 = arith.constant 1 : i32
    %dma_start3A_66 = arith.constant 1 : i32
    %dma_start3A_67 = arith.constant 0 : i32
    %dma_start3A_68 = tpu.memref_slice %arg6[%dma_start3A_65, %dma_start3A_67] : memref<3x80xi32, #tpu.memory_space<vmem>> -> memref<1x80xi32, #tpu.memory_space<vmem>>
    %dma_start3A_69 = tpu.memref_squeeze %dma_start3A_68 : memref<1x80xi32, #tpu.memory_space<vmem>> -> memref<80xi32, #tpu.memory_space<vmem>>
    %dma_start3A_70 = tpu.memref_slice %arg3[%add3A_64] : memref<320000xi32, #tpu.memory_space<hbm>> -> memref<80xi32, #tpu.memory_space<hbm>>
    %dma_start3A_71 = tpu.memref_slice %arg11[%dma_start3A_66] : memref<3x!tpu.dma_semaphore, #tpu.memory_space<semaphore_mem>> -> memref<1x!tpu.dma_semaphore, #tpu.memory_space<semaphore_mem>>
    %dma_start3A_72 = tpu.memref_squeeze %dma_start3A_71 : memref<1x!tpu.dma_semaphore, #tpu.memory_space<semaphore_mem>> -> memref<!tpu.dma_semaphore, #tpu.memory_space<semaphore_mem>>
    %dma_start3A_73 = arith.constant 0 : i32
    %dma_start3A_74 = tpu.memref_slice %arg6[%dma_start3A_65, %dma_start3A_73] : memref<3x80xi32, #tpu.memory_space<vmem>> -> memref<1x80xi32, #tpu.memory_space<vmem>>
    %dma_start3A_75 = tpu.memref_squeeze %dma_start3A_74 : memref<1x80xi32, #tpu.memory_space<vmem>> -> memref<80xi32, #tpu.memory_space<vmem>>
    %dma_start3A_76 = tpu.memref_slice %arg3[%add3A_64] : memref<320000xi32, #tpu.memory_space<hbm>> -> memref<80xi32, #tpu.memory_space<hbm>>
    tpu.enqueue_dma source(%dma_start3A_76 : memref<80xi32, #tpu.memory_space<hbm>>) target(%dma_start3A_75 : memref<80xi32, #tpu.memory_space<vmem>>) target_semaphore(%dma_start3A_72 : memref<!tpu.dma_semaphore, #tpu.memory_space<semaphore_mem>>)
    %add3A_77 = arith.constant 80 : i32
    %add3A_78 = arith.addi %mul3A_13, %add3A_77 : i32
    %dma_start3A_79 = arith.constant 1 : i32
    %dma_start3A_80 = arith.constant 1 : i32
    %dma_start3A_81 = arith.constant 0 : i32
    %dma_start3A_82 = tpu.memref_slice %arg7[%dma_start3A_79, %dma_start3A_81] : memref<3x80xi32, #tpu.memory_space<vmem>> -> memref<1x80xi32, #tpu.memory_space<vmem>>
    %dma_start3A_83 = tpu.memref_squeeze %dma_start3A_82 : memref<1x80xi32, #tpu.memory_space<vmem>> -> memref<80xi32, #tpu.memory_space<vmem>>
    %dma_start3A_84 = tpu.memref_slice %arg4[%add3A_78] : memref<320000xi32, #tpu.memory_space<hbm>> -> memref<80xi32, #tpu.memory_space<hbm>>
    %dma_start3A_85 = tpu.memref_slice %arg12[%dma_start3A_80] : memref<3x!tpu.dma_semaphore, #tpu.memory_space<semaphore_mem>> -> memref<1x!tpu.dma_semaphore, #tpu.memory_space<semaphore_mem>>
    %dma_start3A_86 = tpu.memref_squeeze %dma_start3A_85 : memref<1x!tpu.dma_semaphore, #tpu.memory_space<semaphore_mem>> -> memref<!tpu.dma_semaphore, #tpu.memory_space<semaphore_mem>>
    %dma_start3A_87 = arith.constant 0 : i32
    %dma_start3A_88 = tpu.memref_slice %arg7[%dma_start3A_79, %dma_start3A_87] : memref<3x80xi32, #tpu.memory_space<vmem>> -> memref<1x80xi32, #tpu.memory_space<vmem>>
    %dma_start3A_89 = tpu.memref_squeeze %dma_start3A_88 : memref<1x80xi32, #tpu.memory_space<vmem>> -> memref<80xi32, #tpu.memory_space<vmem>>
    %dma_start3A_90 = tpu.memref_slice %arg4[%add3A_78] : memref<320000xi32, #tpu.memory_space<hbm>> -> memref<80xi32, #tpu.memory_space<hbm>>
    tpu.enqueue_dma source(%dma_start3A_90 : memref<80xi32, #tpu.memory_space<hbm>>) target(%dma_start3A_89 : memref<80xi32, #tpu.memory_space<vmem>>) target_semaphore(%dma_start3A_86 : memref<!tpu.dma_semaphore, #tpu.memory_space<semaphore_mem>>)
    %barrier3A = arith.constant 0 : index
    tpu.barrier barrier_id(%barrier3A)
    %scan3A_91 = arith.constant 0 : i32
    %scan3A_92 = arith.constant 0 : i32
    %scan3A_93 = arith.constant 125 : i32
    %scan3A_94 = arith.addi %scan3A_92, %scan3A_93 : i32
    %scan3A_95 = arith.constant 1 : i32
    scf.for %scan3A_134 = %scan3A_92 to %scan3A_94 step %scan3A_95  : i32 {
      %rem3A = arith.constant 3 : i32
      %rem3A_135 = arith.remsi %scan3A_134, %rem3A : i32
      %rem3A_136 = arith.constant 2 : i32
      %rem3A_137 = arith.remsi %scan3A_134, %rem3A_136 : i32
      %add3A_138 = arith.constant 1 : i32
      %add3A_139 = arith.addi %scan3A_134, %add3A_138 : i32
      %rem3A_140 = arith.constant 3 : i32
      %rem3A_141 = arith.remsi %add3A_139, %rem3A_140 : i32
      %rem3A_142 = arith.constant 2 : i32
      %rem3A_143 = arith.remsi %add3A_139, %rem3A_142 : i32
      %lt3A = arith.constant 125 : i32
      %lt3A_144 = arith.cmpi slt, %add3A_139, %lt3A : i32
      %convert_element_type3A = arith.extui %lt3A_144 : i1 to i32
      %cond3A = arith.constant 0 : i32
      %cond3A_145 = arith.cmpi ne, %convert_element_type3A, %cond3A : i32
      scf.if %cond3A_145 {
        %mul3A_190 = arith.constant 80 : i32
        %mul3A_191 = arith.muli %add3A_139, %mul3A_190 : i32
        %add3A_192 = arith.addi %mul3A_13, %mul3A_191 : i32
        %dma_wait3A_193 = arith.constant 0 : i32
        %dma_wait3A_194 = tpu.memref_slice %arg6[%rem3A_141, %dma_wait3A_193] : memref<3x80xi32, #tpu.memory_space<vmem>> -> memref<1x80xi32, #tpu.memory_space<vmem>>
        %dma_wait3A_195 = tpu.memref_squeeze %dma_wait3A_194 : memref<1x80xi32, #tpu.memory_space<vmem>> -> memref<80xi32, #tpu.memory_space<vmem>>
        %dma_wait3A_196 = tpu.memref_slice %arg3[%add3A_192] : memref<320000xi32, #tpu.memory_space<hbm>> -> memref<80xi32, #tpu.memory_space<hbm>>
        %dma_wait3A_197 = tpu.memref_slice %arg11[%rem3A_141] : memref<3x!tpu.dma_semaphore, #tpu.memory_space<semaphore_mem>> -> memref<1x!tpu.dma_semaphore, #tpu.memory_space<semaphore_mem>>
        %dma_wait3A_198 = tpu.memref_squeeze %dma_wait3A_197 : memref<1x!tpu.dma_semaphore, #tpu.memory_space<semaphore_mem>> -> memref<!tpu.dma_semaphore, #tpu.memory_space<semaphore_mem>>
        %dma_wait3A_199 = arith.constant 0 : i32
        %dma_wait3A_200 = tpu.memref_slice %arg6[%rem3A_141, %dma_wait3A_199] : memref<3x80xi32, #tpu.memory_space<vmem>> -> memref<1x80xi32, #tpu.memory_space<vmem>>
        %dma_wait3A_201 = tpu.memref_squeeze %dma_wait3A_200 : memref<1x80xi32, #tpu.memory_space<vmem>> -> memref<80xi32, #tpu.memory_space<vmem>>
        %dma_wait3A_202 = tpu.memref_slice %arg3[%add3A_192] : memref<320000xi32, #tpu.memory_space<hbm>> -> memref<80xi32, #tpu.memory_space<hbm>>
        tpu.wait_dma2 semaphore(%dma_wait3A_198 : memref<!tpu.dma_semaphore, #tpu.memory_space<semaphore_mem>>) src(%dma_wait3A_202 : memref<80xi32, #tpu.memory_space<hbm>>) dst(%dma_wait3A_201 : memref<80xi32, #tpu.memory_space<vmem>>)
        %ge3A = arith.constant 1 : i32
        %ge3A_203 = arith.cmpi sge, %scan3A_134, %ge3A : i32
        %convert_element_type3A_204 = arith.extui %ge3A_203 : i1 to i32
        %cond3A_205 = arith.constant 0 : i32
        %cond3A_206 = arith.cmpi ne, %convert_element_type3A_204, %cond3A_205 : i32
        scf.if %cond3A_206 {
          %add3A_219 = arith.constant 2 : i32
          %add3A_220 = arith.addi %scan3A_134, %add3A_219 : i32
          %rem3A_221 = arith.constant 3 : i32
          %rem3A_222 = arith.remsi %add3A_220, %rem3A_221 : i32
          %dma_wait3A_223 = arith.constant 0 : i32
          %dma_wait3A_224 = arith.constant 0 : i32
          %dma_wait3A_225 = tpu.memref_slice %arg8[%rem3A_143, %dma_wait3A_223, %dma_wait3A_224] : memref<2x80x128xf32, #tpu.memory_space<vmem>> -> memref<1x80x128xf32, #tpu.memory_space<vmem>>
          %dma_wait3A_226 = tpu.memref_squeeze %dma_wait3A_225 : memref<1x80x128xf32, #tpu.memory_space<vmem>> -> memref<80x128xf32, #tpu.memory_space<vmem>>
          %dma_wait3A_227 = arith.constant 0 : i32
          %dma_wait3A_228 = tpu.memref_slice %arg7[%rem3A_222, %dma_wait3A_227] : memref<3x80xi32, #tpu.memory_space<vmem>> -> memref<1x80xi32, #tpu.memory_space<vmem>>
          %dma_wait3A_229 = tpu.memref_squeeze %dma_wait3A_228 : memref<1x80xi32, #tpu.memory_space<vmem>> -> memref<80xi32, #tpu.memory_space<vmem>>
          %dma_wait3A_230 = arith.constant 0 : i32
          %dma_wait3A_231 = arith.constant 0 : i32
          %dma_wait3A_232 = tpu.memref_slice %arg10[%dma_wait3A_230, %dma_wait3A_231] : memref<10000x128xf32, #tpu.memory_space<vmem_shared>> -> memref<10000x128xf32, #tpu.memory_space<vmem_shared>>
          %dma_wait3A_233 = tpu.memref_slice %arg14[%rem3A_143] : memref<2x!tpu.dma_semaphore, #tpu.memory_space<semaphore_mem>> -> memref<1x!tpu.dma_semaphore, #tpu.memory_space<semaphore_mem>>
          %dma_wait3A_234 = tpu.memref_squeeze %dma_wait3A_233 : memref<1x!tpu.dma_semaphore, #tpu.memory_space<semaphore_mem>> -> memref<!tpu.dma_semaphore, #tpu.memory_space<semaphore_mem>>
          tpu.wait_indirect_dma semaphore(%dma_wait3A_234 : memref<!tpu.dma_semaphore, #tpu.memory_space<semaphore_mem>>) src(%dma_wait3A_226 : memref<80x128xf32, #tpu.memory_space<vmem>>) dst(%dma_wait3A_232 : memref<10000x128xf32, #tpu.memory_space<vmem_shared>>)
        } else {
        }
        %dma_start3A_207 = arith.constant 0 : i32
        %dma_start3A_208 = arith.constant 0 : i32
        %dma_start3A_209 = tpu.memref_slice %arg8[%rem3A_143, %dma_start3A_207, %dma_start3A_208] : memref<2x80x128xf32, #tpu.memory_space<vmem>> -> memref<1x80x128xf32, #tpu.memory_space<vmem>>
        %dma_start3A_210 = tpu.memref_squeeze %dma_start3A_209 : memref<1x80x128xf32, #tpu.memory_space<vmem>> -> memref<80x128xf32, #tpu.memory_space<vmem>>
        %dma_start3A_211 = arith.constant 0 : i32
        %dma_start3A_212 = tpu.memref_slice %arg6[%rem3A_141, %dma_start3A_211] : memref<3x80xi32, #tpu.memory_space<vmem>> -> memref<1x80xi32, #tpu.memory_space<vmem>>
        %dma_start3A_213 = tpu.memref_squeeze %dma_start3A_212 : memref<1x80xi32, #tpu.memory_space<vmem>> -> memref<80xi32, #tpu.memory_space<vmem>>
        %dma_start3A_214 = arith.constant 0 : i32
        %dma_start3A_215 = arith.constant 0 : i32
        %dma_start3A_216 = tpu.memref_slice %arg2[%dma_start3A_214, %dma_start3A_215] : memref<10000x128xf32, #tpu.memory_space<hbm>> -> memref<10000x128xf32, #tpu.memory_space<hbm>>
        %dma_start3A_217 = tpu.memref_slice %arg13[%rem3A_143] : memref<2x!tpu.dma_semaphore, #tpu.memory_space<semaphore_mem>> -> memref<1x!tpu.dma_semaphore, #tpu.memory_space<semaphore_mem>>
        %dma_start3A_218 = tpu.memref_squeeze %dma_start3A_217 : memref<1x!tpu.dma_semaphore, #tpu.memory_space<semaphore_mem>> -> memref<!tpu.dma_semaphore, #tpu.memory_space<semaphore_mem>>
        tpu.enqueue_indirect_dma source(%dma_start3A_216 : memref<10000x128xf32, #tpu.memory_space<hbm>>) target(%dma_start3A_210 : memref<80x128xf32, #tpu.memory_space<vmem>>) offsets(%dma_start3A_213 : memref<80xi32, #tpu.memory_space<vmem>>) semaphore(%dma_start3A_218 : memref<!tpu.dma_semaphore, #tpu.memory_space<semaphore_mem>>)
      } else {
      }
      %add3A_146 = arith.constant 2 : i32
      %add3A_147 = arith.addi %scan3A_134, %add3A_146 : i32
      %lt3A_148 = arith.constant 125 : i32
      %lt3A_149 = arith.cmpi slt, %add3A_147, %lt3A_148 : i32
      %convert_element_type3A_150 = arith.extui %lt3A_149 : i1 to i32
      %cond3A_151 = arith.constant 0 : i32
      %cond3A_152 = arith.cmpi ne, %convert_element_type3A_150, %cond3A_151 : i32
      scf.if %cond3A_152 {
        %rem3A_190 = arith.constant 3 : i32
        %rem3A_191 = arith.remsi %add3A_147, %rem3A_190 : i32
        %mul3A_192 = arith.constant 80 : i32
        %mul3A_193 = arith.muli %add3A_147, %mul3A_192 : i32
        %add3A_194 = arith.addi %mul3A_13, %mul3A_193 : i32
        %dma_start3A_195 = arith.constant 0 : i32
        %dma_start3A_196 = tpu.memref_slice %arg6[%rem3A_191, %dma_start3A_195] : memref<3x80xi32, #tpu.memory_space<vmem>> -> memref<1x80xi32, #tpu.memory_space<vmem>>
        %dma_start3A_197 = tpu.memref_squeeze %dma_start3A_196 : memref<1x80xi32, #tpu.memory_space<vmem>> -> memref<80xi32, #tpu.memory_space<vmem>>
        %dma_start3A_198 = tpu.memref_slice %arg3[%add3A_194] : memref<320000xi32, #tpu.memory_space<hbm>> -> memref<80xi32, #tpu.memory_space<hbm>>
        %dma_start3A_199 = tpu.memref_slice %arg11[%rem3A_191] : memref<3x!tpu.dma_semaphore, #tpu.memory_space<semaphore_mem>> -> memref<1x!tpu.dma_semaphore, #tpu.memory_space<semaphore_mem>>
        %dma_start3A_200 = tpu.memref_squeeze %dma_start3A_199 : memref<1x!tpu.dma_semaphore, #tpu.memory_space<semaphore_mem>> -> memref<!tpu.dma_semaphore, #tpu.memory_space<semaphore_mem>>
        %dma_start3A_201 = arith.constant 0 : i32
        %dma_start3A_202 = tpu.memref_slice %arg6[%rem3A_191, %dma_start3A_201] : memref<3x80xi32, #tpu.memory_space<vmem>> -> memref<1x80xi32, #tpu.memory_space<vmem>>
        %dma_start3A_203 = tpu.memref_squeeze %dma_start3A_202 : memref<1x80xi32, #tpu.memory_space<vmem>> -> memref<80xi32, #tpu.memory_space<vmem>>
        %dma_start3A_204 = tpu.memref_slice %arg3[%add3A_194] : memref<320000xi32, #tpu.memory_space<hbm>> -> memref<80xi32, #tpu.memory_space<hbm>>
        tpu.enqueue_dma source(%dma_start3A_204 : memref<80xi32, #tpu.memory_space<hbm>>) target(%dma_start3A_203 : memref<80xi32, #tpu.memory_space<vmem>>) target_semaphore(%dma_start3A_200 : memref<!tpu.dma_semaphore, #tpu.memory_space<semaphore_mem>>)
        %mul3A_205 = arith.constant 80 : i32
        %mul3A_206 = arith.muli %add3A_147, %mul3A_205 : i32
        %add3A_207 = arith.addi %mul3A_13, %mul3A_206 : i32
        %dma_start3A_208 = arith.constant 0 : i32
        %dma_start3A_209 = tpu.memref_slice %arg7[%rem3A_191, %dma_start3A_208] : memref<3x80xi32, #tpu.memory_space<vmem>> -> memref<1x80xi32, #tpu.memory_space<vmem>>
        %dma_start3A_210 = tpu.memref_squeeze %dma_start3A_209 : memref<1x80xi32, #tpu.memory_space<vmem>> -> memref<80xi32, #tpu.memory_space<vmem>>
        %dma_start3A_211 = tpu.memref_slice %arg4[%add3A_207] : memref<320000xi32, #tpu.memory_space<hbm>> -> memref<80xi32, #tpu.memory_space<hbm>>
        %dma_start3A_212 = tpu.memref_slice %arg12[%rem3A_191] : memref<3x!tpu.dma_semaphore, #tpu.memory_space<semaphore_mem>> -> memref<1x!tpu.dma_semaphore, #tpu.memory_space<semaphore_mem>>
        %dma_start3A_213 = tpu.memref_squeeze %dma_start3A_212 : memref<1x!tpu.dma_semaphore, #tpu.memory_space<semaphore_mem>> -> memref<!tpu.dma_semaphore, #tpu.memory_space<semaphore_mem>>
        %dma_start3A_214 = arith.constant 0 : i32
        %dma_start3A_215 = tpu.memref_slice %arg7[%rem3A_191, %dma_start3A_214] : memref<3x80xi32, #tpu.memory_space<vmem>> -> memref<1x80xi32, #tpu.memory_space<vmem>>
        %dma_start3A_216 = tpu.memref_squeeze %dma_start3A_215 : memref<1x80xi32, #tpu.memory_space<vmem>> -> memref<80xi32, #tpu.memory_space<vmem>>
        %dma_start3A_217 = tpu.memref_slice %arg4[%add3A_207] : memref<320000xi32, #tpu.memory_space<hbm>> -> memref<80xi32, #tpu.memory_space<hbm>>
        tpu.enqueue_dma source(%dma_start3A_217 : memref<80xi32, #tpu.memory_space<hbm>>) target(%dma_start3A_216 : memref<80xi32, #tpu.memory_space<vmem>>) target_semaphore(%dma_start3A_213 : memref<!tpu.dma_semaphore, #tpu.memory_space<semaphore_mem>>)
      } else {
      }
      %dma_wait3A_153 = arith.constant 0 : i32
      %dma_wait3A_154 = arith.constant 0 : i32
      %dma_wait3A_155 = tpu.memref_slice %arg8[%rem3A_137, %dma_wait3A_153, %dma_wait3A_154] : memref<2x80x128xf32, #tpu.memory_space<vmem>> -> memref<1x80x128xf32, #tpu.memory_space<vmem>>
      %dma_wait3A_156 = tpu.memref_squeeze %dma_wait3A_155 : memref<1x80x128xf32, #tpu.memory_space<vmem>> -> memref<80x128xf32, #tpu.memory_space<vmem>>
      %dma_wait3A_157 = arith.constant 0 : i32
      %dma_wait3A_158 = tpu.memref_slice %arg6[%rem3A_135, %dma_wait3A_157] : memref<3x80xi32, #tpu.memory_space<vmem>> -> memref<1x80xi32, #tpu.memory_space<vmem>>
      %dma_wait3A_159 = tpu.memref_squeeze %dma_wait3A_158 : memref<1x80xi32, #tpu.memory_space<vmem>> -> memref<80xi32, #tpu.memory_space<vmem>>
      %dma_wait3A_160 = arith.constant 0 : i32
      %dma_wait3A_161 = arith.constant 0 : i32
      %dma_wait3A_162 = tpu.memref_slice %arg2[%dma_wait3A_160, %dma_wait3A_161] : memref<10000x128xf32, #tpu.memory_space<hbm>> -> memref<10000x128xf32, #tpu.memory_space<hbm>>
      %dma_wait3A_163 = tpu.memref_slice %arg13[%rem3A_137] : memref<2x!tpu.dma_semaphore, #tpu.memory_space<semaphore_mem>> -> memref<1x!tpu.dma_semaphore, #tpu.memory_space<semaphore_mem>>
      %dma_wait3A_164 = tpu.memref_squeeze %dma_wait3A_163 : memref<1x!tpu.dma_semaphore, #tpu.memory_space<semaphore_mem>> -> memref<!tpu.dma_semaphore, #tpu.memory_space<semaphore_mem>>
      tpu.wait_indirect_dma semaphore(%dma_wait3A_164 : memref<!tpu.dma_semaphore, #tpu.memory_space<semaphore_mem>>) src(%dma_wait3A_162 : memref<10000x128xf32, #tpu.memory_space<hbm>>) dst(%dma_wait3A_156 : memref<80x128xf32, #tpu.memory_space<vmem>>)
      %mul3A_165 = arith.constant 80 : i32
      %mul3A_166 = arith.muli %scan3A_134, %mul3A_165 : i32
      %add3A_167 = arith.addi %mul3A_13, %mul3A_166 : i32
      %dma_wait3A_168 = arith.constant 0 : i32
      %dma_wait3A_169 = tpu.memref_slice %arg7[%rem3A_135, %dma_wait3A_168] : memref<3x80xi32, #tpu.memory_space<vmem>> -> memref<1x80xi32, #tpu.memory_space<vmem>>
      %dma_wait3A_170 = tpu.memref_squeeze %dma_wait3A_169 : memref<1x80xi32, #tpu.memory_space<vmem>> -> memref<80xi32, #tpu.memory_space<vmem>>
      %dma_wait3A_171 = tpu.memref_slice %arg4[%add3A_167] : memref<320000xi32, #tpu.memory_space<hbm>> -> memref<80xi32, #tpu.memory_space<hbm>>
      %dma_wait3A_172 = tpu.memref_slice %arg12[%rem3A_135] : memref<3x!tpu.dma_semaphore, #tpu.memory_space<semaphore_mem>> -> memref<1x!tpu.dma_semaphore, #tpu.memory_space<semaphore_mem>>
      %dma_wait3A_173 = tpu.memref_squeeze %dma_wait3A_172 : memref<1x!tpu.dma_semaphore, #tpu.memory_space<semaphore_mem>> -> memref<!tpu.dma_semaphore, #tpu.memory_space<semaphore_mem>>
      %dma_wait3A_174 = arith.constant 0 : i32
      %dma_wait3A_175 = tpu.memref_slice %arg7[%rem3A_135, %dma_wait3A_174] : memref<3x80xi32, #tpu.memory_space<vmem>> -> memref<1x80xi32, #tpu.memory_space<vmem>>
      %dma_wait3A_176 = tpu.memref_squeeze %dma_wait3A_175 : memref<1x80xi32, #tpu.memory_space<vmem>> -> memref<80xi32, #tpu.memory_space<vmem>>
      %dma_wait3A_177 = tpu.memref_slice %arg4[%add3A_167] : memref<320000xi32, #tpu.memory_space<hbm>> -> memref<80xi32, #tpu.memory_space<hbm>>
      tpu.wait_dma2 semaphore(%dma_wait3A_173 : memref<!tpu.dma_semaphore, #tpu.memory_space<semaphore_mem>>) src(%dma_wait3A_177 : memref<80xi32, #tpu.memory_space<hbm>>) dst(%dma_wait3A_176 : memref<80xi32, #tpu.memory_space<vmem>>)
      %dma_start3A_178 = arith.constant 0 : i32
      %dma_start3A_179 = arith.constant 0 : i32
      %dma_start3A_180 = tpu.memref_slice %arg8[%rem3A_137, %dma_start3A_178, %dma_start3A_179] : memref<2x80x128xf32, #tpu.memory_space<vmem>> -> memref<1x80x128xf32, #tpu.memory_space<vmem>>
      %dma_start3A_181 = tpu.memref_squeeze %dma_start3A_180 : memref<1x80x128xf32, #tpu.memory_space<vmem>> -> memref<80x128xf32, #tpu.memory_space<vmem>>
      %dma_start3A_182 = arith.constant 0 : i32
      %dma_start3A_183 = tpu.memref_slice %arg7[%rem3A_135, %dma_start3A_182] : memref<3x80xi32, #tpu.memory_space<vmem>> -> memref<1x80xi32, #tpu.memory_space<vmem>>
      %dma_start3A_184 = tpu.memref_squeeze %dma_start3A_183 : memref<1x80xi32, #tpu.memory_space<vmem>> -> memref<80xi32, #tpu.memory_space<vmem>>
      %dma_start3A_185 = arith.constant 0 : i32
      %dma_start3A_186 = arith.constant 0 : i32
      %dma_start3A_187 = tpu.memref_slice %arg10[%dma_start3A_185, %dma_start3A_186] : memref<10000x128xf32, #tpu.memory_space<vmem_shared>> -> memref<10000x128xf32, #tpu.memory_space<vmem_shared>>
      %dma_start3A_188 = tpu.memref_slice %arg14[%rem3A_137] : memref<2x!tpu.dma_semaphore, #tpu.memory_space<semaphore_mem>> -> memref<1x!tpu.dma_semaphore, #tpu.memory_space<semaphore_mem>>
      %dma_start3A_189 = tpu.memref_squeeze %dma_start3A_188 : memref<1x!tpu.dma_semaphore, #tpu.memory_space<semaphore_mem>> -> memref<!tpu.dma_semaphore, #tpu.memory_space<semaphore_mem>>
      tpu.enqueue_indirect_dma source(%dma_start3A_181 : memref<80x128xf32, #tpu.memory_space<vmem>>) target(%dma_start3A_187 : memref<10000x128xf32, #tpu.memory_space<vmem_shared>>) offsets(%dma_start3A_184 : memref<80xi32, #tpu.memory_space<vmem>>) semaphore(%dma_start3A_189 : memref<!tpu.dma_semaphore, #tpu.memory_space<semaphore_mem>>) {add = true}
    }
    %scan3A_96 = arith.constant 125 : i32
    %dma_wait3A_97 = arith.constant 1 : i32
    %dma_wait3A_98 = arith.constant 0 : i32
    %dma_wait3A_99 = arith.constant 1 : i32
    %dma_wait3A_100 = arith.constant 0 : i32
    %dma_wait3A_101 = arith.constant 0 : i32
    %dma_wait3A_102 = tpu.memref_slice %arg8[%dma_wait3A_97, %dma_wait3A_100, %dma_wait3A_101] : memref<2x80x128xf32, #tpu.memory_space<vmem>> -> memref<1x80x128xf32, #tpu.memory_space<vmem>>
    %dma_wait3A_103 = tpu.memref_squeeze %dma_wait3A_102 : memref<1x80x128xf32, #tpu.memory_space<vmem>> -> memref<80x128xf32, #tpu.memory_space<vmem>>
    %dma_wait3A_104 = arith.constant 0 : i32
    %dma_wait3A_105 = tpu.memref_slice %arg7[%dma_wait3A_98, %dma_wait3A_104] : memref<3x80xi32, #tpu.memory_space<vmem>> -> memref<1x80xi32, #tpu.memory_space<vmem>>
    %dma_wait3A_106 = tpu.memref_squeeze %dma_wait3A_105 : memref<1x80xi32, #tpu.memory_space<vmem>> -> memref<80xi32, #tpu.memory_space<vmem>>
    %dma_wait3A_107 = arith.constant 0 : i32
    %dma_wait3A_108 = arith.constant 0 : i32
    %dma_wait3A_109 = tpu.memref_slice %arg10[%dma_wait3A_107, %dma_wait3A_108] : memref<10000x128xf32, #tpu.memory_space<vmem_shared>> -> memref<10000x128xf32, #tpu.memory_space<vmem_shared>>
    %dma_wait3A_110 = tpu.memref_slice %arg14[%dma_wait3A_99] : memref<2x!tpu.dma_semaphore, #tpu.memory_space<semaphore_mem>> -> memref<1x!tpu.dma_semaphore, #tpu.memory_space<semaphore_mem>>
    %dma_wait3A_111 = tpu.memref_squeeze %dma_wait3A_110 : memref<1x!tpu.dma_semaphore, #tpu.memory_space<semaphore_mem>> -> memref<!tpu.dma_semaphore, #tpu.memory_space<semaphore_mem>>
    tpu.wait_indirect_dma semaphore(%dma_wait3A_111 : memref<!tpu.dma_semaphore, #tpu.memory_space<semaphore_mem>>) src(%dma_wait3A_103 : memref<80x128xf32, #tpu.memory_space<vmem>>) dst(%dma_wait3A_109 : memref<10000x128xf32, #tpu.memory_space<vmem_shared>>)
    %dma_wait3A_112 = arith.constant 0 : i32
    %dma_wait3A_113 = arith.constant 1 : i32
    %dma_wait3A_114 = arith.constant 0 : i32
    %dma_wait3A_115 = arith.constant 0 : i32
    %dma_wait3A_116 = arith.constant 0 : i32
    %dma_wait3A_117 = tpu.memref_slice %arg8[%dma_wait3A_112, %dma_wait3A_115, %dma_wait3A_116] : memref<2x80x128xf32, #tpu.memory_space<vmem>> -> memref<1x80x128xf32, #tpu.memory_space<vmem>>
    %dma_wait3A_118 = tpu.memref_squeeze %dma_wait3A_117 : memref<1x80x128xf32, #tpu.memory_space<vmem>> -> memref<80x128xf32, #tpu.memory_space<vmem>>
    %dma_wait3A_119 = arith.constant 0 : i32
    %dma_wait3A_120 = tpu.memref_slice %arg7[%dma_wait3A_113, %dma_wait3A_119] : memref<3x80xi32, #tpu.memory_space<vmem>> -> memref<1x80xi32, #tpu.memory_space<vmem>>
    %dma_wait3A_121 = tpu.memref_squeeze %dma_wait3A_120 : memref<1x80xi32, #tpu.memory_space<vmem>> -> memref<80xi32, #tpu.memory_space<vmem>>
    %dma_wait3A_122 = arith.constant 0 : i32
    %dma_wait3A_123 = arith.constant 0 : i32
    %dma_wait3A_124 = tpu.memref_slice %arg10[%dma_wait3A_122, %dma_wait3A_123] : memref<10000x128xf32, #tpu.memory_space<vmem_shared>> -> memref<10000x128xf32, #tpu.memory_space<vmem_shared>>
    %dma_wait3A_125 = tpu.memref_slice %arg14[%dma_wait3A_114] : memref<2x!tpu.dma_semaphore, #tpu.memory_space<semaphore_mem>> -> memref<1x!tpu.dma_semaphore, #tpu.memory_space<semaphore_mem>>
    %dma_wait3A_126 = tpu.memref_squeeze %dma_wait3A_125 : memref<1x!tpu.dma_semaphore, #tpu.memory_space<semaphore_mem>> -> memref<!tpu.dma_semaphore, #tpu.memory_space<semaphore_mem>>
    tpu.wait_indirect_dma semaphore(%dma_wait3A_126 : memref<!tpu.dma_semaphore, #tpu.memory_space<semaphore_mem>>) src(%dma_wait3A_118 : memref<80x128xf32, #tpu.memory_space<vmem>>) dst(%dma_wait3A_124 : memref<10000x128xf32, #tpu.memory_space<vmem_shared>>)
    %barrier3A_127 = arith.constant 0 : index
    tpu.barrier barrier_id(%barrier3A_127)
    %scan3A_128 = arith.constant 0 : i32
    %scan3A_129 = arith.constant 0 : i32
    %scan3A_130 = arith.constant 4 : i32
    %scan3A_131 = arith.addi %scan3A_129, %scan3A_130 : i32
    %scan3A_132 = arith.constant 1 : i32
    scf.for %scan3A_134 = %scan3A_129 to %scan3A_131 step %scan3A_132  : i32 {
      %mul3A_135 = arith.constant 16 : i32
      %mul3A_136 = arith.muli %mul3A_135, %scan3A_134 : i32
      %add3A_137 = arith.addi %arg1, %mul3A_136 : i32
      %lt3A = arith.constant 50 : i32
      %lt3A_138 = arith.cmpi slt, %add3A_137, %lt3A : i32
      %convert_element_type3A = arith.extui %lt3A_138 : i1 to i32
      %cond3A = arith.constant 0 : i32
      %cond3A_139 = arith.cmpi ne, %convert_element_type3A, %cond3A : i32
      scf.if %cond3A_139 {
        %mul3A_140 = arith.constant 200 : i32
        %mul3A_141 = arith.muli %add3A_137, %mul3A_140 : i32
        %mul3A_142 = arith.constant 200 : i32
        %mul3A_143 = arith.muli %add3A_137, %mul3A_142 : i32
        "tpu.region"() ({
          %run_scoped3A = tpu.sem_alloc : memref<!tpu.dma_semaphore, #tpu.memory_space<semaphore_mem>>
          %dma_start3A_144 = arith.constant 0 : i32
          %dma_start3A_145 = tpu.memref_slice %arg5[%arg0, %mul3A_143, %dma_start3A_144] : memref<2x10000x128xf32, #tpu.memory_space<hbm>> -> memref<1x200x128xf32, #tpu.memory_space<hbm>>
          %dma_start3A_146 = tpu.memref_squeeze %dma_start3A_145 : memref<1x200x128xf32, #tpu.memory_space<hbm>> -> memref<200x128xf32, #tpu.memory_space<hbm>>
          %dma_start3A_147 = arith.constant 0 : i32
          %dma_start3A_148 = tpu.memref_slice %arg10[%mul3A_141, %dma_start3A_147] : memref<10000x128xf32, #tpu.memory_space<vmem_shared>> -> memref<200x128xf32, #tpu.memory_space<vmem_shared>>
          tpu.enqueue_dma source(%dma_start3A_148 : memref<200x128xf32, #tpu.memory_space<vmem_shared>>) target(%dma_start3A_146 : memref<200x128xf32, #tpu.memory_space<hbm>>) target_semaphore(%run_scoped3A : memref<!tpu.dma_semaphore, #tpu.memory_space<semaphore_mem>>)
          %dma_wait3A_149 = arith.constant 0 : i32
          %dma_wait3A_150 = tpu.memref_slice %arg5[%arg0, %mul3A_143, %dma_wait3A_149] : memref<2x10000x128xf32, #tpu.memory_space<hbm>> -> memref<1x200x128xf32, #tpu.memory_space<hbm>>
          %dma_wait3A_151 = tpu.memref_squeeze %dma_wait3A_150 : memref<1x200x128xf32, #tpu.memory_space<hbm>> -> memref<200x128xf32, #tpu.memory_space<hbm>>
          %dma_wait3A_152 = arith.constant 0 : i32
          %dma_wait3A_153 = tpu.memref_slice %arg10[%mul3A_141, %dma_wait3A_152] : memref<10000x128xf32, #tpu.memory_space<vmem_shared>> -> memref<200x128xf32, #tpu.memory_space<vmem_shared>>
          tpu.wait_dma2 semaphore(%run_scoped3A : memref<!tpu.dma_semaphore, #tpu.memory_space<semaphore_mem>>) src(%dma_wait3A_153 : memref<200x128xf32, #tpu.memory_space<vmem_shared>>) dst(%dma_wait3A_151 : memref<200x128xf32, #tpu.memory_space<hbm>>)
          tpu.yield
        }) : () -> ()
      } else {
      }
    }
    %scan3A_133 = arith.constant 4 : i32
    return
  }
}

#map = affine_map<(d0, d1) -> (0, 0)>
#map1 = affine_map<(d0, d1) -> (0)>
#map2 = affine_map<(d0, d1) -> (0, 0, 0)>
module attributes {stable_mosaic.version = 14 : i64} {
  func.func @_agg_body(%arg0: i32, %arg1: i32, %arg2: memref<10000x128xf32, #tpu.memory_space<hbm>>, %arg3: memref<320000xi32, #tpu.memory_space<hbm>>, %arg4: memref<320000xi32, #tpu.memory_space<hbm>>, %arg5: memref<2x10000x128xf32, #tpu.memory_space<hbm>>, %arg6: memref<3x80xi32, #tpu.memory_space<vmem>>, %arg7: memref<3x80xi32, #tpu.memory_space<vmem>>, %arg8: memref<2x80x128xf32, #tpu.memory_space<vmem>>, %arg9: memref<40x128xf32, #tpu.memory_space<vmem>>, %arg10: memref<10000x128xf32, #tpu.memory_space<vmem_shared>>, %arg11: memref<3x!tpu.dma_semaphore, #tpu.memory_space<semaphore_mem>>, %arg12: memref<3x!tpu.dma_semaphore, #tpu.memory_space<semaphore_mem>>, %arg13: memref<2x!tpu.dma_semaphore, #tpu.memory_space<semaphore_mem>>, %arg14: memref<2x!tpu.dma_semaphore, #tpu.memory_space<semaphore_mem>>) attributes {dimension_semantics = [#tpu.dimension_semantics<core_parallel>, #tpu.dimension_semantics<subcore_parallel>], iteration_bounds = array<i64: 2, 16>, scalar_prefetch = 0 : i64, scratch_operands = 9 : i64, tpu.core_type = #tpu.core_type<sc_vector_subcore>, window_params = [{transform_indices = #map}, {transform_indices = #map1}, {transform_indices = #map1}, {transform_indices = #map2}]} {
    %mul3A = arith.constant 16 : i32
    %mul3A_0 = arith.muli %arg0, %mul3A : i32
    %add3A = arith.addi %mul3A_0, %arg1 : i32
    %scan3A = arith.constant 0 : i32
    %scan3A_1 = arith.constant 0 : i32
    %scan3A_2 = arith.constant 320 : i32
    %scan3A_3 = arith.addi %scan3A_1, %scan3A_2 : i32
    %scan3A_4 = arith.constant 1 : i32
    scf.for %scan3A_134 = %scan3A_1 to %scan3A_3 step %scan3A_4  : i32 {
      %jit3A = arith.constant 8 : i32
      %div3A = arith.divsi %scan3A_134, %jit3A : i32
      %sign3A = arith.constant 0 : i32
      %sign3A_135 = arith.cmpi sgt, %scan3A_134, %sign3A : i32
      %sign3A_136 = arith.extui %sign3A_135 : i1 to i32
      %sign3A_137 = arith.constant 0 : i32
      %sign3A_138 = arith.cmpi slt, %scan3A_134, %sign3A_137 : i32
      %sign3A_139 = arith.extui %sign3A_138 : i1 to i32
      %sign3A_140 = arith.subi %sign3A_136, %sign3A_139 : i32
      %sign3A_141 = arith.constant 0 : i32
      %sign3A_142 = arith.cmpi sgt, %jit3A, %sign3A_141 : i32
      %sign3A_143 = arith.extui %sign3A_142 : i1 to i32
      %sign3A_144 = arith.constant 0 : i32
      %sign3A_145 = arith.cmpi slt, %jit3A, %sign3A_144 : i32
      %sign3A_146 = arith.extui %sign3A_145 : i1 to i32
      %sign3A_147 = arith.subi %sign3A_143, %sign3A_146 : i32
      %ne3A = arith.cmpi ne, %sign3A_140, %sign3A_147 : i32
      %rem3A = arith.remsi %scan3A_134, %jit3A : i32
      %ne3A_148 = arith.constant 0 : i32
      %ne3A_149 = arith.cmpi ne, %rem3A, %ne3A_148 : i32
      %and3A = arith.andi %ne3A, %ne3A_149 : i1
      %sub3A = arith.constant 1 : i32
      %sub3A_150 = arith.subi %div3A, %sub3A : i32
      %select_n3A = arith.select %and3A, %sub3A_150, %div3A : i32
      %jit3A_151 = arith.constant 8 : i32
      %eq3A = arith.constant 0 : i32
      %eq3A_152 = arith.cmpi eq, %jit3A_151, %eq3A : i32
      %jit3A_153 = arith.constant 1 : i32
      %select_n3A_154 = arith.select %eq3A_152, %jit3A_153, %jit3A_151 : i32
      %rem3A_155 = arith.remsi %scan3A_134, %select_n3A_154 : i32
      %ne3A_156 = arith.constant 0 : i32
      %ne3A_157 = arith.cmpi ne, %rem3A_155, %ne3A_156 : i32
      %lt3A = arith.constant 0 : i32
      %lt3A_158 = arith.cmpi slt, %rem3A_155, %lt3A : i32
      %lt3A_159 = arith.constant 0 : i32
      %lt3A_160 = arith.cmpi slt, %select_n3A_154, %lt3A_159 : i32
      %ne3A_161 = arith.xori %lt3A_158, %lt3A_160 : i1
      %and3A_162 = arith.andi %ne3A_161, %ne3A_157 : i1
      %add3A_163 = arith.addi %rem3A_155, %select_n3A_154 : i32
      %select_n3A_164 = arith.select %and3A_162, %add3A_163, %rem3A_155 : i32
      %mul3A_165 = arith.constant 16 : i32
      %mul3A_166 = arith.muli %select_n3A_164, %mul3A_165 : i32
      %broadcast_in_dim3A = arith.constant 0.000000e+00 : f32
      %broadcast_in_dim3A_167 = vector.broadcast %broadcast_in_dim3A : f32 to vector<16xf32>
      %swap3A = arith.index_cast %select_n3A : i32 to index
      %swap3A_168 = arith.index_cast %mul3A_166 : i32 to index
      %swap3A_169 = tpu.vector_load %arg9[%swap3A, %swap3A_168] {strides = array<i32>} : memref<40x128xf32, #tpu.memory_space<vmem>>, vector<1x16xf32>,
      %swap3A_170 = vector.shape_cast %swap3A_169 : vector<1x16xf32> to vector<16xf32>
      %swap3A_171 = vector.shape_cast %broadcast_in_dim3A_167 : vector<16xf32> to vector<1x16xf32>
      tpu.vector_store %arg9[%swap3A, %swap3A_168], %swap3A_171 {strides = array<i32>} : memref<40x128xf32, #tpu.memory_space<vmem>>, vector<1x16xf32>,
    }
    %scan3A_5 = arith.constant 320 : i32
    %scan3A_6 = arith.constant 0 : i32
    %scan3A_7 = arith.constant 0 : i32
    %scan3A_8 = arith.constant 4 : i32
    %scan3A_9 = arith.addi %scan3A_7, %scan3A_8 : i32
    %scan3A_10 = arith.constant 1 : i32
    scf.for %scan3A_134 = %scan3A_7 to %scan3A_9 step %scan3A_10  : i32 {
      %mul3A_135 = arith.constant 16 : i32
      %mul3A_136 = arith.muli %mul3A_135, %scan3A_134 : i32
      %add3A_137 = arith.addi %arg1, %mul3A_136 : i32
      %lt3A = arith.constant 50 : i32
      %lt3A_138 = arith.cmpi slt, %add3A_137, %lt3A : i32
      %convert_element_type3A = arith.extui %lt3A_138 : i1 to i32
      %cond3A = arith.constant 0 : i32
      %cond3A_139 = arith.cmpi ne, %convert_element_type3A, %cond3A : i32
      scf.if %cond3A_139 {
        %scan3A_140 = arith.constant 0 : i32
        %scan3A_141 = arith.constant 0 : i32
        %scan3A_142 = arith.constant 5 : i32
        %scan3A_143 = arith.addi %scan3A_141, %scan3A_142 : i32
        %scan3A_144 = arith.constant 1 : i32
        scf.for %scan3A_146 = %scan3A_141 to %scan3A_143 step %scan3A_144  : i32 {
          %mul3A_147 = arith.constant 200 : i32
          %mul3A_148 = arith.muli %add3A_137, %mul3A_147 : i32
          %mul3A_149 = arith.constant 40 : i32
          %mul3A_150 = arith.muli %scan3A_146, %mul3A_149 : i32
          %add3A_151 = arith.addi %mul3A_148, %mul3A_150 : i32
          "tpu.region"() ({
            %run_scoped3A = tpu.sem_alloc : memref<!tpu.dma_semaphore, #tpu.memory_space<semaphore_mem>>
            %dma_start3A_152 = arith.constant 0 : i32
            %dma_start3A_153 = tpu.memref_slice %arg10[%add3A_151, %dma_start3A_152] : memref<10000x128xf32, #tpu.memory_space<vmem_shared>> -> memref<40x128xf32, #tpu.memory_space<vmem_shared>>
            %dma_start3A_154 = arith.constant 0 : i32
            %dma_start3A_155 = tpu.memref_slice %arg10[%add3A_151, %dma_start3A_154] : memref<10000x128xf32, #tpu.memory_space<vmem_shared>> -> memref<40x128xf32, #tpu.memory_space<vmem_shared>>
            tpu.enqueue_dma source(%arg9 : memref<40x128xf32, #tpu.memory_space<vmem>>) target(%dma_start3A_155 : memref<40x128xf32, #tpu.memory_space<vmem_shared>>) target_semaphore(%run_scoped3A : memref<!tpu.dma_semaphore, #tpu.memory_space<semaphore_mem>>)
            %dma_wait3A_156 = arith.constant 0 : i32
            %dma_wait3A_157 = tpu.memref_slice %arg10[%add3A_151, %dma_wait3A_156] : memref<10000x128xf32, #tpu.memory_space<vmem_shared>> -> memref<40x128xf32, #tpu.memory_space<vmem_shared>>
            %dma_wait3A_158 = arith.constant 0 : i32
            %dma_wait3A_159 = tpu.memref_slice %arg10[%add3A_151, %dma_wait3A_158] : memref<10000x128xf32, #tpu.memory_space<vmem_shared>> -> memref<40x128xf32, #tpu.memory_space<vmem_shared>>
            tpu.wait_dma2 semaphore(%run_scoped3A : memref<!tpu.dma_semaphore, #tpu.memory_space<semaphore_mem>>) src(%arg9 : memref<40x128xf32, #tpu.memory_space<vmem>>) dst(%dma_wait3A_159 : memref<40x128xf32, #tpu.memory_space<vmem_shared>>)
            tpu.yield
          }) : () -> ()
        }
        %scan3A_145 = arith.constant 5 : i32
      } else {
      }
    }
    %scan3A_11 = arith.constant 4 : i32
    %mul3A_12 = arith.constant 10000 : i32
    %mul3A_13 = arith.muli %add3A, %mul3A_12 : i32
    %dma_start3A = arith.constant 0 : i32
    %dma_start3A_14 = arith.constant 0 : i32
    %dma_start3A_15 = arith.constant 0 : i32
    %dma_start3A_16 = tpu.memref_slice %arg6[%dma_start3A, %dma_start3A_15] : memref<3x80xi32, #tpu.memory_space<vmem>> -> memref<1x80xi32, #tpu.memory_space<vmem>>
    %dma_start3A_17 = tpu.memref_squeeze %dma_start3A_16 : memref<1x80xi32, #tpu.memory_space<vmem>> -> memref<80xi32, #tpu.memory_space<vmem>>
    %dma_start3A_18 = tpu.memref_slice %arg3[%mul3A_13] : memref<320000xi32, #tpu.memory_space<hbm>> -> memref<80xi32, #tpu.memory_space<hbm>>
    %dma_start3A_19 = tpu.memref_slice %arg11[%dma_start3A_14] : memref<3x!tpu.dma_semaphore, #tpu.memory_space<semaphore_mem>> -> memref<1x!tpu.dma_semaphore, #tpu.memory_space<semaphore_mem>>
    %dma_start3A_20 = tpu.memref_squeeze %dma_start3A_19 : memref<1x!tpu.dma_semaphore, #tpu.memory_space<semaphore_mem>> -> memref<!tpu.dma_semaphore, #tpu.memory_space<semaphore_mem>>
    %dma_start3A_21 = arith.constant 0 : i32
    %dma_start3A_22 = tpu.memref_slice %arg6[%dma_start3A, %dma_start3A_21] : memref<3x80xi32, #tpu.memory_space<vmem>> -> memref<1x80xi32, #tpu.memory_space<vmem>>
    %dma_start3A_23 = tpu.memref_squeeze %dma_start3A_22 : memref<1x80xi32, #tpu.memory_space<vmem>> -> memref<80xi32, #tpu.memory_space<vmem>>
    %dma_start3A_24 = tpu.memref_slice %arg3[%mul3A_13] : memref<320000xi32, #tpu.memory_space<hbm>> -> memref<80xi32, #tpu.memory_space<hbm>>
    tpu.enqueue_dma source(%dma_start3A_24 : memref<80xi32, #tpu.memory_space<hbm>>) target(%dma_start3A_23 : memref<80xi32, #tpu.memory_space<vmem>>) target_semaphore(%dma_start3A_20 : memref<!tpu.dma_semaphore, #tpu.memory_space<semaphore_mem>>)
    %dma_start3A_25 = arith.constant 0 : i32
    %dma_start3A_26 = arith.constant 0 : i32
    %dma_start3A_27 = arith.constant 0 : i32
    %dma_start3A_28 = tpu.memref_slice %arg7[%dma_start3A_25, %dma_start3A_27] : memref<3x80xi32, #tpu.memory_space<vmem>> -> memref<1x80xi32, #tpu.memory_space<vmem>>
    %dma_start3A_29 = tpu.memref_squeeze %dma_start3A_28 : memref<1x80xi32, #tpu.memory_space<vmem>> -> memref<80xi32, #tpu.memory_space<vmem>>
    %dma_start3A_30 = tpu.memref_slice %arg4[%mul3A_13] : memref<320000xi32, #tpu.memory_space<hbm>> -> memref<80xi32, #tpu.memory_space<hbm>>
    %dma_start3A_31 = tpu.memref_slice %arg12[%dma_start3A_26] : memref<3x!tpu.dma_semaphore, #tpu.memory_space<semaphore_mem>> -> memref<1x!tpu.dma_semaphore, #tpu.memory_space<semaphore_mem>>
    %dma_start3A_32 = tpu.memref_squeeze %dma_start3A_31 : memref<1x!tpu.dma_semaphore, #tpu.memory_space<semaphore_mem>> -> memref<!tpu.dma_semaphore, #tpu.memory_space<semaphore_mem>>
    %dma_start3A_33 = arith.constant 0 : i32
    %dma_start3A_34 = tpu.memref_slice %arg7[%dma_start3A_25, %dma_start3A_33] : memref<3x80xi32, #tpu.memory_space<vmem>> -> memref<1x80xi32, #tpu.memory_space<vmem>>
    %dma_start3A_35 = tpu.memref_squeeze %dma_start3A_34 : memref<1x80xi32, #tpu.memory_space<vmem>> -> memref<80xi32, #tpu.memory_space<vmem>>
    %dma_start3A_36 = tpu.memref_slice %arg4[%mul3A_13] : memref<320000xi32, #tpu.memory_space<hbm>> -> memref<80xi32, #tpu.memory_space<hbm>>
    tpu.enqueue_dma source(%dma_start3A_36 : memref<80xi32, #tpu.memory_space<hbm>>) target(%dma_start3A_35 : memref<80xi32, #tpu.memory_space<vmem>>) target_semaphore(%dma_start3A_32 : memref<!tpu.dma_semaphore, #tpu.memory_space<semaphore_mem>>)
    %dma_wait3A = arith.constant 0 : i32
    %dma_wait3A_37 = arith.constant 0 : i32
    %dma_wait3A_38 = arith.constant 0 : i32
    %dma_wait3A_39 = tpu.memref_slice %arg6[%dma_wait3A, %dma_wait3A_38] : memref<3x80xi32, #tpu.memory_space<vmem>> -> memref<1x80xi32, #tpu.memory_space<vmem>>
    %dma_wait3A_40 = tpu.memref_squeeze %dma_wait3A_39 : memref<1x80xi32, #tpu.memory_space<vmem>> -> memref<80xi32, #tpu.memory_space<vmem>>
    %dma_wait3A_41 = tpu.memref_slice %arg3[%mul3A_13] : memref<320000xi32, #tpu.memory_space<hbm>> -> memref<80xi32, #tpu.memory_space<hbm>>
    %dma_wait3A_42 = tpu.memref_slice %arg11[%dma_wait3A_37] : memref<3x!tpu.dma_semaphore, #tpu.memory_space<semaphore_mem>> -> memref<1x!tpu.dma_semaphore, #tpu.memory_space<semaphore_mem>>
    %dma_wait3A_43 = tpu.memref_squeeze %dma_wait3A_42 : memref<1x!tpu.dma_semaphore, #tpu.memory_space<semaphore_mem>> -> memref<!tpu.dma_semaphore, #tpu.memory_space<semaphore_mem>>
    %dma_wait3A_44 = arith.constant 0 : i32
    %dma_wait3A_45 = tpu.memref_slice %arg6[%dma_wait3A, %dma_wait3A_44] : memref<3x80xi32, #tpu.memory_space<vmem>> -> memref<1x80xi32, #tpu.memory_space<vmem>>
    %dma_wait3A_46 = tpu.memref_squeeze %dma_wait3A_45 : memref<1x80xi32, #tpu.memory_space<vmem>> -> memref<80xi32, #tpu.memory_space<vmem>>
    %dma_wait3A_47 = tpu.memref_slice %arg3[%mul3A_13] : memref<320000xi32, #tpu.memory_space<hbm>> -> memref<80xi32, #tpu.memory_space<hbm>>
    tpu.wait_dma2 semaphore(%dma_wait3A_43 : memref<!tpu.dma_semaphore, #tpu.memory_space<semaphore_mem>>) src(%dma_wait3A_47 : memref<80xi32, #tpu.memory_space<hbm>>) dst(%dma_wait3A_46 : memref<80xi32, #tpu.memory_space<vmem>>)
    %dma_start3A_48 = arith.constant 0 : i32
    %dma_start3A_49 = arith.constant 0 : i32
    %dma_start3A_50 = arith.constant 0 : i32
    %dma_start3A_51 = arith.constant 0 : i32
    %dma_start3A_52 = arith.constant 0 : i32
    %dma_start3A_53 = tpu.memref_slice %arg8[%dma_start3A_49, %dma_start3A_51, %dma_start3A_52] : memref<2x80x128xf32, #tpu.memory_space<vmem>> -> memref<1x80x128xf32, #tpu.memory_space<vmem>>
    %dma_start3A_54 = tpu.memref_squeeze %dma_start3A_53 : memref<1x80x128xf32, #tpu.memory_space<vmem>> -> memref<80x128xf32, #tpu.memory_space<vmem>>
    %dma_start3A_55 = arith.constant 0 : i32
    %dma_start3A_56 = tpu.memref_slice %arg6[%dma_start3A_48, %dma_start3A_55] : memref<3x80xi32, #tpu.memory_space<vmem>> -> memref<1x80xi32, #tpu.memory_space<vmem>>
    %dma_start3A_57 = tpu.memref_squeeze %dma_start3A_56 : memref<1x80xi32, #tpu.memory_space<vmem>> -> memref<80xi32, #tpu.memory_space<vmem>>
    %dma_start3A_58 = arith.constant 0 : i32
    %dma_start3A_59 = arith.constant 0 : i32
    %dma_start3A_60 = tpu.memref_slice %arg2[%dma_start3A_58, %dma_start3A_59] : memref<10000x128xf32, #tpu.memory_space<hbm>> -> memref<10000x128xf32, #tpu.memory_space<hbm>>
    %dma_start3A_61 = tpu.memref_slice %arg13[%dma_start3A_50] : memref<2x!tpu.dma_semaphore, #tpu.memory_space<semaphore_mem>> -> memref<1x!tpu.dma_semaphore, #tpu.memory_space<semaphore_mem>>
    %dma_start3A_62 = tpu.memref_squeeze %dma_start3A_61 : memref<1x!tpu.dma_semaphore, #tpu.memory_space<semaphore_mem>> -> memref<!tpu.dma_semaphore, #tpu.memory_space<semaphore_mem>>
    tpu.enqueue_indirect_dma source(%dma_start3A_60 : memref<10000x128xf32, #tpu.memory_space<hbm>>) target(%dma_start3A_54 : memref<80x128xf32, #tpu.memory_space<vmem>>) offsets(%dma_start3A_57 : memref<80xi32, #tpu.memory_space<vmem>>) semaphore(%dma_start3A_62 : memref<!tpu.dma_semaphore, #tpu.memory_space<semaphore_mem>>)
    %add3A_63 = arith.constant 80 : i32
    %add3A_64 = arith.addi %mul3A_13, %add3A_63 : i32
    %dma_start3A_65 = arith.constant 1 : i32
    %dma_start3A_66 = arith.constant 1 : i32
    %dma_start3A_67 = arith.constant 0 : i32
    %dma_start3A_68 = tpu.memref_slice %arg6[%dma_start3A_65, %dma_start3A_67] : memref<3x80xi32, #tpu.memory_space<vmem>> -> memref<1x80xi32, #tpu.memory_space<vmem>>
    %dma_start3A_69 = tpu.memref_squeeze %dma_start3A_68 : memref<1x80xi32, #tpu.memory_space<vmem>> -> memref<80xi32, #tpu.memory_space<vmem>>
    %dma_start3A_70 = tpu.memref_slice %arg3[%add3A_64] : memref<320000xi32, #tpu.memory_space<hbm>> -> memref<80xi32, #tpu.memory_space<hbm>>
    %dma_start3A_71 = tpu.memref_slice %arg11[%dma_start3A_66] : memref<3x!tpu.dma_semaphore, #tpu.memory_space<semaphore_mem>> -> memref<1x!tpu.dma_semaphore, #tpu.memory_space<semaphore_mem>>
    %dma_start3A_72 = tpu.memref_squeeze %dma_start3A_71 : memref<1x!tpu.dma_semaphore, #tpu.memory_space<semaphore_mem>> -> memref<!tpu.dma_semaphore, #tpu.memory_space<semaphore_mem>>
    %dma_start3A_73 = arith.constant 0 : i32
    %dma_start3A_74 = tpu.memref_slice %arg6[%dma_start3A_65, %dma_start3A_73] : memref<3x80xi32, #tpu.memory_space<vmem>> -> memref<1x80xi32, #tpu.memory_space<vmem>>
    %dma_start3A_75 = tpu.memref_squeeze %dma_start3A_74 : memref<1x80xi32, #tpu.memory_space<vmem>> -> memref<80xi32, #tpu.memory_space<vmem>>
    %dma_start3A_76 = tpu.memref_slice %arg3[%add3A_64] : memref<320000xi32, #tpu.memory_space<hbm>> -> memref<80xi32, #tpu.memory_space<hbm>>
    tpu.enqueue_dma source(%dma_start3A_76 : memref<80xi32, #tpu.memory_space<hbm>>) target(%dma_start3A_75 : memref<80xi32, #tpu.memory_space<vmem>>) target_semaphore(%dma_start3A_72 : memref<!tpu.dma_semaphore, #tpu.memory_space<semaphore_mem>>)
    %add3A_77 = arith.constant 80 : i32
    %add3A_78 = arith.addi %mul3A_13, %add3A_77 : i32
    %dma_start3A_79 = arith.constant 1 : i32
    %dma_start3A_80 = arith.constant 1 : i32
    %dma_start3A_81 = arith.constant 0 : i32
    %dma_start3A_82 = tpu.memref_slice %arg7[%dma_start3A_79, %dma_start3A_81] : memref<3x80xi32, #tpu.memory_space<vmem>> -> memref<1x80xi32, #tpu.memory_space<vmem>>
    %dma_start3A_83 = tpu.memref_squeeze %dma_start3A_82 : memref<1x80xi32, #tpu.memory_space<vmem>> -> memref<80xi32, #tpu.memory_space<vmem>>
    %dma_start3A_84 = tpu.memref_slice %arg4[%add3A_78] : memref<320000xi32, #tpu.memory_space<hbm>> -> memref<80xi32, #tpu.memory_space<hbm>>
    %dma_start3A_85 = tpu.memref_slice %arg12[%dma_start3A_80] : memref<3x!tpu.dma_semaphore, #tpu.memory_space<semaphore_mem>> -> memref<1x!tpu.dma_semaphore, #tpu.memory_space<semaphore_mem>>
    %dma_start3A_86 = tpu.memref_squeeze %dma_start3A_85 : memref<1x!tpu.dma_semaphore, #tpu.memory_space<semaphore_mem>> -> memref<!tpu.dma_semaphore, #tpu.memory_space<semaphore_mem>>
    %dma_start3A_87 = arith.constant 0 : i32
    %dma_start3A_88 = tpu.memref_slice %arg7[%dma_start3A_79, %dma_start3A_87] : memref<3x80xi32, #tpu.memory_space<vmem>> -> memref<1x80xi32, #tpu.memory_space<vmem>>
    %dma_start3A_89 = tpu.memref_squeeze %dma_start3A_88 : memref<1x80xi32, #tpu.memory_space<vmem>> -> memref<80xi32, #tpu.memory_space<vmem>>
    %dma_start3A_90 = tpu.memref_slice %arg4[%add3A_78] : memref<320000xi32, #tpu.memory_space<hbm>> -> memref<80xi32, #tpu.memory_space<hbm>>
    tpu.enqueue_dma source(%dma_start3A_90 : memref<80xi32, #tpu.memory_space<hbm>>) target(%dma_start3A_89 : memref<80xi32, #tpu.memory_space<vmem>>) target_semaphore(%dma_start3A_86 : memref<!tpu.dma_semaphore, #tpu.memory_space<semaphore_mem>>)
    %barrier3A = arith.constant 0 : index
    tpu.barrier barrier_id(%barrier3A)
    %scan3A_91 = arith.constant 0 : i32
    %scan3A_92 = arith.constant 0 : i32
    %scan3A_93 = arith.constant 125 : i32
    %scan3A_94 = arith.addi %scan3A_92, %scan3A_93 : i32
    %scan3A_95 = arith.constant 1 : i32
    scf.for %scan3A_134 = %scan3A_92 to %scan3A_94 step %scan3A_95  : i32 {
      %rem3A = arith.constant 3 : i32
      %rem3A_135 = arith.remsi %scan3A_134, %rem3A : i32
      %rem3A_136 = arith.constant 2 : i32
      %rem3A_137 = arith.remsi %scan3A_134, %rem3A_136 : i32
      %add3A_138 = arith.constant 1 : i32
      %add3A_139 = arith.addi %scan3A_134, %add3A_138 : i32
      %rem3A_140 = arith.constant 3 : i32
      %rem3A_141 = arith.remsi %add3A_139, %rem3A_140 : i32
      %rem3A_142 = arith.constant 2 : i32
      %rem3A_143 = arith.remsi %add3A_139, %rem3A_142 : i32
      %lt3A = arith.constant 125 : i32
      %lt3A_144 = arith.cmpi slt, %add3A_139, %lt3A : i32
      %convert_element_type3A = arith.extui %lt3A_144 : i1 to i32
      %cond3A = arith.constant 0 : i32
      %cond3A_145 = arith.cmpi ne, %convert_element_type3A, %cond3A : i32
      scf.if %cond3A_145 {
        %mul3A_190 = arith.constant 80 : i32
        %mul3A_191 = arith.muli %add3A_139, %mul3A_190 : i32
        %add3A_192 = arith.addi %mul3A_13, %mul3A_191 : i32
        %dma_wait3A_193 = arith.constant 0 : i32
        %dma_wait3A_194 = tpu.memref_slice %arg6[%rem3A_141, %dma_wait3A_193] : memref<3x80xi32, #tpu.memory_space<vmem>> -> memref<1x80xi32, #tpu.memory_space<vmem>>
        %dma_wait3A_195 = tpu.memref_squeeze %dma_wait3A_194 : memref<1x80xi32, #tpu.memory_space<vmem>> -> memref<80xi32, #tpu.memory_space<vmem>>
        %dma_wait3A_196 = tpu.memref_slice %arg3[%add3A_192] : memref<320000xi32, #tpu.memory_space<hbm>> -> memref<80xi32, #tpu.memory_space<hbm>>
        %dma_wait3A_197 = tpu.memref_slice %arg11[%rem3A_141] : memref<3x!tpu.dma_semaphore, #tpu.memory_space<semaphore_mem>> -> memref<1x!tpu.dma_semaphore, #tpu.memory_space<semaphore_mem>>
        %dma_wait3A_198 = tpu.memref_squeeze %dma_wait3A_197 : memref<1x!tpu.dma_semaphore, #tpu.memory_space<semaphore_mem>> -> memref<!tpu.dma_semaphore, #tpu.memory_space<semaphore_mem>>
        %dma_wait3A_199 = arith.constant 0 : i32
        %dma_wait3A_200 = tpu.memref_slice %arg6[%rem3A_141, %dma_wait3A_199] : memref<3x80xi32, #tpu.memory_space<vmem>> -> memref<1x80xi32, #tpu.memory_space<vmem>>
        %dma_wait3A_201 = tpu.memref_squeeze %dma_wait3A_200 : memref<1x80xi32, #tpu.memory_space<vmem>> -> memref<80xi32, #tpu.memory_space<vmem>>
        %dma_wait3A_202 = tpu.memref_slice %arg3[%add3A_192] : memref<320000xi32, #tpu.memory_space<hbm>> -> memref<80xi32, #tpu.memory_space<hbm>>
        tpu.wait_dma2 semaphore(%dma_wait3A_198 : memref<!tpu.dma_semaphore, #tpu.memory_space<semaphore_mem>>) src(%dma_wait3A_202 : memref<80xi32, #tpu.memory_space<hbm>>) dst(%dma_wait3A_201 : memref<80xi32, #tpu.memory_space<vmem>>)
        %ge3A = arith.constant 1 : i32
        %ge3A_203 = arith.cmpi sge, %scan3A_134, %ge3A : i32
        %convert_element_type3A_204 = arith.extui %ge3A_203 : i1 to i32
        %cond3A_205 = arith.constant 0 : i32
        %cond3A_206 = arith.cmpi ne, %convert_element_type3A_204, %cond3A_205 : i32
        scf.if %cond3A_206 {
          %add3A_219 = arith.constant 2 : i32
          %add3A_220 = arith.addi %scan3A_134, %add3A_219 : i32
          %rem3A_221 = arith.constant 3 : i32
          %rem3A_222 = arith.remsi %add3A_220, %rem3A_221 : i32
          %dma_wait3A_223 = arith.constant 0 : i32
          %dma_wait3A_224 = arith.constant 0 : i32
          %dma_wait3A_225 = tpu.memref_slice %arg8[%rem3A_143, %dma_wait3A_223, %dma_wait3A_224] : memref<2x80x128xf32, #tpu.memory_space<vmem>> -> memref<1x80x128xf32, #tpu.memory_space<vmem>>
          %dma_wait3A_226 = tpu.memref_squeeze %dma_wait3A_225 : memref<1x80x128xf32, #tpu.memory_space<vmem>> -> memref<80x128xf32, #tpu.memory_space<vmem>>
          %dma_wait3A_227 = arith.constant 0 : i32
          %dma_wait3A_228 = tpu.memref_slice %arg7[%rem3A_222, %dma_wait3A_227] : memref<3x80xi32, #tpu.memory_space<vmem>> -> memref<1x80xi32, #tpu.memory_space<vmem>>
          %dma_wait3A_229 = tpu.memref_squeeze %dma_wait3A_228 : memref<1x80xi32, #tpu.memory_space<vmem>> -> memref<80xi32, #tpu.memory_space<vmem>>
          %dma_wait3A_230 = arith.constant 0 : i32
          %dma_wait3A_231 = arith.constant 0 : i32
          %dma_wait3A_232 = tpu.memref_slice %arg10[%dma_wait3A_230, %dma_wait3A_231] : memref<10000x128xf32, #tpu.memory_space<vmem_shared>> -> memref<10000x128xf32, #tpu.memory_space<vmem_shared>>
          %dma_wait3A_233 = tpu.memref_slice %arg14[%rem3A_143] : memref<2x!tpu.dma_semaphore, #tpu.memory_space<semaphore_mem>> -> memref<1x!tpu.dma_semaphore, #tpu.memory_space<semaphore_mem>>
          %dma_wait3A_234 = tpu.memref_squeeze %dma_wait3A_233 : memref<1x!tpu.dma_semaphore, #tpu.memory_space<semaphore_mem>> -> memref<!tpu.dma_semaphore, #tpu.memory_space<semaphore_mem>>
          tpu.wait_indirect_dma semaphore(%dma_wait3A_234 : memref<!tpu.dma_semaphore, #tpu.memory_space<semaphore_mem>>) src(%dma_wait3A_226 : memref<80x128xf32, #tpu.memory_space<vmem>>) dst(%dma_wait3A_232 : memref<10000x128xf32, #tpu.memory_space<vmem_shared>>)
        } else {
        }
        %dma_start3A_207 = arith.constant 0 : i32
        %dma_start3A_208 = arith.constant 0 : i32
        %dma_start3A_209 = tpu.memref_slice %arg8[%rem3A_143, %dma_start3A_207, %dma_start3A_208] : memref<2x80x128xf32, #tpu.memory_space<vmem>> -> memref<1x80x128xf32, #tpu.memory_space<vmem>>
        %dma_start3A_210 = tpu.memref_squeeze %dma_start3A_209 : memref<1x80x128xf32, #tpu.memory_space<vmem>> -> memref<80x128xf32, #tpu.memory_space<vmem>>
        %dma_start3A_211 = arith.constant 0 : i32
        %dma_start3A_212 = tpu.memref_slice %arg6[%rem3A_141, %dma_start3A_211] : memref<3x80xi32, #tpu.memory_space<vmem>> -> memref<1x80xi32, #tpu.memory_space<vmem>>
        %dma_start3A_213 = tpu.memref_squeeze %dma_start3A_212 : memref<1x80xi32, #tpu.memory_space<vmem>> -> memref<80xi32, #tpu.memory_space<vmem>>
        %dma_start3A_214 = arith.constant 0 : i32
        %dma_start3A_215 = arith.constant 0 : i32
        %dma_start3A_216 = tpu.memref_slice %arg2[%dma_start3A_214, %dma_start3A_215] : memref<10000x128xf32, #tpu.memory_space<hbm>> -> memref<10000x128xf32, #tpu.memory_space<hbm>>
        %dma_start3A_217 = tpu.memref_slice %arg13[%rem3A_143] : memref<2x!tpu.dma_semaphore, #tpu.memory_space<semaphore_mem>> -> memref<1x!tpu.dma_semaphore, #tpu.memory_space<semaphore_mem>>
        %dma_start3A_218 = tpu.memref_squeeze %dma_start3A_217 : memref<1x!tpu.dma_semaphore, #tpu.memory_space<semaphore_mem>> -> memref<!tpu.dma_semaphore, #tpu.memory_space<semaphore_mem>>
        tpu.enqueue_indirect_dma source(%dma_start3A_216 : memref<10000x128xf32, #tpu.memory_space<hbm>>) target(%dma_start3A_210 : memref<80x128xf32, #tpu.memory_space<vmem>>) offsets(%dma_start3A_213 : memref<80xi32, #tpu.memory_space<vmem>>) semaphore(%dma_start3A_218 : memref<!tpu.dma_semaphore, #tpu.memory_space<semaphore_mem>>)
      } else {
      }
      %add3A_146 = arith.constant 2 : i32
      %add3A_147 = arith.addi %scan3A_134, %add3A_146 : i32
      %lt3A_148 = arith.constant 125 : i32
      %lt3A_149 = arith.cmpi slt, %add3A_147, %lt3A_148 : i32
      %convert_element_type3A_150 = arith.extui %lt3A_149 : i1 to i32
      %cond3A_151 = arith.constant 0 : i32
      %cond3A_152 = arith.cmpi ne, %convert_element_type3A_150, %cond3A_151 : i32
      scf.if %cond3A_152 {
        %rem3A_190 = arith.constant 3 : i32
        %rem3A_191 = arith.remsi %add3A_147, %rem3A_190 : i32
        %mul3A_192 = arith.constant 80 : i32
        %mul3A_193 = arith.muli %add3A_147, %mul3A_192 : i32
        %add3A_194 = arith.addi %mul3A_13, %mul3A_193 : i32
        %dma_start3A_195 = arith.constant 0 : i32
        %dma_start3A_196 = tpu.memref_slice %arg6[%rem3A_191, %dma_start3A_195] : memref<3x80xi32, #tpu.memory_space<vmem>> -> memref<1x80xi32, #tpu.memory_space<vmem>>
        %dma_start3A_197 = tpu.memref_squeeze %dma_start3A_196 : memref<1x80xi32, #tpu.memory_space<vmem>> -> memref<80xi32, #tpu.memory_space<vmem>>
        %dma_start3A_198 = tpu.memref_slice %arg3[%add3A_194] : memref<320000xi32, #tpu.memory_space<hbm>> -> memref<80xi32, #tpu.memory_space<hbm>>
        %dma_start3A_199 = tpu.memref_slice %arg11[%rem3A_191] : memref<3x!tpu.dma_semaphore, #tpu.memory_space<semaphore_mem>> -> memref<1x!tpu.dma_semaphore, #tpu.memory_space<semaphore_mem>>
        %dma_start3A_200 = tpu.memref_squeeze %dma_start3A_199 : memref<1x!tpu.dma_semaphore, #tpu.memory_space<semaphore_mem>> -> memref<!tpu.dma_semaphore, #tpu.memory_space<semaphore_mem>>
        %dma_start3A_201 = arith.constant 0 : i32
        %dma_start3A_202 = tpu.memref_slice %arg6[%rem3A_191, %dma_start3A_201] : memref<3x80xi32, #tpu.memory_space<vmem>> -> memref<1x80xi32, #tpu.memory_space<vmem>>
        %dma_start3A_203 = tpu.memref_squeeze %dma_start3A_202 : memref<1x80xi32, #tpu.memory_space<vmem>> -> memref<80xi32, #tpu.memory_space<vmem>>
        %dma_start3A_204 = tpu.memref_slice %arg3[%add3A_194] : memref<320000xi32, #tpu.memory_space<hbm>> -> memref<80xi32, #tpu.memory_space<hbm>>
        tpu.enqueue_dma source(%dma_start3A_204 : memref<80xi32, #tpu.memory_space<hbm>>) target(%dma_start3A_203 : memref<80xi32, #tpu.memory_space<vmem>>) target_semaphore(%dma_start3A_200 : memref<!tpu.dma_semaphore, #tpu.memory_space<semaphore_mem>>)
        %mul3A_205 = arith.constant 80 : i32
        %mul3A_206 = arith.muli %add3A_147, %mul3A_205 : i32
        %add3A_207 = arith.addi %mul3A_13, %mul3A_206 : i32
        %dma_start3A_208 = arith.constant 0 : i32
        %dma_start3A_209 = tpu.memref_slice %arg7[%rem3A_191, %dma_start3A_208] : memref<3x80xi32, #tpu.memory_space<vmem>> -> memref<1x80xi32, #tpu.memory_space<vmem>>
        %dma_start3A_210 = tpu.memref_squeeze %dma_start3A_209 : memref<1x80xi32, #tpu.memory_space<vmem>> -> memref<80xi32, #tpu.memory_space<vmem>>
        %dma_start3A_211 = tpu.memref_slice %arg4[%add3A_207] : memref<320000xi32, #tpu.memory_space<hbm>> -> memref<80xi32, #tpu.memory_space<hbm>>
        %dma_start3A_212 = tpu.memref_slice %arg12[%rem3A_191] : memref<3x!tpu.dma_semaphore, #tpu.memory_space<semaphore_mem>> -> memref<1x!tpu.dma_semaphore, #tpu.memory_space<semaphore_mem>>
        %dma_start3A_213 = tpu.memref_squeeze %dma_start3A_212 : memref<1x!tpu.dma_semaphore, #tpu.memory_space<semaphore_mem>> -> memref<!tpu.dma_semaphore, #tpu.memory_space<semaphore_mem>>
        %dma_start3A_214 = arith.constant 0 : i32
        %dma_start3A_215 = tpu.memref_slice %arg7[%rem3A_191, %dma_start3A_214] : memref<3x80xi32, #tpu.memory_space<vmem>> -> memref<1x80xi32, #tpu.memory_space<vmem>>
        %dma_start3A_216 = tpu.memref_squeeze %dma_start3A_215 : memref<1x80xi32, #tpu.memory_space<vmem>> -> memref<80xi32, #tpu.memory_space<vmem>>
        %dma_start3A_217 = tpu.memref_slice %arg4[%add3A_207] : memref<320000xi32, #tpu.memory_space<hbm>> -> memref<80xi32, #tpu.memory_space<hbm>>
        tpu.enqueue_dma source(%dma_start3A_217 : memref<80xi32, #tpu.memory_space<hbm>>) target(%dma_start3A_216 : memref<80xi32, #tpu.memory_space<vmem>>) target_semaphore(%dma_start3A_213 : memref<!tpu.dma_semaphore, #tpu.memory_space<semaphore_mem>>)
      } else {
      }
      %dma_wait3A_153 = arith.constant 0 : i32
      %dma_wait3A_154 = arith.constant 0 : i32
      %dma_wait3A_155 = tpu.memref_slice %arg8[%rem3A_137, %dma_wait3A_153, %dma_wait3A_154] : memref<2x80x128xf32, #tpu.memory_space<vmem>> -> memref<1x80x128xf32, #tpu.memory_space<vmem>>
      %dma_wait3A_156 = tpu.memref_squeeze %dma_wait3A_155 : memref<1x80x128xf32, #tpu.memory_space<vmem>> -> memref<80x128xf32, #tpu.memory_space<vmem>>
      %dma_wait3A_157 = arith.constant 0 : i32
      %dma_wait3A_158 = tpu.memref_slice %arg6[%rem3A_135, %dma_wait3A_157] : memref<3x80xi32, #tpu.memory_space<vmem>> -> memref<1x80xi32, #tpu.memory_space<vmem>>
      %dma_wait3A_159 = tpu.memref_squeeze %dma_wait3A_158 : memref<1x80xi32, #tpu.memory_space<vmem>> -> memref<80xi32, #tpu.memory_space<vmem>>
      %dma_wait3A_160 = arith.constant 0 : i32
      %dma_wait3A_161 = arith.constant 0 : i32
      %dma_wait3A_162 = tpu.memref_slice %arg2[%dma_wait3A_160, %dma_wait3A_161] : memref<10000x128xf32, #tpu.memory_space<hbm>> -> memref<10000x128xf32, #tpu.memory_space<hbm>>
      %dma_wait3A_163 = tpu.memref_slice %arg13[%rem3A_137] : memref<2x!tpu.dma_semaphore, #tpu.memory_space<semaphore_mem>> -> memref<1x!tpu.dma_semaphore, #tpu.memory_space<semaphore_mem>>
      %dma_wait3A_164 = tpu.memref_squeeze %dma_wait3A_163 : memref<1x!tpu.dma_semaphore, #tpu.memory_space<semaphore_mem>> -> memref<!tpu.dma_semaphore, #tpu.memory_space<semaphore_mem>>
      tpu.wait_indirect_dma semaphore(%dma_wait3A_164 : memref<!tpu.dma_semaphore, #tpu.memory_space<semaphore_mem>>) src(%dma_wait3A_162 : memref<10000x128xf32, #tpu.memory_space<hbm>>) dst(%dma_wait3A_156 : memref<80x128xf32, #tpu.memory_space<vmem>>)
      %mul3A_165 = arith.constant 80 : i32
      %mul3A_166 = arith.muli %scan3A_134, %mul3A_165 : i32
      %add3A_167 = arith.addi %mul3A_13, %mul3A_166 : i32
      %dma_wait3A_168 = arith.constant 0 : i32
      %dma_wait3A_169 = tpu.memref_slice %arg7[%rem3A_135, %dma_wait3A_168] : memref<3x80xi32, #tpu.memory_space<vmem>> -> memref<1x80xi32, #tpu.memory_space<vmem>>
      %dma_wait3A_170 = tpu.memref_squeeze %dma_wait3A_169 : memref<1x80xi32, #tpu.memory_space<vmem>> -> memref<80xi32, #tpu.memory_space<vmem>>
      %dma_wait3A_171 = tpu.memref_slice %arg4[%add3A_167] : memref<320000xi32, #tpu.memory_space<hbm>> -> memref<80xi32, #tpu.memory_space<hbm>>
      %dma_wait3A_172 = tpu.memref_slice %arg12[%rem3A_135] : memref<3x!tpu.dma_semaphore, #tpu.memory_space<semaphore_mem>> -> memref<1x!tpu.dma_semaphore, #tpu.memory_space<semaphore_mem>>
      %dma_wait3A_173 = tpu.memref_squeeze %dma_wait3A_172 : memref<1x!tpu.dma_semaphore, #tpu.memory_space<semaphore_mem>> -> memref<!tpu.dma_semaphore, #tpu.memory_space<semaphore_mem>>
      %dma_wait3A_174 = arith.constant 0 : i32
      %dma_wait3A_175 = tpu.memref_slice %arg7[%rem3A_135, %dma_wait3A_174] : memref<3x80xi32, #tpu.memory_space<vmem>> -> memref<1x80xi32, #tpu.memory_space<vmem>>
      %dma_wait3A_176 = tpu.memref_squeeze %dma_wait3A_175 : memref<1x80xi32, #tpu.memory_space<vmem>> -> memref<80xi32, #tpu.memory_space<vmem>>
      %dma_wait3A_177 = tpu.memref_slice %arg4[%add3A_167] : memref<320000xi32, #tpu.memory_space<hbm>> -> memref<80xi32, #tpu.memory_space<hbm>>
      tpu.wait_dma2 semaphore(%dma_wait3A_173 : memref<!tpu.dma_semaphore, #tpu.memory_space<semaphore_mem>>) src(%dma_wait3A_177 : memref<80xi32, #tpu.memory_space<hbm>>) dst(%dma_wait3A_176 : memref<80xi32, #tpu.memory_space<vmem>>)
      %dma_start3A_178 = arith.constant 0 : i32
      %dma_start3A_179 = arith.constant 0 : i32
      %dma_start3A_180 = tpu.memref_slice %arg8[%rem3A_137, %dma_start3A_178, %dma_start3A_179] : memref<2x80x128xf32, #tpu.memory_space<vmem>> -> memref<1x80x128xf32, #tpu.memory_space<vmem>>
      %dma_start3A_181 = tpu.memref_squeeze %dma_start3A_180 : memref<1x80x128xf32, #tpu.memory_space<vmem>> -> memref<80x128xf32, #tpu.memory_space<vmem>>
      %dma_start3A_182 = arith.constant 0 : i32
      %dma_start3A_183 = tpu.memref_slice %arg7[%rem3A_135, %dma_start3A_182] : memref<3x80xi32, #tpu.memory_space<vmem>> -> memref<1x80xi32, #tpu.memory_space<vmem>>
      %dma_start3A_184 = tpu.memref_squeeze %dma_start3A_183 : memref<1x80xi32, #tpu.memory_space<vmem>> -> memref<80xi32, #tpu.memory_space<vmem>>
      %dma_start3A_185 = arith.constant 0 : i32
      %dma_start3A_186 = arith.constant 0 : i32
      %dma_start3A_187 = tpu.memref_slice %arg10[%dma_start3A_185, %dma_start3A_186] : memref<10000x128xf32, #tpu.memory_space<vmem_shared>> -> memref<10000x128xf32, #tpu.memory_space<vmem_shared>>
      %dma_start3A_188 = tpu.memref_slice %arg14[%rem3A_137] : memref<2x!tpu.dma_semaphore, #tpu.memory_space<semaphore_mem>> -> memref<1x!tpu.dma_semaphore, #tpu.memory_space<semaphore_mem>>
      %dma_start3A_189 = tpu.memref_squeeze %dma_start3A_188 : memref<1x!tpu.dma_semaphore, #tpu.memory_space<semaphore_mem>> -> memref<!tpu.dma_semaphore, #tpu.memory_space<semaphore_mem>>
      tpu.enqueue_indirect_dma source(%dma_start3A_181 : memref<80x128xf32, #tpu.memory_space<vmem>>) target(%dma_start3A_187 : memref<10000x128xf32, #tpu.memory_space<vmem_shared>>) offsets(%dma_start3A_184 : memref<80xi32, #tpu.memory_space<vmem>>) semaphore(%dma_start3A_189 : memref<!tpu.dma_semaphore, #tpu.memory_space<semaphore_mem>>) {add = true}
    }
    %scan3A_96 = arith.constant 125 : i32
    %dma_wait3A_97 = arith.constant 1 : i32
    %dma_wait3A_98 = arith.constant 0 : i32
    %dma_wait3A_99 = arith.constant 1 : i32
    %dma_wait3A_100 = arith.constant 0 : i32
    %dma_wait3A_101 = arith.constant 0 : i32
    %dma_wait3A_102 = tpu.memref_slice %arg8[%dma_wait3A_97, %dma_wait3A_100, %dma_wait3A_101] : memref<2x80x128xf32, #tpu.memory_space<vmem>> -> memref<1x80x128xf32, #tpu.memory_space<vmem>>
    %dma_wait3A_103 = tpu.memref_squeeze %dma_wait3A_102 : memref<1x80x128xf32, #tpu.memory_space<vmem>> -> memref<80x128xf32, #tpu.memory_space<vmem>>
    %dma_wait3A_104 = arith.constant 0 : i32
    %dma_wait3A_105 = tpu.memref_slice %arg7[%dma_wait3A_98, %dma_wait3A_104] : memref<3x80xi32, #tpu.memory_space<vmem>> -> memref<1x80xi32, #tpu.memory_space<vmem>>
    %dma_wait3A_106 = tpu.memref_squeeze %dma_wait3A_105 : memref<1x80xi32, #tpu.memory_space<vmem>> -> memref<80xi32, #tpu.memory_space<vmem>>
    %dma_wait3A_107 = arith.constant 0 : i32
    %dma_wait3A_108 = arith.constant 0 : i32
    %dma_wait3A_109 = tpu.memref_slice %arg10[%dma_wait3A_107, %dma_wait3A_108] : memref<10000x128xf32, #tpu.memory_space<vmem_shared>> -> memref<10000x128xf32, #tpu.memory_space<vmem_shared>>
    %dma_wait3A_110 = tpu.memref_slice %arg14[%dma_wait3A_99] : memref<2x!tpu.dma_semaphore, #tpu.memory_space<semaphore_mem>> -> memref<1x!tpu.dma_semaphore, #tpu.memory_space<semaphore_mem>>
    %dma_wait3A_111 = tpu.memref_squeeze %dma_wait3A_110 : memref<1x!tpu.dma_semaphore, #tpu.memory_space<semaphore_mem>> -> memref<!tpu.dma_semaphore, #tpu.memory_space<semaphore_mem>>
    tpu.wait_indirect_dma semaphore(%dma_wait3A_111 : memref<!tpu.dma_semaphore, #tpu.memory_space<semaphore_mem>>) src(%dma_wait3A_103 : memref<80x128xf32, #tpu.memory_space<vmem>>) dst(%dma_wait3A_109 : memref<10000x128xf32, #tpu.memory_space<vmem_shared>>)
    %dma_wait3A_112 = arith.constant 0 : i32
    %dma_wait3A_113 = arith.constant 1 : i32
    %dma_wait3A_114 = arith.constant 0 : i32
    %dma_wait3A_115 = arith.constant 0 : i32
    %dma_wait3A_116 = arith.constant 0 : i32
    %dma_wait3A_117 = tpu.memref_slice %arg8[%dma_wait3A_112, %dma_wait3A_115, %dma_wait3A_116] : memref<2x80x128xf32, #tpu.memory_space<vmem>> -> memref<1x80x128xf32, #tpu.memory_space<vmem>>
    %dma_wait3A_118 = tpu.memref_squeeze %dma_wait3A_117 : memref<1x80x128xf32, #tpu.memory_space<vmem>> -> memref<80x128xf32, #tpu.memory_space<vmem>>
    %dma_wait3A_119 = arith.constant 0 : i32
    %dma_wait3A_120 = tpu.memref_slice %arg7[%dma_wait3A_113, %dma_wait3A_119] : memref<3x80xi32, #tpu.memory_space<vmem>> -> memref<1x80xi32, #tpu.memory_space<vmem>>
    %dma_wait3A_121 = tpu.memref_squeeze %dma_wait3A_120 : memref<1x80xi32, #tpu.memory_space<vmem>> -> memref<80xi32, #tpu.memory_space<vmem>>
    %dma_wait3A_122 = arith.constant 0 : i32
    %dma_wait3A_123 = arith.constant 0 : i32
    %dma_wait3A_124 = tpu.memref_slice %arg10[%dma_wait3A_122, %dma_wait3A_123] : memref<10000x128xf32, #tpu.memory_space<vmem_shared>> -> memref<10000x128xf32, #tpu.memory_space<vmem_shared>>
    %dma_wait3A_125 = tpu.memref_slice %arg14[%dma_wait3A_114] : memref<2x!tpu.dma_semaphore, #tpu.memory_space<semaphore_mem>> -> memref<1x!tpu.dma_semaphore, #tpu.memory_space<semaphore_mem>>
    %dma_wait3A_126 = tpu.memref_squeeze %dma_wait3A_125 : memref<1x!tpu.dma_semaphore, #tpu.memory_space<semaphore_mem>> -> memref<!tpu.dma_semaphore, #tpu.memory_space<semaphore_mem>>
    tpu.wait_indirect_dma semaphore(%dma_wait3A_126 : memref<!tpu.dma_semaphore, #tpu.memory_space<semaphore_mem>>) src(%dma_wait3A_118 : memref<80x128xf32, #tpu.memory_space<vmem>>) dst(%dma_wait3A_124 : memref<10000x128xf32, #tpu.memory_space<vmem_shared>>)
    %barrier3A_127 = arith.constant 0 : index
    tpu.barrier barrier_id(%barrier3A_127)
    %scan3A_128 = arith.constant 0 : i32
    %scan3A_129 = arith.constant 0 : i32
    %scan3A_130 = arith.constant 4 : i32
    %scan3A_131 = arith.addi %scan3A_129, %scan3A_130 : i32
    %scan3A_132 = arith.constant 1 : i32
    scf.for %scan3A_134 = %scan3A_129 to %scan3A_131 step %scan3A_132  : i32 {
      %mul3A_135 = arith.constant 16 : i32
      %mul3A_136 = arith.muli %mul3A_135, %scan3A_134 : i32
      %add3A_137 = arith.addi %arg1, %mul3A_136 : i32
      %lt3A = arith.constant 50 : i32
      %lt3A_138 = arith.cmpi slt, %add3A_137, %lt3A : i32
      %convert_element_type3A = arith.extui %lt3A_138 : i1 to i32
      %cond3A = arith.constant 0 : i32
      %cond3A_139 = arith.cmpi ne, %convert_element_type3A, %cond3A : i32
      scf.if %cond3A_139 {
        %mul3A_140 = arith.constant 200 : i32
        %mul3A_141 = arith.muli %add3A_137, %mul3A_140 : i32
        %mul3A_142 = arith.constant 200 : i32
        %mul3A_143 = arith.muli %add3A_137, %mul3A_142 : i32
        "tpu.region"() ({
          %run_scoped3A = tpu.sem_alloc : memref<!tpu.dma_semaphore, #tpu.memory_space<semaphore_mem>>
          %dma_start3A_144 = arith.constant 0 : i32
          %dma_start3A_145 = tpu.memref_slice %arg5[%arg0, %mul3A_143, %dma_start3A_144] : memref<2x10000x128xf32, #tpu.memory_space<hbm>> -> memref<1x200x128xf32, #tpu.memory_space<hbm>>
          %dma_start3A_146 = tpu.memref_squeeze %dma_start3A_145 : memref<1x200x128xf32, #tpu.memory_space<hbm>> -> memref<200x128xf32, #tpu.memory_space<hbm>>
          %dma_start3A_147 = arith.constant 0 : i32
          %dma_start3A_148 = tpu.memref_slice %arg10[%mul3A_141, %dma_start3A_147] : memref<10000x128xf32, #tpu.memory_space<vmem_shared>> -> memref<200x128xf32, #tpu.memory_space<vmem_shared>>
          tpu.enqueue_dma source(%dma_start3A_148 : memref<200x128xf32, #tpu.memory_space<vmem_shared>>) target(%dma_start3A_146 : memref<200x128xf32, #tpu.memory_space<hbm>>) target_semaphore(%run_scoped3A : memref<!tpu.dma_semaphore, #tpu.memory_space<semaphore_mem>>)
          %dma_wait3A_149 = arith.constant 0 : i32
          %dma_wait3A_150 = tpu.memref_slice %arg5[%arg0, %mul3A_143, %dma_wait3A_149] : memref<2x10000x128xf32, #tpu.memory_space<hbm>> -> memref<1x200x128xf32, #tpu.memory_space<hbm>>
          %dma_wait3A_151 = tpu.memref_squeeze %dma_wait3A_150 : memref<1x200x128xf32, #tpu.memory_space<hbm>> -> memref<200x128xf32, #tpu.memory_space<hbm>>
          %dma_wait3A_152 = arith.constant 0 : i32
          %dma_wait3A_153 = tpu.memref_slice %arg10[%mul3A_141, %dma_wait3A_152] : memref<10000x128xf32, #tpu.memory_space<vmem_shared>> -> memref<200x128xf32, #tpu.memory_space<vmem_shared>>
          tpu.wait_dma2 semaphore(%run_scoped3A : memref<!tpu.dma_semaphore, #tpu.memory_space<semaphore_mem>>) src(%dma_wait3A_153 : memref<200x128xf32, #tpu.memory_space<vmem_shared>>) dst(%dma_wait3A_151 : memref<200x128xf32, #tpu.memory_space<hbm>>)
          tpu.yield
        }) : () -> ()
      } else {
      }
    }
    %scan3A_133 = arith.constant 4 : i32
    return
  }
}

module attributes {stable_mosaic.version = 14 : i64} {
  func.func @_conv2_body(%arg0: i32, %arg1: memref<2x2000x128xf32, #tpu.memory_space<vmem>>, %arg2: memref<2000x1xf32, #tpu.memory_space<vmem>>, %arg3: memref<2000x1xf32, #tpu.memory_space<vmem>>, %arg4: memref<2000x1xf32, #tpu.memory_space<vmem>>, %arg5: memref<128x128xf32, #tpu.memory_space<vmem>>, %arg6: memref<1x128xf32, #tpu.memory_space<vmem>>, %arg7: memref<128x128xf32, #tpu.memory_space<vmem>>, %arg8: memref<2000x128xf32, #tpu.memory_space<vmem>>) attributes {dimension_semantics = [#tpu.dimension_semantics<arbitrary>], iteration_bounds = array<i64: 5>, scalar_prefetch = 0 : i64, scratch_operands = 0 : i64, tpu.core_type = #tpu.core_type<tc>, window_params = [{transform_indices = @transform_0, window_bounds = array<i64: 2, 2000, 128>}, {transform_indices = @transform_1, window_bounds = array<i64: 2000, 1>}, {transform_indices = @transform_2, window_bounds = array<i64: 2000, 1>}, {transform_indices = @transform_3, window_bounds = array<i64: 2000, 1>}, {pipeline_mode = #tpu.pipeline_mode<synchronous>, transform_indices = @transform_4, window_bounds = array<i64: 128, 128>}, {pipeline_mode = #tpu.pipeline_mode<synchronous>, transform_indices = @transform_5, window_bounds = array<i64: 1, 128>}, {pipeline_mode = #tpu.pipeline_mode<synchronous>, transform_indices = @transform_6, window_bounds = array<i64: 128, 128>}, {transform_indices = @transform_7, window_bounds = array<i64: 2000, 128>}]} {
    %get3A = arith.constant 0 : index
    %get3A_0 = arith.constant 0 : index
    %get3A_1 = arith.constant 0 : index
    %get3A_2 = vector.load %arg1[%get3A, %get3A_0, %get3A_1] : memref<2x2000x128xf32, #tpu.memory_space<vmem>>, vector<2x2000x128xf32>
    %slice3A = vector.extract_strided_slice %get3A_2 {offsets = [0, 0, 0], sizes = [1, 2000, 128], strides = [1, 1, 1]} : vector<2x2000x128xf32> to vector<1x2000x128xf32>
    %squeeze3A = vector.shape_cast %slice3A : vector<1x2000x128xf32> to vector<2000x128xf32>
    %slice3A_3 = vector.extract_strided_slice %get3A_2 {offsets = [1, 0, 0], sizes = [1, 2000, 128], strides = [1, 1, 1]} : vector<2x2000x128xf32> to vector<1x2000x128xf32>
    %squeeze3A_4 = vector.shape_cast %slice3A_3 : vector<1x2000x128xf32> to vector<2000x128xf32>
    %add3A = arith.addf %squeeze3A, %squeeze3A_4 : vector<2000x128xf32>
    %get3A_5 = arith.constant 0 : index
    %get3A_6 = arith.constant 0 : index
    %get3A_7 = vector.load %arg2[%get3A_5, %get3A_6] : memref<2000x1xf32, #tpu.memory_space<vmem>>, vector<2000x1xf32>
    %mul3A = vector.broadcast %get3A_7 : vector<2000x1xf32> to vector<2000x128xf32>
    %mul3A_8 = arith.mulf %add3A, %mul3A : vector<2000x128xf32>
    %get3A_9 = arith.constant 0 : index
    %get3A_10 = arith.constant 0 : index
    %get3A_11 = vector.load %arg5[%get3A_9, %get3A_10] : memref<128x128xf32, #tpu.memory_space<vmem>>, vector<128x128xf32>
    %dot_general3A = arith.constant dense<0.000000e+00> : vector<2000x128xf32>
    %dot_general3A_12 = tpu.matmul %mul3A_8, %get3A_11, %dot_general3A {dimension_numbers = #tpu.dot_dimension_numbers<[1], [0], [0], [1], [0, 0, 1, 1], [], []>, transpose_lhs_hint = false} : vector<2000x128xf32>, vector<128x128xf32>, vector<2000x128xf32> -> vector<2000x128xf32>
    %get3A_13 = arith.constant 0 : index
    %get3A_14 = arith.constant 0 : index
    %get3A_15 = vector.load %arg6[%get3A_13, %get3A_14] : memref<1x128xf32, #tpu.memory_space<vmem>>, vector<1x128xf32>
    %add3A_16 = vector.broadcast %get3A_15 : vector<1x128xf32> to vector<2000x128xf32>
    %add3A_17 = arith.addf %dot_general3A_12, %add3A_16 : vector<2000x128xf32>
    %max3A = arith.constant 0.000000e+00 : f32
    %max3A_18 = vector.broadcast %max3A : f32 to vector<2000x128xf32>
    %max3A_19 = arith.maximumf %add3A_17, %max3A_18 : vector<2000x128xf32>
    %get3A_20 = arith.constant 0 : index
    %get3A_21 = arith.constant 0 : index
    %get3A_22 = vector.load %arg7[%get3A_20, %get3A_21] : memref<128x128xf32, #tpu.memory_space<vmem>>, vector<128x128xf32>
    %dot_general3A_23 = arith.constant dense<0.000000e+00> : vector<2000x128xf32>
    %dot_general3A_24 = tpu.matmul %max3A_19, %get3A_22, %dot_general3A_23 {dimension_numbers = #tpu.dot_dimension_numbers<[1], [0], [0], [1], [0, 0, 1, 1], [], []>, transpose_lhs_hint = false} : vector<2000x128xf32>, vector<128x128xf32>, vector<2000x128xf32> -> vector<2000x128xf32>
    %get3A_25 = arith.constant 0 : index
    %get3A_26 = arith.constant 0 : index
    %get3A_27 = vector.load %arg4[%get3A_25, %get3A_26] : memref<2000x1xf32, #tpu.memory_space<vmem>>, vector<2000x1xf32>
    %sub3A = arith.constant 1.000000e+00 : f32
    %sub3A_28 = vector.broadcast %sub3A : f32 to vector<2000x1xf32>
    %sub3A_29 = arith.subf %sub3A_28, %get3A_27 : vector<2000x1xf32>
    %mul3A_30 = vector.broadcast %sub3A_29 : vector<2000x1xf32> to vector<2000x128xf32>
    %mul3A_31 = arith.mulf %dot_general3A_24, %mul3A_30 : vector<2000x128xf32>
    %get3A_32 = arith.constant 0 : index
    %get3A_33 = arith.constant 0 : index
    %get3A_34 = vector.load %arg3[%get3A_32, %get3A_33] : memref<2000x1xf32, #tpu.memory_space<vmem>>, vector<2000x1xf32>
    %mul3A_35 = vector.broadcast %get3A_34 : vector<2000x1xf32> to vector<2000x128xf32>
    %mul3A_36 = arith.mulf %mul3A_31, %mul3A_35 : vector<2000x128xf32>
    %swap3A = arith.constant 0 : index
    %swap3A_37 = arith.constant 0 : index
    %swap3A_38 = vector.load %arg8[%swap3A, %swap3A_37] : memref<2000x128xf32, #tpu.memory_space<vmem>>, vector<2000x128xf32>
    tpu.vector_store %arg8[%swap3A, %swap3A_37], %mul3A_36 {strides = array<i32>} : memref<2000x128xf32, #tpu.memory_space<vmem>>, vector<2000x128xf32>,
    return
  }
  func.func @transform_0(%arg0: i32) -> (i32, i32, i32) {
    %c0_i32 = arith.constant 0 : i32
    %c0_i32_0 = arith.constant 0 : i32
    %c0_i32_1 = arith.constant 0 : i32
    return %c0_i32, %arg0, %c0_i32_0 : i32, i32, i32
  }
  func.func @transform_1(%arg0: i32) -> (i32, i32) {
    %c0_i32 = arith.constant 0 : i32
    %c0_i32_0 = arith.constant 0 : i32
    return %arg0, %c0_i32 : i32, i32
  }
  func.func @transform_2(%arg0: i32) -> (i32, i32) {
    %c0_i32 = arith.constant 0 : i32
    %c0_i32_0 = arith.constant 0 : i32
    return %arg0, %c0_i32 : i32, i32
  }
  func.func @transform_3(%arg0: i32) -> (i32, i32) {
    %c0_i32 = arith.constant 0 : i32
    %c0_i32_0 = arith.constant 0 : i32
    return %arg0, %c0_i32 : i32, i32
  }
  func.func @transform_4(%arg0: i32) -> (i32, i32) {
    %c0_i32 = arith.constant 0 : i32
    %c0_i32_0 = arith.constant 0 : i32
    %c0_i32_1 = arith.constant 0 : i32
    return %c0_i32, %c0_i32_0 : i32, i32
  }
  func.func @transform_5(%arg0: i32) -> (i32, i32) {
    %c0_i32 = arith.constant 0 : i32
    %c0_i32_0 = arith.constant 0 : i32
    %c0_i32_1 = arith.constant 0 : i32
    return %c0_i32, %c0_i32_0 : i32, i32
  }
  func.func @transform_6(%arg0: i32) -> (i32, i32) {
    %c0_i32 = arith.constant 0 : i32
    %c0_i32_0 = arith.constant 0 : i32
    %c0_i32_1 = arith.constant 0 : i32
    return %c0_i32, %c0_i32_0 : i32, i32
  }
  func.func @transform_7(%arg0: i32) -> (i32, i32) {
    %c0_i32 = arith.constant 0 : i32
    %c0_i32_0 = arith.constant 0 : i32
    return %arg0, %c0_i32 : i32, i32
  }
}

module attributes {stable_mosaic.version = 14 : i64} {
  func.func @_prep_body(%arg0: i32, %arg1: memref<2x2x2000x128xf32, #tpu.memory_space<vmem>>, %arg2: memref<2000x128xf32, #tpu.memory_space<vmem>>, %arg3: memref<1x128xf32, #tpu.memory_space<vmem>>, %arg4: memref<2000x1xf32, #tpu.memory_space<vmem>>, %arg5: memref<2000x128xf32, #tpu.memory_space<vmem>>, %arg6: memref<2000x1xf32, #tpu.memory_space<vmem>>, %arg7: memref<2000x1xf32, #tpu.memory_space<vmem>>) attributes {dimension_semantics = [#tpu.dimension_semantics<arbitrary>], iteration_bounds = array<i64: 5>, scalar_prefetch = 0 : i64, scratch_operands = 0 : i64, tpu.core_type = #tpu.core_type<tc>, window_params = [{transform_indices = @transform_0, window_bounds = array<i64: 2, 2, 2000, 128>}, {transform_indices = @transform_1, window_bounds = array<i64: 2000, 128>}, {pipeline_mode = #tpu.pipeline_mode<synchronous>, transform_indices = @transform_2, window_bounds = array<i64: 1, 128>}, {transform_indices = @transform_3, window_bounds = array<i64: 2000, 1>}, {transform_indices = @transform_4, window_bounds = array<i64: 2000, 128>}, {transform_indices = @transform_5, window_bounds = array<i64: 2000, 1>}, {transform_indices = @transform_6, window_bounds = array<i64: 2000, 1>}]} {
    %get3A = arith.constant 0 : index
    %get3A_0 = arith.constant 0 : index
    %get3A_1 = arith.constant 0 : index
    %get3A_2 = arith.constant 0 : index
    %get3A_3 = vector.load %arg1[%get3A, %get3A_0, %get3A_1, %get3A_2] : memref<2x2x2000x128xf32, #tpu.memory_space<vmem>>, vector<2x2x2000x128xf32>
    %slice3A = vector.extract_strided_slice %get3A_3 {offsets = [0, 0, 0, 0], sizes = [1, 1, 2000, 1], strides = [1, 1, 1, 1]} : vector<2x2x2000x128xf32> to vector<1x1x2000x1xf32>
    %squeeze3A = vector.shape_cast %slice3A : vector<1x1x2000x1xf32> to vector<2000x1xf32>
    %slice3A_4 = vector.extract_strided_slice %get3A_3 {offsets = [1, 0, 0, 0], sizes = [1, 1, 2000, 1], strides = [1, 1, 1, 1]} : vector<2x2x2000x128xf32> to vector<1x1x2000x1xf32>
    %squeeze3A_5 = vector.shape_cast %slice3A_4 : vector<1x1x2000x1xf32> to vector<2000x1xf32>
    %add3A = arith.addf %squeeze3A, %squeeze3A_5 : vector<2000x1xf32>
    %slice3A_6 = vector.extract_strided_slice %get3A_3 {offsets = [0, 1, 0, 0], sizes = [1, 1, 2000, 1], strides = [1, 1, 1, 1]} : vector<2x2x2000x128xf32> to vector<1x1x2000x1xf32>
    %squeeze3A_7 = vector.shape_cast %slice3A_6 : vector<1x1x2000x1xf32> to vector<2000x1xf32>
    %slice3A_8 = vector.extract_strided_slice %get3A_3 {offsets = [1, 1, 0, 0], sizes = [1, 1, 2000, 1], strides = [1, 1, 1, 1]} : vector<2x2x2000x128xf32> to vector<1x1x2000x1xf32>
    %squeeze3A_9 = vector.shape_cast %slice3A_8 : vector<1x1x2000x1xf32> to vector<2000x1xf32>
    %add3A_10 = arith.addf %squeeze3A_7, %squeeze3A_9 : vector<2000x1xf32>
    %max3A = arith.constant 1.000000e+00 : f32
    %max3A_11 = vector.broadcast %max3A : f32 to vector<2000x1xf32>
    %max3A_12 = arith.maximumf %add3A, %max3A_11 : vector<2000x1xf32>
    %rsqrt3A = math.rsqrt %max3A_12 : vector<2000x1xf32>
    %max3A_13 = arith.constant 1.000000e+00 : f32
    %max3A_14 = vector.broadcast %max3A_13 : f32 to vector<2000x1xf32>
    %max3A_15 = arith.maximumf %add3A_10, %max3A_14 : vector<2000x1xf32>
    %rsqrt3A_16 = math.rsqrt %max3A_15 : vector<2000x1xf32>
    %get3A_17 = arith.constant 0 : index
    %get3A_18 = arith.constant 0 : index
    %get3A_19 = vector.load %arg4[%get3A_17, %get3A_18] : memref<2000x1xf32, #tpu.memory_space<vmem>>, vector<2000x1xf32>
    %get3A_20 = arith.constant 0 : index
    %get3A_21 = arith.constant 0 : index
    %get3A_22 = vector.load %arg2[%get3A_20, %get3A_21] : memref<2000x128xf32, #tpu.memory_space<vmem>>, vector<2000x128xf32>
    %sub3A = arith.constant 1.000000e+00 : f32
    %sub3A_23 = vector.broadcast %sub3A : f32 to vector<2000x1xf32>
    %sub3A_24 = arith.subf %sub3A_23, %get3A_19 : vector<2000x1xf32>
    %mul3A = vector.broadcast %sub3A_24 : vector<2000x1xf32> to vector<2000x128xf32>
    %mul3A_25 = arith.mulf %get3A_22, %mul3A : vector<2000x128xf32>
    %get3A_26 = arith.constant 0 : index
    %get3A_27 = arith.constant 0 : index
    %get3A_28 = vector.load %arg3[%get3A_26, %get3A_27] : memref<1x128xf32, #tpu.memory_space<vmem>>, vector<1x128xf32>
    %mul3A_29 = vector.broadcast %get3A_28 : vector<1x128xf32> to vector<2000x128xf32>
    %mul3A_30 = vector.broadcast %get3A_19 : vector<2000x1xf32> to vector<2000x128xf32>
    %mul3A_31 = arith.mulf %mul3A_29, %mul3A_30 : vector<2000x128xf32>
    %add3A_32 = arith.addf %mul3A_25, %mul3A_31 : vector<2000x128xf32>
    %mul3A_33 = vector.broadcast %rsqrt3A : vector<2000x1xf32> to vector<2000x128xf32>
    %mul3A_34 = arith.mulf %add3A_32, %mul3A_33 : vector<2000x128xf32>
    %swap3A = arith.constant 0 : index
    %swap3A_35 = arith.constant 0 : index
    %swap3A_36 = vector.load %arg5[%swap3A, %swap3A_35] : memref<2000x128xf32, #tpu.memory_space<vmem>>, vector<2000x128xf32>
    tpu.vector_store %arg5[%swap3A, %swap3A_35], %mul3A_34 {strides = array<i32>} : memref<2000x128xf32, #tpu.memory_space<vmem>>, vector<2000x128xf32>,
    %swap3A_37 = arith.constant 0 : index
    %swap3A_38 = arith.constant 0 : index
    %swap3A_39 = vector.load %arg6[%swap3A_37, %swap3A_38] : memref<2000x1xf32, #tpu.memory_space<vmem>>, vector<2000x1xf32>
    tpu.vector_store %arg6[%swap3A_37, %swap3A_38], %rsqrt3A {strides = array<i32>} : memref<2000x1xf32, #tpu.memory_space<vmem>>, vector<2000x1xf32>,
    %swap3A_40 = arith.constant 0 : index
    %swap3A_41 = arith.constant 0 : index
    %swap3A_42 = vector.load %arg7[%swap3A_40, %swap3A_41] : memref<2000x1xf32, #tpu.memory_space<vmem>>, vector<2000x1xf32>
    tpu.vector_store %arg7[%swap3A_40, %swap3A_41], %rsqrt3A_16 {strides = array<i32>} : memref<2000x1xf32, #tpu.memory_space<vmem>>, vector<2000x1xf32>,
    return
  }
  func.func @transform_0(%arg0: i32) -> (i32, i32, i32, i32) {
    %c0_i32 = arith.constant 0 : i32
    %c0_i32_0 = arith.constant 0 : i32
    %c0_i32_1 = arith.constant 0 : i32
    %c0_i32_2 = arith.constant 0 : i32
    return %c0_i32, %c0_i32_0, %arg0, %c0_i32_1 : i32, i32, i32, i32
  }
  func.func @transform_1(%arg0: i32) -> (i32, i32) {
    %c0_i32 = arith.constant 0 : i32
    %c0_i32_0 = arith.constant 0 : i32
    return %arg0, %c0_i32 : i32, i32
  }
  func.func @transform_2(%arg0: i32) -> (i32, i32) {
    %c0_i32 = arith.constant 0 : i32
    %c0_i32_0 = arith.constant 0 : i32
    %c0_i32_1 = arith.constant 0 : i32
    return %c0_i32, %c0_i32_0 : i32, i32
  }
  func.func @transform_3(%arg0: i32) -> (i32, i32) {
    %c0_i32 = arith.constant 0 : i32
    %c0_i32_0 = arith.constant 0 : i32
    return %arg0, %c0_i32 : i32, i32
  }
  func.func @transform_4(%arg0: i32) -> (i32, i32) {
    %c0_i32 = arith.constant 0 : i32
    %c0_i32_0 = arith.constant 0 : i32
    return %arg0, %c0_i32 : i32, i32
  }
  func.func @transform_5(%arg0: i32) -> (i32, i32) {
    %c0_i32 = arith.constant 0 : i32
    %c0_i32_0 = arith.constant 0 : i32
    return %arg0, %c0_i32 : i32, i32
  }
  func.func @transform_6(%arg0: i32) -> (i32, i32) {
    %c0_i32 = arith.constant 0 : i32
    %c0_i32_0 = arith.constant 0 : i32
    return %arg0, %c0_i32 : i32, i32
  }
}

module attributes {stable_mosaic.version = 14 : i64} {
  func.func @_conv1_body(%arg0: i32, %arg1: memref<2x2000x128xf32, #tpu.memory_space<vmem>>, %arg2: memref<2000x1xf32, #tpu.memory_space<vmem>>, %arg3: memref<2000x1xf32, #tpu.memory_space<vmem>>, %arg4: memref<128x128xf32, #tpu.memory_space<vmem>>, %arg5: memref<1x128xf32, #tpu.memory_space<vmem>>, %arg6: memref<2000x128xf32, #tpu.memory_space<vmem>>) attributes {dimension_semantics = [#tpu.dimension_semantics<arbitrary>], iteration_bounds = array<i64: 5>, scalar_prefetch = 0 : i64, scratch_operands = 0 : i64, tpu.core_type = #tpu.core_type<tc>, window_params = [{transform_indices = @transform_0, window_bounds = array<i64: 2, 2000, 128>}, {transform_indices = @transform_1, window_bounds = array<i64: 2000, 1>}, {transform_indices = @transform_2, window_bounds = array<i64: 2000, 1>}, {pipeline_mode = #tpu.pipeline_mode<synchronous>, transform_indices = @transform_3, window_bounds = array<i64: 128, 128>}, {pipeline_mode = #tpu.pipeline_mode<synchronous>, transform_indices = @transform_4, window_bounds = array<i64: 1, 128>}, {transform_indices = @transform_5, window_bounds = array<i64: 2000, 128>}]} {
    %get3A = arith.constant 0 : index
    %get3A_0 = arith.constant 0 : index
    %get3A_1 = arith.constant 0 : index
    %get3A_2 = vector.load %arg1[%get3A, %get3A_0, %get3A_1] : memref<2x2000x128xf32, #tpu.memory_space<vmem>>, vector<2x2000x128xf32>
    %slice3A = vector.extract_strided_slice %get3A_2 {offsets = [0, 0, 0], sizes = [1, 2000, 128], strides = [1, 1, 1]} : vector<2x2000x128xf32> to vector<1x2000x128xf32>
    %squeeze3A = vector.shape_cast %slice3A : vector<1x2000x128xf32> to vector<2000x128xf32>
    %slice3A_3 = vector.extract_strided_slice %get3A_2 {offsets = [1, 0, 0], sizes = [1, 2000, 128], strides = [1, 1, 1]} : vector<2x2000x128xf32> to vector<1x2000x128xf32>
    %squeeze3A_4 = vector.shape_cast %slice3A_3 : vector<1x2000x128xf32> to vector<2000x128xf32>
    %add3A = arith.addf %squeeze3A, %squeeze3A_4 : vector<2000x128xf32>
    %get3A_5 = arith.constant 0 : index
    %get3A_6 = arith.constant 0 : index
    %get3A_7 = vector.load %arg2[%get3A_5, %get3A_6] : memref<2000x1xf32, #tpu.memory_space<vmem>>, vector<2000x1xf32>
    %mul3A = vector.broadcast %get3A_7 : vector<2000x1xf32> to vector<2000x128xf32>
    %mul3A_8 = arith.mulf %add3A, %mul3A : vector<2000x128xf32>
    %get3A_9 = arith.constant 0 : index
    %get3A_10 = arith.constant 0 : index
    %get3A_11 = vector.load %arg4[%get3A_9, %get3A_10] : memref<128x128xf32, #tpu.memory_space<vmem>>, vector<128x128xf32>
    %dot_general3A = arith.constant dense<0.000000e+00> : vector<2000x128xf32>
    %dot_general3A_12 = tpu.matmul %mul3A_8, %get3A_11, %dot_general3A {dimension_numbers = #tpu.dot_dimension_numbers<[1], [0], [0], [1], [0, 0, 1, 1], [], []>, transpose_lhs_hint = false} : vector<2000x128xf32>, vector<128x128xf32>, vector<2000x128xf32> -> vector<2000x128xf32>
    %get3A_13 = arith.constant 0 : index
    %get3A_14 = arith.constant 0 : index
    %get3A_15 = vector.load %arg5[%get3A_13, %get3A_14] : memref<1x128xf32, #tpu.memory_space<vmem>>, vector<1x128xf32>
    %add3A_16 = vector.broadcast %get3A_15 : vector<1x128xf32> to vector<2000x128xf32>
    %add3A_17 = arith.addf %dot_general3A_12, %add3A_16 : vector<2000x128xf32>
    %max3A = arith.constant 0.000000e+00 : f32
    %max3A_18 = vector.broadcast %max3A : f32 to vector<2000x128xf32>
    %max3A_19 = arith.maximumf %add3A_17, %max3A_18 : vector<2000x128xf32>
    %get3A_20 = arith.constant 0 : index
    %get3A_21 = arith.constant 0 : index
    %get3A_22 = vector.load %arg3[%get3A_20, %get3A_21] : memref<2000x1xf32, #tpu.memory_space<vmem>>, vector<2000x1xf32>
    %mul3A_23 = vector.broadcast %get3A_22 : vector<2000x1xf32> to vector<2000x128xf32>
    %mul3A_24 = arith.mulf %max3A_19, %mul3A_23 : vector<2000x128xf32>
    %swap3A = arith.constant 0 : index
    %swap3A_25 = arith.constant 0 : index
    %swap3A_26 = vector.load %arg6[%swap3A, %swap3A_25] : memref<2000x128xf32, #tpu.memory_space<vmem>>, vector<2000x128xf32>
    tpu.vector_store %arg6[%swap3A, %swap3A_25], %mul3A_24 {strides = array<i32>} : memref<2000x128xf32, #tpu.memory_space<vmem>>, vector<2000x128xf32>,
    return
  }
  func.func @transform_0(%arg0: i32) -> (i32, i32, i32) {
    %c0_i32 = arith.constant 0 : i32
    %c0_i32_0 = arith.constant 0 : i32
    %c0_i32_1 = arith.constant 0 : i32
    return %c0_i32, %arg0, %c0_i32_0 : i32, i32, i32
  }
  func.func @transform_1(%arg0: i32) -> (i32, i32) {
    %c0_i32 = arith.constant 0 : i32
    %c0_i32_0 = arith.constant 0 : i32
    return %arg0, %c0_i32 : i32, i32
  }
  func.func @transform_2(%arg0: i32) -> (i32, i32) {
    %c0_i32 = arith.constant 0 : i32
    %c0_i32_0 = arith.constant 0 : i32
    return %arg0, %c0_i32 : i32, i32
  }
  func.func @transform_3(%arg0: i32) -> (i32, i32) {
    %c0_i32 = arith.constant 0 : i32
    %c0_i32_0 = arith.constant 0 : i32
    %c0_i32_1 = arith.constant 0 : i32
    return %c0_i32, %c0_i32_0 : i32, i32
  }
  func.func @transform_4(%arg0: i32) -> (i32, i32) {
    %c0_i32 = arith.constant 0 : i32
    %c0_i32_0 = arith.constant 0 : i32
    %c0_i32_1 = arith.constant 0 : i32
    return %c0_i32, %c0_i32_0 : i32, i32
  }
  func.func @transform_5(%arg0: i32) -> (i32, i32) {
    %c0_i32 = arith.constant 0 : i32
    %c0_i32_0 = arith.constant 0 : i32
    return %arg0, %c0_i32 : i32, i32
  }
}

module attributes {stable_mosaic.version = 14 : i64} {
  func.func @_loss_body(%arg0: i32, %arg1: memref<2x2000x128xf32, #tpu.memory_space<vmem>>, %arg2: memref<2000x1xf32, #tpu.memory_space<vmem>>, %arg3: memref<128x128xf32, #tpu.memory_space<vmem>>, %arg4: memref<1x128xf32, #tpu.memory_space<vmem>>, %arg5: memref<2000x128xf32, #tpu.memory_space<vmem>>, %arg6: memref<2000x1xf32, #tpu.memory_space<vmem>>, %arg7: memref<1x1xf32, #tpu.memory_space<vmem>>) attributes {dimension_semantics = [#tpu.dimension_semantics<arbitrary>], iteration_bounds = array<i64: 5>, scalar_prefetch = 0 : i64, scratch_operands = 0 : i64, tpu.core_type = #tpu.core_type<tc>, window_params = [{transform_indices = @transform_0, window_bounds = array<i64: 2, 2000, 128>}, {transform_indices = @transform_1, window_bounds = array<i64: 2000, 1>}, {pipeline_mode = #tpu.pipeline_mode<synchronous>, transform_indices = @transform_2, window_bounds = array<i64: 128, 128>}, {pipeline_mode = #tpu.pipeline_mode<synchronous>, transform_indices = @transform_3, window_bounds = array<i64: 1, 128>}, {transform_indices = @transform_4, window_bounds = array<i64: 2000, 128>}, {transform_indices = @transform_5, window_bounds = array<i64: 2000, 1>}, {pipeline_mode = #tpu.pipeline_mode<synchronous>, transform_indices = @transform_6, window_bounds = array<i64: 1, 1>}]} {
    %get3A = arith.constant 0 : index
    %get3A_0 = arith.constant 0 : index
    %get3A_1 = arith.constant 0 : index
    %get3A_2 = vector.load %arg1[%get3A, %get3A_0, %get3A_1] : memref<2x2000x128xf32, #tpu.memory_space<vmem>>, vector<2x2000x128xf32>
    %slice3A = vector.extract_strided_slice %get3A_2 {offsets = [0, 0, 0], sizes = [1, 2000, 128], strides = [1, 1, 1]} : vector<2x2000x128xf32> to vector<1x2000x128xf32>
    %squeeze3A = vector.shape_cast %slice3A : vector<1x2000x128xf32> to vector<2000x128xf32>
    %slice3A_3 = vector.extract_strided_slice %get3A_2 {offsets = [1, 0, 0], sizes = [1, 2000, 128], strides = [1, 1, 1]} : vector<2x2000x128xf32> to vector<1x2000x128xf32>
    %squeeze3A_4 = vector.shape_cast %slice3A_3 : vector<1x2000x128xf32> to vector<2000x128xf32>
    %add3A = arith.addf %squeeze3A, %squeeze3A_4 : vector<2000x128xf32>
    %get3A_5 = arith.constant 0 : index
    %get3A_6 = arith.constant 0 : index
    %get3A_7 = vector.load %arg2[%get3A_5, %get3A_6] : memref<2000x1xf32, #tpu.memory_space<vmem>>, vector<2000x1xf32>
    %mul3A = vector.broadcast %get3A_7 : vector<2000x1xf32> to vector<2000x128xf32>
    %mul3A_8 = arith.mulf %add3A, %mul3A : vector<2000x128xf32>
    %get3A_9 = arith.constant 0 : index
    %get3A_10 = arith.constant 0 : index
    %get3A_11 = vector.load %arg3[%get3A_9, %get3A_10] : memref<128x128xf32, #tpu.memory_space<vmem>>, vector<128x128xf32>
    %dot_general3A = arith.constant dense<0.000000e+00> : vector<2000x128xf32>
    %dot_general3A_12 = tpu.matmul %mul3A_8, %get3A_11, %dot_general3A {dimension_numbers = #tpu.dot_dimension_numbers<[1], [0], [0], [1], [0, 0, 1, 1], [], []>, transpose_lhs_hint = false} : vector<2000x128xf32>, vector<128x128xf32>, vector<2000x128xf32> -> vector<2000x128xf32>
    %get3A_13 = arith.constant 0 : index
    %get3A_14 = arith.constant 0 : index
    %get3A_15 = vector.load %arg4[%get3A_13, %get3A_14] : memref<1x128xf32, #tpu.memory_space<vmem>>, vector<1x128xf32>
    %add3A_16 = vector.broadcast %get3A_15 : vector<1x128xf32> to vector<2000x128xf32>
    %add3A_17 = arith.addf %dot_general3A_12, %add3A_16 : vector<2000x128xf32>
    %mul3A_18 = arith.mulf %add3A_17, %add3A_17 : vector<2000x128xf32>
    %reduce_sum3A = arith.constant dense<0.000000e+00> : vector<2000xf32>
    %reduce_sum3A_19 = vector.multi_reduction <add>, %mul3A_18, %reduce_sum3A [1] : vector<2000x128xf32> to vector<2000xf32>
    %broadcast_in_dim3A = vector.shape_cast %reduce_sum3A_19 : vector<2000xf32> to vector<2000x1xf32>
    %sqrt3A = math.sqrt %broadcast_in_dim3A : vector<2000x1xf32>
    %max3A = arith.constant 9.99999996E-13 : f32
    %max3A_20 = vector.broadcast %max3A : f32 to vector<2000x1xf32>
    %max3A_21 = arith.maximumf %sqrt3A, %max3A_20 : vector<2000x1xf32>
    %div3A = vector.broadcast %max3A_21 : vector<2000x1xf32> to vector<2000x128xf32>
    %div3A_22 = arith.divf %add3A_17, %div3A : vector<2000x128xf32>
    %get3A_23 = arith.constant 0 : index
    %get3A_24 = arith.constant 0 : index
    %get3A_25 = vector.load %arg5[%get3A_23, %get3A_24] : memref<2000x128xf32, #tpu.memory_space<vmem>>, vector<2000x128xf32>
    %mul3A_26 = arith.mulf %get3A_25, %get3A_25 : vector<2000x128xf32>
    %reduce_sum3A_27 = arith.constant dense<0.000000e+00> : vector<2000xf32>
    %reduce_sum3A_28 = vector.multi_reduction <add>, %mul3A_26, %reduce_sum3A_27 [1] : vector<2000x128xf32> to vector<2000xf32>
    %broadcast_in_dim3A_29 = vector.shape_cast %reduce_sum3A_28 : vector<2000xf32> to vector<2000x1xf32>
    %sqrt3A_30 = math.sqrt %broadcast_in_dim3A_29 : vector<2000x1xf32>
    %max3A_31 = arith.constant 9.99999996E-13 : f32
    %max3A_32 = vector.broadcast %max3A_31 : f32 to vector<2000x1xf32>
    %max3A_33 = arith.maximumf %sqrt3A_30, %max3A_32 : vector<2000x1xf32>
    %div3A_34 = vector.broadcast %max3A_33 : vector<2000x1xf32> to vector<2000x128xf32>
    %div3A_35 = arith.divf %get3A_25, %div3A_34 : vector<2000x128xf32>
    %mul3A_36 = arith.mulf %div3A_22, %div3A_35 : vector<2000x128xf32>
    %reduce_sum3A_37 = arith.constant dense<0.000000e+00> : vector<2000xf32>
    %reduce_sum3A_38 = vector.multi_reduction <add>, %mul3A_36, %reduce_sum3A_37 [1] : vector<2000x128xf32> to vector<2000xf32>
    %broadcast_in_dim3A_39 = vector.shape_cast %reduce_sum3A_38 : vector<2000xf32> to vector<2000x1xf32>
    %sub3A = arith.constant 1.000000e+00 : f32
    %sub3A_40 = vector.broadcast %sub3A : f32 to vector<2000x1xf32>
    %sub3A_41 = arith.subf %sub3A_40, %broadcast_in_dim3A_39 : vector<2000x1xf32>
    %get3A_42 = arith.constant 0 : index
    %get3A_43 = arith.constant 0 : index
    %get3A_44 = vector.load %arg6[%get3A_42, %get3A_43] : memref<2000x1xf32, #tpu.memory_space<vmem>>, vector<2000x1xf32>
    %mul3A_45 = arith.mulf %get3A_44, %sub3A_41 : vector<2000x1xf32>
    %mul3A_46 = arith.mulf %mul3A_45, %sub3A_41 : vector<2000x1xf32>
    %reduce_sum3A_47 = vector.shape_cast %mul3A_46 : vector<2000x1xf32> to vector<1x2000x1xf32>
    %reduce_sum3A_48 = arith.constant dense<0.000000e+00> : vector<1xf32>
    %reduce_sum3A_49 = vector.multi_reduction <add>, %reduce_sum3A_47, %reduce_sum3A_48 [1, 2] : vector<1x2000x1xf32> to vector<1xf32>
    %reduce_sum3A_50 = vector.shape_cast %reduce_sum3A_49 : vector<1xf32> to vector<1x1x1xf32>
    %reduce_sum3A_51 = vector.extract %reduce_sum3A_50[0, 0, 0] : f32 from vector<1x1x1xf32>
    %mul3A_52 = arith.constant 2.000000e-04 : f32
    %mul3A_53 = arith.mulf %reduce_sum3A_51, %mul3A_52 : f32
    %eq3A = arith.constant 0 : i32
    %eq3A_54 = arith.cmpi eq, %arg0, %eq3A : i32
    %convert_element_type3A = arith.extui %eq3A_54 : i1 to i32
    %cond3A = arith.constant 0 : i32
    %cond3A_55 = arith.cmpi ne, %convert_element_type3A, %cond3A : i32
    scf.if %cond3A_55 {
      %broadcast_in_dim3A_62 = arith.constant 0.000000e+00 : f32
      %broadcast_in_dim3A_63 = vector.broadcast %broadcast_in_dim3A_62 : f32 to vector<1x1xf32>
      %swap3A_64 = arith.constant 0 : index
      %swap3A_65 = arith.constant 0 : index
      %swap3A_66 = vector.load %arg7[%swap3A_64, %swap3A_65] : memref<1x1xf32, #tpu.memory_space<vmem>>, vector<1x1xf32>
      tpu.vector_store %arg7[%swap3A_64, %swap3A_65], %broadcast_in_dim3A_63 {strides = array<i32>} : memref<1x1xf32, #tpu.memory_space<vmem>>, vector<1x1xf32>,
    } else {
    }
    %get3A_56 = arith.constant 0 : index
    %get3A_57 = arith.constant 0 : index
    %get3A_58 = vector.load %arg7[%get3A_56, %get3A_57] : memref<1x1xf32, #tpu.memory_space<vmem>>, vector<1x1xf32>
    %reshape3A = vector.broadcast %mul3A_53 : f32 to vector<1x1xf32>
    %add3A_59 = arith.addf %get3A_58, %reshape3A : vector<1x1xf32>
    %swap3A = arith.constant 0 : index
    %swap3A_60 = arith.constant 0 : index
    %swap3A_61 = vector.load %arg7[%swap3A, %swap3A_60] : memref<1x1xf32, #tpu.memory_space<vmem>>, vector<1x1xf32>
    tpu.vector_store %arg7[%swap3A, %swap3A_60], %add3A_59 {strides = array<i32>} : memref<1x1xf32, #tpu.memory_space<vmem>>, vector<1x1xf32>,
    return
  }
  func.func @transform_0(%arg0: i32) -> (i32, i32, i32) {
    %c0_i32 = arith.constant 0 : i32
    %c0_i32_0 = arith.constant 0 : i32
    %c0_i32_1 = arith.constant 0 : i32
    return %c0_i32, %arg0, %c0_i32_0 : i32, i32, i32
  }
  func.func @transform_1(%arg0: i32) -> (i32, i32) {
    %c0_i32 = arith.constant 0 : i32
    %c0_i32_0 = arith.constant 0 : i32
    return %arg0, %c0_i32 : i32, i32
  }
  func.func @transform_2(%arg0: i32) -> (i32, i32) {
    %c0_i32 = arith.constant 0 : i32
    %c0_i32_0 = arith.constant 0 : i32
    %c0_i32_1 = arith.constant 0 : i32
    return %c0_i32, %c0_i32_0 : i32, i32
  }
  func.func @transform_3(%arg0: i32) -> (i32, i32) {
    %c0_i32 = arith.constant 0 : i32
    %c0_i32_0 = arith.constant 0 : i32
    %c0_i32_1 = arith.constant 0 : i32
    return %c0_i32, %c0_i32_0 : i32, i32
  }
  func.func @transform_4(%arg0: i32) -> (i32, i32) {
    %c0_i32 = arith.constant 0 : i32
    %c0_i32_0 = arith.constant 0 : i32
    return %arg0, %c0_i32 : i32, i32
  }
  func.func @transform_5(%arg0: i32) -> (i32, i32) {
    %c0_i32 = arith.constant 0 : i32
    %c0_i32_0 = arith.constant 0 : i32
    return %arg0, %c0_i32 : i32, i32
  }
  func.func @transform_6(%arg0: i32) -> (i32, i32) {
    %c0_i32 = arith.constant 0 : i32
    %c0_i32_0 = arith.constant 0 : i32
    %c0_i32_1 = arith.constant 0 : i32
    return %c0_i32, %c0_i32_0 : i32, i32
  }
}

</mosaic_0001>

<sc_bundles>
// kernel: kernel.10.cloned.1.call-start
scs
__scs_entry_jumppad:
0x0: {  	(pc) =	sbr.rel $0x88, $3  }
0x1: {  	(tag) =	ssettag $0x0;
	lr =	simm.s32 $0x1  }
0x2: {  	[smem:$0x3F97] =	sst lr;
	_ =	strace $0xD0000000  }
0x3: {  	_ = 	snop  }
0x4: {  	_ = 	snop  }
0x5: {  	_ = 	snop  }
0x6: {  	_ = 	snop  }
0x7: {  	_ = 	snop  }
__scs_overlays_trampoline_lowered:
0x8: {  	[smem:$0x3FA6] =	sst s0  }
0x9: {  	[smem:$0x3FA7] =	sst s1  }
0xa: {  	[smem:$0x3FA8] =	sst s2  }
0xb: {  	[smem:$0x3FA9] =	sst s3  }
0xc: {  	[smem:$0x3FAA] =	sst s4  }
0xd: {  	[smem:$0x3FAB] =	sst s5  }
0xe: {  	[smem:$0x3FAC] =	sst s6  }
0xf: {  	[smem:$0x3FAD] =	sst s7  }
0x10: {  	[smem:$0x3FAE] =	sst s8  }
0x11: {  	[smem:$0x3FAF] =	sst s9;
	s0 =	simm.s32 @!p0 $0x0  }
0x12: {  	s1 =	sld [smem:$0x3F95];
	s0 =	simm.s32 @p0 $0x1  }
0x13: {  	[smem:$0x3FB0] =	sst s0;
	s0 =	simm.s32 @!p1 $0x0  }
0x14: {  	s2 =	sld [smem:$0x3F94];
	s0 =	simm.s32 @p1 $0x1  }
0x15: {  	[smem:$0x3FB1] =	sst s0;
	s0 =	simm.s32 @!p2 $0x0  }
0x16: {  	s3 =	sld [smem:$0x3FDB];
	s0 =	simm.s32 @p2 $0x1  }
0x17: {  	s4 =	simm.s32 $0x1BF5;
	[smem:$0x3FB3] =	sst s0  }
0x18: {  	s0 =	sld [smem:$0x3F96];
	_ =	swait.ge [sflag:s4], $0x0  }
0x19: {  	s7 =	sld [smem:$0x3F97]  }
0x1a: {  	s8 =	sadd.s32 $0xFFFFE003, lr  }
0x1b: {  	s9 =	sadd.s32 $0xFFFFFEF7, lr;
	s5 =	simm.s32 $0xFFFFFFFF;
	p2 =	slt.u32 s8, $0xFFFFF086  }
0x1c: {  	p1 =	slt.u32 s9, $0xF7A;
	s5 =	simm.s32 @!p2 $0x0  }
0x1d: {  	s5 =	simm.s32 @p1 $0x1;
	p0 =	seq.s32 s7, s2  }
0x1e: {  	s7 =	smul.u32 @!p0 $0xF7A, s2;
	p2 =	seq.s32 @!p0 s5, $0x0  }
0x1f: {  	s9 =	smul.u32 $0xF7A, s1;
	s8 =	simm.s32 @!p0 $0x1BF5;
	p2 =	por !p2, p0  }
0x20: {  	[sflag:s8] =	ssyncset.s32 @!p0 $0xFFFFF086;
	s6 =	sadd.s32 @!p0 s3, s7;
	s7 =	simm.s32 @!p0 $0x108  }
0x21: {  	s3 =	sadd.s32 s3, s9;
	s6 =	sadd.s32 @!p0 $0x88, s6;
	s7 =	simm.s32 @p2 $0x1082  }
0x22: {  	[simem:s7], [sflag:s8] =	dma.local @!p0 [hbm:s6], $0xF7A  }
0x23: {  	s9 =	sor.u32 $0xD0000000, s2;
	s6 =	simm.s32 $0x108;
	_ =	swait.ge @!p0 [sflag:s8], $0x0  }
0x24: {  	s3 =	sadd.s32 $0x88, s3;
	s6 =	simm.s32 @!p1 $0x1082;
	[sflag:s4] =	ssyncset.s32 $0xFFFFF086  }
0x25: {  	[simem:s6], [sflag:s4] =	dma.local [hbm:s3], $0xF7A  }
0x26: {  	[smem:$0x3F97] =	sst s1;
	(tag) =	ssettag s2;
	_ =	strace s9  }
0x27: {  	s1 =	sld [smem:$0x3FA7]  }
0x28: {  	s2 =	sld [smem:$0x3FA8]  }
0x29: {  	s4 =	sld [smem:$0x3FAA]  }
0x2a: {  	p0 =	seq.s32 s5, $0x0;
	s5 =	sld [smem:$0x3FAB]  }
0x2b: {  	s6 =	sld [smem:$0x3FAC]  }
0x2c: {  	s7 =	sld [smem:$0x3FAD]  }
0x2d: {  	s3 =	simm.s32 $0x108;
	s8 =	sld [smem:$0x3FAE]  }
0x2e: {  	s3 =	simm.s32 @!p0 $0x1082;
	s9 =	sld [smem:$0x3FAF]  }
0x2f: {  	lr =	sadd.s32 s0, s3;
	s0 =	sld [smem:$0x3FA6]  }
0x30: {  	s3 =	sld [smem:$0x3FA9]  }
0x31: {  	[smem:$0x3FB2] =	sst s10  }
0x32: {  	s10 =	sld [smem:$0x3FB0];
	_ =	sdelay $0x3  }
0x33: {  	p0 =	seq.s32 s10, $0x1;
	s10 =	sld [smem:$0x3FB2];
	_ =	sdelay $0x3  }
0x34: {  	[smem:$0x3FB2] =	sst s10  }
0x35: {  	s10 =	sld [smem:$0x3FB1];
	_ =	sdelay $0x3  }
0x36: {  	p1 =	seq.s32 s10, $0x1;
	s10 =	sld [smem:$0x3FB2];
	_ =	sdelay $0x3  }
0x37: {  	[smem:$0x3FB2] =	sst s10  }
0x38: {  	s10 =	sld [smem:$0x3FB3]  }
0x39: {  	_ = 	snop;
	(pc) =	sbr.ind lr, $3  }
0x3a: {  	_ = 	snop  }
0x3b: {  	_ = 	snop  }
0x3c: {  	p2 =	seq.s32 s10, $0x1;
	s10 =	sld [smem:$0x3FB2]  }
0x3d: {  	_ =	shalt  }
0x3e: {  	_ =	shalt  }
0x3f: {  	_ =	shalt  }
0x40: {  	_ =	shalt  }
0x41: {  	_ =	shalt  }
0x42: {  	_ =	shalt  }
0x43: {  	_ =	shalt  }
0x44: {  	_ =	shalt  }
0x45: {  	_ =	shalt  }
0x46: {  	_ =	shalt  }
0x47: {  	_ =	shalt  }
0x48: {  	_ =	shalt  }
0x49: {  	_ =	shalt  }
0x4a: {  	_ =	shalt  }
0x4b: {  	_ =	shalt  }
0x4c: {  	_ =	shalt  }
0x4d: {  	_ =	shalt  }
0x4e: {  	_ =	shalt  }
0x4f: {  	_ =	shalt  }
0x50: {  	_ =	shalt  }
0x51: {  	_ =	shalt  }
0x52: {  	_ =	shalt  }
0x53: {  	_ =	shalt  }
0x54: {  	_ =	shalt  }
0x55: {  	_ =	shalt  }
0x56: {  	_ =	shalt  }
0x57: {  	_ =	shalt  }
0x58: {  	_ =	shalt  }
0x59: {  	_ =	shalt  }
0x5a: {  	_ =	shalt  }
0x5b: {  	_ =	shalt  }
0x5c: {  	_ =	shalt  }
0x5d: {  	_ =	shalt  }
0x5e: {  	_ =	shalt  }
0x5f: {  	_ =	shalt  }
0x60: {  	_ =	shalt  }
0x61: {  	_ =	shalt  }
0x62: {  	_ =	shalt  }
0x63: {  	_ =	shalt  }
0x64: {  	_ =	shalt  }
0x65: {  	_ =	shalt  }
0x66: {  	_ =	shalt  }
0x67: {  	_ =	shalt  }
0x68: {  	_ =	shalt  }
0x69: {  	_ =	shalt  }
0x6a: {  	_ =	shalt  }
0x6b: {  	_ =	shalt  }
0x6c: {  	_ =	shalt  }
0x6d: {  	_ =	shalt  }
0x6e: {  	_ =	shalt  }
0x6f: {  	_ =	shalt  }
0x70: {  	_ =	shalt  }
0x71: {  	_ =	shalt  }
0x72: {  	_ =	shalt  }
0x73: {  	_ =	shalt  }
0x74: {  	_ =	shalt  }
0x75: {  	_ =	shalt  }
0x76: {  	_ =	shalt  }
0x77: {  	_ =	shalt  }
0x78: {  	_ =	shalt  }
0x79: {  	_ =	shalt  }
0x7a: {  	_ =	shalt  }
0x7b: {  	_ =	shalt  }
0x7c: {  	_ =	shalt  }
0x7d: {  	_ =	shalt  }
0x7e: {  	_ =	shalt  }
0x7f: {  	_ =	shalt  }
0x80: {  	_ =	shalt  }
0x81: {  	_ =	shalt  }
0x82: {  	_ =	shalt  }
0x83: {  	_ =	shalt  }
0x84: {  	_ =	shalt  }
0x85: {  	_ =	shalt  }
0x86: {  	_ =	shalt  }
0x87: {  	_ =	shalt  }
.Lfunc_end0:
.L_simem_size_0:
called_computation_lowered:
.L_overlay_start_0:
0x88: {  	s2 =	sld [smem:$0x3FD9]  }
0x89: {  	s3 =	sld [smem:$0x3FFE];
	_ =	sdelay $0x1  }
0x8a: {  	s1 =	srdreg.scid  }
0x8b: {  	s0 =	sand.u32 $0x1, s1  }
0x8c: {  	s16 =	sshll.u32 s0, $0xA;
	s2 =	sadd.s32 s3, s2  }
0x8d: {  	s2 =	sadd.s32 s2, s16  }
0x8e: {  	[smem:$0x3FBE] =	sst s2  }
0x8f: {  	_ = 	snop  }
0x90: {  	(tm) =	ssettm $0x1  }
0x91: {  	s17 =	sld [smem:$0x3FFB];
	_ =	sdelay $0x3  }
0x92: {  	_ =	strace s17  }
0x93: {  	s2 =	sld [smem:$0x3FFC];
	_ =	sdelay $0x3  }
0x94: {  	_ =	strace s2  }
0x95: {  	s2 =	sld [smem:$0x3FFD];
	_ =	sdelay $0x3  }
0x96: {  	_ =	strace s2  }
0x97: {  	_ =	strace $0x8FFFFFFF  }
0x98: {  	s18 =	sld [smem:$0x3FDB];
	_ =	sdelay $0x1  }
0x99: {  	s19 =	simm.s32 $_scs_section_size  }
0x9a: {  	s4 =	simm.s32 $_size__tile_overlayer_lowered;
	s5 =	simm.s32 $_tile_overlayer_lowered  }
0x9b: {  	s22 =	simm.s32 $0x1BFF;
	s21 =	sshll.u32 s5, $0x1;
	s2 =	sadd.s32 s19, s18  }
0x9c: {  	s6 =	simm.s32 $0x0;
	s20 =	sshll.u32 s4, $0x1;
	s4 =	sadd.s32 s21, s2  }
0x9d: {  	[timem:s6], [sflag:s22] =	dma.local [hbm:s4], s20  }
0x9e: {  	_ =	swait.ge [sflag:s22], s20  }
0x9f: {  	s3 =	ssub.s32 $0x0, s20;
	[sflag:s22] =	ssyncset.done $0x0  }
0xa0: {  	[sflag:s22] =	ssyncadd.s32 s3;
	_ =	sdelay $0x1  }
0xa1: {  	s23 =	simm.s32 $0x1B8B  }
0xa2: {  	_ =	swait.ge [sflag:s23], $0x1  }
0xa3: {  	[sflag:s23] =	ssyncset.done $0x0  }
0xa4: {  	s25 =	simm.s32 $0x1B8E;
	s24 =	sld [smem:$0x3FFE];
	[sflag:s23] =	ssyncadd.s32 $0xFFFFFFFF  }
0xa5: {  	s26 =	simm.s32 $execute0_lowered;
	[smem:$0x3FD2] =	sst s25  }
0xa6: {  	s4 =	sshll.u32 s26, $0x1;
	_ =	strace $0x80000046;
	[dreg:$0x1] =	wrdreg $0xFFFFFFFF  }
0xa7: {  	s28 =	simm.s32 $_size_execute0_lowered;
	s2 =	sadd.s32 s2, s4;
	[dreg:$0x0] =	wrdreg $0x0  }
0xa8: {  	s4 =	sshll.u32 s28, $0x1;
	[dreg:$0x2] =	wrdreg s2  }
0xa9: {  	[dreg:$0x3] =	wrdreg s4  }
0xaa: {  	[dreg:$0x4] =	wrdreg $0xC0  }
0xab: {  	_ =	task [dreg:s6], $0x5FFFF  }
0xac: {  	[dreg:$0x1] =	wrdreg $0xFFFFFFFF  }
0xad: {  	[dreg:$0x0] =	wrdreg $0x60  }
0xae: {  	[dreg:$0x2] =	wrdreg s24  }
0xaf: {  	[dreg:$0x3] =	wrdreg $0x3D000  }
0xb0: {  	[dreg:$0x4] =	wrdreg $0x9  }
0xb1: {  	_ =	task.clear_ibuf [dreg:s6], $0x5FFFF;
	_ =	strace $0x90000046  }
0xb2: {  	s29 =	simm.s32 $0x9;
	_ =	strace $0x80000048  }
0xb3: {  	_ =	swait.ge [sflag:s29], $0x1  }
0xb4: {  	[sflag:s29] =	ssyncadd.s32 $0xFFFFFFFF  }
0xb5: {  	_ =	strace $0x90000048  }
0xb6: {  	_ =	sfence  }
0xb7: {  	s30 =	sld [smem:$0x0];
	_ =	sdelay $0x2  }
0xb8: {  	s31 =	sshll.u32 s1, $0xD;
	s1 =	sshrl.u32 s1, $0x2  }
0xb9: {  	s3 =	sand.u32 $0x4000, s31;
	s1 =	sadd.s32 s1, s30  }
0xba: {  	s0 =	sor.u32 s3, s0;
	s1 =	sshll.u32 s1, $0x11  }
0xbb: {  	s0 =	sor.u32 s1, s0  }
0xbc: {  	s0 =	sadd.s32 $0x8F2B, s0  }
0xbd: {  	[sflag:s0] =	ssyncadd.remote.s32 $0x1  }
0xbe: {  	_ =	sfence.sel $0xFFFF  }
0xbf: {  	[dreg:$0x0] =	wrdreg $0xFFFFFFFF;
	(pc) =	sbr.abs _section_cstart, $3  }
0xc0: {  	[dreg:$0x1] =	wrdreg $0xFFFFFFFF  }
0xc1: {  	_ =	task.clear_ibuf [dreg:s6], $0x2FFFF;
	_ =	strace $0x9FFFFFFF  }
0xc2: {  	(tm) =	ssettm $0x7FFFFFFF  }
0xc3: {  	_ =	shalt  }
tec
execute0_lowered:
.L_overlay_start_1:
0x0: {  	(tag) =	ssettag $0x1  }
0x1: {  	s0 =	rddreg [dreg:$0x0];
	s19 =	stileid.u32  }
0x2: {  	s1 =	rddreg [dreg:$0x1];
	s18 =	smul.u32 $0x19000, s19  }
0x3: {  	s3 =	srdreg.scid;
	s21 =	smul.u32 $0x6400, s19  }
0x4: {  	s2 =	simm.s32 $0x0;
	s3 =	sand.u32 $0x1, s3;
	s31 =	smul.u32 $0x2710, s19  }
0x5: {  	[smem:$0x7FF] =	sst s2;
	s12 =	sor.u32 $0x20, s19;
	s9 =	smul.u32 $0x271000, s3  }
0x6: {  	s4 =	sadd.s32 $0xDA00, s0;
	s10 =	sor.u32 $0x10, s19;
	s13 =	smul.u32 $0x19000, s12  }
0x7: {  	s15 =	sor.u32 $0x30, s19;
	_ =	strace $0x80000047;
	s23 =	smul.u32 $0x6400, s10  }
0x8: {  	s5 =	sshll.u32 s3, $0x4;
	s6 =	ssub.s32 $0x2, s3;
	s12 =	smul.u32 $0x6400, s12  }
0x9: {  	s3 =	smul.u32 $0x27100, s3;
	p0 =	sgt.u32 s15, $0x31;
	s7 =	sor.u32 s19, s5  }
0xa: {  	s5 =	sadd.s32 $0x3C00, s0;
	s20 =	sshrl.u32 s18, $0x2;
	s18 =	smul.u32 $0x6400, s15  }
0xb: {  	s8 =	sshrl.u32 s6, $0x1;
	s0 =	sadd.s32 $0x17800, s0;
	s7 =	smul.u32 $0x2710, s7  }
0xc: {  	s6 =	ssub.s32 s6, s8;
	s14 =	sadd.s32 $0x138800, s9;
	s8 =	sadd.s32 s20, s1  }
0xd: {  	s25 =	sadd.s32 s9, s21;
	s16 =	sadd.s32 s9, s23;
	s17 =	sadd.s32 s9, s12  }
0xe: {  	s6 =	smax.u32 s6, $0x1;
	s22 =	sadd.s32 $0x1400, s8;
	s24 =	sadd.s32 $0x2800, s8  }
0xf: {  	s16 =	sshrl.u32 s16, $0x3;
	s28 =	sshrl.u32 s17, $0x3;
	s9 =	sadd.s32 s9, s18  }
0x10: {  	s29 =	sadd.s32 s12, s14;
	s30 =	sadd.s32 s18, s14;
	[dreg:$0x5] =	wrdreg s6  }
0x11: {  	s12 =	smul.u32 $0x19000, s15;
	s7 =	sshrl.u32 s7, $0x3;
	[dreg:$0x6] =	wrdreg s22  }
0x12: {  	[dreg:$0x7] =	wrdreg s24;
	s26 =	sadd.s32 s0, s16;
	s9 =	sshrl.u32 s9, $0x3  }
0x13: {  	s6 =	sadd.s32 s23, s14;
	s11 =	sadd.s32 s4, s7;
	[dreg:$0x9] =	wrdreg s26  }
0x14: {  	s16 =	sshrl.u32 s13, $0x2;
	s7 =	sadd.s32 s5, s7;
	[dreg:$0x3] =	wrdreg s11  }
0x15: {  	s9 =	sadd.s32 s0, s9;
	s6 =	sshrl.u32 s6, $0x3;
	[dreg:$0x4] =	wrdreg s7  }
0x16: {  	s23 =	sadd.s32 s16, s1;
	[dreg:$0xb] =	wrdreg s9;
	s6 =	sadd.s32 s0, s6  }
0x17: {  	s7 =	sadd.s32 s21, s14;
	s14 =	sadd.s32 $0x5000, s8;
	[dreg:$0xd] =	wrdreg s6  }
0x18: {  	s16 =	simm.s32 $0x50;
	s19 =	sadd.s32 $0x1400, s23;
	[dreg:$0x10] =	wrdreg s14  }
0x19: {  	s11 =	smul.u32 $0x19000, s10;
	s20 =	sadd.s32 $0x2800, s23;
	[dreg:$0x13] =	wrdreg s19  }
0x1a: {  	s10 =	sshrl.u32 s25, $0x3;
	s21 =	sadd.s32 $0x3C00, s23;
	[dreg:$0x14] =	wrdreg s20  }
0x1b: {  	s9 =	sshrl.u32 s30, $0x3;
	s26 =	sadd.s32 $0x5000, s23;
	[dreg:$0x15] =	wrdreg s21  }
0x1c: {  	s10 =	sadd.s32 s0, s10;
	s7 =	sshrl.u32 s7, $0x3;
	[dreg:$0x16] =	wrdreg s26  }
0x1d: {  	s14 =	simm.s32 $0x2900;
	[dreg:$0x8] =	wrdreg s10;
	s10 =	sadd.s32 s0, s28  }
0x1e: {  	s19 =	simm.s32 $0x0;
	s7 =	sadd.s32 s0, s7;
	[dreg:$0xa] =	wrdreg s10  }
0x1f: {  	s15 =	sshrl.u32 s11, $0x2;
	[dreg:$0xc] =	wrdreg s7;
	s7 =	sshrl.u32 s29, $0x3  }
0x20: {  	s10 =	sadd.s32 s31, s3;
	s22 =	sadd.s32 s15, s1;
	s7 =	sadd.s32 s0, s7  }
0x21: {  	s3 =	sshrl.u32 s12, $0x2;
	s0 =	sadd.s32 s0, s9;
	[dreg:$0xe] =	wrdreg s7  }
0x22: {  	s15 =	simm.s32 $0x3;
	s17 =	sadd.s32 $0x3C00, s22;
	[dreg:$0xf] =	wrdreg s0  }
0x23: {  	s24 =	sadd.s32 s3, s1;
	s18 =	sadd.s32 $0x5000, s22;
	[dreg:$0x11] =	wrdreg s17  }
0x24: {  	s25 =	sadd.s32 $0x50, s10;
	[dreg:$0x12] =	wrdreg s18;
	s28 =	sadd.s32 $0x1400, s24  }
0x25: {  	s3 =	sadd.s32 $0x1400, s22;
	s29 =	sadd.s32 $0x2800, s24;
	[dreg:$0x17] =	wrdreg s28  }
0x26: {  	s6 =	sadd.s32 $0x2800, s22;
	s30 =	sadd.s32 $0x3C00, s24;
	[dreg:$0x18] =	wrdreg s29  }
0x27: {  	s7 =	sadd.s32 $0x3C00, s8;
	s31 =	sadd.s32 $0x5000, s24;
	[dreg:$0x19] =	wrdreg s30  }
0x28: {  	v0 =	vimm.f32 $1.000000000e+00;
	v1 =	vimm.f32 $0.0e+00;
	s17 =	simm.s32 $0x100;
	s18 =	simm.s32 $0x1;
	[dreg:$0x1a] =	wrdreg s31  }
.LBB2_1:
0x29: {  	s10 =	simm.s32 $0x0;
	s11 =	simm.s32 $0x0  }
.LBB2_2:
0x2a: {  	p1 =	sne.s32 s11, $0x9FC0  }
.Ltmp0:
0x2b: {  	_ = 	snop;
	(pc) =	sbr.rel @p1 .LBB2_2-.Ltmp0, $4  }
0x2c: {  	s20 =	sand.u32 $0xFE00, s11  }
0x2d: {  	s21 =	sand.u32 $0x70, s10;
	s20 =	sshrl.u32 s20, $0x2  }
0x2e: {  	s20 =	sor.u32 s21, s20  }
0x2f: {  	s10 =	sadd.s32 $0x10, s10;
	s11 =	sadd.s32 $0x40, s11;
	[tilespmem:s20+$0x100] =	vst v0  }
0x30: {  	s10 =	simm.s32 $0x0  }
0x31: {  	s11 =	sand.u32 $0x7E00, s10  }
0x32: {  	s20 =	sand.u32 $0x70, s10;
	s21 =	sshrl.u32 s11, $0x2  }
0x33: {  	s11 =	simm.s32 $0x40;
	s20 =	sor.u32 s20, s21  }
.LBB2_4:
0x34: {  	p1 =	sne.s32 s11, $0x4FC0  }
0x35: {  	[tilespmem:s20+$0x2900] =	vst v1;
	s10 =	sadd.s32 $0x10, s10;
	s20 =	smov.u32 s11;
	s11 =	sadd.s32 $0x40, s11  }
.Ltmp1:
0x36: {  	(pc) =	sbr.rel @p1 .LBB2_4-.Ltmp1, $4  }
0x37: {  	_ = 	snop  }
0x38: {  	s20 =	sand.u32 $0x7E00, s20  }
0x39: {  	s21 =	sand.u32 $0x70, s10;
	s20 =	sshrl.u32 s20, $0x2  }
0x3a: {  	s20 =	sor.u32 s21, s20  }
0x3b: {  	[tilespmem:s20+$0x2900] =	vst v1  }
0x3c: {  	[spmem:s8] =	stream.linear.scatter [tilespmem:s14], [sflag:$0x3], $0x1400, $0x38;
	[tilespmem:$0x17580] =	vst v63  }
0x3d: {  	_ =	swait.ge [sflag:s15], $0x1400  }
0x3e: {  	[sflag:s15] =	ssyncset.done $0x0  }
0x3f: {  	s0 =	rddreg [dreg:$0x6];
	[sflag:s15] =	ssyncadd.s32 $0xFFFFEC00  }
0x40: {  	[spmem:s0] =	stream.linear.scatter [tilespmem:s14], [sflag:$0x3], $0x1400, $0x38;
	[tilespmem:$0x17580] =	vst v63  }
0x41: {  	_ =	swait.ge [sflag:s15], $0x1400  }
0x42: {  	[sflag:s15] =	ssyncset.done $0x0  }
0x43: {  	s9 =	rddreg [dreg:$0x7];
	[sflag:s15] =	ssyncadd.s32 $0xFFFFEC00  }
0x44: {  	[spmem:s9] =	stream.linear.scatter [tilespmem:s14], [sflag:$0x3], $0x1400, $0x38;
	[tilespmem:$0x17580] =	vst v63  }
0x45: {  	_ =	swait.ge [sflag:s15], $0x1400  }
0x46: {  	[sflag:s15] =	ssyncset.done $0x0  }
0x47: {  	[sflag:s15] =	ssyncadd.s32 $0xFFFFEC00  }
0x48: {  	[spmem:s7] =	stream.linear.scatter [tilespmem:s14], [sflag:$0x3], $0x1400, $0x38;
	[tilespmem:$0x17580] =	vst v63  }
0x49: {  	_ =	swait.ge [sflag:s15], $0x1400  }
0x4a: {  	[sflag:s15] =	ssyncset.done $0x0  }
0x4b: {  	s10 =	rddreg [dreg:$0x10];
	[sflag:s15] =	ssyncadd.s32 $0xFFFFEC00  }
0x4c: {  	[spmem:s10] =	stream.linear.scatter [tilespmem:s14], [sflag:$0x3], $0x1400, $0x38;
	[tilespmem:$0x17580] =	vst v63  }
0x4d: {  	_ =	swait.ge [sflag:s15], $0x1400  }
0x4e: {  	[sflag:s15] =	ssyncset.done $0x0  }
0x4f: {  	[sflag:s15] =	ssyncadd.s32 $0xFFFFEC00  }
0x50: {  	[spmem:s22] =	stream.linear.scatter [tilespmem:s14], [sflag:$0x3], $0x1400, $0x38;
	[tilespmem:$0x17580] =	vst v63  }
0x51: {  	_ =	swait.ge [sflag:s15], $0x1400  }
0x52: {  	[sflag:s15] =	ssyncset.done $0x0  }
0x53: {  	[sflag:s15] =	ssyncadd.s32 $0xFFFFEC00  }
0x54: {  	[spmem:s3] =	stream.linear.scatter [tilespmem:s14], [sflag:$0x3], $0x1400, $0x38;
	[tilespmem:$0x17580] =	vst v63  }
0x55: {  	_ =	swait.ge [sflag:s15], $0x1400  }
0x56: {  	[sflag:s15] =	ssyncset.done $0x0  }
0x57: {  	[sflag:s15] =	ssyncadd.s32 $0xFFFFEC00  }
0x58: {  	[spmem:s6] =	stream.linear.scatter [tilespmem:s14], [sflag:$0x3], $0x1400, $0x38;
	[tilespmem:$0x17580] =	vst v63  }
0x59: {  	_ =	swait.ge [sflag:s15], $0x1400  }
0x5a: {  	[sflag:s15] =	ssyncset.done $0x0  }
0x5b: {  	s11 =	rddreg [dreg:$0x11];
	[sflag:s15] =	ssyncadd.s32 $0xFFFFEC00  }
0x5c: {  	[spmem:s11] =	stream.linear.scatter [tilespmem:s14], [sflag:$0x3], $0x1400, $0x38;
	[tilespmem:$0x17580] =	vst v63  }
0x5d: {  	_ =	swait.ge [sflag:s15], $0x1400  }
0x5e: {  	[sflag:s15] =	ssyncset.done $0x0  }
0x5f: {  	s12 =	rddreg [dreg:$0x12];
	[sflag:s15] =	ssyncadd.s32 $0xFFFFEC00  }
0x60: {  	[spmem:s12] =	stream.linear.scatter [tilespmem:s14], [sflag:$0x3], $0x1400, $0x38;
	[tilespmem:$0x17580] =	vst v63  }
0x61: {  	_ =	swait.ge [sflag:s15], $0x1400  }
0x62: {  	[sflag:s15] =	ssyncset.done $0x0  }
0x63: {  	[sflag:s15] =	ssyncadd.s32 $0xFFFFEC00  }
0x64: {  	[spmem:s23] =	stream.linear.scatter [tilespmem:s14], [sflag:$0x3], $0x1400, $0x38;
	[tilespmem:$0x17580] =	vst v63  }
0x65: {  	_ =	swait.ge [sflag:s15], $0x1400  }
0x66: {  	[sflag:s15] =	ssyncset.done $0x0  }
0x67: {  	s13 =	rddreg [dreg:$0x13];
	[sflag:s15] =	ssyncadd.s32 $0xFFFFEC00  }
0x68: {  	[spmem:s13] =	stream.linear.scatter [tilespmem:s14], [sflag:$0x3], $0x1400, $0x38;
	[tilespmem:$0x17580] =	vst v63  }
0x69: {  	_ =	swait.ge [sflag:s15], $0x1400  }
0x6a: {  	[sflag:s15] =	ssyncset.done $0x0  }
0x6b: {  	s20 =	rddreg [dreg:$0x14];
	[sflag:s15] =	ssyncadd.s32 $0xFFFFEC00  }
0x6c: {  	[spmem:s20] =	stream.linear.scatter [tilespmem:s14], [sflag:$0x3], $0x1400, $0x38;
	[tilespmem:$0x17580] =	vst v63  }
0x6d: {  	_ =	swait.ge [sflag:s15], $0x1400  }
0x6e: {  	[sflag:s15] =	ssyncset.done $0x0  }
0x6f: {  	s21 =	rddreg [dreg:$0x15];
	[sflag:s15] =	ssyncadd.s32 $0xFFFFEC00  }
0x70: {  	[spmem:s21] =	stream.linear.scatter [tilespmem:s14], [sflag:$0x3], $0x1400, $0x38;
	[tilespmem:$0x17580] =	vst v63  }
0x71: {  	_ =	swait.ge [sflag:s15], $0x1400  }
0x72: {  	[sflag:s15] =	ssyncset.done $0x0  }
0x73: {  	s26 =	rddreg [dreg:$0x16];
	[sflag:s15] =	ssyncadd.s32 $0xFFFFEC00  }
0x74: {  	[spmem:s26] =	stream.linear.scatter [tilespmem:s14], [sflag:$0x3], $0x1400, $0x38;
	[tilespmem:$0x17580] =	vst v63  }
0x75: {  	_ =	swait.ge [sflag:s15], $0x1400  }
0x76: {  	[sflag:s15] =	ssyncset.done $0x0  }
0x77: {  	s10 =	simm.s32 @!p0 $0x2900;
	s11 =	simm.s32 @!p0 $0x3;
	[sflag:s15] =	ssyncadd.s32 $0xFFFFEC00  }
0x78: {  	[spmem:s24] =	stream.linear.scatter @!p0 [tilespmem:s10], [sflag:$0x3], $0x1400, $0x38;
	[tilespmem:$0x17580] =	vst v63  }
0x79: {  	_ =	swait.ge @!p0 [sflag:s11], $0x1400  }
0x7a: {  	[sflag:s11] =	ssyncset.done @!p0 $0x0  }
0x7b: {  	s0 =	rddreg [dreg:$0x17];
	[sflag:s11] =	ssyncadd.s32 @!p0 $0xFFFFEC00  }
0x7c: {  	[spmem:s0] =	stream.linear.scatter @!p0 [tilespmem:s10], [sflag:$0x3], $0x1400, $0x38;
	[tilespmem:$0x17580] =	vst v63  }
0x7d: {  	_ =	swait.ge @!p0 [sflag:s11], $0x1400  }
0x7e: {  	[sflag:s11] =	ssyncset.done @!p0 $0x0  }
0x7f: {  	s0 =	rddreg [dreg:$0x18];
	[sflag:s11] =	ssyncadd.s32 @!p0 $0xFFFFEC00  }
0x80: {  	[spmem:s0] =	stream.linear.scatter @!p0 [tilespmem:s10], [sflag:$0x3], $0x1400, $0x38;
	[tilespmem:$0x17580] =	vst v63  }
0x81: {  	_ =	swait.ge @!p0 [sflag:s11], $0x1400  }
0x82: {  	[sflag:s11] =	ssyncset.done @!p0 $0x0  }
0x83: {  	s0 =	rddreg [dreg:$0x19];
	[sflag:s11] =	ssyncadd.s32 @!p0 $0xFFFFEC00  }
0x84: {  	[spmem:s0] =	stream.linear.scatter @!p0 [tilespmem:s10], [sflag:$0x3], $0x1400, $0x38;
	[tilespmem:$0x17580] =	vst v63  }
0x85: {  	_ =	swait.ge @!p0 [sflag:s11], $0x1400  }
0x86: {  	s29 =	simm.s32 $0x1;
	[sflag:s11] =	ssyncset.done @!p0 $0x0  }
0x87: {  	s30 =	simm.s32 $0x0;
	s0 =	rddreg [dreg:$0x1a];
	[sflag:s11] =	ssyncadd.s32 @!p0 $0xFFFFEC00  }
0x88: {  	[spmem:s0] =	stream.linear.scatter @!p0 [tilespmem:s10], [sflag:$0x3], $0x1400, $0x38;
	[tilespmem:$0x17580] =	vst v63  }
0x89: {  	s20 =	sand.u32 $0x1, s30;
	s10 =	sand.u32 $0x1, s29;
	_ =	swait.ge @!p0 [sflag:s11], $0x1400  }
0x8a: {  	s31 =	sadd.s32 $0x1, s20;
	s21 =	sshll.u32 s10, $0x7;
	[sflag:s11] =	ssyncset.done @!p0 $0x0  }
0x8b: {  	s28 =	rddreg [dreg:$0x3];
	[sflag:s11] =	ssyncadd.s32 @!p0 $0xFFFFEC00;
	s11 =	sshrl.u32 s25, $0x3  }
0x8c: {  	[tilespmem:s2], [sflag:$0x1] =	stream.linear.gather [hbm4b:s28+s2], $0x50, $0x38;
	[tilespmem:$0x17580] =	vst v63  }
0x8d: {  	s10 =	sadd.s32 $0x1, s10;
	s26 =	sadd.s32 s4, s11;
	[bflag:$0x0] =	sbarrier.arrive $0xFFFF  }
0x8e: {  	[tilespmem:s21], [sflag:s10] =	stream.linear.gather [hbm4b:s26+s2], $0x50, $0x38;
	[tilespmem:$0x17580] =	vst v63  }
0x8f: {  	_ =	swait.ge [sflag:s31], $0x50  }
0x90: {  	s20 =	sshll.u32 s20, $0x7;
	[sflag:s31] =	ssyncset.done $0x0  }
0x91: {  	s10 =	simm.s32 $0x2;
	s21 =	simm.s32 $0x1;
	[sflag:s31] =	ssyncadd.s32 $0xFFFFFFB0  }
0x92: {  	[spmem:s1] =	stream.indirect.scatter.add.f32 [tilespmem:s17], [sflag:$0x3], $0x80, s20, s16, $0xb8;
	[tilespmem:$0x17580] =	vst v63  }
0x93: {  	s26 =	simm.s32 $0x3;
	s20 =	sadd.s32 $0x50, s25;
	_ =	swait.ge [sflag:s15], $0x2800  }
.LBB2_6:
0x94: {  	s28 =	sand.u32 $0x1, s10;
	s29 =	sshrl.u32 s20, $0x3  }
0x95: {  	[sflag:s15] =	ssyncset.done $0x0;
	s10 =	smov.u32 s26;
	s30 =	sand.u32 $0x1, s21  }
0x96: {  	p1 =	sne.s32 s26, $0x7C;
	s21 =	sshll.u32 s28, $0x7;
	[sflag:s15] =	ssyncadd.s32 $0xFFFFD800  }
0x97: {  	s28 =	sadd.s32 $0x1, s28;
	s29 =	sadd.s32 s4, s29;
	s31 =	sadd.s32 $0x1, s30  }
0x98: {  	[tilespmem:s21], [sflag:s28] =	stream.linear.gather [hbm4b:s29+s2], $0x50, $0x38;
	[tilespmem:$0x17580] =	vst v63  }
.Ltmp2:
0x99: {  	s21 =	sadd.s32 $0xFFFFFFFF, s26;
	_ =	swait.ge [sflag:s31], $0x50;
	(pc) =	sbr.rel @p1 .LBB2_6-.Ltmp2, $4  }
0x9a: {  	s28 =	sadd.s32 $0x1, s26;
	s29 =	sshll.u32 s30, $0x7;
	[sflag:s31] =	ssyncset.done $0x0  }
0x9b: {  	[sflag:s31] =	ssyncadd.s32 $0xFFFFFFB0  }
0x9c: {  	[spmem:s1] =	stream.indirect.scatter.add.f32 [tilespmem:s17], [sflag:$0x3], $0x80, s29, s16, $0xb8;
	[tilespmem:$0x17580] =	vst v63  }
0x9d: {  	s20 =	sadd.s32 $0x50, s20;
	s26 =	smov.u32 s28;
	_ =	swait.ge [sflag:s15], $0x2800  }
0x9e: {  	s10 =	sand.u32 $0x1, s10;
	s20 =	sshrl.u32 s20, $0x3;
	[sflag:s15] =	ssyncset.done $0x0  }
0x9f: {  	s21 =	sand.u32 $0x1, s21;
	s26 =	sshll.u32 s10, $0x7;
	[sflag:s15] =	ssyncadd.s32 $0xFFFFD800  }
0xa0: {  	s10 =	sadd.s32 $0x1, s10;
	s20 =	sadd.s32 s4, s20;
	s28 =	sadd.s32 $0x1, s21  }
0xa1: {  	[tilespmem:s26], [sflag:s10] =	stream.linear.gather [hbm4b:s20+s2], $0x50, $0x38;
	[tilespmem:$0x17580] =	vst v63  }
0xa2: {  	_ =	swait.ge [sflag:s28], $0x50  }
0xa3: {  	[sflag:s28] =	ssyncset.done $0x0  }
0xa4: {  	s26 =	sshll.u32 s21, $0x7;
	[sflag:s28] =	ssyncadd.s32 $0xFFFFFFB0  }
0xa5: {  	[spmem:s1] =	stream.indirect.scatter.add.f32 [tilespmem:s17], [sflag:$0x3], $0x80, s26, s16, $0xb8;
	[tilespmem:$0x17580] =	vst v63  }
0xa6: {  	_ =	swait.ge [sflag:s15], $0x2800  }
0xa7: {  	[sflag:s15] =	ssyncset.done $0x0  }
0xa8: {  	[sflag:s15] =	ssyncadd.s32 $0xFFFFD800  }
0xa9: {  	_ =	swait.ge [sflag:s18], $0x50  }
0xaa: {  	[sflag:s18] =	ssyncset.done $0x0  }
0xab: {  	[sflag:s18] =	ssyncadd.s32 $0xFFFFFFB0  }
0xac: {  	[spmem:s1] =	stream.indirect.scatter.add.f32 [tilespmem:s17], [sflag:$0x3], $0x80, s2, s16, $0xb8;
	[tilespmem:$0x17580] =	vst v63  }
0xad: {  	_ =	swait.ge [sflag:s15], $0x2800  }
0xae: {  	[sflag:s15] =	ssyncset.done $0x0  }
0xaf: {  	s0 =	stileid.u32;
	[sflag:s15] =	ssyncadd.s32 $0xFFFFD800  }
0xb0: {  	s0 =	sshll.u32 s0, $0x6;
	[bflag:$0x0] =	sbarrier.arrive $0xFFFF  }
0xb1: {  	s10 =	sor.u32 $0x1C03, s0;
	s20 =	sshrl.u32 s8, $0x3;
	s9 =	rddreg [dreg:$0x8]  }
0xb2: {  	[hbm:s9], [sflag:s10] =	dma.local [spmem:s20], $0xC80  }
0xb3: {  	_ =	swait.ge [sflag:s15], $0xC80  }
0xb4: {  	[sflag:s15] =	ssyncset.done $0x0  }
0xb5: {  	s21 =	sshrl.u32 s22, $0x3;
	s12 =	rddreg [dreg:$0x9];
	[sflag:s15] =	ssyncadd.s32 $0xFFFFF380  }
0xb6: {  	[hbm:s12], [sflag:s10] =	dma.local [spmem:s21], $0xC80  }
0xb7: {  	_ =	swait.ge [sflag:s15], $0xC80  }
0xb8: {  	[sflag:s15] =	ssyncset.done $0x0  }
0xb9: {  	s26 =	sshrl.u32 s23, $0x3;
	s13 =	rddreg [dreg:$0xa];
	[sflag:s15] =	ssyncadd.s32 $0xFFFFF380  }
0xba: {  	[hbm:s13], [sflag:s10] =	dma.local [spmem:s26], $0xC80  }
0xbb: {  	_ =	swait.ge [sflag:s15], $0xC80  }
0xbc: {  	s29 =	simm.s32 @!p0 $0x3;
	[sflag:s15] =	ssyncset.done $0x0  }
0xbd: {  	s28 =	sshrl.u32 @!p0 s24, $0x3;
	s0 =	rddreg [dreg:$0xb];
	[sflag:s15] =	ssyncadd.s32 $0xFFFFF380  }
0xbe: {  	[hbm:s0], [sflag:s10] =	dma.local @!p0 [spmem:s28], $0xC80  }
0xbf: {  	_ =	swait.ge @!p0 [sflag:s29], $0xC80  }
0xc0: {  	[sflag:s29] =	ssyncset.done @!p0 $0x0  }
0xc1: {  	[sflag:s29] =	ssyncadd.s32 @!p0 $0xFFFFF380  }
0xc2: {  	[bflag:$0x0] =	sbarrier.arrive $0xFFFF  }
0xc3: {  	[spmem:s8] =	stream.linear.scatter [tilespmem:s14], [sflag:$0x3], $0x1400, $0x38;
	[tilespmem:$0x17580] =	vst v63  }
0xc4: {  	_ =	swait.ge [sflag:s15], $0x1400  }
0xc5: {  	[sflag:s15] =	ssyncset.done $0x0  }
0xc6: {  	s9 =	rddreg [dreg:$0x6];
	[sflag:s15] =	ssyncadd.s32 $0xFFFFEC00  }
0xc7: {  	[spmem:s9] =	stream.linear.scatter [tilespmem:s14], [sflag:$0x3], $0x1400, $0x38;
	[tilespmem:$0x17580] =	vst v63  }
0xc8: {  	_ =	swait.ge [sflag:s15], $0x1400  }
0xc9: {  	[sflag:s15] =	ssyncset.done $0x0  }
0xca: {  	s12 =	rddreg [dreg:$0x7];
	[sflag:s15] =	ssyncadd.s32 $0xFFFFEC00  }
0xcb: {  	[spmem:s12] =	stream.linear.scatter [tilespmem:s14], [sflag:$0x3], $0x1400, $0x38;
	[tilespmem:$0x17580] =	vst v63  }
0xcc: {  	_ =	swait.ge [sflag:s15], $0x1400  }
0xcd: {  	[sflag:s15] =	ssyncset.done $0x0  }
0xce: {  	[sflag:s15] =	ssyncadd.s32 $0xFFFFEC00  }
0xcf: {  	[spmem:s7] =	stream.linear.scatter [tilespmem:s14], [sflag:$0x3], $0x1400, $0x38;
	[tilespmem:$0x17580] =	vst v63  }
0xd0: {  	_ =	swait.ge [sflag:s15], $0x1400  }
0xd1: {  	[sflag:s15] =	ssyncset.done $0x0  }
0xd2: {  	s13 =	rddreg [dreg:$0x10];
	[sflag:s15] =	ssyncadd.s32 $0xFFFFEC00  }
0xd3: {  	[spmem:s13] =	stream.linear.scatter [tilespmem:s14], [sflag:$0x3], $0x1400, $0x38;
	[tilespmem:$0x17580] =	vst v63  }
0xd4: {  	_ =	swait.ge [sflag:s15], $0x1400  }
0xd5: {  	[sflag:s15] =	ssyncset.done $0x0  }
0xd6: {  	[sflag:s15] =	ssyncadd.s32 $0xFFFFEC00  }
0xd7: {  	[spmem:s22] =	stream.linear.scatter [tilespmem:s14], [sflag:$0x3], $0x1400, $0x38;
	[tilespmem:$0x17580] =	vst v63  }
0xd8: {  	_ =	swait.ge [sflag:s15], $0x1400  }
0xd9: {  	[sflag:s15] =	ssyncset.done $0x0  }
0xda: {  	[sflag:s15] =	ssyncadd.s32 $0xFFFFEC00  }
0xdb: {  	[spmem:s3] =	stream.linear.scatter [tilespmem:s14], [sflag:$0x3], $0x1400, $0x38;
	[tilespmem:$0x17580] =	vst v63  }
0xdc: {  	_ =	swait.ge [sflag:s15], $0x1400  }
0xdd: {  	[sflag:s15] =	ssyncset.done $0x0  }
0xde: {  	[sflag:s15] =	ssyncadd.s32 $0xFFFFEC00  }
0xdf: {  	[spmem:s6] =	stream.linear.scatter [tilespmem:s14], [sflag:$0x3], $0x1400, $0x38;
	[tilespmem:$0x17580] =	vst v63  }
0xe0: {  	_ =	swait.ge [sflag:s15], $0x1400  }
0xe1: {  	[sflag:s15] =	ssyncset.done $0x0  }
0xe2: {  	s13 =	smov.u32 s6;
	s6 =	rddreg [dreg:$0x11];
	[sflag:s15] =	ssyncadd.s32 $0xFFFFEC00  }
0xe3: {  	[spmem:s6] =	stream.linear.scatter [tilespmem:s14], [sflag:$0x3], $0x1400, $0x38;
	[tilespmem:$0x17580] =	vst v63  }
0xe4: {  	_ =	swait.ge [sflag:s15], $0x1400  }
0xe5: {  	[sflag:s15] =	ssyncset.done $0x0  }
0xe6: {  	s9 =	smov.u32 s7;
	s7 =	rddreg [dreg:$0x12];
	[sflag:s15] =	ssyncadd.s32 $0xFFFFEC00  }
0xe7: {  	[spmem:s7] =	stream.linear.scatter [tilespmem:s14], [sflag:$0x3], $0x1400, $0x38;
	[tilespmem:$0x17580] =	vst v63  }
0xe8: {  	_ =	swait.ge [sflag:s15], $0x1400  }
0xe9: {  	[sflag:s15] =	ssyncset.done $0x0  }
0xea: {  	[sflag:s15] =	ssyncadd.s32 $0xFFFFEC00  }
0xeb: {  	[spmem:s23] =	stream.linear.scatter [tilespmem:s14], [sflag:$0x3], $0x1400, $0x38;
	[tilespmem:$0x17580] =	vst v63  }
0xec: {  	_ =	swait.ge [sflag:s15], $0x1400  }
0xed: {  	[sflag:s15] =	ssyncset.done $0x0  }
0xee: {  	s12 =	smov.u32 s3;
	s3 =	rddreg [dreg:$0x13];
	[sflag:s15] =	ssyncadd.s32 $0xFFFFEC00  }
0xef: {  	[spmem:s3] =	stream.linear.scatter [tilespmem:s14], [sflag:$0x3], $0x1400, $0x38;
	[tilespmem:$0x17580] =	vst v63  }
0xf0: {  	_ =	swait.ge [sflag:s15], $0x1400  }
0xf1: {  	[sflag:s15] =	ssyncset.done $0x0  }
0xf2: {  	s6 =	rddreg [dreg:$0x14];
	[sflag:s15] =	ssyncadd.s32 $0xFFFFEC00  }
0xf3: {  	[spmem:s6] =	stream.linear.scatter [tilespmem:s14], [sflag:$0x3], $0x1400, $0x38;
	[tilespmem:$0x17580] =	vst v63  }
0xf4: {  	_ =	swait.ge [sflag:s15], $0x1400  }
0xf5: {  	[sflag:s15] =	ssyncset.done $0x0  }
0xf6: {  	s7 =	rddreg [dreg:$0x15];
	[sflag:s15] =	ssyncadd.s32 $0xFFFFEC00  }
0xf7: {  	[spmem:s7] =	stream.linear.scatter [tilespmem:s14], [sflag:$0x3], $0x1400, $0x38;
	[tilespmem:$0x17580] =	vst v63  }
0xf8: {  	_ =	swait.ge [sflag:s15], $0x1400  }
0xf9: {  	[sflag:s15] =	ssyncset.done $0x0  }
0xfa: {  	s3 =	rddreg [dreg:$0x16];
	[sflag:s15] =	ssyncadd.s32 $0xFFFFEC00  }
0xfb: {  	[spmem:s3] =	stream.linear.scatter [tilespmem:s14], [sflag:$0x3], $0x1400, $0x38;
	[tilespmem:$0x17580] =	vst v63  }
0xfc: {  	_ =	swait.ge [sflag:s15], $0x1400  }
0xfd: {  	[sflag:s15] =	ssyncset.done $0x0  }
0xfe: {  	s30 =	simm.s32 @!p0 $0x2900;
	[sflag:s15] =	ssyncadd.s32 $0xFFFFEC00  }
0xff: {  	[spmem:s24] =	stream.linear.scatter @!p0 [tilespmem:s30], [sflag:$0x3], $0x1400, $0x38;
	[tilespmem:$0x17580] =	vst v63  }
0x100: {  	_ =	swait.ge @!p0 [sflag:s29], $0x1400  }
0x101: {  	[sflag:s29] =	ssyncset.done @!p0 $0x0  }
0x102: {  	s0 =	rddreg [dreg:$0x17];
	[sflag:s29] =	ssyncadd.s32 @!p0 $0xFFFFEC00  }
0x103: {  	[spmem:s0] =	stream.linear.scatter @!p0 [tilespmem:s30], [sflag:$0x3], $0x1400, $0x38;
	[tilespmem:$0x17580] =	vst v63  }
0x104: {  	_ =	swait.ge @!p0 [sflag:s29], $0x1400  }
0x105: {  	[sflag:s29] =	ssyncset.done @!p0 $0x0  }
0x106: {  	s0 =	rddreg [dreg:$0x18];
	[sflag:s29] =	ssyncadd.s32 @!p0 $0xFFFFEC00  }
0x107: {  	[spmem:s0] =	stream.linear.scatter @!p0 [tilespmem:s30], [sflag:$0x3], $0x1400, $0x38;
	[tilespmem:$0x17580] =	vst v63  }
0x108: {  	_ =	swait.ge @!p0 [sflag:s29], $0x1400  }
0x109: {  	[sflag:s29] =	ssyncset.done @!p0 $0x0  }
0x10a: {  	s0 =	rddreg [dreg:$0x19];
	[sflag:s29] =	ssyncadd.s32 @!p0 $0xFFFFEC00  }
0x10b: {  	[spmem:s0] =	stream.linear.scatter @!p0 [tilespmem:s30], [sflag:$0x3], $0x1400, $0x38;
	[tilespmem:$0x17580] =	vst v63  }
0x10c: {  	_ =	swait.ge @!p0 [sflag:s29], $0x1400  }
0x10d: {  	[sflag:s29] =	ssyncset.done @!p0 $0x0  }
0x10e: {  	s0 =	rddreg [dreg:$0x1a];
	[sflag:s29] =	ssyncadd.s32 @!p0 $0xFFFFEC00  }
0x10f: {  	[spmem:s0] =	stream.linear.scatter @!p0 [tilespmem:s30], [sflag:$0x3], $0x1400, $0x38;
	[tilespmem:$0x17580] =	vst v63  }
0x110: {  	s30 =	simm.s32 $0x0;
	_ =	swait.ge @!p0 [sflag:s29], $0x1400  }
0x111: {  	s30 =	sand.u32 $0x1, s30;
	[sflag:s29] =	ssyncset.done @!p0 $0x0  }
0x112: {  	s6 =	rddreg [dreg:$0x4];
	[sflag:s29] =	ssyncadd.s32 @!p0 $0xFFFFEC00;
	s29 =	simm.s32 $0x1  }
0x113: {  	[tilespmem:s2], [sflag:$0x1] =	stream.linear.gather [hbm4b:s6+s2], $0x50, $0x38;
	[tilespmem:$0x17580] =	vst v63  }
0x114: {  	s11 =	sadd.s32 s5, s11;
	s7 =	sadd.s32 $0x1, s30;
	s29 =	sand.u32 $0x1, s29  }
0x115: {  	[bflag:$0x0] =	sbarrier.arrive $0xFFFF;
	s31 =	sshll.u32 s29, $0x7;
	s29 =	sadd.s32 $0x1, s29  }
0x116: {  	[tilespmem:s31], [sflag:s29] =	stream.linear.gather [hbm4b:s11+s2], $0x50, $0x38;
	[tilespmem:$0x17580] =	vst v63  }
0x117: {  	_ =	swait.ge [sflag:s7], $0x50  }
0x118: {  	s29 =	sshll.u32 s30, $0x7;
	[sflag:s7] =	ssyncset.done $0x0  }
0x119: {  	s11 =	simm.s32 $0x2;
	s30 =	simm.s32 $0x1;
	[sflag:s7] =	ssyncadd.s32 $0xFFFFFFB0  }
0x11a: {  	[spmem:s1] =	stream.indirect.scatter.add.f32 [tilespmem:s17], [sflag:$0x3], $0x80, s29, s16, $0xb8;
	[tilespmem:$0x17580] =	vst v63  }
0x11b: {  	s31 =	simm.s32 $0x3;
	s29 =	sadd.s32 $0x50, s25;
	_ =	swait.ge [sflag:s15], $0x2800  }
.LBB2_8:
0x11c: {  	s0 =	sand.u32 $0x1, s11;
	s3 =	sshrl.u32 s29, $0x3  }
0x11d: {  	[sflag:s15] =	ssyncset.done $0x0;
	s11 =	smov.u32 s31;
	s6 =	sand.u32 $0x1, s30  }
0x11e: {  	p1 =	sne.s32 s31, $0x7C;
	s30 =	sshll.u32 s0, $0x7;
	[sflag:s15] =	ssyncadd.s32 $0xFFFFD800  }
0x11f: {  	s0 =	sadd.s32 $0x1, s0;
	s3 =	sadd.s32 s5, s3;
	s7 =	sadd.s32 $0x1, s6  }
0x120: {  	[tilespmem:s30], [sflag:s0] =	stream.linear.gather [hbm4b:s3+s2], $0x50, $0x38;
	[tilespmem:$0x17580] =	vst v63  }
.Ltmp3:
0x121: {  	s30 =	sadd.s32 $0xFFFFFFFF, s31;
	_ =	swait.ge [sflag:s7], $0x50;
	(pc) =	sbr.rel @p1 .LBB2_8-.Ltmp3, $4  }
0x122: {  	s0 =	sadd.s32 $0x1, s31;
	s3 =	sshll.u32 s6, $0x7;
	[sflag:s7] =	ssyncset.done $0x0  }
0x123: {  	[sflag:s7] =	ssyncadd.s32 $0xFFFFFFB0  }
0x124: {  	[spmem:s1] =	stream.indirect.scatter.add.f32 [tilespmem:s17], [sflag:$0x3], $0x80, s3, s16, $0xb8;
	[tilespmem:$0x17580] =	vst v63  }
0x125: {  	s29 =	sadd.s32 $0x50, s29;
	s31 =	smov.u32 s0;
	_ =	swait.ge [sflag:s15], $0x2800  }
0x126: {  	s0 =	sand.u32 $0x1, s11;
	s3 =	sshrl.u32 s29, $0x3;
	[sflag:s15] =	ssyncset.done $0x0  }
0x127: {  	s6 =	sand.u32 $0x1, s30;
	s7 =	sshll.u32 s0, $0x7;
	[sflag:s15] =	ssyncadd.s32 $0xFFFFD800  }
0x128: {  	s0 =	sadd.s32 $0x1, s0;
	s3 =	sadd.s32 s5, s3;
	s31 =	sadd.s32 $0x1, s6  }
0x129: {  	[tilespmem:s7], [sflag:s0] =	stream.linear.gather [hbm4b:s3+s2], $0x50, $0x38;
	[tilespmem:$0x17580] =	vst v63  }
0x12a: {  	_ =	swait.ge [sflag:s31], $0x50  }
0x12b: {  	[sflag:s31] =	ssyncset.done $0x0  }
0x12c: {  	s7 =	sshll.u32 s6, $0x7;
	[sflag:s31] =	ssyncadd.s32 $0xFFFFFFB0  }
0x12d: {  	[spmem:s1] =	stream.indirect.scatter.add.f32 [tilespmem:s17], [sflag:$0x3], $0x80, s7, s16, $0xb8;
	[tilespmem:$0x17580] =	vst v63  }
0x12e: {  	_ =	swait.ge [sflag:s15], $0x2800  }
0x12f: {  	[sflag:s15] =	ssyncset.done $0x0  }
0x130: {  	[sflag:s15] =	ssyncadd.s32 $0xFFFFD800  }
0x131: {  	_ =	swait.ge [sflag:s18], $0x50  }
0x132: {  	[sflag:s18] =	ssyncset.done $0x0  }
0x133: {  	[sflag:s18] =	ssyncadd.s32 $0xFFFFFFB0  }
0x134: {  	[spmem:s1] =	stream.indirect.scatter.add.f32 [tilespmem:s17], [sflag:$0x3], $0x80, s2, s16, $0xb8;
	[tilespmem:$0x17580] =	vst v63  }
0x135: {  	_ =	swait.ge [sflag:s15], $0x2800  }
0x136: {  	[sflag:s15] =	ssyncset.done $0x0  }
0x137: {  	[sflag:s15] =	ssyncadd.s32 $0xFFFFD800  }
0x138: {  	[bflag:$0x0] =	sbarrier.arrive $0xFFFF  }
0x139: {  	s11 =	rddreg [dreg:$0xc]  }
0x13a: {  	[hbm:s11], [sflag:s10] =	dma.local [spmem:s20], $0xC80  }
0x13b: {  	_ =	swait.ge [sflag:s15], $0xC80  }
0x13c: {  	[sflag:s15] =	ssyncset.done $0x0  }
0x13d: {  	s29 =	rddreg [dreg:$0xd];
	[sflag:s15] =	ssyncadd.s32 $0xFFFFF380  }
0x13e: {  	[hbm:s29], [sflag:s10] =	dma.local [spmem:s21], $0xC80  }
0x13f: {  	_ =	swait.ge [sflag:s15], $0xC80  }
0x140: {  	[sflag:s15] =	ssyncset.done $0x0  }
0x141: {  	s30 =	rddreg [dreg:$0xe];
	[sflag:s15] =	ssyncadd.s32 $0xFFFFF380  }
0x142: {  	[hbm:s30], [sflag:s10] =	dma.local [spmem:s26], $0xC80  }
0x143: {  	_ =	swait.ge [sflag:s15], $0xC80  }
0x144: {  	[sflag:s15] =	ssyncset.done $0x0  }
0x145: {  	s0 =	rddreg [dreg:$0xf];
	[sflag:s15] =	ssyncadd.s32 $0xFFFFF380  }
0x146: {  	[hbm:s0], [sflag:s10] =	dma.local @!p0 [spmem:s28], $0xC80  }
0x147: {  	s0 =	simm.s32 @!p0 $0x3  }
0x148: {  	_ =	swait.ge @!p0 [sflag:s0], $0xC80  }
0x149: {  	s19 =	sadd.s32 $0x1, s19;
	s31 =	rddreg [dreg:$0x5]  }
0x14a: {  	p1 =	sne.s32 s19, s31  }
.Ltmp4:
0x14b: {  	_ = 	snop;
	(pc) =	sbr.rel @p1 .LBB2_1-.Ltmp4, $4  }
0x14c: {  	[sflag:s0] =	ssyncset.done @!p0 $0x0  }
0x14d: {  	[sflag:s0] =	ssyncadd.s32 @!p0 $0xFFFFF380  }
0x14e: {  	[bflag:$0x0] =	sbarrier.arrive $0xFFFF  }
0x14f: {  	s3 =	smov.u32 s12;
	s6 =	smov.u32 s13;
	s7 =	smov.u32 s9  }
0x150: {  	_ =	sfence.sel $0x180000  }
0x151: {  	[bflag:$0x0] =	sbarrier.arrive $0xFFFF  }
0x152: {  	_ =	strace $0x90000047  }
0x153: {  	s0 =	stileid.u32;
	[bflag:$0x2] =	sbarrier.arrive $0xFFFF  }
0x154: {  	p0 =	sne.s32 s0, $0x0;
	s0 =	rddreg [dreg:$0x2]  }
0x155: {  	s0 =	sadd.s32 @!p0 $0x100000, s0  }
0x156: {  	[sflag:s0] =	ssyncadd.tile.s32 @!p0 $0x1;
	_ =	shalt  }
.Lfunc_end2:
_tile_overlayer_lowered:
.L_overlay_start_2:
0x157: {  	(tag) =	ssettag $0x2  }
0x158: {  	s0 =	rddreg [dreg:$0x0];
	s2 =	stileid.u32  }
0x159: {  	s1 =	rddreg [dreg:$0x1];
	p0 =	sne.s32 s2, $0x0  }
0x15a: {  	s3 =	rddreg [dreg:$0x2];
	[bflag:$0x3] =	sbarrier.arrive $0xFFFF;
	s2 =	simm.s32 @!p0 $0x1C03  }
0x15b: {  	[timem:s3], [sflag:s2] =	dma.local @!p0 [hbm:s0], s1  }
0x15c: {  	s0 =	simm.s32 @!p0 $0x3  }
0x15d: {  	_ =	swait.ge @!p0 [sflag:s0], s1  }
0x15e: {  	s1 =	ssub.s32 @!p0 $0x0, s1;
	[sflag:s0] =	ssyncset.done @!p0 $0x0  }
0x15f: {  	[sflag:s0] =	ssyncadd.s32 @!p0 s1  }
0x160: {  	[bflag:$0x3] =	sbarrier.arrive $0xFFFF  }
0x161: {  	_ =	shalt  }

// kernel: kernel.13.cloned.1.call-start
scs
__scs_entry_jumppad:
0x0: {  	(pc) =	sbr.rel $0x88, $3  }
0x1: {  	(tag) =	ssettag $0x0;
	lr =	simm.s32 $0x1  }
0x2: {  	[smem:$0x3F97] =	sst lr;
	_ =	strace $0xD0000000  }
0x3: {  	_ = 	snop  }
0x4: {  	_ = 	snop  }
0x5: {  	_ = 	snop  }
0x6: {  	_ = 	snop  }
0x7: {  	_ = 	snop  }
__scs_overlays_trampoline_lowered:
0x8: {  	[smem:$0x3FA6] =	sst s0  }
0x9: {  	[smem:$0x3FA7] =	sst s1  }
0xa: {  	[smem:$0x3FA8] =	sst s2  }
0xb: {  	[smem:$0x3FA9] =	sst s3  }
0xc: {  	[smem:$0x3FAA] =	sst s4  }
0xd: {  	[smem:$0x3FAB] =	sst s5  }
0xe: {  	[smem:$0x3FAC] =	sst s6  }
0xf: {  	[smem:$0x3FAD] =	sst s7  }
0x10: {  	[smem:$0x3FAE] =	sst s8  }
0x11: {  	[smem:$0x3FAF] =	sst s9;
	s0 =	simm.s32 @!p0 $0x0  }
0x12: {  	s1 =	sld [smem:$0x3F95];
	s0 =	simm.s32 @p0 $0x1  }
0x13: {  	[smem:$0x3FB0] =	sst s0;
	s0 =	simm.s32 @!p1 $0x0  }
0x14: {  	s2 =	sld [smem:$0x3F94];
	s0 =	simm.s32 @p1 $0x1  }
0x15: {  	[smem:$0x3FB1] =	sst s0;
	s0 =	simm.s32 @!p2 $0x0  }
0x16: {  	s3 =	sld [smem:$0x3FDB];
	s0 =	simm.s32 @p2 $0x1  }
0x17: {  	s4 =	simm.s32 $0x1BF5;
	[smem:$0x3FB3] =	sst s0  }
0x18: {  	s0 =	sld [smem:$0x3F96];
	_ =	swait.ge [sflag:s4], $0x0  }
0x19: {  	s7 =	sld [smem:$0x3F97]  }
0x1a: {  	s8 =	sadd.s32 $0xFFFFE003, lr  }
0x1b: {  	s9 =	sadd.s32 $0xFFFFFEF7, lr;
	s5 =	simm.s32 $0xFFFFFFFF;
	p2 =	slt.u32 s8, $0xFFFFF086  }
0x1c: {  	p1 =	slt.u32 s9, $0xF7A;
	s5 =	simm.s32 @!p2 $0x0  }
0x1d: {  	s5 =	simm.s32 @p1 $0x1;
	p0 =	seq.s32 s7, s2  }
0x1e: {  	s7 =	smul.u32 @!p0 $0xF7A, s2;
	p2 =	seq.s32 @!p0 s5, $0x0  }
0x1f: {  	s9 =	smul.u32 $0xF7A, s1;
	s8 =	simm.s32 @!p0 $0x1BF5;
	p2 =	por !p2, p0  }
0x20: {  	[sflag:s8] =	ssyncset.s32 @!p0 $0xFFFFF086;
	s6 =	sadd.s32 @!p0 s3, s7;
	s7 =	simm.s32 @!p0 $0x108  }
0x21: {  	s3 =	sadd.s32 s3, s9;
	s6 =	sadd.s32 @!p0 $0x88, s6;
	s7 =	simm.s32 @p2 $0x1082  }
0x22: {  	[simem:s7], [sflag:s8] =	dma.local @!p0 [hbm:s6], $0xF7A  }
0x23: {  	s9 =	sor.u32 $0xD0000000, s2;
	s6 =	simm.s32 $0x108;
	_ =	swait.ge @!p0 [sflag:s8], $0x0  }
0x24: {  	s3 =	sadd.s32 $0x88, s3;
	s6 =	simm.s32 @!p1 $0x1082;
	[sflag:s4] =	ssyncset.s32 $0xFFFFF086  }
0x25: {  	[simem:s6], [sflag:s4] =	dma.local [hbm:s3], $0xF7A  }
0x26: {  	[smem:$0x3F97] =	sst s1;
	(tag) =	ssettag s2;
	_ =	strace s9  }
0x27: {  	s1 =	sld [smem:$0x3FA7]  }
0x28: {  	s2 =	sld [smem:$0x3FA8]  }
0x29: {  	s4 =	sld [smem:$0x3FAA]  }
0x2a: {  	p0 =	seq.s32 s5, $0x0;
	s5 =	sld [smem:$0x3FAB]  }
0x2b: {  	s6 =	sld [smem:$0x3FAC]  }
0x2c: {  	s7 =	sld [smem:$0x3FAD]  }
0x2d: {  	s3 =	simm.s32 $0x108;
	s8 =	sld [smem:$0x3FAE]  }
0x2e: {  	s3 =	simm.s32 @!p0 $0x1082;
	s9 =	sld [smem:$0x3FAF]  }
0x2f: {  	lr =	sadd.s32 s0, s3;
	s0 =	sld [smem:$0x3FA6]  }
0x30: {  	s3 =	sld [smem:$0x3FA9]  }
0x31: {  	[smem:$0x3FB2] =	sst s10  }
0x32: {  	s10 =	sld [smem:$0x3FB0];
	_ =	sdelay $0x3  }
0x33: {  	p0 =	seq.s32 s10, $0x1;
	s10 =	sld [smem:$0x3FB2];
	_ =	sdelay $0x3  }
0x34: {  	[smem:$0x3FB2] =	sst s10  }
0x35: {  	s10 =	sld [smem:$0x3FB1];
	_ =	sdelay $0x3  }
0x36: {  	p1 =	seq.s32 s10, $0x1;
	s10 =	sld [smem:$0x3FB2];
	_ =	sdelay $0x3  }
0x37: {  	[smem:$0x3FB2] =	sst s10  }
0x38: {  	s10 =	sld [smem:$0x3FB3]  }
0x39: {  	_ = 	snop;
	(pc) =	sbr.ind lr, $3  }
0x3a: {  	_ = 	snop  }
0x3b: {  	_ = 	snop  }
0x3c: {  	p2 =	seq.s32 s10, $0x1;
	s10 =	sld [smem:$0x3FB2]  }
0x3d: {  	_ =	shalt  }
0x3e: {  	_ =	shalt  }
0x3f: {  	_ =	shalt  }
0x40: {  	_ =	shalt  }
0x41: {  	_ =	shalt  }
0x42: {  	_ =	shalt  }
0x43: {  	_ =	shalt  }
0x44: {  	_ =	shalt  }
0x45: {  	_ =	shalt  }
0x46: {  	_ =	shalt  }
0x47: {  	_ =	shalt  }
0x48: {  	_ =	shalt  }
0x49: {  	_ =	shalt  }
0x4a: {  	_ =	shalt  }
0x4b: {  	_ =	shalt  }
0x4c: {  	_ =	shalt  }
0x4d: {  	_ =	shalt  }
0x4e: {  	_ =	shalt  }
0x4f: {  	_ =	shalt  }
0x50: {  	_ =	shalt  }
0x51: {  	_ =	shalt  }
0x52: {  	_ =	shalt  }
0x53: {  	_ =	shalt  }
0x54: {  	_ =	shalt  }
0x55: {  	_ =	shalt  }
0x56: {  	_ =	shalt  }
0x57: {  	_ =	shalt  }
0x58: {  	_ =	shalt  }
0x59: {  	_ =	shalt  }
0x5a: {  	_ =	shalt  }
0x5b: {  	_ =	shalt  }
0x5c: {  	_ =	shalt  }
0x5d: {  	_ =	shalt  }
0x5e: {  	_ =	shalt  }
0x5f: {  	_ =	shalt  }
0x60: {  	_ =	shalt  }
0x61: {  	_ =	shalt  }
0x62: {  	_ =	shalt  }
0x63: {  	_ =	shalt  }
0x64: {  	_ =	shalt  }
0x65: {  	_ =	shalt  }
0x66: {  	_ =	shalt  }
0x67: {  	_ =	shalt  }
0x68: {  	_ =	shalt  }
0x69: {  	_ =	shalt  }
0x6a: {  	_ =	shalt  }
0x6b: {  	_ =	shalt  }
0x6c: {  	_ =	shalt  }
0x6d: {  	_ =	shalt  }
0x6e: {  	_ =	shalt  }
0x6f: {  	_ =	shalt  }
0x70: {  	_ =	shalt  }
0x71: {  	_ =	shalt  }
0x72: {  	_ =	shalt  }
0x73: {  	_ =	shalt  }
0x74: {  	_ =	shalt  }
0x75: {  	_ =	shalt  }
0x76: {  	_ =	shalt  }
0x77: {  	_ =	shalt  }
0x78: {  	_ =	shalt  }
0x79: {  	_ =	shalt  }
0x7a: {  	_ =	shalt  }
0x7b: {  	_ =	shalt  }
0x7c: {  	_ =	shalt  }
0x7d: {  	_ =	shalt  }
0x7e: {  	_ =	shalt  }
0x7f: {  	_ =	shalt  }
0x80: {  	_ =	shalt  }
0x81: {  	_ =	shalt  }
0x82: {  	_ =	shalt  }
0x83: {  	_ =	shalt  }
0x84: {  	_ =	shalt  }
0x85: {  	_ =	shalt  }
0x86: {  	_ =	shalt  }
0x87: {  	_ =	shalt  }
.Lfunc_end0:
.L_simem_size_0:
called_computation.1_lowered:
.L_overlay_start_0:
0x88: {  	s2 =	sld [smem:$0x3FD9]  }
0x89: {  	s3 =	sld [smem:$0x3FFE];
	_ =	sdelay $0x1  }
0x8a: {  	s1 =	srdreg.scid  }
0x8b: {  	s0 =	sand.u32 $0x1, s1  }
0x8c: {  	s16 =	sshll.u32 s0, $0xA;
	s2 =	sadd.s32 s3, s2  }
0x8d: {  	s2 =	sadd.s32 s2, s16  }
0x8e: {  	[smem:$0x3FBE] =	sst s2  }
0x8f: {  	_ = 	snop  }
0x90: {  	(tm) =	ssettm $0x1  }
0x91: {  	s17 =	sld [smem:$0x3FFB];
	_ =	sdelay $0x3  }
0x92: {  	_ =	strace s17  }
0x93: {  	s2 =	sld [smem:$0x3FFC];
	_ =	sdelay $0x3  }
0x94: {  	_ =	strace s2  }
0x95: {  	s2 =	sld [smem:$0x3FFD];
	_ =	sdelay $0x3  }
0x96: {  	_ =	strace s2  }
0x97: {  	_ =	strace $0x8FFFFFFF  }
0x98: {  	s18 =	sld [smem:$0x3FDB];
	_ =	sdelay $0x1  }
0x99: {  	s19 =	simm.s32 $_scs_section_size  }
0x9a: {  	s4 =	simm.s32 $_size__tile_overlayer_lowered;
	s5 =	simm.s32 $_tile_overlayer_lowered  }
0x9b: {  	s22 =	simm.s32 $0x1BFF;
	s21 =	sshll.u32 s5, $0x1;
	s2 =	sadd.s32 s19, s18  }
0x9c: {  	s6 =	simm.s32 $0x0;
	s20 =	sshll.u32 s4, $0x1;
	s4 =	sadd.s32 s21, s2  }
0x9d: {  	[timem:s6], [sflag:s22] =	dma.local [hbm:s4], s20  }
0x9e: {  	_ =	swait.ge [sflag:s22], s20  }
0x9f: {  	s3 =	ssub.s32 $0x0, s20;
	[sflag:s22] =	ssyncset.done $0x0  }
0xa0: {  	[sflag:s22] =	ssyncadd.s32 s3;
	_ =	sdelay $0x1  }
0xa1: {  	s23 =	simm.s32 $0x1B8B  }
0xa2: {  	_ =	swait.ge [sflag:s23], $0x1  }
0xa3: {  	[sflag:s23] =	ssyncset.done $0x0  }
0xa4: {  	s25 =	simm.s32 $0x1B8E;
	s24 =	sld [smem:$0x3FFE];
	[sflag:s23] =	ssyncadd.s32 $0xFFFFFFFF  }
0xa5: {  	s26 =	simm.s32 $execute0_lowered;
	[smem:$0x3FD2] =	sst s25  }
0xa6: {  	s4 =	sshll.u32 s26, $0x1;
	_ =	strace $0x80000049;
	[dreg:$0x1] =	wrdreg $0xFFFFFFFF  }
0xa7: {  	s28 =	simm.s32 $_size_execute0_lowered;
	s2 =	sadd.s32 s2, s4;
	[dreg:$0x0] =	wrdreg $0x0  }
0xa8: {  	s4 =	sshll.u32 s28, $0x1;
	[dreg:$0x2] =	wrdreg s2  }
0xa9: {  	[dreg:$0x3] =	wrdreg s4  }
0xaa: {  	[dreg:$0x4] =	wrdreg $0xC0  }
0xab: {  	_ =	task [dreg:s6], $0x5FFFF  }
0xac: {  	[dreg:$0x1] =	wrdreg $0xFFFFFFFF  }
0xad: {  	[dreg:$0x0] =	wrdreg $0x60  }
0xae: {  	[dreg:$0x2] =	wrdreg s24  }
0xaf: {  	[dreg:$0x3] =	wrdreg $0x68000  }
0xb0: {  	[dreg:$0x4] =	wrdreg $0x9  }
0xb1: {  	_ =	task.clear_ibuf [dreg:s6], $0x5FFFF;
	_ =	strace $0x90000049  }
0xb2: {  	s29 =	simm.s32 $0x9;
	_ =	strace $0x8000004B  }
0xb3: {  	_ =	swait.ge [sflag:s29], $0x1  }
0xb4: {  	[sflag:s29] =	ssyncadd.s32 $0xFFFFFFFF  }
0xb5: {  	_ =	strace $0x9000004B  }
0xb6: {  	_ =	sfence  }
0xb7: {  	s30 =	sld [smem:$0x0];
	_ =	sdelay $0x2  }
0xb8: {  	s31 =	sshll.u32 s1, $0xD;
	s1 =	sshrl.u32 s1, $0x2  }
0xb9: {  	s3 =	sand.u32 $0x4000, s31;
	s1 =	sadd.s32 s1, s30  }
0xba: {  	s0 =	sor.u32 s3, s0;
	s1 =	sshll.u32 s1, $0x11  }
0xbb: {  	s0 =	sor.u32 s1, s0  }
0xbc: {  	s0 =	sadd.s32 $0x8F2B, s0  }
0xbd: {  	[sflag:s0] =	ssyncadd.remote.s32 $0x1  }
0xbe: {  	_ =	sfence.sel $0xFFFF  }
0xbf: {  	[dreg:$0x0] =	wrdreg $0xFFFFFFFF;
	(pc) =	sbr.abs _section_cstart, $3  }
0xc0: {  	[dreg:$0x1] =	wrdreg $0xFFFFFFFF  }
0xc1: {  	_ =	task.clear_ibuf [dreg:s6], $0x2FFFF;
	_ =	strace $0x9FFFFFFF  }
0xc2: {  	(tm) =	ssettm $0x7FFFFFFF  }
0xc3: {  	_ =	shalt  }
tec
execute0_lowered:
.L_overlay_start_1:
0x0: {  	(tag) =	ssettag $0x1  }
0x1: {  	s0 =	rddreg [dreg:$0x0]  }
0x2: {  	s1 =	rddreg [dreg:$0x1];
	s17 =	stileid.u32  }
0x3: {  	s2 =	srdreg.scid;
	s16 =	smul.u32 $0x19000, s17  }
0x4: {  	s3 =	simm.s32 $0x0;
	s2 =	sand.u32 $0x1, s2;
	s19 =	smul.u32 $0x6400, s17  }
0x5: {  	[smem:$0x7FF] =	sst s3;
	s4 =	sadd.s32 $0x17800, s0;
	s24 =	smul.u32 $0x2710, s17  }
0x6: {  	s6 =	sadd.s32 $0xDA00, s0;
	s11 =	sor.u32 $0x10, s17;
	s10 =	smul.u32 $0x138800, s2  }
0x7: {  	s8 =	sadd.s32 $0x3C00, s0;
	s0 =	sadd.s32 $0x65C00, s0;
	s18 =	smul.u32 $0x19000, s11  }
0x8: {  	s20 =	sor.u32 $0x20, s17;
	s14 =	sor.u32 $0x30, s17;
	s11 =	smul.u32 $0x6400, s11  }
0x9: {  	s5 =	sshll.u32 s2, $0x4;
	_ =	strace $0x8000004A;
	s22 =	smul.u32 $0x6400, s14  }
0xa: {  	s7 =	ssub.s32 $0x2, s2;
	s2 =	smul.u32 $0x27100, s2;
	p0 =	sgt.u32 s14, $0x31  }
0xb: {  	s5 =	sor.u32 s17, s5;
	s9 =	sshrl.u32 s7, $0x1;
	s17 =	smul.u32 $0x19000, s20  }
0xc: {  	s5 =	smul.u32 $0x2710, s5;
	s7 =	ssub.s32 s7, s9;
	s9 =	sshrl.u32 s16, $0x2  }
0xd: {  	s11 =	sadd.s32 s10, s11;
	s26 =	sshrl.u32 s18, $0x2;
	s2 =	sadd.s32 s24, s2  }
0xe: {  	s9 =	sadd.s32 s9, s1;
	s7 =	smax.u32 s7, $0x1;
	s11 =	sshrl.u32 s11, $0x3  }
0xf: {  	s2 =	sadd.s32 $0xA0, s2;
	s24 =	sshrl.u32 s17, $0x2;
	s5 =	sshrl.u32 s5, $0x3  }
0x10: {  	[dreg:$0x7] =	wrdreg s7;
	s21 =	sadd.s32 $0x1400, s9;
	s16 =	sadd.s32 $0x2800, s9  }
0x11: {  	s7 =	sadd.s32 s10, s22;
	s25 =	sadd.s32 $0x3C00, s9;
	s18 =	sadd.s32 s0, s11  }
0x12: {  	s2 =	sshrl.u32 s2, $0x3;
	s24 =	sadd.s32 s24, s1;
	[dreg:$0x8] =	wrdreg s21  }
0x13: {  	s11 =	simm.s32 $0x1;
	s15 =	sadd.s32 s6, s5;
	[dreg:$0x9] =	wrdreg s16  }
0x14: {  	s12 =	sadd.s32 s8, s5;
	s5 =	sadd.s32 $0xA, s5;
	[dreg:$0xa] =	wrdreg s25  }
0x15: {  	[dreg:$0xd] =	wrdreg s18;
	s21 =	smul.u32 $0x19000, s14;
	s22 =	sadd.s32 s2, s8  }
0x16: {  	s2 =	sadd.s32 s2, s6;
	s29 =	sadd.s32 $0x1400, s24;
	[dreg:$0x3] =	wrdreg s15  }
0x17: {  	s30 =	sadd.s32 $0x2800, s24;
	s31 =	sadd.s32 $0x3C00, s24;
	[dreg:$0x4] =	wrdreg s12  }
0x18: {  	s14 =	simm.s32 $0x9;
	s16 =	simm.s32 $0x0;
	[dreg:$0x10] =	wrdreg s22  }
0x19: {  	s13 =	sadd.s32 s6, s5;
	s5 =	sadd.s32 s8, s5;
	[dreg:$0x11] =	wrdreg s2  }
0x1a: {  	s15 =	smul.u32 $0x6400, s20;
	s20 =	sshrl.u32 s7, $0x3;
	[dreg:$0x5] =	wrdreg s13  }
0x1b: {  	s8 =	simm.s32 $0x5400;
	s12 =	simm.s32 $0x50;
	[dreg:$0x6] =	wrdreg s5  }
0x1c: {  	s5 =	sadd.s32 s10, s19;
	s13 =	simm.s32 $0xA;
	s23 =	sadd.s32 s10, s15  }
0x1d: {  	s15 =	sadd.s32 $0x5000, s9;
	s5 =	sshrl.u32 s5, $0x3;
	s10 =	simm.s32 $0xB  }
0x1e: {  	[dreg:$0xb] =	wrdreg s15;
	s5 =	sadd.s32 s0, s5;
	s19 =	sshrl.u32 s23, $0x3  }
0x1f: {  	s15 =	sadd.s32 s26, s1;
	[dreg:$0xc] =	wrdreg s5;
	s5 =	sadd.s32 s0, s19  }
0x20: {  	s0 =	sadd.s32 s0, s20;
	s23 =	sadd.s32 $0x1400, s15;
	[dreg:$0xe] =	wrdreg s5  }
.Ltmp0:
0x21: {  	s25 =	sadd.s32 $0x2800, s15;
	[dreg:$0xf] =	wrdreg s0;
	(pc) =	sbr.rel .LBB2_1-.Ltmp0, $4  }
0x22: {  	s26 =	sadd.s32 $0x3C00, s15;
	[dreg:$0x12] =	wrdreg s23;
	s0 =	sshrl.u32 s21, $0x2  }
0x23: {  	s28 =	sadd.s32 $0x5000, s15;
	[dreg:$0x13] =	wrdreg s25;
	s25 =	sadd.s32 s0, s1  }
0x24: {  	[dreg:$0x14] =	wrdreg s26;
	s0 =	sadd.s32 $0x5000, s24;
	s2 =	sadd.s32 $0x1400, s25  }
0x25: {  	v0 =	vimm.f32 $0.0e+00;
	s5 =	sadd.s32 $0x2800, s25;
	s6 =	sadd.s32 $0x3C00, s25;
	s7 =	sadd.s32 $0x5000, s25  }
.LBB2_10:
0x26: {  	_ =	swait.ge [sflag:s13], $0x2800  }
0x27: {  	[sflag:s13] =	ssyncset.done $0x0  }
0x28: {  	[sflag:s13] =	ssyncadd.s32 $0xFFFFD800  }
0x29: {  	_ =	swait.ge [sflag:s14], $0x2800  }
0x2a: {  	[sflag:s14] =	ssyncset.done $0x0  }
0x2b: {  	s17 =	stileid.u32;
	[sflag:s14] =	ssyncadd.s32 $0xFFFFD800  }
0x2c: {  	s17 =	sshll.u32 s17, $0x6;
	[bflag:$0x0] =	sbarrier.arrive $0xFFFF  }
0x2d: {  	s18 =	sshrl.u32 s9, $0x3;
	s17 =	sor.u32 $0x1C0B, s17;
	s19 =	rddreg [dreg:$0xc]  }
0x2e: {  	[hbm:s19], [sflag:s17] =	dma.local [spmem:s18], $0xC80  }
0x2f: {  	_ =	swait.ge [sflag:s10], $0xC80  }
0x30: {  	[sflag:s10] =	ssyncset.done $0x0  }
0x31: {  	s20 =	sshrl.u32 s15, $0x3;
	s21 =	rddreg [dreg:$0xd];
	[sflag:s10] =	ssyncadd.s32 $0xFFFFF380  }
0x32: {  	[hbm:s21], [sflag:s17] =	dma.local [spmem:s20], $0xC80  }
0x33: {  	_ =	swait.ge [sflag:s10], $0xC80  }
0x34: {  	[sflag:s10] =	ssyncset.done $0x0  }
0x35: {  	s22 =	sshrl.u32 s24, $0x3;
	s23 =	rddreg [dreg:$0xe];
	[sflag:s10] =	ssyncadd.s32 $0xFFFFF380  }
0x36: {  	[hbm:s23], [sflag:s17] =	dma.local [spmem:s22], $0xC80  }
0x37: {  	_ =	swait.ge [sflag:s10], $0xC80  }
0x38: {  	[sflag:s10] =	ssyncset.done $0x0  }
0x39: {  	s18 =	sshrl.u32 @!p0 s25, $0x3;
	s19 =	rddreg [dreg:$0xf];
	[sflag:s10] =	ssyncadd.s32 $0xFFFFF380  }
0x3a: {  	[hbm:s19], [sflag:s17] =	dma.local @!p0 [spmem:s18], $0xC80  }
0x3b: {  	s17 =	simm.s32 @!p0 $0xB  }
0x3c: {  	_ =	swait.ge @!p0 [sflag:s17], $0xC80  }
0x3d: {  	s16 =	sadd.s32 $0x1, s16;
	s26 =	rddreg [dreg:$0x7]  }
0x3e: {  	p1 =	sne.s32 s16, s26  }
.Ltmp1:
0x3f: {  	_ = 	snop;
	(pc) =	sbr.rel @!p1 .LBB2_11-.Ltmp1, $3  }
0x40: {  	_ =	sdelay $0x1  }
0x41: {  	[sflag:s17] =	ssyncset.done @!p0 $0x0  }
0x42: {  	[sflag:s17] =	ssyncadd.s32 @!p0 $0xFFFFF380  }
.LBB2_1:
0x43: {  	s17 =	sand.u32 $0x7E00, s3  }
0x44: {  	s18 =	sand.u32 $0x70, s3;
	s19 =	sshrl.u32 s17, $0x2  }
0x45: {  	s20 =	simm.s32 $0x0;
	s17 =	simm.s32 $0x40;
	s18 =	sor.u32 s18, s19  }
.LBB2_2:
0x46: {  	p1 =	sne.s32 s17, $0x4FC0  }
0x47: {  	[tilespmem:s18+$0x5400] =	vst v0;
	s20 =	sadd.s32 $0x10, s20;
	s18 =	smov.u32 s17;
	s17 =	sadd.s32 $0x40, s17  }
.Ltmp2:
0x48: {  	(pc) =	sbr.rel @p1 .LBB2_2-.Ltmp2, $4  }
0x49: {  	_ = 	snop  }
0x4a: {  	s18 =	sand.u32 $0x7E00, s18  }
0x4b: {  	s19 =	sand.u32 $0x70, s20;
	s18 =	sshrl.u32 s18, $0x2  }
0x4c: {  	s18 =	sor.u32 s19, s18  }
0x4d: {  	[tilespmem:s18+$0x5400] =	vst v0  }
0x4e: {  	[spmem:s9] =	stream.linear.scatter [tilespmem:s8], [sflag:$0xB], $0x1400, $0x38;
	[tilespmem:$0x1A080] =	vst v63  }
0x4f: {  	_ =	swait.ge [sflag:s10], $0x1400  }
0x50: {  	[sflag:s10] =	ssyncset.done $0x0  }
0x51: {  	s17 =	rddreg [dreg:$0x8];
	[sflag:s10] =	ssyncadd.s32 $0xFFFFEC00  }
0x52: {  	[spmem:s17] =	stream.linear.scatter [tilespmem:s8], [sflag:$0xB], $0x1400, $0x38;
	[tilespmem:$0x1A080] =	vst v63  }
0x53: {  	_ =	swait.ge [sflag:s10], $0x1400  }
0x54: {  	[sflag:s10] =	ssyncset.done $0x0  }
0x55: {  	s22 =	rddreg [dreg:$0x9];
	[sflag:s10] =	ssyncadd.s32 $0xFFFFEC00  }
0x56: {  	[spmem:s22] =	stream.linear.scatter [tilespmem:s8], [sflag:$0xB], $0x1400, $0x38;
	[tilespmem:$0x1A080] =	vst v63  }
0x57: {  	_ =	swait.ge [sflag:s10], $0x1400  }
0x58: {  	[sflag:s10] =	ssyncset.done $0x0  }
0x59: {  	s23 =	rddreg [dreg:$0xa];
	[sflag:s10] =	ssyncadd.s32 $0xFFFFEC00  }
0x5a: {  	[spmem:s23] =	stream.linear.scatter [tilespmem:s8], [sflag:$0xB], $0x1400, $0x38;
	[tilespmem:$0x1A080] =	vst v63  }
0x5b: {  	_ =	swait.ge [sflag:s10], $0x1400  }
0x5c: {  	[sflag:s10] =	ssyncset.done $0x0  }
0x5d: {  	s26 =	rddreg [dreg:$0xb];
	[sflag:s10] =	ssyncadd.s32 $0xFFFFEC00  }
0x5e: {  	[spmem:s26] =	stream.linear.scatter [tilespmem:s8], [sflag:$0xB], $0x1400, $0x38;
	[tilespmem:$0x1A080] =	vst v63  }
0x5f: {  	_ =	swait.ge [sflag:s10], $0x1400  }
0x60: {  	[sflag:s10] =	ssyncset.done $0x0  }
0x61: {  	[sflag:s10] =	ssyncadd.s32 $0xFFFFEC00  }
0x62: {  	[spmem:s15] =	stream.linear.scatter [tilespmem:s8], [sflag:$0xB], $0x1400, $0x38;
	[tilespmem:$0x1A080] =	vst v63  }
0x63: {  	_ =	swait.ge [sflag:s10], $0x1400  }
0x64: {  	[sflag:s10] =	ssyncset.done $0x0  }
0x65: {  	s18 =	rddreg [dreg:$0x12];
	[sflag:s10] =	ssyncadd.s32 $0xFFFFEC00  }
0x66: {  	[spmem:s18] =	stream.linear.scatter [tilespmem:s8], [sflag:$0xB], $0x1400, $0x38;
	[tilespmem:$0x1A080] =	vst v63  }
0x67: {  	_ =	swait.ge [sflag:s10], $0x1400  }
0x68: {  	[sflag:s10] =	ssyncset.done $0x0  }
0x69: {  	s19 =	rddreg [dreg:$0x13];
	[sflag:s10] =	ssyncadd.s32 $0xFFFFEC00  }
0x6a: {  	[spmem:s19] =	stream.linear.scatter [tilespmem:s8], [sflag:$0xB], $0x1400, $0x38;
	[tilespmem:$0x1A080] =	vst v63  }
0x6b: {  	_ =	swait.ge [sflag:s10], $0x1400  }
0x6c: {  	[sflag:s10] =	ssyncset.done $0x0  }
0x6d: {  	s20 =	rddreg [dreg:$0x14];
	[sflag:s10] =	ssyncadd.s32 $0xFFFFEC00  }
0x6e: {  	[spmem:s20] =	stream.linear.scatter [tilespmem:s8], [sflag:$0xB], $0x1400, $0x38;
	[tilespmem:$0x1A080] =	vst v63  }
0x6f: {  	_ =	swait.ge [sflag:s10], $0x1400  }
0x70: {  	[sflag:s10] =	ssyncset.done $0x0  }
0x71: {  	[sflag:s10] =	ssyncadd.s32 $0xFFFFEC00  }
0x72: {  	[spmem:s28] =	stream.linear.scatter [tilespmem:s8], [sflag:$0xB], $0x1400, $0x38;
	[tilespmem:$0x1A080] =	vst v63  }
0x73: {  	_ =	swait.ge [sflag:s10], $0x1400  }
0x74: {  	[sflag:s10] =	ssyncset.done $0x0  }
0x75: {  	[sflag:s10] =	ssyncadd.s32 $0xFFFFEC00  }
0x76: {  	[spmem:s24] =	stream.linear.scatter [tilespmem:s8], [sflag:$0xB], $0x1400, $0x38;
	[tilespmem:$0x1A080] =	vst v63  }
0x77: {  	_ =	swait.ge [sflag:s10], $0x1400  }
0x78: {  	[sflag:s10] =	ssyncset.done $0x0  }
0x79: {  	[sflag:s10] =	ssyncadd.s32 $0xFFFFEC00  }
0x7a: {  	[spmem:s29] =	stream.linear.scatter [tilespmem:s8], [sflag:$0xB], $0x1400, $0x38;
	[tilespmem:$0x1A080] =	vst v63  }
0x7b: {  	_ =	swait.ge [sflag:s10], $0x1400  }
0x7c: {  	[sflag:s10] =	ssyncset.done $0x0  }
0x7d: {  	[sflag:s10] =	ssyncadd.s32 $0xFFFFEC00  }
0x7e: {  	[spmem:s30] =	stream.linear.scatter [tilespmem:s8], [sflag:$0xB], $0x1400, $0x38;
	[tilespmem:$0x1A080] =	vst v63  }
0x7f: {  	_ =	swait.ge [sflag:s10], $0x1400  }
0x80: {  	[sflag:s10] =	ssyncset.done $0x0  }
0x81: {  	[sflag:s10] =	ssyncadd.s32 $0xFFFFEC00  }
0x82: {  	[spmem:s31] =	stream.linear.scatter [tilespmem:s8], [sflag:$0xB], $0x1400, $0x38;
	[tilespmem:$0x1A080] =	vst v63  }
0x83: {  	_ =	swait.ge [sflag:s10], $0x1400  }
0x84: {  	[sflag:s10] =	ssyncset.done $0x0  }
0x85: {  	[sflag:s10] =	ssyncadd.s32 $0xFFFFEC00  }
0x86: {  	[spmem:s0] =	stream.linear.scatter [tilespmem:s8], [sflag:$0xB], $0x1400, $0x38;
	[tilespmem:$0x1A080] =	vst v63  }
0x87: {  	_ =	swait.ge [sflag:s10], $0x1400  }
0x88: {  	[sflag:s10] =	ssyncset.done $0x0  }
0x89: {  	s17 =	simm.s32 @!p0 $0x5400;
	s18 =	simm.s32 @!p0 $0xB;
	[sflag:s10] =	ssyncadd.s32 $0xFFFFEC00  }
0x8a: {  	[spmem:s25] =	stream.linear.scatter @!p0 [tilespmem:s17], [sflag:$0xB], $0x1400, $0x38;
	[tilespmem:$0x1A080] =	vst v63  }
0x8b: {  	_ =	swait.ge @!p0 [sflag:s18], $0x1400  }
0x8c: {  	[sflag:s18] =	ssyncset.done @!p0 $0x0  }
0x8d: {  	[sflag:s18] =	ssyncadd.s32 @!p0 $0xFFFFEC00  }
0x8e: {  	[spmem:s2] =	stream.linear.scatter @!p0 [tilespmem:s17], [sflag:$0xB], $0x1400, $0x38;
	[tilespmem:$0x1A080] =	vst v63  }
0x8f: {  	_ =	swait.ge @!p0 [sflag:s18], $0x1400  }
0x90: {  	[sflag:s18] =	ssyncset.done @!p0 $0x0  }
0x91: {  	[sflag:s18] =	ssyncadd.s32 @!p0 $0xFFFFEC00  }
0x92: {  	[spmem:s5] =	stream.linear.scatter @!p0 [tilespmem:s17], [sflag:$0xB], $0x1400, $0x38;
	[tilespmem:$0x1A080] =	vst v63  }
0x93: {  	_ =	swait.ge @!p0 [sflag:s18], $0x1400  }
0x94: {  	[sflag:s18] =	ssyncset.done @!p0 $0x0  }
0x95: {  	[sflag:s18] =	ssyncadd.s32 @!p0 $0xFFFFEC00  }
0x96: {  	[spmem:s6] =	stream.linear.scatter @!p0 [tilespmem:s17], [sflag:$0xB], $0x1400, $0x38;
	[tilespmem:$0x1A080] =	vst v63  }
0x97: {  	_ =	swait.ge @!p0 [sflag:s18], $0x1400  }
0x98: {  	[sflag:s18] =	ssyncset.done @!p0 $0x0  }
0x99: {  	[sflag:s18] =	ssyncadd.s32 @!p0 $0xFFFFEC00  }
0x9a: {  	[spmem:s7] =	stream.linear.scatter @!p0 [tilespmem:s17], [sflag:$0xB], $0x1400, $0x38;
	[tilespmem:$0x1A080] =	vst v63  }
0x9b: {  	_ =	swait.ge @!p0 [sflag:s18], $0x1400  }
0x9c: {  	[sflag:s18] =	ssyncset.done @!p0 $0x0  }
0x9d: {  	s22 =	simm.s32 $0x0;
	s21 =	rddreg [dreg:$0x3];
	[sflag:s18] =	ssyncadd.s32 @!p0 $0xFFFFEC00  }
0x9e: {  	[tilespmem:s22], [sflag:$0x1] =	stream.linear.gather [hbm4b:s21+s22], $0x50, $0x38;
	[tilespmem:$0x1A080] =	vst v63  }
0x9f: {  	s26 =	simm.s32 $0x200;
	s23 =	rddreg [dreg:$0x4]  }
0xa0: {  	[tilespmem:s26], [sflag:$0x4] =	stream.linear.gather [hbm4b:s23+s22], $0x50, $0x38;
	[tilespmem:$0x1A080] =	vst v63  }
0xa1: {  	_ =	swait.ge [sflag:s11], $0x50  }
0xa2: {  	[sflag:s11] =	ssyncset.done $0x0  }
0xa3: {  	s19 =	simm.s32 $0x400;
	[sflag:s11] =	ssyncadd.s32 $0xFFFFFFB0  }
0xa4: {  	[tilespmem:s19], [sflag:$0x7] =	stream.indirect.gather [hbm4b:s4+s12], $0x80, s22, s12, $0xb8;
	[tilespmem:$0x1A080] =	vst v63  }
0xa5: {  	s21 =	simm.s32 $0x80;
	s20 =	rddreg [dreg:$0x5]  }
0xa6: {  	[tilespmem:s21], [sflag:$0x2] =	stream.linear.gather [hbm4b:s20+s22], $0x50, $0x38;
	[tilespmem:$0x1A080] =	vst v63  }
.Ltmp3:
0xa7: {  	s26 =	simm.s32 $0x280;
	s23 =	rddreg [dreg:$0x6];
	(pc) =	sbr.rel .LBB2_4-.Ltmp3, $4  }
0xa8: {  	[tilespmem:s26], [sflag:$0x5] =	stream.linear.gather [hbm4b:s23+s22], $0x50, $0x38;
	[tilespmem:$0x1A080] =	vst v63  }
0xa9: {  	[bflag:$0x0] =	sbarrier.arrive $0xFFFF  }
0xaa: {  	s21 =	rddreg [dreg:$0x11]  }
0xab: {  	s20 =	rddreg [dreg:$0x10]  }
.LBB2_6:
0xac: {  	s18 =	sor.u32 $0x400, s26  }
0xad: {  	[tilespmem:s18], [sflag:s23] =	stream.indirect.gather [hbm4b:s4+s12], $0x80, s19, s12, $0xb8;
	[tilespmem:$0x1A080] =	vst v63  }
.LBB2_8:
0xae: {  	s18 =	sadd.s32 $0x2, s17  }
0xaf: {  	s19 =	smul.u32 $0xAB, s18;
	_ =	sdelay $0x1  }
0xb0: {  	s19 =	sshrl.u32 s19, $0x9  }
0xb1: {  	s19 =	sand.u32 $0x7F, s19  }
0xb2: {  	s19 =	smul.u32 $0x3, s19;
	_ =	sdelay $0x1  }
0xb3: {  	s18 =	ssub.s32 s18, s19  }
0xb4: {  	s18 =	sand.u32 $0xFF, s18  }
0xb5: {  	s26 =	sshll.u32 s18, $0x7;
	s23 =	sadd.s32 $0x1, s18  }
0xb6: {  	[tilespmem:s26], [sflag:s23] =	stream.linear.gather [hbm4b:s21+s3], $0x50, $0x38;
	[tilespmem:$0x1A080] =	vst v63  }
0xb7: {  	s18 =	sor.u32 $0x4, s18;
	s19 =	sor.u32 $0x200, s26  }
0xb8: {  	[tilespmem:s19], [sflag:s18] =	stream.linear.gather [hbm4b:s20+s3], $0x50, $0x38;
	[tilespmem:$0x1A080] =	vst v63  }
.LBB2_9:
0xb9: {  	s18 =	smul.u32 $0xAB, s17;
	_ =	sdelay $0x1  }
0xba: {  	s18 =	sshrl.u32 s18, $0x9  }
0xbb: {  	s18 =	sand.u32 $0x7F, s18  }
0xbc: {  	s19 =	sand.u32 $0x1, s17;
	s18 =	smul.u32 $0x3, s18  }
0xbd: {  	p1 =	sne.s32 s22, $0x7D;
	s23 =	sadd.s32 $0x7, s19  }
0xbe: {  	s20 =	sadd.s32 $0xA, s20;
	_ =	swait.ge [sflag:s23], $0x2800;
	s18 =	ssub.s32 s17, s18  }
0xbf: {  	[sflag:s23] =	ssyncset.done $0x0;
	s17 =	sand.u32 $0xFF, s18;
	s18 =	smul.u32 $0xA000, s19  }
.Ltmp4:
0xc0: {  	[sflag:s23] =	ssyncadd.s32 $0xFFFFD800;
	s26 =	sadd.s32 $0x4, s17;
	(pc) =	sbr.rel @!p1 .LBB2_10-.Ltmp4, $4  }
0xc1: {  	s21 =	sadd.s32 $0xA, s21;
	s19 =	sadd.s32 $0x9, s19;
	_ =	swait.ge [sflag:s26], $0x50  }
0xc2: {  	s17 =	sshll.u32 s17, $0x7;
	s18 =	sshrl.u32 s18, $0x2;
	[sflag:s26] =	ssyncset.done $0x0  }
0xc3: {  	s17 =	sadd.s32 $0x200, s17;
	s18 =	sor.u32 $0x400, s18;
	[sflag:s26] =	ssyncadd.s32 $0xFFFFFFB0  }
0xc4: {  	[spmem:s1] =	stream.indirect.scatter.add.f32 [tilespmem:s18], [sflag:s19], $0x80, s17, s12, $0xb8;
	[tilespmem:$0x1A080] =	vst v63  }
.LBB2_4:
0xc5: {  	p1 =	seq.s32 s22, $0x7C  }
.Ltmp5:
0xc6: {  	_ = 	snop;
	(pc) =	sbr.rel @p1 .LBB2_9-.Ltmp5, $2  }
0xc7: {  	_ =	sdelay $0x2  }
0xc8: {  	s17 =	smov.u32 s22;
	s22 =	sadd.s32 $0x1, s22  }
0xc9: {  	s18 =	smul.u32 $0xAB, s22;
	_ =	sdelay $0x1  }
0xca: {  	s18 =	sshrl.u32 s18, $0x9  }
0xcb: {  	s18 =	sand.u32 $0x7F, s18  }
0xcc: {  	s18 =	smul.u32 $0x3, s18;
	_ =	sdelay $0x1  }
0xcd: {  	p1 =	sne.s32 s17, $0x0;
	s18 =	ssub.s32 s22, s18  }
.Ltmp6:
0xce: {  	s19 =	sand.u32 $0xFF, s18;
	(pc) =	sbr.rel @!p1 .LBB2_6-.Ltmp6, $4  }
0xcf: {  	s18 =	sand.u32 $0x1, s22;
	s23 =	sadd.s32 $0x1, s19  }
0xd0: {  	s26 =	smul.u32 $0xA000, s18;
	_ =	swait.ge [sflag:s23], $0x50  }
0xd1: {  	s19 =	sshll.u32 s19, $0x7;
	[sflag:s23] =	ssyncset.done $0x0  }
0xd2: {  	s26 =	sshrl.u32 s26, $0x2;
	[sflag:s23] =	ssyncadd.s32 $0xFFFFFFB0;
	s23 =	sadd.s32 $0x7, s18  }
0xd3: {  	p1 =	sgt.u32 s17, $0x7A  }
.Ltmp7:
0xd4: {  	s18 =	sadd.s32 $0x9, s18;
	(pc) =	sbr.rel @p1 .LBB2_9-.Ltmp7, $4  }
.Ltmp8:
0xd5: {  	_ =	swait.ge [sflag:s18], $0x2800;
	(pc) =	sbr.rel @!p1 .LBB2_8-.Ltmp8, $4  }
0xd6: {  	[sflag:s18] =	ssyncset.done $0x0  }
0xd7: {  	s26 =	sor.u32 $0x400, s26;
	[sflag:s18] =	ssyncadd.s32 $0xFFFFD800  }
0xd8: {  	[tilespmem:s26], [sflag:s23] =	stream.indirect.gather [hbm4b:s4+s12], $0x80, s19, s12, $0xb8;
	[tilespmem:$0x1A080] =	vst v63  }
0xd9: {  	_ = 	snop  }
.LBB2_11:
0xda: {  	_ =	sfence.sel $0x180000  }
0xdb: {  	[bflag:$0x0] =	sbarrier.arrive $0xFFFF  }
0xdc: {  	_ =	strace $0x9000004A  }
0xdd: {  	s0 =	stileid.u32;
	[bflag:$0x2] =	sbarrier.arrive $0xFFFF  }
0xde: {  	p0 =	sne.s32 s0, $0x0;
	s0 =	rddreg [dreg:$0x2]  }
0xdf: {  	s0 =	sadd.s32 @!p0 $0x100000, s0  }
0xe0: {  	[sflag:s0] =	ssyncadd.tile.s32 @!p0 $0x1;
	_ =	shalt  }
.Lfunc_end2:
_tile_overlayer_lowered:
.L_overlay_start_2:
0xe1: {  	(tag) =	ssettag $0x2  }
0xe2: {  	s0 =	rddreg [dreg:$0x0];
	s2 =	stileid.u32  }
0xe3: {  	s1 =	rddreg [dreg:$0x1];
	p0 =	sne.s32 s2, $0x0  }
0xe4: {  	s3 =	rddreg [dreg:$0x2];
	[bflag:$0x3] =	sbarrier.arrive $0xFFFF;
	s2 =	simm.s32 @!p0 $0x1C0B  }
0xe5: {  	[timem:s3], [sflag:s2] =	dma.local @!p0 [hbm:s0], s1  }
0xe6: {  	s0 =	simm.s32 @!p0 $0xB  }
0xe7: {  	_ =	swait.ge @!p0 [sflag:s0], s1  }
0xe8: {  	s1 =	ssub.s32 @!p0 $0x0, s1;
	[sflag:s0] =	ssyncset.done @!p0 $0x0  }
0xe9: {  	[sflag:s0] =	ssyncadd.s32 @!p0 s1  }
0xea: {  	[bflag:$0x3] =	sbarrier.arrive $0xFFFF  }
0xeb: {  	_ =	shalt  }

// kernel: kernel.16.cloned.1.call-start
scs
__scs_entry_jumppad:
0x0: {  	(pc) =	sbr.rel $0x88, $3  }
0x1: {  	(tag) =	ssettag $0x0;
	lr =	simm.s32 $0x1  }
0x2: {  	[smem:$0x3F97] =	sst lr;
	_ =	strace $0xD0000000  }
0x3: {  	_ = 	snop  }
0x4: {  	_ = 	snop  }
0x5: {  	_ = 	snop  }
0x6: {  	_ = 	snop  }
0x7: {  	_ = 	snop  }
__scs_overlays_trampoline_lowered:
0x8: {  	[smem:$0x3FA6] =	sst s0  }
0x9: {  	[smem:$0x3FA7] =	sst s1  }
0xa: {  	[smem:$0x3FA8] =	sst s2  }
0xb: {  	[smem:$0x3FA9] =	sst s3  }
0xc: {  	[smem:$0x3FAA] =	sst s4  }
0xd: {  	[smem:$0x3FAB] =	sst s5  }
0xe: {  	[smem:$0x3FAC] =	sst s6  }
0xf: {  	[smem:$0x3FAD] =	sst s7  }
0x10: {  	[smem:$0x3FAE] =	sst s8  }
0x11: {  	[smem:$0x3FAF] =	sst s9;
	s0 =	simm.s32 @!p0 $0x0  }
0x12: {  	s1 =	sld [smem:$0x3F95];
	s0 =	simm.s32 @p0 $0x1  }
0x13: {  	[smem:$0x3FB0] =	sst s0;
	s0 =	simm.s32 @!p1 $0x0  }
0x14: {  	s2 =	sld [smem:$0x3F94];
	s0 =	simm.s32 @p1 $0x1  }
0x15: {  	[smem:$0x3FB1] =	sst s0;
	s0 =	simm.s32 @!p2 $0x0  }
0x16: {  	s3 =	sld [smem:$0x3FDB];
	s0 =	simm.s32 @p2 $0x1  }
0x17: {  	s4 =	simm.s32 $0x1BF5;
	[smem:$0x3FB3] =	sst s0  }
0x18: {  	s0 =	sld [smem:$0x3F96];
	_ =	swait.ge [sflag:s4], $0x0  }
0x19: {  	s7 =	sld [smem:$0x3F97]  }
0x1a: {  	s8 =	sadd.s32 $0xFFFFE003, lr  }
0x1b: {  	s9 =	sadd.s32 $0xFFFFFEF7, lr;
	s5 =	simm.s32 $0xFFFFFFFF;
	p2 =	slt.u32 s8, $0xFFFFF086  }
0x1c: {  	p1 =	slt.u32 s9, $0xF7A;
	s5 =	simm.s32 @!p2 $0x0  }
0x1d: {  	s5 =	simm.s32 @p1 $0x1;
	p0 =	seq.s32 s7, s2  }
0x1e: {  	s7 =	smul.u32 @!p0 $0xF7A, s2;
	p2 =	seq.s32 @!p0 s5, $0x0  }
0x1f: {  	s9 =	smul.u32 $0xF7A, s1;
	s8 =	simm.s32 @!p0 $0x1BF5;
	p2 =	por !p2, p0  }
0x20: {  	[sflag:s8] =	ssyncset.s32 @!p0 $0xFFFFF086;
	s6 =	sadd.s32 @!p0 s3, s7;
	s7 =	simm.s32 @!p0 $0x108  }
0x21: {  	s3 =	sadd.s32 s3, s9;
	s6 =	sadd.s32 @!p0 $0x88, s6;
	s7 =	simm.s32 @p2 $0x1082  }
0x22: {  	[simem:s7], [sflag:s8] =	dma.local @!p0 [hbm:s6], $0xF7A  }
0x23: {  	s9 =	sor.u32 $0xD0000000, s2;
	s6 =	simm.s32 $0x108;
	_ =	swait.ge @!p0 [sflag:s8], $0x0  }
0x24: {  	s3 =	sadd.s32 $0x88, s3;
	s6 =	simm.s32 @!p1 $0x1082;
	[sflag:s4] =	ssyncset.s32 $0xFFFFF086  }
0x25: {  	[simem:s6], [sflag:s4] =	dma.local [hbm:s3], $0xF7A  }
0x26: {  	[smem:$0x3F97] =	sst s1;
	(tag) =	ssettag s2;
	_ =	strace s9  }
0x27: {  	s1 =	sld [smem:$0x3FA7]  }
0x28: {  	s2 =	sld [smem:$0x3FA8]  }
0x29: {  	s4 =	sld [smem:$0x3FAA]  }
0x2a: {  	p0 =	seq.s32 s5, $0x0;
	s5 =	sld [smem:$0x3FAB]  }
0x2b: {  	s6 =	sld [smem:$0x3FAC]  }
0x2c: {  	s7 =	sld [smem:$0x3FAD]  }
0x2d: {  	s3 =	simm.s32 $0x108;
	s8 =	sld [smem:$0x3FAE]  }
0x2e: {  	s3 =	simm.s32 @!p0 $0x1082;
	s9 =	sld [smem:$0x3FAF]  }
0x2f: {  	lr =	sadd.s32 s0, s3;
	s0 =	sld [smem:$0x3FA6]  }
0x30: {  	s3 =	sld [smem:$0x3FA9]  }
0x31: {  	[smem:$0x3FB2] =	sst s10  }
0x32: {  	s10 =	sld [smem:$0x3FB0];
	_ =	sdelay $0x3  }
0x33: {  	p0 =	seq.s32 s10, $0x1;
	s10 =	sld [smem:$0x3FB2];
	_ =	sdelay $0x3  }
0x34: {  	[smem:$0x3FB2] =	sst s10  }
0x35: {  	s10 =	sld [smem:$0x3FB1];
	_ =	sdelay $0x3  }
0x36: {  	p1 =	seq.s32 s10, $0x1;
	s10 =	sld [smem:$0x3FB2];
	_ =	sdelay $0x3  }
0x37: {  	[smem:$0x3FB2] =	sst s10  }
0x38: {  	s10 =	sld [smem:$0x3FB3]  }
0x39: {  	_ = 	snop;
	(pc) =	sbr.ind lr, $3  }
0x3a: {  	_ = 	snop  }
0x3b: {  	_ = 	snop  }
0x3c: {  	p2 =	seq.s32 s10, $0x1;
	s10 =	sld [smem:$0x3FB2]  }
0x3d: {  	_ =	shalt  }
0x3e: {  	_ =	shalt  }
0x3f: {  	_ =	shalt  }
0x40: {  	_ =	shalt  }
0x41: {  	_ =	shalt  }
0x42: {  	_ =	shalt  }
0x43: {  	_ =	shalt  }
0x44: {  	_ =	shalt  }
0x45: {  	_ =	shalt  }
0x46: {  	_ =	shalt  }
0x47: {  	_ =	shalt  }
0x48: {  	_ =	shalt  }
0x49: {  	_ =	shalt  }
0x4a: {  	_ =	shalt  }
0x4b: {  	_ =	shalt  }
0x4c: {  	_ =	shalt  }
0x4d: {  	_ =	shalt  }
0x4e: {  	_ =	shalt  }
0x4f: {  	_ =	shalt  }
0x50: {  	_ =	shalt  }
0x51: {  	_ =	shalt  }
0x52: {  	_ =	shalt  }
0x53: {  	_ =	shalt  }
0x54: {  	_ =	shalt  }
0x55: {  	_ =	shalt  }
0x56: {  	_ =	shalt  }
0x57: {  	_ =	shalt  }
0x58: {  	_ =	shalt  }
0x59: {  	_ =	shalt  }
0x5a: {  	_ =	shalt  }
0x5b: {  	_ =	shalt  }
0x5c: {  	_ =	shalt  }
0x5d: {  	_ =	shalt  }
0x5e: {  	_ =	shalt  }
0x5f: {  	_ =	shalt  }
0x60: {  	_ =	shalt  }
0x61: {  	_ =	shalt  }
0x62: {  	_ =	shalt  }
0x63: {  	_ =	shalt  }
0x64: {  	_ =	shalt  }
0x65: {  	_ =	shalt  }
0x66: {  	_ =	shalt  }
0x67: {  	_ =	shalt  }
0x68: {  	_ =	shalt  }
0x69: {  	_ =	shalt  }
0x6a: {  	_ =	shalt  }
0x6b: {  	_ =	shalt  }
0x6c: {  	_ =	shalt  }
0x6d: {  	_ =	shalt  }
0x6e: {  	_ =	shalt  }
0x6f: {  	_ =	shalt  }
0x70: {  	_ =	shalt  }
0x71: {  	_ =	shalt  }
0x72: {  	_ =	shalt  }
0x73: {  	_ =	shalt  }
0x74: {  	_ =	shalt  }
0x75: {  	_ =	shalt  }
0x76: {  	_ =	shalt  }
0x77: {  	_ =	shalt  }
0x78: {  	_ =	shalt  }
0x79: {  	_ =	shalt  }
0x7a: {  	_ =	shalt  }
0x7b: {  	_ =	shalt  }
0x7c: {  	_ =	shalt  }
0x7d: {  	_ =	shalt  }
0x7e: {  	_ =	shalt  }
0x7f: {  	_ =	shalt  }
0x80: {  	_ =	shalt  }
0x81: {  	_ =	shalt  }
0x82: {  	_ =	shalt  }
0x83: {  	_ =	shalt  }
0x84: {  	_ =	shalt  }
0x85: {  	_ =	shalt  }
0x86: {  	_ =	shalt  }
0x87: {  	_ =	shalt  }
.Lfunc_end0:
.L_simem_size_0:
called_computation.2_lowered:
.L_overlay_start_0:
0x88: {  	s2 =	sld [smem:$0x3FD9]  }
0x89: {  	s3 =	sld [smem:$0x3FFE];
	_ =	sdelay $0x1  }
0x8a: {  	s1 =	srdreg.scid  }
0x8b: {  	s0 =	sand.u32 $0x1, s1  }
0x8c: {  	s16 =	sshll.u32 s0, $0xA;
	s2 =	sadd.s32 s3, s2  }
0x8d: {  	s2 =	sadd.s32 s2, s16  }
0x8e: {  	[smem:$0x3FBE] =	sst s2  }
0x8f: {  	_ = 	snop  }
0x90: {  	(tm) =	ssettm $0x1  }
0x91: {  	s17 =	sld [smem:$0x3FFB];
	_ =	sdelay $0x3  }
0x92: {  	_ =	strace s17  }
0x93: {  	s2 =	sld [smem:$0x3FFC];
	_ =	sdelay $0x3  }
0x94: {  	_ =	strace s2  }
0x95: {  	s2 =	sld [smem:$0x3FFD];
	_ =	sdelay $0x3  }
0x96: {  	_ =	strace s2  }
0x97: {  	_ =	strace $0x8FFFFFFF  }
0x98: {  	s18 =	sld [smem:$0x3FDB];
	_ =	sdelay $0x1  }
0x99: {  	s19 =	simm.s32 $_scs_section_size  }
0x9a: {  	s4 =	simm.s32 $_size__tile_overlayer_lowered;
	s5 =	simm.s32 $_tile_overlayer_lowered  }
0x9b: {  	s22 =	simm.s32 $0x1BFF;
	s21 =	sshll.u32 s5, $0x1;
	s2 =	sadd.s32 s19, s18  }
0x9c: {  	s6 =	simm.s32 $0x0;
	s20 =	sshll.u32 s4, $0x1;
	s4 =	sadd.s32 s21, s2  }
0x9d: {  	[timem:s6], [sflag:s22] =	dma.local [hbm:s4], s20  }
0x9e: {  	_ =	swait.ge [sflag:s22], s20  }
0x9f: {  	s3 =	ssub.s32 $0x0, s20;
	[sflag:s22] =	ssyncset.done $0x0  }
0xa0: {  	[sflag:s22] =	ssyncadd.s32 s3;
	_ =	sdelay $0x1  }
0xa1: {  	s23 =	simm.s32 $0x1B8B  }
0xa2: {  	_ =	swait.ge [sflag:s23], $0x1  }
0xa3: {  	[sflag:s23] =	ssyncset.done $0x0  }
0xa4: {  	s25 =	simm.s32 $0x1B8E;
	s24 =	sld [smem:$0x3FFE];
	[sflag:s23] =	ssyncadd.s32 $0xFFFFFFFF  }
0xa5: {  	s26 =	simm.s32 $execute0_lowered;
	[smem:$0x3FD2] =	sst s25  }
0xa6: {  	s4 =	sshll.u32 s26, $0x1;
	_ =	strace $0x8000004C;
	[dreg:$0x1] =	wrdreg $0xFFFFFFFF  }
0xa7: {  	s28 =	simm.s32 $_size_execute0_lowered;
	s2 =	sadd.s32 s2, s4;
	[dreg:$0x0] =	wrdreg $0x0  }
0xa8: {  	s4 =	sshll.u32 s28, $0x1;
	[dreg:$0x2] =	wrdreg s2  }
0xa9: {  	[dreg:$0x3] =	wrdreg s4  }
0xaa: {  	[dreg:$0x4] =	wrdreg $0xC0  }
0xab: {  	_ =	task [dreg:s6], $0x5FFFF  }
0xac: {  	[dreg:$0x1] =	wrdreg $0xFFFFFFFF  }
0xad: {  	[dreg:$0x0] =	wrdreg $0x60  }
0xae: {  	[dreg:$0x2] =	wrdreg s24  }
0xaf: {  	[dreg:$0x3] =	wrdreg $0x68000  }
0xb0: {  	[dreg:$0x4] =	wrdreg $0x9  }
0xb1: {  	_ =	task.clear_ibuf [dreg:s6], $0x5FFFF;
	_ =	strace $0x9000004C  }
0xb2: {  	s29 =	simm.s32 $0x9;
	_ =	strace $0x8000004E  }
0xb3: {  	_ =	swait.ge [sflag:s29], $0x1  }
0xb4: {  	[sflag:s29] =	ssyncadd.s32 $0xFFFFFFFF  }
0xb5: {  	_ =	strace $0x9000004E  }
0xb6: {  	_ =	sfence  }
0xb7: {  	s30 =	sld [smem:$0x0];
	_ =	sdelay $0x2  }
0xb8: {  	s31 =	sshll.u32 s1, $0xD;
	s1 =	sshrl.u32 s1, $0x2  }
0xb9: {  	s3 =	sand.u32 $0x4000, s31;
	s1 =	sadd.s32 s1, s30  }
0xba: {  	s0 =	sor.u32 s3, s0;
	s1 =	sshll.u32 s1, $0x11  }
0xbb: {  	s0 =	sor.u32 s1, s0  }
0xbc: {  	s0 =	sadd.s32 $0x8F2B, s0  }
0xbd: {  	[sflag:s0] =	ssyncadd.remote.s32 $0x1  }
0xbe: {  	_ =	sfence.sel $0xFFFF  }
0xbf: {  	[dreg:$0x0] =	wrdreg $0xFFFFFFFF;
	(pc) =	sbr.abs _section_cstart, $3  }
0xc0: {  	[dreg:$0x1] =	wrdreg $0xFFFFFFFF  }
0xc1: {  	_ =	task.clear_ibuf [dreg:s6], $0x2FFFF;
	_ =	strace $0x9FFFFFFF  }
0xc2: {  	(tm) =	ssettm $0x7FFFFFFF  }
0xc3: {  	_ =	shalt  }
tec
execute0_lowered:
.L_overlay_start_1:
0x0: {  	(tag) =	ssettag $0x1  }
0x1: {  	s0 =	rddreg [dreg:$0x0]  }
0x2: {  	s1 =	rddreg [dreg:$0x1];
	s17 =	stileid.u32  }
0x3: {  	s2 =	srdreg.scid;
	s16 =	smul.u32 $0x19000, s17  }
0x4: {  	s3 =	simm.s32 $0x0;
	s2 =	sand.u32 $0x1, s2;
	s19 =	smul.u32 $0x6400, s17  }
0x5: {  	[smem:$0x7FF] =	sst s3;
	s4 =	sadd.s32 $0x17800, s0;
	s24 =	smul.u32 $0x2710, s17  }
0x6: {  	s6 =	sadd.s32 $0xDA00, s0;
	s11 =	sor.u32 $0x10, s17;
	s10 =	smul.u32 $0x138800, s2  }
0x7: {  	s8 =	sadd.s32 $0x3C00, s0;
	s0 =	sadd.s32 $0x65C00, s0;
	s18 =	smul.u32 $0x19000, s11  }
0x8: {  	s20 =	sor.u32 $0x20, s17;
	s14 =	sor.u32 $0x30, s17;
	s11 =	smul.u32 $0x6400, s11  }
0x9: {  	s5 =	sshll.u32 s2, $0x4;
	_ =	strace $0x8000004D;
	s22 =	smul.u32 $0x6400, s14  }
0xa: {  	s7 =	ssub.s32 $0x2, s2;
	s2 =	smul.u32 $0x27100, s2;
	p0 =	sgt.u32 s14, $0x31  }
0xb: {  	s5 =	sor.u32 s17, s5;
	s9 =	sshrl.u32 s7, $0x1;
	s17 =	smul.u32 $0x19000, s20  }
0xc: {  	s5 =	smul.u32 $0x2710, s5;
	s7 =	ssub.s32 s7, s9;
	s9 =	sshrl.u32 s16, $0x2  }
0xd: {  	s11 =	sadd.s32 s10, s11;
	s26 =	sshrl.u32 s18, $0x2;
	s2 =	sadd.s32 s24, s2  }
0xe: {  	s9 =	sadd.s32 s9, s1;
	s7 =	smax.u32 s7, $0x1;
	s11 =	sshrl.u32 s11, $0x3  }
0xf: {  	s2 =	sadd.s32 $0xA0, s2;
	s24 =	sshrl.u32 s17, $0x2;
	s5 =	sshrl.u32 s5, $0x3  }
0x10: {  	[dreg:$0x7] =	wrdreg s7;
	s21 =	sadd.s32 $0x1400, s9;
	s16 =	sadd.s32 $0x2800, s9  }
0x11: {  	s7 =	sadd.s32 s10, s22;
	s25 =	sadd.s32 $0x3C00, s9;
	s18 =	sadd.s32 s0, s11  }
0x12: {  	s2 =	sshrl.u32 s2, $0x3;
	s24 =	sadd.s32 s24, s1;
	[dreg:$0x8] =	wrdreg s21  }
0x13: {  	s11 =	simm.s32 $0x1;
	s15 =	sadd.s32 s6, s5;
	[dreg:$0x9] =	wrdreg s16  }
0x14: {  	s12 =	sadd.s32 s8, s5;
	s5 =	sadd.s32 $0xA, s5;
	[dreg:$0xa] =	wrdreg s25  }
0x15: {  	[dreg:$0xd] =	wrdreg s18;
	s21 =	smul.u32 $0x19000, s14;
	s22 =	sadd.s32 s2, s8  }
0x16: {  	s2 =	sadd.s32 s2, s6;
	s29 =	sadd.s32 $0x1400, s24;
	[dreg:$0x3] =	wrdreg s15  }
0x17: {  	s30 =	sadd.s32 $0x2800, s24;
	s31 =	sadd.s32 $0x3C00, s24;
	[dreg:$0x4] =	wrdreg s12  }
0x18: {  	s14 =	simm.s32 $0x9;
	s16 =	simm.s32 $0x0;
	[dreg:$0x10] =	wrdreg s22  }
0x19: {  	s13 =	sadd.s32 s6, s5;
	s5 =	sadd.s32 s8, s5;
	[dreg:$0x11] =	wrdreg s2  }
0x1a: {  	s15 =	smul.u32 $0x6400, s20;
	s20 =	sshrl.u32 s7, $0x3;
	[dreg:$0x5] =	wrdreg s13  }
0x1b: {  	s8 =	simm.s32 $0x5400;
	s12 =	simm.s32 $0x50;
	[dreg:$0x6] =	wrdreg s5  }
0x1c: {  	s5 =	sadd.s32 s10, s19;
	s13 =	simm.s32 $0xA;
	s23 =	sadd.s32 s10, s15  }
0x1d: {  	s15 =	sadd.s32 $0x5000, s9;
	s5 =	sshrl.u32 s5, $0x3;
	s10 =	simm.s32 $0xB  }
0x1e: {  	[dreg:$0xb] =	wrdreg s15;
	s5 =	sadd.s32 s0, s5;
	s19 =	sshrl.u32 s23, $0x3  }
0x1f: {  	s15 =	sadd.s32 s26, s1;
	[dreg:$0xc] =	wrdreg s5;
	s5 =	sadd.s32 s0, s19  }
0x20: {  	s0 =	sadd.s32 s0, s20;
	s23 =	sadd.s32 $0x1400, s15;
	[dreg:$0xe] =	wrdreg s5  }
.Ltmp0:
0x21: {  	s25 =	sadd.s32 $0x2800, s15;
	[dreg:$0xf] =	wrdreg s0;
	(pc) =	sbr.rel .LBB2_1-.Ltmp0, $4  }
0x22: {  	s26 =	sadd.s32 $0x3C00, s15;
	[dreg:$0x12] =	wrdreg s23;
	s0 =	sshrl.u32 s21, $0x2  }
0x23: {  	s28 =	sadd.s32 $0x5000, s15;
	[dreg:$0x13] =	wrdreg s25;
	s25 =	sadd.s32 s0, s1  }
0x24: {  	[dreg:$0x14] =	wrdreg s26;
	s0 =	sadd.s32 $0x5000, s24;
	s2 =	sadd.s32 $0x1400, s25  }
0x25: {  	v0 =	vimm.f32 $0.0e+00;
	s5 =	sadd.s32 $0x2800, s25;
	s6 =	sadd.s32 $0x3C00, s25;
	s7 =	sadd.s32 $0x5000, s25  }
.LBB2_10:
0x26: {  	_ =	swait.ge [sflag:s13], $0x2800  }
0x27: {  	[sflag:s13] =	ssyncset.done $0x0  }
0x28: {  	[sflag:s13] =	ssyncadd.s32 $0xFFFFD800  }
0x29: {  	_ =	swait.ge [sflag:s14], $0x2800  }
0x2a: {  	[sflag:s14] =	ssyncset.done $0x0  }
0x2b: {  	s17 =	stileid.u32;
	[sflag:s14] =	ssyncadd.s32 $0xFFFFD800  }
0x2c: {  	s17 =	sshll.u32 s17, $0x6;
	[bflag:$0x0] =	sbarrier.arrive $0xFFFF  }
0x2d: {  	s18 =	sshrl.u32 s9, $0x3;
	s17 =	sor.u32 $0x1C0B, s17;
	s19 =	rddreg [dreg:$0xc]  }
0x2e: {  	[hbm:s19], [sflag:s17] =	dma.local [spmem:s18], $0xC80  }
0x2f: {  	_ =	swait.ge [sflag:s10], $0xC80  }
0x30: {  	[sflag:s10] =	ssyncset.done $0x0  }
0x31: {  	s20 =	sshrl.u32 s15, $0x3;
	s21 =	rddreg [dreg:$0xd];
	[sflag:s10] =	ssyncadd.s32 $0xFFFFF380  }
0x32: {  	[hbm:s21], [sflag:s17] =	dma.local [spmem:s20], $0xC80  }
0x33: {  	_ =	swait.ge [sflag:s10], $0xC80  }
0x34: {  	[sflag:s10] =	ssyncset.done $0x0  }
0x35: {  	s22 =	sshrl.u32 s24, $0x3;
	s23 =	rddreg [dreg:$0xe];
	[sflag:s10] =	ssyncadd.s32 $0xFFFFF380  }
0x36: {  	[hbm:s23], [sflag:s17] =	dma.local [spmem:s22], $0xC80  }
0x37: {  	_ =	swait.ge [sflag:s10], $0xC80  }
0x38: {  	[sflag:s10] =	ssyncset.done $0x0  }
0x39: {  	s18 =	sshrl.u32 @!p0 s25, $0x3;
	s19 =	rddreg [dreg:$0xf];
	[sflag:s10] =	ssyncadd.s32 $0xFFFFF380  }
0x3a: {  	[hbm:s19], [sflag:s17] =	dma.local @!p0 [spmem:s18], $0xC80  }
0x3b: {  	s17 =	simm.s32 @!p0 $0xB  }
0x3c: {  	_ =	swait.ge @!p0 [sflag:s17], $0xC80  }
0x3d: {  	s16 =	sadd.s32 $0x1, s16;
	s26 =	rddreg [dreg:$0x7]  }
0x3e: {  	p1 =	sne.s32 s16, s26  }
.Ltmp1:
0x3f: {  	_ = 	snop;
	(pc) =	sbr.rel @!p1 .LBB2_11-.Ltmp1, $3  }
0x40: {  	_ =	sdelay $0x1  }
0x41: {  	[sflag:s17] =	ssyncset.done @!p0 $0x0  }
0x42: {  	[sflag:s17] =	ssyncadd.s32 @!p0 $0xFFFFF380  }
.LBB2_1:
0x43: {  	s17 =	sand.u32 $0x7E00, s3  }
0x44: {  	s18 =	sand.u32 $0x70, s3;
	s19 =	sshrl.u32 s17, $0x2  }
0x45: {  	s20 =	simm.s32 $0x0;
	s17 =	simm.s32 $0x40;
	s18 =	sor.u32 s18, s19  }
.LBB2_2:
0x46: {  	p1 =	sne.s32 s17, $0x4FC0  }
0x47: {  	[tilespmem:s18+$0x5400] =	vst v0;
	s20 =	sadd.s32 $0x10, s20;
	s18 =	smov.u32 s17;
	s17 =	sadd.s32 $0x40, s17  }
.Ltmp2:
0x48: {  	(pc) =	sbr.rel @p1 .LBB2_2-.Ltmp2, $4  }
0x49: {  	_ = 	snop  }
0x4a: {  	s18 =	sand.u32 $0x7E00, s18  }
0x4b: {  	s19 =	sand.u32 $0x70, s20;
	s18 =	sshrl.u32 s18, $0x2  }
0x4c: {  	s18 =	sor.u32 s19, s18  }
0x4d: {  	[tilespmem:s18+$0x5400] =	vst v0  }
0x4e: {  	[spmem:s9] =	stream.linear.scatter [tilespmem:s8], [sflag:$0xB], $0x1400, $0x38;
	[tilespmem:$0x1A080] =	vst v63  }
0x4f: {  	_ =	swait.ge [sflag:s10], $0x1400  }
0x50: {  	[sflag:s10] =	ssyncset.done $0x0  }
0x51: {  	s17 =	rddreg [dreg:$0x8];
	[sflag:s10] =	ssyncadd.s32 $0xFFFFEC00  }
0x52: {  	[spmem:s17] =	stream.linear.scatter [tilespmem:s8], [sflag:$0xB], $0x1400, $0x38;
	[tilespmem:$0x1A080] =	vst v63  }
0x53: {  	_ =	swait.ge [sflag:s10], $0x1400  }
0x54: {  	[sflag:s10] =	ssyncset.done $0x0  }
0x55: {  	s22 =	rddreg [dreg:$0x9];
	[sflag:s10] =	ssyncadd.s32 $0xFFFFEC00  }
0x56: {  	[spmem:s22] =	stream.linear.scatter [tilespmem:s8], [sflag:$0xB], $0x1400, $0x38;
	[tilespmem:$0x1A080] =	vst v63  }
0x57: {  	_ =	swait.ge [sflag:s10], $0x1400  }
0x58: {  	[sflag:s10] =	ssyncset.done $0x0  }
0x59: {  	s23 =	rddreg [dreg:$0xa];
	[sflag:s10] =	ssyncadd.s32 $0xFFFFEC00  }
0x5a: {  	[spmem:s23] =	stream.linear.scatter [tilespmem:s8], [sflag:$0xB], $0x1400, $0x38;
	[tilespmem:$0x1A080] =	vst v63  }
0x5b: {  	_ =	swait.ge [sflag:s10], $0x1400  }
0x5c: {  	[sflag:s10] =	ssyncset.done $0x0  }
0x5d: {  	s26 =	rddreg [dreg:$0xb];
	[sflag:s10] =	ssyncadd.s32 $0xFFFFEC00  }
0x5e: {  	[spmem:s26] =	stream.linear.scatter [tilespmem:s8], [sflag:$0xB], $0x1400, $0x38;
	[tilespmem:$0x1A080] =	vst v63  }
0x5f: {  	_ =	swait.ge [sflag:s10], $0x1400  }
0x60: {  	[sflag:s10] =	ssyncset.done $0x0  }
0x61: {  	[sflag:s10] =	ssyncadd.s32 $0xFFFFEC00  }
0x62: {  	[spmem:s15] =	stream.linear.scatter [tilespmem:s8], [sflag:$0xB], $0x1400, $0x38;
	[tilespmem:$0x1A080] =	vst v63  }
0x63: {  	_ =	swait.ge [sflag:s10], $0x1400  }
0x64: {  	[sflag:s10] =	ssyncset.done $0x0  }
0x65: {  	s18 =	rddreg [dreg:$0x12];
	[sflag:s10] =	ssyncadd.s32 $0xFFFFEC00  }
0x66: {  	[spmem:s18] =	stream.linear.scatter [tilespmem:s8], [sflag:$0xB], $0x1400, $0x38;
	[tilespmem:$0x1A080] =	vst v63  }
0x67: {  	_ =	swait.ge [sflag:s10], $0x1400  }
0x68: {  	[sflag:s10] =	ssyncset.done $0x0  }
0x69: {  	s19 =	rddreg [dreg:$0x13];
	[sflag:s10] =	ssyncadd.s32 $0xFFFFEC00  }
0x6a: {  	[spmem:s19] =	stream.linear.scatter [tilespmem:s8], [sflag:$0xB], $0x1400, $0x38;
	[tilespmem:$0x1A080] =	vst v63  }
0x6b: {  	_ =	swait.ge [sflag:s10], $0x1400  }
0x6c: {  	[sflag:s10] =	ssyncset.done $0x0  }
0x6d: {  	s20 =	rddreg [dreg:$0x14];
	[sflag:s10] =	ssyncadd.s32 $0xFFFFEC00  }
0x6e: {  	[spmem:s20] =	stream.linear.scatter [tilespmem:s8], [sflag:$0xB], $0x1400, $0x38;
	[tilespmem:$0x1A080] =	vst v63  }
0x6f: {  	_ =	swait.ge [sflag:s10], $0x1400  }
0x70: {  	[sflag:s10] =	ssyncset.done $0x0  }
0x71: {  	[sflag:s10] =	ssyncadd.s32 $0xFFFFEC00  }
0x72: {  	[spmem:s28] =	stream.linear.scatter [tilespmem:s8], [sflag:$0xB], $0x1400, $0x38;
	[tilespmem:$0x1A080] =	vst v63  }
0x73: {  	_ =	swait.ge [sflag:s10], $0x1400  }
0x74: {  	[sflag:s10] =	ssyncset.done $0x0  }
0x75: {  	[sflag:s10] =	ssyncadd.s32 $0xFFFFEC00  }
0x76: {  	[spmem:s24] =	stream.linear.scatter [tilespmem:s8], [sflag:$0xB], $0x1400, $0x38;
	[tilespmem:$0x1A080] =	vst v63  }
0x77: {  	_ =	swait.ge [sflag:s10], $0x1400  }
0x78: {  	[sflag:s10] =	ssyncset.done $0x0  }
0x79: {  	[sflag:s10] =	ssyncadd.s32 $0xFFFFEC00  }
0x7a: {  	[spmem:s29] =	stream.linear.scatter [tilespmem:s8], [sflag:$0xB], $0x1400, $0x38;
	[tilespmem:$0x1A080] =	vst v63  }
0x7b: {  	_ =	swait.ge [sflag:s10], $0x1400  }
0x7c: {  	[sflag:s10] =	ssyncset.done $0x0  }
0x7d: {  	[sflag:s10] =	ssyncadd.s32 $0xFFFFEC00  }
0x7e: {  	[spmem:s30] =	stream.linear.scatter [tilespmem:s8], [sflag:$0xB], $0x1400, $0x38;
	[tilespmem:$0x1A080] =	vst v63  }
0x7f: {  	_ =	swait.ge [sflag:s10], $0x1400  }
0x80: {  	[sflag:s10] =	ssyncset.done $0x0  }
0x81: {  	[sflag:s10] =	ssyncadd.s32 $0xFFFFEC00  }
0x82: {  	[spmem:s31] =	stream.linear.scatter [tilespmem:s8], [sflag:$0xB], $0x1400, $0x38;
	[tilespmem:$0x1A080] =	vst v63  }
0x83: {  	_ =	swait.ge [sflag:s10], $0x1400  }
0x84: {  	[sflag:s10] =	ssyncset.done $0x0  }
0x85: {  	[sflag:s10] =	ssyncadd.s32 $0xFFFFEC00  }
0x86: {  	[spmem:s0] =	stream.linear.scatter [tilespmem:s8], [sflag:$0xB], $0x1400, $0x38;
	[tilespmem:$0x1A080] =	vst v63  }
0x87: {  	_ =	swait.ge [sflag:s10], $0x1400  }
0x88: {  	[sflag:s10] =	ssyncset.done $0x0  }
0x89: {  	s17 =	simm.s32 @!p0 $0x5400;
	s18 =	simm.s32 @!p0 $0xB;
	[sflag:s10] =	ssyncadd.s32 $0xFFFFEC00  }
0x8a: {  	[spmem:s25] =	stream.linear.scatter @!p0 [tilespmem:s17], [sflag:$0xB], $0x1400, $0x38;
	[tilespmem:$0x1A080] =	vst v63  }
0x8b: {  	_ =	swait.ge @!p0 [sflag:s18], $0x1400  }
0x8c: {  	[sflag:s18] =	ssyncset.done @!p0 $0x0  }
0x8d: {  	[sflag:s18] =	ssyncadd.s32 @!p0 $0xFFFFEC00  }
0x8e: {  	[spmem:s2] =	stream.linear.scatter @!p0 [tilespmem:s17], [sflag:$0xB], $0x1400, $0x38;
	[tilespmem:$0x1A080] =	vst v63  }
0x8f: {  	_ =	swait.ge @!p0 [sflag:s18], $0x1400  }
0x90: {  	[sflag:s18] =	ssyncset.done @!p0 $0x0  }
0x91: {  	[sflag:s18] =	ssyncadd.s32 @!p0 $0xFFFFEC00  }
0x92: {  	[spmem:s5] =	stream.linear.scatter @!p0 [tilespmem:s17], [sflag:$0xB], $0x1400, $0x38;
	[tilespmem:$0x1A080] =	vst v63  }
0x93: {  	_ =	swait.ge @!p0 [sflag:s18], $0x1400  }
0x94: {  	[sflag:s18] =	ssyncset.done @!p0 $0x0  }
0x95: {  	[sflag:s18] =	ssyncadd.s32 @!p0 $0xFFFFEC00  }
0x96: {  	[spmem:s6] =	stream.linear.scatter @!p0 [tilespmem:s17], [sflag:$0xB], $0x1400, $0x38;
	[tilespmem:$0x1A080] =	vst v63  }
0x97: {  	_ =	swait.ge @!p0 [sflag:s18], $0x1400  }
0x98: {  	[sflag:s18] =	ssyncset.done @!p0 $0x0  }
0x99: {  	[sflag:s18] =	ssyncadd.s32 @!p0 $0xFFFFEC00  }
0x9a: {  	[spmem:s7] =	stream.linear.scatter @!p0 [tilespmem:s17], [sflag:$0xB], $0x1400, $0x38;
	[tilespmem:$0x1A080] =	vst v63  }
0x9b: {  	_ =	swait.ge @!p0 [sflag:s18], $0x1400  }
0x9c: {  	[sflag:s18] =	ssyncset.done @!p0 $0x0  }
0x9d: {  	s22 =	simm.s32 $0x0;
	s21 =	rddreg [dreg:$0x3];
	[sflag:s18] =	ssyncadd.s32 @!p0 $0xFFFFEC00  }
0x9e: {  	[tilespmem:s22], [sflag:$0x1] =	stream.linear.gather [hbm4b:s21+s22], $0x50, $0x38;
	[tilespmem:$0x1A080] =	vst v63  }
0x9f: {  	s26 =	simm.s32 $0x200;
	s23 =	rddreg [dreg:$0x4]  }
0xa0: {  	[tilespmem:s26], [sflag:$0x4] =	stream.linear.gather [hbm4b:s23+s22], $0x50, $0x38;
	[tilespmem:$0x1A080] =	vst v63  }
0xa1: {  	_ =	swait.ge [sflag:s11], $0x50  }
0xa2: {  	[sflag:s11] =	ssyncset.done $0x0  }
0xa3: {  	s19 =	simm.s32 $0x400;
	[sflag:s11] =	ssyncadd.s32 $0xFFFFFFB0  }
0xa4: {  	[tilespmem:s19], [sflag:$0x7] =	stream.indirect.gather [hbm4b:s4+s12], $0x80, s22, s12, $0xb8;
	[tilespmem:$0x1A080] =	vst v63  }
0xa5: {  	s21 =	simm.s32 $0x80;
	s20 =	rddreg [dreg:$0x5]  }
0xa6: {  	[tilespmem:s21], [sflag:$0x2] =	stream.linear.gather [hbm4b:s20+s22], $0x50, $0x38;
	[tilespmem:$0x1A080] =	vst v63  }
.Ltmp3:
0xa7: {  	s26 =	simm.s32 $0x280;
	s23 =	rddreg [dreg:$0x6];
	(pc) =	sbr.rel .LBB2_4-.Ltmp3, $4  }
0xa8: {  	[tilespmem:s26], [sflag:$0x5] =	stream.linear.gather [hbm4b:s23+s22], $0x50, $0x38;
	[tilespmem:$0x1A080] =	vst v63  }
0xa9: {  	[bflag:$0x0] =	sbarrier.arrive $0xFFFF  }
0xaa: {  	s21 =	rddreg [dreg:$0x11]  }
0xab: {  	s20 =	rddreg [dreg:$0x10]  }
.LBB2_6:
0xac: {  	s18 =	sor.u32 $0x400, s26  }
0xad: {  	[tilespmem:s18], [sflag:s23] =	stream.indirect.gather [hbm4b:s4+s12], $0x80, s19, s12, $0xb8;
	[tilespmem:$0x1A080] =	vst v63  }
.LBB2_8:
0xae: {  	s18 =	sadd.s32 $0x2, s17  }
0xaf: {  	s19 =	smul.u32 $0xAB, s18;
	_ =	sdelay $0x1  }
0xb0: {  	s19 =	sshrl.u32 s19, $0x9  }
0xb1: {  	s19 =	sand.u32 $0x7F, s19  }
0xb2: {  	s19 =	smul.u32 $0x3, s19;
	_ =	sdelay $0x1  }
0xb3: {  	s18 =	ssub.s32 s18, s19  }
0xb4: {  	s18 =	sand.u32 $0xFF, s18  }
0xb5: {  	s26 =	sshll.u32 s18, $0x7;
	s23 =	sadd.s32 $0x1, s18  }
0xb6: {  	[tilespmem:s26], [sflag:s23] =	stream.linear.gather [hbm4b:s21+s3], $0x50, $0x38;
	[tilespmem:$0x1A080] =	vst v63  }
0xb7: {  	s18 =	sor.u32 $0x4, s18;
	s19 =	sor.u32 $0x200, s26  }
0xb8: {  	[tilespmem:s19], [sflag:s18] =	stream.linear.gather [hbm4b:s20+s3], $0x50, $0x38;
	[tilespmem:$0x1A080] =	vst v63  }
.LBB2_9:
0xb9: {  	s18 =	smul.u32 $0xAB, s17;
	_ =	sdelay $0x1  }
0xba: {  	s18 =	sshrl.u32 s18, $0x9  }
0xbb: {  	s18 =	sand.u32 $0x7F, s18  }
0xbc: {  	s19 =	sand.u32 $0x1, s17;
	s18 =	smul.u32 $0x3, s18  }
0xbd: {  	p1 =	sne.s32 s22, $0x7D;
	s23 =	sadd.s32 $0x7, s19  }
0xbe: {  	s20 =	sadd.s32 $0xA, s20;
	_ =	swait.ge [sflag:s23], $0x2800;
	s18 =	ssub.s32 s17, s18  }
0xbf: {  	[sflag:s23] =	ssyncset.done $0x0;
	s17 =	sand.u32 $0xFF, s18;
	s18 =	smul.u32 $0xA000, s19  }
.Ltmp4:
0xc0: {  	[sflag:s23] =	ssyncadd.s32 $0xFFFFD800;
	s26 =	sadd.s32 $0x4, s17;
	(pc) =	sbr.rel @!p1 .LBB2_10-.Ltmp4, $4  }
0xc1: {  	s21 =	sadd.s32 $0xA, s21;
	s19 =	sadd.s32 $0x9, s19;
	_ =	swait.ge [sflag:s26], $0x50  }
0xc2: {  	s17 =	sshll.u32 s17, $0x7;
	s18 =	sshrl.u32 s18, $0x2;
	[sflag:s26] =	ssyncset.done $0x0  }
0xc3: {  	s17 =	sadd.s32 $0x200, s17;
	s18 =	sor.u32 $0x400, s18;
	[sflag:s26] =	ssyncadd.s32 $0xFFFFFFB0  }
0xc4: {  	[spmem:s1] =	stream.indirect.scatter.add.f32 [tilespmem:s18], [sflag:s19], $0x80, s17, s12, $0xb8;
	[tilespmem:$0x1A080] =	vst v63  }
.LBB2_4:
0xc5: {  	p1 =	seq.s32 s22, $0x7C  }
.Ltmp5:
0xc6: {  	_ = 	snop;
	(pc) =	sbr.rel @p1 .LBB2_9-.Ltmp5, $2  }
0xc7: {  	_ =	sdelay $0x2  }
0xc8: {  	s17 =	smov.u32 s22;
	s22 =	sadd.s32 $0x1, s22  }
0xc9: {  	s18 =	smul.u32 $0xAB, s22;
	_ =	sdelay $0x1  }
0xca: {  	s18 =	sshrl.u32 s18, $0x9  }
0xcb: {  	s18 =	sand.u32 $0x7F, s18  }
0xcc: {  	s18 =	smul.u32 $0x3, s18;
	_ =	sdelay $0x1  }
0xcd: {  	p1 =	sne.s32 s17, $0x0;
	s18 =	ssub.s32 s22, s18  }
.Ltmp6:
0xce: {  	s19 =	sand.u32 $0xFF, s18;
	(pc) =	sbr.rel @!p1 .LBB2_6-.Ltmp6, $4  }
0xcf: {  	s18 =	sand.u32 $0x1, s22;
	s23 =	sadd.s32 $0x1, s19  }
0xd0: {  	s26 =	smul.u32 $0xA000, s18;
	_ =	swait.ge [sflag:s23], $0x50  }
0xd1: {  	s19 =	sshll.u32 s19, $0x7;
	[sflag:s23] =	ssyncset.done $0x0  }
0xd2: {  	s26 =	sshrl.u32 s26, $0x2;
	[sflag:s23] =	ssyncadd.s32 $0xFFFFFFB0;
	s23 =	sadd.s32 $0x7, s18  }
0xd3: {  	p1 =	sgt.u32 s17, $0x7A  }
.Ltmp7:
0xd4: {  	s18 =	sadd.s32 $0x9, s18;
	(pc) =	sbr.rel @p1 .LBB2_9-.Ltmp7, $4  }
.Ltmp8:
0xd5: {  	_ =	swait.ge [sflag:s18], $0x2800;
	(pc) =	sbr.rel @!p1 .LBB2_8-.Ltmp8, $4  }
0xd6: {  	[sflag:s18] =	ssyncset.done $0x0  }
0xd7: {  	s26 =	sor.u32 $0x400, s26;
	[sflag:s18] =	ssyncadd.s32 $0xFFFFD800  }
0xd8: {  	[tilespmem:s26], [sflag:s23] =	stream.indirect.gather [hbm4b:s4+s12], $0x80, s19, s12, $0xb8;
	[tilespmem:$0x1A080] =	vst v63  }
0xd9: {  	_ = 	snop  }
.LBB2_11:
0xda: {  	_ =	sfence.sel $0x180000  }
0xdb: {  	[bflag:$0x0] =	sbarrier.arrive $0xFFFF  }
0xdc: {  	_ =	strace $0x9000004D  }
0xdd: {  	s0 =	stileid.u32;
	[bflag:$0x2] =	sbarrier.arrive $0xFFFF  }
0xde: {  	p0 =	sne.s32 s0, $0x0;
	s0 =	rddreg [dreg:$0x2]  }
0xdf: {  	s0 =	sadd.s32 @!p0 $0x100000, s0  }
0xe0: {  	[sflag:s0] =	ssyncadd.tile.s32 @!p0 $0x1;
	_ =	shalt  }
.Lfunc_end2:
_tile_overlayer_lowered:
.L_overlay_start_2:
0xe1: {  	(tag) =	ssettag $0x2  }
0xe2: {  	s0 =	rddreg [dreg:$0x0];
	s2 =	stileid.u32  }
0xe3: {  	s1 =	rddreg [dreg:$0x1];
	p0 =	sne.s32 s2, $0x0  }
0xe4: {  	s3 =	rddreg [dreg:$0x2];
	[bflag:$0x3] =	sbarrier.arrive $0xFFFF;
	s2 =	simm.s32 @!p0 $0x1C0B  }
0xe5: {  	[timem:s3], [sflag:s2] =	dma.local @!p0 [hbm:s0], s1  }
0xe6: {  	s0 =	simm.s32 @!p0 $0xB  }
0xe7: {  	_ =	swait.ge @!p0 [sflag:s0], s1  }
0xe8: {  	s1 =	ssub.s32 @!p0 $0x0, s1;
	[sflag:s0] =	ssyncset.done @!p0 $0x0  }
0xe9: {  	[sflag:s0] =	ssyncadd.s32 @!p0 s1  }
0xea: {  	[bflag:$0x3] =	sbarrier.arrive $0xFFFF  }
0xeb: {  	_ =	shalt  }

// kernel: kernel.19.cloned.1.call-start
scs
__scs_entry_jumppad:
0x0: {  	(pc) =	sbr.rel $0x88, $3  }
0x1: {  	(tag) =	ssettag $0x0;
	lr =	simm.s32 $0x1  }
0x2: {  	[smem:$0x3F97] =	sst lr;
	_ =	strace $0xD0000000  }
0x3: {  	_ = 	snop  }
0x4: {  	_ = 	snop  }
0x5: {  	_ = 	snop  }
0x6: {  	_ = 	snop  }
0x7: {  	_ = 	snop  }
__scs_overlays_trampoline_lowered:
0x8: {  	[smem:$0x3FA6] =	sst s0  }
0x9: {  	[smem:$0x3FA7] =	sst s1  }
0xa: {  	[smem:$0x3FA8] =	sst s2  }
0xb: {  	[smem:$0x3FA9] =	sst s3  }
0xc: {  	[smem:$0x3FAA] =	sst s4  }
0xd: {  	[smem:$0x3FAB] =	sst s5  }
0xe: {  	[smem:$0x3FAC] =	sst s6  }
0xf: {  	[smem:$0x3FAD] =	sst s7  }
0x10: {  	[smem:$0x3FAE] =	sst s8  }
0x11: {  	[smem:$0x3FAF] =	sst s9;
	s0 =	simm.s32 @!p0 $0x0  }
0x12: {  	s1 =	sld [smem:$0x3F95];
	s0 =	simm.s32 @p0 $0x1  }
0x13: {  	[smem:$0x3FB0] =	sst s0;
	s0 =	simm.s32 @!p1 $0x0  }
0x14: {  	s2 =	sld [smem:$0x3F94];
	s0 =	simm.s32 @p1 $0x1  }
0x15: {  	[smem:$0x3FB1] =	sst s0;
	s0 =	simm.s32 @!p2 $0x0  }
0x16: {  	s3 =	sld [smem:$0x3FDB];
	s0 =	simm.s32 @p2 $0x1  }
0x17: {  	s4 =	simm.s32 $0x1BF5;
	[smem:$0x3FB3] =	sst s0  }
0x18: {  	s0 =	sld [smem:$0x3F96];
	_ =	swait.ge [sflag:s4], $0x0  }
0x19: {  	s7 =	sld [smem:$0x3F97]  }
0x1a: {  	s8 =	sadd.s32 $0xFFFFE003, lr  }
0x1b: {  	s9 =	sadd.s32 $0xFFFFFEF7, lr;
	s5 =	simm.s32 $0xFFFFFFFF;
	p2 =	slt.u32 s8, $0xFFFFF086  }
0x1c: {  	p1 =	slt.u32 s9, $0xF7A;
	s5 =	simm.s32 @!p2 $0x0  }
0x1d: {  	s5 =	simm.s32 @p1 $0x1;
	p0 =	seq.s32 s7, s2  }
0x1e: {  	s7 =	smul.u32 @!p0 $0xF7A, s2;
	p2 =	seq.s32 @!p0 s5, $0x0  }
0x1f: {  	s9 =	smul.u32 $0xF7A, s1;
	s8 =	simm.s32 @!p0 $0x1BF5;
	p2 =	por !p2, p0  }
0x20: {  	[sflag:s8] =	ssyncset.s32 @!p0 $0xFFFFF086;
	s6 =	sadd.s32 @!p0 s3, s7;
	s7 =	simm.s32 @!p0 $0x108  }
0x21: {  	s3 =	sadd.s32 s3, s9;
	s6 =	sadd.s32 @!p0 $0x88, s6;
	s7 =	simm.s32 @p2 $0x1082  }
0x22: {  	[simem:s7], [sflag:s8] =	dma.local @!p0 [hbm:s6], $0xF7A  }
0x23: {  	s9 =	sor.u32 $0xD0000000, s2;
	s6 =	simm.s32 $0x108;
	_ =	swait.ge @!p0 [sflag:s8], $0x0  }
0x24: {  	s3 =	sadd.s32 $0x88, s3;
	s6 =	simm.s32 @!p1 $0x1082;
	[sflag:s4] =	ssyncset.s32 $0xFFFFF086  }
0x25: {  	[simem:s6], [sflag:s4] =	dma.local [hbm:s3], $0xF7A  }
0x26: {  	[smem:$0x3F97] =	sst s1;
	(tag) =	ssettag s2;
	_ =	strace s9  }
0x27: {  	s1 =	sld [smem:$0x3FA7]  }
0x28: {  	s2 =	sld [smem:$0x3FA8]  }
0x29: {  	s4 =	sld [smem:$0x3FAA]  }
0x2a: {  	p0 =	seq.s32 s5, $0x0;
	s5 =	sld [smem:$0x3FAB]  }
0x2b: {  	s6 =	sld [smem:$0x3FAC]  }
0x2c: {  	s7 =	sld [smem:$0x3FAD]  }
0x2d: {  	s3 =	simm.s32 $0x108;
	s8 =	sld [smem:$0x3FAE]  }
0x2e: {  	s3 =	simm.s32 @!p0 $0x1082;
	s9 =	sld [smem:$0x3FAF]  }
0x2f: {  	lr =	sadd.s32 s0, s3;
	s0 =	sld [smem:$0x3FA6]  }
0x30: {  	s3 =	sld [smem:$0x3FA9]  }
0x31: {  	[smem:$0x3FB2] =	sst s10  }
0x32: {  	s10 =	sld [smem:$0x3FB0];
	_ =	sdelay $0x3  }
0x33: {  	p0 =	seq.s32 s10, $0x1;
	s10 =	sld [smem:$0x3FB2];
	_ =	sdelay $0x3  }
0x34: {  	[smem:$0x3FB2] =	sst s10  }
0x35: {  	s10 =	sld [smem:$0x3FB1];
	_ =	sdelay $0x3  }
0x36: {  	p1 =	seq.s32 s10, $0x1;
	s10 =	sld [smem:$0x3FB2];
	_ =	sdelay $0x3  }
0x37: {  	[smem:$0x3FB2] =	sst s10  }
0x38: {  	s10 =	sld [smem:$0x3FB3]  }
0x39: {  	_ = 	snop;
	(pc) =	sbr.ind lr, $3  }
0x3a: {  	_ = 	snop  }
0x3b: {  	_ = 	snop  }
0x3c: {  	p2 =	seq.s32 s10, $0x1;
	s10 =	sld [smem:$0x3FB2]  }
0x3d: {  	_ =	shalt  }
0x3e: {  	_ =	shalt  }
0x3f: {  	_ =	shalt  }
0x40: {  	_ =	shalt  }
0x41: {  	_ =	shalt  }
0x42: {  	_ =	shalt  }
0x43: {  	_ =	shalt  }
0x44: {  	_ =	shalt  }
0x45: {  	_ =	shalt  }
0x46: {  	_ =	shalt  }
0x47: {  	_ =	shalt  }
0x48: {  	_ =	shalt  }
0x49: {  	_ =	shalt  }
0x4a: {  	_ =	shalt  }
0x4b: {  	_ =	shalt  }
0x4c: {  	_ =	shalt  }
0x4d: {  	_ =	shalt  }
0x4e: {  	_ =	shalt  }
0x4f: {  	_ =	shalt  }
0x50: {  	_ =	shalt  }
0x51: {  	_ =	shalt  }
0x52: {  	_ =	shalt  }
0x53: {  	_ =	shalt  }
0x54: {  	_ =	shalt  }
0x55: {  	_ =	shalt  }
0x56: {  	_ =	shalt  }
0x57: {  	_ =	shalt  }
0x58: {  	_ =	shalt  }
0x59: {  	_ =	shalt  }
0x5a: {  	_ =	shalt  }
0x5b: {  	_ =	shalt  }
0x5c: {  	_ =	shalt  }
0x5d: {  	_ =	shalt  }
0x5e: {  	_ =	shalt  }
0x5f: {  	_ =	shalt  }
0x60: {  	_ =	shalt  }
0x61: {  	_ =	shalt  }
0x62: {  	_ =	shalt  }
0x63: {  	_ =	shalt  }
0x64: {  	_ =	shalt  }
0x65: {  	_ =	shalt  }
0x66: {  	_ =	shalt  }
0x67: {  	_ =	shalt  }
0x68: {  	_ =	shalt  }
0x69: {  	_ =	shalt  }
0x6a: {  	_ =	shalt  }
0x6b: {  	_ =	shalt  }
0x6c: {  	_ =	shalt  }
0x6d: {  	_ =	shalt  }
0x6e: {  	_ =	shalt  }
0x6f: {  	_ =	shalt  }
0x70: {  	_ =	shalt  }
0x71: {  	_ =	shalt  }
0x72: {  	_ =	shalt  }
0x73: {  	_ =	shalt  }
0x74: {  	_ =	shalt  }
0x75: {  	_ =	shalt  }
0x76: {  	_ =	shalt  }
0x77: {  	_ =	shalt  }
0x78: {  	_ =	shalt  }
0x79: {  	_ =	shalt  }
0x7a: {  	_ =	shalt  }
0x7b: {  	_ =	shalt  }
0x7c: {  	_ =	shalt  }
0x7d: {  	_ =	shalt  }
0x7e: {  	_ =	shalt  }
0x7f: {  	_ =	shalt  }
0x80: {  	_ =	shalt  }
0x81: {  	_ =	shalt  }
0x82: {  	_ =	shalt  }
0x83: {  	_ =	shalt  }
0x84: {  	_ =	shalt  }
0x85: {  	_ =	shalt  }
0x86: {  	_ =	shalt  }
0x87: {  	_ =	shalt  }
.Lfunc_end0:
.L_simem_size_0:
called_computation.3_lowered:
.L_overlay_start_0:
0x88: {  	s2 =	sld [smem:$0x3FD9]  }
0x89: {  	s3 =	sld [smem:$0x3FFE];
	_ =	sdelay $0x1  }
0x8a: {  	s1 =	srdreg.scid  }
0x8b: {  	s0 =	sand.u32 $0x1, s1  }
0x8c: {  	s16 =	sshll.u32 s0, $0xA;
	s2 =	sadd.s32 s3, s2  }
0x8d: {  	s2 =	sadd.s32 s2, s16  }
0x8e: {  	[smem:$0x3FBE] =	sst s2  }
0x8f: {  	_ = 	snop  }
0x90: {  	(tm) =	ssettm $0x1  }
0x91: {  	s17 =	sld [smem:$0x3FFB];
	_ =	sdelay $0x3  }
0x92: {  	_ =	strace s17  }
0x93: {  	s2 =	sld [smem:$0x3FFC];
	_ =	sdelay $0x3  }
0x94: {  	_ =	strace s2  }
0x95: {  	s2 =	sld [smem:$0x3FFD];
	_ =	sdelay $0x3  }
0x96: {  	_ =	strace s2  }
0x97: {  	_ =	strace $0x8FFFFFFF  }
0x98: {  	s18 =	sld [smem:$0x3FDB];
	_ =	sdelay $0x1  }
0x99: {  	s19 =	simm.s32 $_scs_section_size  }
0x9a: {  	s4 =	simm.s32 $_size__tile_overlayer_lowered;
	s5 =	simm.s32 $_tile_overlayer_lowered  }
0x9b: {  	s22 =	simm.s32 $0x1BFF;
	s21 =	sshll.u32 s5, $0x1;
	s2 =	sadd.s32 s19, s18  }
0x9c: {  	s6 =	simm.s32 $0x0;
	s20 =	sshll.u32 s4, $0x1;
	s4 =	sadd.s32 s21, s2  }
0x9d: {  	[timem:s6], [sflag:s22] =	dma.local [hbm:s4], s20  }
0x9e: {  	_ =	swait.ge [sflag:s22], s20  }
0x9f: {  	s3 =	ssub.s32 $0x0, s20;
	[sflag:s22] =	ssyncset.done $0x0  }
0xa0: {  	[sflag:s22] =	ssyncadd.s32 s3;
	_ =	sdelay $0x1  }
0xa1: {  	s23 =	simm.s32 $0x1B8B  }
0xa2: {  	_ =	swait.ge [sflag:s23], $0x1  }
0xa3: {  	[sflag:s23] =	ssyncset.done $0x0  }
0xa4: {  	s25 =	simm.s32 $0x1B8E;
	s24 =	sld [smem:$0x3FFE];
	[sflag:s23] =	ssyncadd.s32 $0xFFFFFFFF  }
0xa5: {  	s26 =	simm.s32 $execute0_lowered;
	[smem:$0x3FD2] =	sst s25  }
0xa6: {  	s4 =	sshll.u32 s26, $0x1;
	_ =	strace $0x8000004F;
	[dreg:$0x1] =	wrdreg $0xFFFFFFFF  }
0xa7: {  	s28 =	simm.s32 $_size_execute0_lowered;
	s2 =	sadd.s32 s2, s4;
	[dreg:$0x0] =	wrdreg $0x0  }
0xa8: {  	s4 =	sshll.u32 s28, $0x1;
	[dreg:$0x2] =	wrdreg s2  }
0xa9: {  	[dreg:$0x3] =	wrdreg s4  }
0xaa: {  	[dreg:$0x4] =	wrdreg $0xC0  }
0xab: {  	_ =	task [dreg:s6], $0x5FFFF  }
0xac: {  	[dreg:$0x1] =	wrdreg $0xFFFFFFFF  }
0xad: {  	[dreg:$0x0] =	wrdreg $0x60  }
0xae: {  	[dreg:$0x2] =	wrdreg s24  }
0xaf: {  	[dreg:$0x3] =	wrdreg $0x68000  }
0xb0: {  	[dreg:$0x4] =	wrdreg $0x9  }
0xb1: {  	_ =	task.clear_ibuf [dreg:s6], $0x5FFFF;
	_ =	strace $0x9000004F  }
0xb2: {  	s29 =	simm.s32 $0x9;
	_ =	strace $0x80000051  }
0xb3: {  	_ =	swait.ge [sflag:s29], $0x1  }
0xb4: {  	[sflag:s29] =	ssyncadd.s32 $0xFFFFFFFF  }
0xb5: {  	_ =	strace $0x90000051  }
0xb6: {  	_ =	sfence  }
0xb7: {  	s30 =	sld [smem:$0x0];
	_ =	sdelay $0x2  }
0xb8: {  	s31 =	sshll.u32 s1, $0xD;
	s1 =	sshrl.u32 s1, $0x2  }
0xb9: {  	s3 =	sand.u32 $0x4000, s31;
	s1 =	sadd.s32 s1, s30  }
0xba: {  	s0 =	sor.u32 s3, s0;
	s1 =	sshll.u32 s1, $0x11  }
0xbb: {  	s0 =	sor.u32 s1, s0  }
0xbc: {  	s0 =	sadd.s32 $0x8F2B, s0  }
0xbd: {  	[sflag:s0] =	ssyncadd.remote.s32 $0x1  }
0xbe: {  	_ =	sfence.sel $0xFFFF  }
0xbf: {  	[dreg:$0x0] =	wrdreg $0xFFFFFFFF;
	(pc) =	sbr.abs _section_cstart, $3  }
0xc0: {  	[dreg:$0x1] =	wrdreg $0xFFFFFFFF  }
0xc1: {  	_ =	task.clear_ibuf [dreg:s6], $0x2FFFF;
	_ =	strace $0x9FFFFFFF  }
0xc2: {  	(tm) =	ssettm $0x7FFFFFFF  }
0xc3: {  	_ =	shalt  }
tec
execute0_lowered:
.L_overlay_start_1:
0x0: {  	(tag) =	ssettag $0x1  }
0x1: {  	s0 =	rddreg [dreg:$0x0]  }
0x2: {  	s1 =	rddreg [dreg:$0x1];
	s17 =	stileid.u32  }
0x3: {  	s2 =	srdreg.scid;
	s16 =	smul.u32 $0x19000, s17  }
0x4: {  	s3 =	simm.s32 $0x0;
	s2 =	sand.u32 $0x1, s2;
	s19 =	smul.u32 $0x6400, s17  }
0x5: {  	[smem:$0x7FF] =	sst s3;
	s4 =	sadd.s32 $0x17800, s0;
	s24 =	smul.u32 $0x2710, s17  }
0x6: {  	s6 =	sadd.s32 $0xDA00, s0;
	s11 =	sor.u32 $0x10, s17;
	s10 =	smul.u32 $0x138800, s2  }
0x7: {  	s8 =	sadd.s32 $0x3C00, s0;
	s0 =	sadd.s32 $0x3EA00, s0;
	s18 =	smul.u32 $0x19000, s11  }
0x8: {  	s20 =	sor.u32 $0x20, s17;
	s14 =	sor.u32 $0x30, s17;
	s11 =	smul.u32 $0x6400, s11  }
0x9: {  	s5 =	sshll.u32 s2, $0x4;
	_ =	strace $0x80000050;
	s22 =	smul.u32 $0x6400, s14  }
0xa: {  	s7 =	ssub.s32 $0x2, s2;
	s2 =	smul.u32 $0x27100, s2;
	p0 =	sgt.u32 s14, $0x31  }
0xb: {  	s5 =	sor.u32 s17, s5;
	s9 =	sshrl.u32 s7, $0x1;
	s17 =	smul.u32 $0x19000, s20  }
0xc: {  	s5 =	smul.u32 $0x2710, s5;
	s7 =	ssub.s32 s7, s9;
	s9 =	sshrl.u32 s16, $0x2  }
0xd: {  	s11 =	sadd.s32 s10, s11;
	s26 =	sshrl.u32 s18, $0x2;
	s2 =	sadd.s32 s24, s2  }
0xe: {  	s9 =	sadd.s32 s9, s1;
	s7 =	smax.u32 s7, $0x1;
	s11 =	sshrl.u32 s11, $0x3  }
0xf: {  	s2 =	sadd.s32 $0xA0, s2;
	s24 =	sshrl.u32 s17, $0x2;
	s5 =	sshrl.u32 s5, $0x3  }
0x10: {  	[dreg:$0x7] =	wrdreg s7;
	s21 =	sadd.s32 $0x1400, s9;
	s16 =	sadd.s32 $0x2800, s9  }
0x11: {  	s7 =	sadd.s32 s10, s22;
	s25 =	sadd.s32 $0x3C00, s9;
	s18 =	sadd.s32 s0, s11  }
0x12: {  	s2 =	sshrl.u32 s2, $0x3;
	s24 =	sadd.s32 s24, s1;
	[dreg:$0x8] =	wrdreg s21  }
0x13: {  	s11 =	simm.s32 $0x1;
	s15 =	sadd.s32 s6, s5;
	[dreg:$0x9] =	wrdreg s16  }
0x14: {  	s12 =	sadd.s32 s8, s5;
	s5 =	sadd.s32 $0xA, s5;
	[dreg:$0xa] =	wrdreg s25  }
0x15: {  	[dreg:$0xd] =	wrdreg s18;
	s21 =	smul.u32 $0x19000, s14;
	s22 =	sadd.s32 s2, s8  }
0x16: {  	s2 =	sadd.s32 s2, s6;
	s29 =	sadd.s32 $0x1400, s24;
	[dreg:$0x3] =	wrdreg s15  }
0x17: {  	s30 =	sadd.s32 $0x2800, s24;
	s31 =	sadd.s32 $0x3C00, s24;
	[dreg:$0x4] =	wrdreg s12  }
0x18: {  	s14 =	simm.s32 $0x9;
	s16 =	simm.s32 $0x0;
	[dreg:$0x10] =	wrdreg s22  }
0x19: {  	s13 =	sadd.s32 s6, s5;
	s5 =	sadd.s32 s8, s5;
	[dreg:$0x11] =	wrdreg s2  }
0x1a: {  	s15 =	smul.u32 $0x6400, s20;
	s20 =	sshrl.u32 s7, $0x3;
	[dreg:$0x5] =	wrdreg s13  }
0x1b: {  	s8 =	simm.s32 $0x5400;
	s12 =	simm.s32 $0x50;
	[dreg:$0x6] =	wrdreg s5  }
0x1c: {  	s5 =	sadd.s32 s10, s19;
	s13 =	simm.s32 $0xA;
	s23 =	sadd.s32 s10, s15  }
0x1d: {  	s15 =	sadd.s32 $0x5000, s9;
	s5 =	sshrl.u32 s5, $0x3;
	s10 =	simm.s32 $0xB  }
0x1e: {  	[dreg:$0xb] =	wrdreg s15;
	s5 =	sadd.s32 s0, s5;
	s19 =	sshrl.u32 s23, $0x3  }
0x1f: {  	s15 =	sadd.s32 s26, s1;
	[dreg:$0xc] =	wrdreg s5;
	s5 =	sadd.s32 s0, s19  }
0x20: {  	s0 =	sadd.s32 s0, s20;
	s23 =	sadd.s32 $0x1400, s15;
	[dreg:$0xe] =	wrdreg s5  }
.Ltmp0:
0x21: {  	s25 =	sadd.s32 $0x2800, s15;
	[dreg:$0xf] =	wrdreg s0;
	(pc) =	sbr.rel .LBB2_1-.Ltmp0, $4  }
0x22: {  	s26 =	sadd.s32 $0x3C00, s15;
	[dreg:$0x12] =	wrdreg s23;
	s0 =	sshrl.u32 s21, $0x2  }
0x23: {  	s28 =	sadd.s32 $0x5000, s15;
	[dreg:$0x13] =	wrdreg s25;
	s25 =	sadd.s32 s0, s1  }
0x24: {  	[dreg:$0x14] =	wrdreg s26;
	s0 =	sadd.s32 $0x5000, s24;
	s2 =	sadd.s32 $0x1400, s25  }
0x25: {  	v0 =	vimm.f32 $0.0e+00;
	s5 =	sadd.s32 $0x2800, s25;
	s6 =	sadd.s32 $0x3C00, s25;
	s7 =	sadd.s32 $0x5000, s25  }
.LBB2_10:
0x26: {  	_ =	swait.ge [sflag:s13], $0x2800  }
0x27: {  	[sflag:s13] =	ssyncset.done $0x0  }
0x28: {  	[sflag:s13] =	ssyncadd.s32 $0xFFFFD800  }
0x29: {  	_ =	swait.ge [sflag:s14], $0x2800  }
0x2a: {  	[sflag:s14] =	ssyncset.done $0x0  }
0x2b: {  	s17 =	stileid.u32;
	[sflag:s14] =	ssyncadd.s32 $0xFFFFD800  }
0x2c: {  	s17 =	sshll.u32 s17, $0x6;
	[bflag:$0x0] =	sbarrier.arrive $0xFFFF  }
0x2d: {  	s18 =	sshrl.u32 s9, $0x3;
	s17 =	sor.u32 $0x1C0B, s17;
	s19 =	rddreg [dreg:$0xc]  }
0x2e: {  	[hbm:s19], [sflag:s17] =	dma.local [spmem:s18], $0xC80  }
0x2f: {  	_ =	swait.ge [sflag:s10], $0xC80  }
0x30: {  	[sflag:s10] =	ssyncset.done $0x0  }
0x31: {  	s20 =	sshrl.u32 s15, $0x3;
	s21 =	rddreg [dreg:$0xd];
	[sflag:s10] =	ssyncadd.s32 $0xFFFFF380  }
0x32: {  	[hbm:s21], [sflag:s17] =	dma.local [spmem:s20], $0xC80  }
0x33: {  	_ =	swait.ge [sflag:s10], $0xC80  }
0x34: {  	[sflag:s10] =	ssyncset.done $0x0  }
0x35: {  	s22 =	sshrl.u32 s24, $0x3;
	s23 =	rddreg [dreg:$0xe];
	[sflag:s10] =	ssyncadd.s32 $0xFFFFF380  }
0x36: {  	[hbm:s23], [sflag:s17] =	dma.local [spmem:s22], $0xC80  }
0x37: {  	_ =	swait.ge [sflag:s10], $0xC80  }
0x38: {  	[sflag:s10] =	ssyncset.done $0x0  }
0x39: {  	s18 =	sshrl.u32 @!p0 s25, $0x3;
	s19 =	rddreg [dreg:$0xf];
	[sflag:s10] =	ssyncadd.s32 $0xFFFFF380  }
0x3a: {  	[hbm:s19], [sflag:s17] =	dma.local @!p0 [spmem:s18], $0xC80  }
0x3b: {  	s17 =	simm.s32 @!p0 $0xB  }
0x3c: {  	_ =	swait.ge @!p0 [sflag:s17], $0xC80  }
0x3d: {  	s16 =	sadd.s32 $0x1, s16;
	s26 =	rddreg [dreg:$0x7]  }
0x3e: {  	p1 =	sne.s32 s16, s26  }
.Ltmp1:
0x3f: {  	_ = 	snop;
	(pc) =	sbr.rel @!p1 .LBB2_11-.Ltmp1, $3  }
0x40: {  	_ =	sdelay $0x1  }
0x41: {  	[sflag:s17] =	ssyncset.done @!p0 $0x0  }
0x42: {  	[sflag:s17] =	ssyncadd.s32 @!p0 $0xFFFFF380  }
.LBB2_1:
0x43: {  	s17 =	sand.u32 $0x7E00, s3  }
0x44: {  	s18 =	sand.u32 $0x70, s3;
	s19 =	sshrl.u32 s17, $0x2  }
0x45: {  	s20 =	simm.s32 $0x0;
	s17 =	simm.s32 $0x40;
	s18 =	sor.u32 s18, s19  }
.LBB2_2:
0x46: {  	p1 =	sne.s32 s17, $0x4FC0  }
0x47: {  	[tilespmem:s18+$0x5400] =	vst v0;
	s20 =	sadd.s32 $0x10, s20;
	s18 =	smov.u32 s17;
	s17 =	sadd.s32 $0x40, s17  }
.Ltmp2:
0x48: {  	(pc) =	sbr.rel @p1 .LBB2_2-.Ltmp2, $4  }
0x49: {  	_ = 	snop  }
0x4a: {  	s18 =	sand.u32 $0x7E00, s18  }
0x4b: {  	s19 =	sand.u32 $0x70, s20;
	s18 =	sshrl.u32 s18, $0x2  }
0x4c: {  	s18 =	sor.u32 s19, s18  }
0x4d: {  	[tilespmem:s18+$0x5400] =	vst v0  }
0x4e: {  	[spmem:s9] =	stream.linear.scatter [tilespmem:s8], [sflag:$0xB], $0x1400, $0x38;
	[tilespmem:$0x1A080] =	vst v63  }
0x4f: {  	_ =	swait.ge [sflag:s10], $0x1400  }
0x50: {  	[sflag:s10] =	ssyncset.done $0x0  }
0x51: {  	s17 =	rddreg [dreg:$0x8];
	[sflag:s10] =	ssyncadd.s32 $0xFFFFEC00  }
0x52: {  	[spmem:s17] =	stream.linear.scatter [tilespmem:s8], [sflag:$0xB], $0x1400, $0x38;
	[tilespmem:$0x1A080] =	vst v63  }
0x53: {  	_ =	swait.ge [sflag:s10], $0x1400  }
0x54: {  	[sflag:s10] =	ssyncset.done $0x0  }
0x55: {  	s22 =	rddreg [dreg:$0x9];
	[sflag:s10] =	ssyncadd.s32 $0xFFFFEC00  }
0x56: {  	[spmem:s22] =	stream.linear.scatter [tilespmem:s8], [sflag:$0xB], $0x1400, $0x38;
	[tilespmem:$0x1A080] =	vst v63  }
0x57: {  	_ =	swait.ge [sflag:s10], $0x1400  }
0x58: {  	[sflag:s10] =	ssyncset.done $0x0  }
0x59: {  	s23 =	rddreg [dreg:$0xa];
	[sflag:s10] =	ssyncadd.s32 $0xFFFFEC00  }
0x5a: {  	[spmem:s23] =	stream.linear.scatter [tilespmem:s8], [sflag:$0xB], $0x1400, $0x38;
	[tilespmem:$0x1A080] =	vst v63  }
0x5b: {  	_ =	swait.ge [sflag:s10], $0x1400  }
0x5c: {  	[sflag:s10] =	ssyncset.done $0x0  }
0x5d: {  	s26 =	rddreg [dreg:$0xb];
	[sflag:s10] =	ssyncadd.s32 $0xFFFFEC00  }
0x5e: {  	[spmem:s26] =	stream.linear.scatter [tilespmem:s8], [sflag:$0xB], $0x1400, $0x38;
	[tilespmem:$0x1A080] =	vst v63  }
0x5f: {  	_ =	swait.ge [sflag:s10], $0x1400  }
0x60: {  	[sflag:s10] =	ssyncset.done $0x0  }
0x61: {  	[sflag:s10] =	ssyncadd.s32 $0xFFFFEC00  }
0x62: {  	[spmem:s15] =	stream.linear.scatter [tilespmem:s8], [sflag:$0xB], $0x1400, $0x38;
	[tilespmem:$0x1A080] =	vst v63  }
0x63: {  	_ =	swait.ge [sflag:s10], $0x1400  }
0x64: {  	[sflag:s10] =	ssyncset.done $0x0  }
0x65: {  	s18 =	rddreg [dreg:$0x12];
	[sflag:s10] =	ssyncadd.s32 $0xFFFFEC00  }
0x66: {  	[spmem:s18] =	stream.linear.scatter [tilespmem:s8], [sflag:$0xB], $0x1400, $0x38;
	[tilespmem:$0x1A080] =	vst v63  }
0x67: {  	_ =	swait.ge [sflag:s10], $0x1400  }
0x68: {  	[sflag:s10] =	ssyncset.done $0x0  }
0x69: {  	s19 =	rddreg [dreg:$0x13];
	[sflag:s10] =	ssyncadd.s32 $0xFFFFEC00  }
0x6a: {  	[spmem:s19] =	stream.linear.scatter [tilespmem:s8], [sflag:$0xB], $0x1400, $0x38;
	[tilespmem:$0x1A080] =	vst v63  }
0x6b: {  	_ =	swait.ge [sflag:s10], $0x1400  }
0x6c: {  	[sflag:s10] =	ssyncset.done $0x0  }
0x6d: {  	s20 =	rddreg [dreg:$0x14];
	[sflag:s10] =	ssyncadd.s32 $0xFFFFEC00  }
0x6e: {  	[spmem:s20] =	stream.linear.scatter [tilespmem:s8], [sflag:$0xB], $0x1400, $0x38;
	[tilespmem:$0x1A080] =	vst v63  }
0x6f: {  	_ =	swait.ge [sflag:s10], $0x1400  }
0x70: {  	[sflag:s10] =	ssyncset.done $0x0  }
0x71: {  	[sflag:s10] =	ssyncadd.s32 $0xFFFFEC00  }
0x72: {  	[spmem:s28] =	stream.linear.scatter [tilespmem:s8], [sflag:$0xB], $0x1400, $0x38;
	[tilespmem:$0x1A080] =	vst v63  }
0x73: {  	_ =	swait.ge [sflag:s10], $0x1400  }
0x74: {  	[sflag:s10] =	ssyncset.done $0x0  }
0x75: {  	[sflag:s10] =	ssyncadd.s32 $0xFFFFEC00  }
0x76: {  	[spmem:s24] =	stream.linear.scatter [tilespmem:s8], [sflag:$0xB], $0x1400, $0x38;
	[tilespmem:$0x1A080] =	vst v63  }
0x77: {  	_ =	swait.ge [sflag:s10], $0x1400  }
0x78: {  	[sflag:s10] =	ssyncset.done $0x0  }
0x79: {  	[sflag:s10] =	ssyncadd.s32 $0xFFFFEC00  }
0x7a: {  	[spmem:s29] =	stream.linear.scatter [tilespmem:s8], [sflag:$0xB], $0x1400, $0x38;
	[tilespmem:$0x1A080] =	vst v63  }
0x7b: {  	_ =	swait.ge [sflag:s10], $0x1400  }
0x7c: {  	[sflag:s10] =	ssyncset.done $0x0  }
0x7d: {  	[sflag:s10] =	ssyncadd.s32 $0xFFFFEC00  }
0x7e: {  	[spmem:s30] =	stream.linear.scatter [tilespmem:s8], [sflag:$0xB], $0x1400, $0x38;
	[tilespmem:$0x1A080] =	vst v63  }
0x7f: {  	_ =	swait.ge [sflag:s10], $0x1400  }
0x80: {  	[sflag:s10] =	ssyncset.done $0x0  }
0x81: {  	[sflag:s10] =	ssyncadd.s32 $0xFFFFEC00  }
0x82: {  	[spmem:s31] =	stream.linear.scatter [tilespmem:s8], [sflag:$0xB], $0x1400, $0x38;
	[tilespmem:$0x1A080] =	vst v63  }
0x83: {  	_ =	swait.ge [sflag:s10], $0x1400  }
0x84: {  	[sflag:s10] =	ssyncset.done $0x0  }
0x85: {  	[sflag:s10] =	ssyncadd.s32 $0xFFFFEC00  }
0x86: {  	[spmem:s0] =	stream.linear.scatter [tilespmem:s8], [sflag:$0xB], $0x1400, $0x38;
	[tilespmem:$0x1A080] =	vst v63  }
0x87: {  	_ =	swait.ge [sflag:s10], $0x1400  }
0x88: {  	[sflag:s10] =	ssyncset.done $0x0  }
0x89: {  	s17 =	simm.s32 @!p0 $0x5400;
	s18 =	simm.s32 @!p0 $0xB;
	[sflag:s10] =	ssyncadd.s32 $0xFFFFEC00  }
0x8a: {  	[spmem:s25] =	stream.linear.scatter @!p0 [tilespmem:s17], [sflag:$0xB], $0x1400, $0x38;
	[tilespmem:$0x1A080] =	vst v63  }
0x8b: {  	_ =	swait.ge @!p0 [sflag:s18], $0x1400  }
0x8c: {  	[sflag:s18] =	ssyncset.done @!p0 $0x0  }
0x8d: {  	[sflag:s18] =	ssyncadd.s32 @!p0 $0xFFFFEC00  }
0x8e: {  	[spmem:s2] =	stream.linear.scatter @!p0 [tilespmem:s17], [sflag:$0xB], $0x1400, $0x38;
	[tilespmem:$0x1A080] =	vst v63  }
0x8f: {  	_ =	swait.ge @!p0 [sflag:s18], $0x1400  }
0x90: {  	[sflag:s18] =	ssyncset.done @!p0 $0x0  }
0x91: {  	[sflag:s18] =	ssyncadd.s32 @!p0 $0xFFFFEC00  }
0x92: {  	[spmem:s5] =	stream.linear.scatter @!p0 [tilespmem:s17], [sflag:$0xB], $0x1400, $0x38;
	[tilespmem:$0x1A080] =	vst v63  }
0x93: {  	_ =	swait.ge @!p0 [sflag:s18], $0x1400  }
0x94: {  	[sflag:s18] =	ssyncset.done @!p0 $0x0  }
0x95: {  	[sflag:s18] =	ssyncadd.s32 @!p0 $0xFFFFEC00  }
0x96: {  	[spmem:s6] =	stream.linear.scatter @!p0 [tilespmem:s17], [sflag:$0xB], $0x1400, $0x38;
	[tilespmem:$0x1A080] =	vst v63  }
0x97: {  	_ =	swait.ge @!p0 [sflag:s18], $0x1400  }
0x98: {  	[sflag:s18] =	ssyncset.done @!p0 $0x0  }
0x99: {  	[sflag:s18] =	ssyncadd.s32 @!p0 $0xFFFFEC00  }
0x9a: {  	[spmem:s7] =	stream.linear.scatter @!p0 [tilespmem:s17], [sflag:$0xB], $0x1400, $0x38;
	[tilespmem:$0x1A080] =	vst v63  }
0x9b: {  	_ =	swait.ge @!p0 [sflag:s18], $0x1400  }
0x9c: {  	[sflag:s18] =	ssyncset.done @!p0 $0x0  }
0x9d: {  	s22 =	simm.s32 $0x0;
	s21 =	rddreg [dreg:$0x3];
	[sflag:s18] =	ssyncadd.s32 @!p0 $0xFFFFEC00  }
0x9e: {  	[tilespmem:s22], [sflag:$0x1] =	stream.linear.gather [hbm4b:s21+s22], $0x50, $0x38;
	[tilespmem:$0x1A080] =	vst v63  }
0x9f: {  	s26 =	simm.s32 $0x200;
	s23 =	rddreg [dreg:$0x4]  }
0xa0: {  	[tilespmem:s26], [sflag:$0x4] =	stream.linear.gather [hbm4b:s23+s22], $0x50, $0x38;
	[tilespmem:$0x1A080] =	vst v63  }
0xa1: {  	_ =	swait.ge [sflag:s11], $0x50  }
0xa2: {  	[sflag:s11] =	ssyncset.done $0x0  }
0xa3: {  	s19 =	simm.s32 $0x400;
	[sflag:s11] =	ssyncadd.s32 $0xFFFFFFB0  }
0xa4: {  	[tilespmem:s19], [sflag:$0x7] =	stream.indirect.gather [hbm4b:s4+s12], $0x80, s22, s12, $0xb8;
	[tilespmem:$0x1A080] =	vst v63  }
0xa5: {  	s21 =	simm.s32 $0x80;
	s20 =	rddreg [dreg:$0x5]  }
0xa6: {  	[tilespmem:s21], [sflag:$0x2] =	stream.linear.gather [hbm4b:s20+s22], $0x50, $0x38;
	[tilespmem:$0x1A080] =	vst v63  }
.Ltmp3:
0xa7: {  	s26 =	simm.s32 $0x280;
	s23 =	rddreg [dreg:$0x6];
	(pc) =	sbr.rel .LBB2_4-.Ltmp3, $4  }
0xa8: {  	[tilespmem:s26], [sflag:$0x5] =	stream.linear.gather [hbm4b:s23+s22], $0x50, $0x38;
	[tilespmem:$0x1A080] =	vst v63  }
0xa9: {  	[bflag:$0x0] =	sbarrier.arrive $0xFFFF  }
0xaa: {  	s21 =	rddreg [dreg:$0x11]  }
0xab: {  	s20 =	rddreg [dreg:$0x10]  }
.LBB2_6:
0xac: {  	s18 =	sor.u32 $0x400, s26  }
0xad: {  	[tilespmem:s18], [sflag:s23] =	stream.indirect.gather [hbm4b:s4+s12], $0x80, s19, s12, $0xb8;
	[tilespmem:$0x1A080] =	vst v63  }
.LBB2_8:
0xae: {  	s18 =	sadd.s32 $0x2, s17  }
0xaf: {  	s19 =	smul.u32 $0xAB, s18;
	_ =	sdelay $0x1  }
0xb0: {  	s19 =	sshrl.u32 s19, $0x9  }
0xb1: {  	s19 =	sand.u32 $0x7F, s19  }
0xb2: {  	s19 =	smul.u32 $0x3, s19;
	_ =	sdelay $0x1  }
0xb3: {  	s18 =	ssub.s32 s18, s19  }
0xb4: {  	s18 =	sand.u32 $0xFF, s18  }
0xb5: {  	s26 =	sshll.u32 s18, $0x7;
	s23 =	sadd.s32 $0x1, s18  }
0xb6: {  	[tilespmem:s26], [sflag:s23] =	stream.linear.gather [hbm4b:s21+s3], $0x50, $0x38;
	[tilespmem:$0x1A080] =	vst v63  }
0xb7: {  	s18 =	sor.u32 $0x4, s18;
	s19 =	sor.u32 $0x200, s26  }
0xb8: {  	[tilespmem:s19], [sflag:s18] =	stream.linear.gather [hbm4b:s20+s3], $0x50, $0x38;
	[tilespmem:$0x1A080] =	vst v63  }
.LBB2_9:
0xb9: {  	s18 =	smul.u32 $0xAB, s17;
	_ =	sdelay $0x1  }
0xba: {  	s18 =	sshrl.u32 s18, $0x9  }
0xbb: {  	s18 =	sand.u32 $0x7F, s18  }
0xbc: {  	s19 =	sand.u32 $0x1, s17;
	s18 =	smul.u32 $0x3, s18  }
0xbd: {  	p1 =	sne.s32 s22, $0x7D;
	s23 =	sadd.s32 $0x7, s19  }
0xbe: {  	s20 =	sadd.s32 $0xA, s20;
	_ =	swait.ge [sflag:s23], $0x2800;
	s18 =	ssub.s32 s17, s18  }
0xbf: {  	[sflag:s23] =	ssyncset.done $0x0;
	s17 =	sand.u32 $0xFF, s18;
	s18 =	smul.u32 $0xA000, s19  }
.Ltmp4:
0xc0: {  	[sflag:s23] =	ssyncadd.s32 $0xFFFFD800;
	s26 =	sadd.s32 $0x4, s17;
	(pc) =	sbr.rel @!p1 .LBB2_10-.Ltmp4, $4  }
0xc1: {  	s21 =	sadd.s32 $0xA, s21;
	s19 =	sadd.s32 $0x9, s19;
	_ =	swait.ge [sflag:s26], $0x50  }
0xc2: {  	s17 =	sshll.u32 s17, $0x7;
	s18 =	sshrl.u32 s18, $0x2;
	[sflag:s26] =	ssyncset.done $0x0  }
0xc3: {  	s17 =	sadd.s32 $0x200, s17;
	s18 =	sor.u32 $0x400, s18;
	[sflag:s26] =	ssyncadd.s32 $0xFFFFFFB0  }
0xc4: {  	[spmem:s1] =	stream.indirect.scatter.add.f32 [tilespmem:s18], [sflag:s19], $0x80, s17, s12, $0xb8;
	[tilespmem:$0x1A080] =	vst v63  }
.LBB2_4:
0xc5: {  	p1 =	seq.s32 s22, $0x7C  }
.Ltmp5:
0xc6: {  	_ = 	snop;
	(pc) =	sbr.rel @p1 .LBB2_9-.Ltmp5, $2  }
0xc7: {  	_ =	sdelay $0x2  }
0xc8: {  	s17 =	smov.u32 s22;
	s22 =	sadd.s32 $0x1, s22  }
0xc9: {  	s18 =	smul.u32 $0xAB, s22;
	_ =	sdelay $0x1  }
0xca: {  	s18 =	sshrl.u32 s18, $0x9  }
0xcb: {  	s18 =	sand.u32 $0x7F, s18  }
0xcc: {  	s18 =	smul.u32 $0x3, s18;
	_ =	sdelay $0x1  }
0xcd: {  	p1 =	sne.s32 s17, $0x0;
	s18 =	ssub.s32 s22, s18  }
.Ltmp6:
0xce: {  	s19 =	sand.u32 $0xFF, s18;
	(pc) =	sbr.rel @!p1 .LBB2_6-.Ltmp6, $4  }
0xcf: {  	s18 =	sand.u32 $0x1, s22;
	s23 =	sadd.s32 $0x1, s19  }
0xd0: {  	s26 =	smul.u32 $0xA000, s18;
	_ =	swait.ge [sflag:s23], $0x50  }
0xd1: {  	s19 =	sshll.u32 s19, $0x7;
	[sflag:s23] =	ssyncset.done $0x0  }
0xd2: {  	s26 =	sshrl.u32 s26, $0x2;
	[sflag:s23] =	ssyncadd.s32 $0xFFFFFFB0;
	s23 =	sadd.s32 $0x7, s18  }
0xd3: {  	p1 =	sgt.u32 s17, $0x7A  }
.Ltmp7:
0xd4: {  	s18 =	sadd.s32 $0x9, s18;
	(pc) =	sbr.rel @p1 .LBB2_9-.Ltmp7, $4  }
.Ltmp8:
0xd5: {  	_ =	swait.ge [sflag:s18], $0x2800;
	(pc) =	sbr.rel @!p1 .LBB2_8-.Ltmp8, $4  }
0xd6: {  	[sflag:s18] =	ssyncset.done $0x0  }
0xd7: {  	s26 =	sor.u32 $0x400, s26;
	[sflag:s18] =	ssyncadd.s32 $0xFFFFD800  }
0xd8: {  	[tilespmem:s26], [sflag:s23] =	stream.indirect.gather [hbm4b:s4+s12], $0x80, s19, s12, $0xb8;
	[tilespmem:$0x1A080] =	vst v63  }
0xd9: {  	_ = 	snop  }
.LBB2_11:
0xda: {  	_ =	sfence.sel $0x180000  }
0xdb: {  	[bflag:$0x0] =	sbarrier.arrive $0xFFFF  }
0xdc: {  	_ =	strace $0x90000050  }
0xdd: {  	s0 =	stileid.u32;
	[bflag:$0x2] =	sbarrier.arrive $0xFFFF  }
0xde: {  	p0 =	sne.s32 s0, $0x0;
	s0 =	rddreg [dreg:$0x2]  }
0xdf: {  	s0 =	sadd.s32 @!p0 $0x100000, s0  }
0xe0: {  	[sflag:s0] =	ssyncadd.tile.s32 @!p0 $0x1;
	_ =	shalt  }
.Lfunc_end2:
_tile_overlayer_lowered:
.L_overlay_start_2:
0xe1: {  	(tag) =	ssettag $0x2  }
0xe2: {  	s0 =	rddreg [dreg:$0x0];
	s2 =	stileid.u32  }
0xe3: {  	s1 =	rddreg [dreg:$0x1];
	p0 =	sne.s32 s2, $0x0  }
0xe4: {  	s3 =	rddreg [dreg:$0x2];
	[bflag:$0x3] =	sbarrier.arrive $0xFFFF;
	s2 =	simm.s32 @!p0 $0x1C0B  }
0xe5: {  	[timem:s3], [sflag:s2] =	dma.local @!p0 [hbm:s0], s1  }
0xe6: {  	s0 =	simm.s32 @!p0 $0xB  }
0xe7: {  	_ =	swait.ge @!p0 [sflag:s0], s1  }
0xe8: {  	s1 =	ssub.s32 @!p0 $0x0, s1;
	[sflag:s0] =	ssyncset.done @!p0 $0x0  }
0xe9: {  	[sflag:s0] =	ssyncadd.s32 @!p0 s1  }
0xea: {  	[bflag:$0x3] =	sbarrier.arrive $0xFFFF  }
0xeb: {  	_ =	shalt  }

</sc_bundles>
